<compile_context>
chip_gen: v7x
topology: tpu7x:2x2x1
jax: 0.10.2.dev20260603
libtpu: 0.0.44.dev20260713+nightly
codegen_flags: <defaults>
</compile_context>

<pallas_src>
import functools

import jax
import jax.numpy as jnp
from jax import lax
from jax.experimental import pallas as pl
from jax.experimental.pallas import tpu as pltpu
from jax.experimental.pallas import tpu_sc as plsc

NUM_CORES = 2
NUM_SUBCORES = 16
NUM_WORKERS = NUM_CORES * NUM_SUBCORES
NBUF = 8


def _build(B, D, V):
    b_per_w = B // NUM_WORKERS

    mesh = plsc.VectorSubcoreMesh(
        core_axis_name="c",
        subcore_axis_name="s",
        num_cores=NUM_CORES,
        num_subcores=NUM_SUBCORES,
    )

    @functools.partial(
        pl.kernel,
        out_type=jax.ShapeDtypeStruct((B * D,), jnp.float32),
        mesh=mesh,
        scratch_types=[
            pltpu.VMEM_SHARED((NUM_SUBCORES, b_per_w), jnp.int32),
            pltpu.SMEM((b_per_w,), jnp.int32),
            pltpu.SMEM((b_per_w,), jnp.int32),
            pltpu.SMEM((b_per_w + 1,), jnp.int32),
            pltpu.VMEM((NBUF, 8, 8, 128), jnp.float32),
            pltpu.VMEM((b_per_w * D,), jnp.float32),
            pltpu.SemaphoreType.DMA,
            pltpu.SemaphoreType.DMA,
        ] + [pltpu.SemaphoreType.DMA] * NBUF,
        compiler_params=pltpu.CompilerParams(needs_layout_passes=False),
    )
    def embed(t3_hbm, slab_hbm, pos_hbm, out_hbm, stage_v, slab_s, pos_s,
              rstart_s, blocks_v, rows_v, lsem, wsem, *sems):
        wid = lax.axis_index("s") * NUM_CORES + lax.axis_index("c")
        base = wid * b_per_w
        sid = lax.axis_index("s")
        pltpu.async_copy(
            slab_hbm.at[pl.ds(base, b_per_w)], stage_v.at[sid], lsem).wait()
        pltpu.sync_copy(stage_v.at[sid], slab_s)
        pltpu.async_copy(
            pos_hbm.at[pl.ds(base, b_per_w)], stage_v.at[sid], lsem).wait()
        pltpu.sync_copy(stage_v.at[sid], pos_s)

        def scan(i, carry):
            nu, prev = carry
            t = lax.shift_right_logical(slab_s[i], 7)
            isnew = t != prev

            @pl.when(isnew)
            def _():
                rstart_s[nu] = i

            return (jnp.where(isnew, nu + 1, nu), t)

        nu, _ = lax.fori_loop(0, b_per_w, scan, (0, -1))
        rstart_s[nu] = b_per_w

        u = lax.iota(jnp.int32, 16)
        idx1 = lax.bitwise_and(u, 7)
        u8 = lax.shift_right_logical(u, 3)
        idx0s = [u8 + (2 * k) for k in range(4)]

        def fetch(j, slot):
            @pl.when(j < nu)
            def _():
                t = lax.shift_right_logical(slab_s[rstart_s[j]], 7)
                off = pl.multiple_of(lax.shift_left(t, 7), 128)
                pltpu.async_copy(
                    t3_hbm.at[:, :, pl.ds(off, 128)],
                    blocks_v.at[slot],
                    sems[slot],
                )

        def wait_slot(slot):
            pltpu.make_async_copy(
                t3_hbm.at[:, :, pl.ds(0, 128)],
                blocks_v.at[slot],
                sems[slot],
            ).wait()

        for b in range(NBUF):
            fetch(b, b)

        def body(g, _):
            for b in range(NBUF):
                j = g * NBUF + b

                @pl.when(j < nu)
                def _():
                    wait_slot(b)
                    blk = blocks_v.at[b]

                    def el(i, _c):
                        il = lax.bitwise_and(slab_s[i], 127)
                        idx2 = lax.broadcast(il, (16,))
                        for k in range(4):
                            vals = plsc.load_gather(
                                blk, [idx0s[k], idx1, idx2])
                            rows_v[pl.ds(i * D + k * 16, 16)] = vals
                        pltpu.async_copy(
                            rows_v.at[pl.ds(i * D, D)],
                            out_hbm.at[pl.ds(pos_s[i] * D, D)],
                            wsem,
                        )
                        return 0

                    lax.fori_loop(rstart_s[j], rstart_s[j + 1], el, 0)
                    fetch(j + NBUF, b)
            return 0

        ngroups = lax.div(nu + (NBUF - 1), NBUF)
        lax.fori_loop(0, ngroups, body, 0)
        pltpu.make_async_copy(
            out_hbm.at[pl.ds(base * D, b_per_w * D)], rows_v, wsem).wait()

    return embed


def kernel(labels, embedding_table):
    B = labels.shape[0]
    V, D = embedding_table.shape
    lab = labels.astype(jnp.int32)
    pos = jnp.argsort(lab).astype(jnp.int32)
    slab = jnp.take(lab, pos)
    t3 = jnp.swapaxes(embedding_table, 0, 1).reshape(D // 8, 8, V)
    out_flat = _build(B, D, V)(t3, slab, pos)
    return out_flat.reshape(B, D)

# --- scband reference (transcript-rebuilt; emitter-appended) ---
"""Pipeline reference for scband-label-embedder-62843961475833 (READ-ONLY COPY).

The authoritative reference and input builder live on the scoring server;
editing this copy changes nothing except your own understanding.
"""

import jax, jax.numpy as jnp
import numpy as np

NUM_CLASSES = 1000000
HIDDEN_SIZE = 64
USE_CFG = 1  # use_cfg_embedding=True adds one extra row
BATCH = 16384


def setup_inputs(seed: int = 0) -> dict:
    key = jax.random.key(seed)
    k1, k2 = jax.random.split(key)
    labels = jax.random.randint(k1, (BATCH,), 0, NUM_CLASSES, dtype=jnp.int64 if jax.config.jax_enable_x64 else jnp.int32)
    # nn.Embedding default init: N(0, 1)
    embedding_table = jax.random.normal(k2, (NUM_CLASSES + USE_CFG, HIDDEN_SIZE), dtype=jnp.float32)
    return {"labels": labels, "embedding_table": embedding_table}


def reference(labels, embedding_table):
    # LabelEmbedder.forward: embedding lookup (gather rows)
    return jnp.take(embedding_table, labels, axis=0)

if __name__ == "__main__":
    import jax
    _d = setup_inputs()
    print(jax.jit(kernel)(*tuple(_d.values())))

</pallas_src>

<mosaic_0001>
#map = affine_map<(d0, d1) -> (0, 0, 0)>
#map1 = affine_map<(d0, d1) -> (0)>
module attributes {stable_mosaic.version = 14 : i64} {
  func.func @embed(%arg0: i32, %arg1: i32, %arg2: memref<8x8x1000001xf32, #tpu.memory_space<hbm>>, %arg3: memref<16384xi32, #tpu.memory_space<hbm>>, %arg4: memref<16384xi32, #tpu.memory_space<hbm>>, %arg5: memref<1048576xf32, #tpu.memory_space<hbm>>, %arg6: memref<16x512xi32, #tpu.memory_space<vmem_shared>>, %arg7: memref<512xi32, #tpu.memory_space<smem>>, %arg8: memref<512xi32, #tpu.memory_space<smem>>, %arg9: memref<513xi32, #tpu.memory_space<smem>>, %arg10: memref<8x8x8x128xf32, #tpu.memory_space<vmem>>, %arg11: memref<32768xf32, #tpu.memory_space<vmem>>, %arg12: memref<!tpu.dma_semaphore, #tpu.memory_space<semaphore_mem>>, %arg13: memref<!tpu.dma_semaphore, #tpu.memory_space<semaphore_mem>>, %arg14: memref<!tpu.dma_semaphore, #tpu.memory_space<semaphore_mem>>, %arg15: memref<!tpu.dma_semaphore, #tpu.memory_space<semaphore_mem>>, %arg16: memref<!tpu.dma_semaphore, #tpu.memory_space<semaphore_mem>>, %arg17: memref<!tpu.dma_semaphore, #tpu.memory_space<semaphore_mem>>, %arg18: memref<!tpu.dma_semaphore, #tpu.memory_space<semaphore_mem>>, %arg19: memref<!tpu.dma_semaphore, #tpu.memory_space<semaphore_mem>>, %arg20: memref<!tpu.dma_semaphore, #tpu.memory_space<semaphore_mem>>, %arg21: memref<!tpu.dma_semaphore, #tpu.memory_space<semaphore_mem>>) attributes {dimension_semantics = [#tpu.dimension_semantics<core_parallel>, #tpu.dimension_semantics<subcore_parallel>], iteration_bounds = array<i64: 2, 16>, scalar_prefetch = 0 : i64, scratch_operands = 16 : i64, tpu.core_type = #tpu.core_type<sc_vector_subcore>, window_params = [{transform_indices = #map}, {transform_indices = #map1}, {transform_indices = #map1}, {transform_indices = #map1}]} {
    %mul3A = arith.constant 2 : i32
    %mul3A_0 = arith.muli %arg1, %mul3A : i32
    %add3A = arith.addi %mul3A_0, %arg0 : i32
    %mul3A_1 = arith.constant 512 : i32
    %mul3A_2 = arith.muli %add3A, %mul3A_1 : i32
    %dma_start3A = arith.constant 0 : i32
    %dma_start3A_3 = tpu.memref_slice %arg6[%arg1, %dma_start3A] : memref<16x512xi32, #tpu.memory_space<vmem_shared>> -> memref<1x512xi32, #tpu.memory_space<vmem_shared>>
    %dma_start3A_4 = tpu.memref_squeeze %dma_start3A_3 : memref<1x512xi32, #tpu.memory_space<vmem_shared>> -> memref<512xi32, #tpu.memory_space<vmem_shared>>
    %dma_start3A_5 = tpu.memref_slice %arg3[%mul3A_2] : memref<16384xi32, #tpu.memory_space<hbm>> -> memref<512xi32, #tpu.memory_space<hbm>>
    tpu.enqueue_dma source(%dma_start3A_5 : memref<512xi32, #tpu.memory_space<hbm>>) target(%dma_start3A_4 : memref<512xi32, #tpu.memory_space<vmem_shared>>) target_semaphore(%arg12 : memref<!tpu.dma_semaphore, #tpu.memory_space<semaphore_mem>>)
    %dma_wait3A = arith.constant 0 : i32
    %dma_wait3A_6 = tpu.memref_slice %arg6[%arg1, %dma_wait3A] : memref<16x512xi32, #tpu.memory_space<vmem_shared>> -> memref<1x512xi32, #tpu.memory_space<vmem_shared>>
    %dma_wait3A_7 = tpu.memref_squeeze %dma_wait3A_6 : memref<1x512xi32, #tpu.memory_space<vmem_shared>> -> memref<512xi32, #tpu.memory_space<vmem_shared>>
    %dma_wait3A_8 = tpu.memref_slice %arg3[%mul3A_2] : memref<16384xi32, #tpu.memory_space<hbm>> -> memref<512xi32, #tpu.memory_space<hbm>>
    tpu.wait_dma2 semaphore(%arg12 : memref<!tpu.dma_semaphore, #tpu.memory_space<semaphore_mem>>) src(%dma_wait3A_8 : memref<512xi32, #tpu.memory_space<hbm>>) dst(%dma_wait3A_7 : memref<512xi32, #tpu.memory_space<vmem_shared>>)
    "tpu.region"() ({
      %run_scoped3A = tpu.sem_alloc : memref<!tpu.dma_semaphore, #tpu.memory_space<semaphore_mem>>
      %dma_start3A_97 = arith.constant 0 : i32
      %dma_start3A_98 = tpu.memref_slice %arg6[%arg1, %dma_start3A_97] : memref<16x512xi32, #tpu.memory_space<vmem_shared>> -> memref<1x512xi32, #tpu.memory_space<vmem_shared>>
      %dma_start3A_99 = tpu.memref_squeeze %dma_start3A_98 : memref<1x512xi32, #tpu.memory_space<vmem_shared>> -> memref<512xi32, #tpu.memory_space<vmem_shared>>
      tpu.enqueue_dma source(%dma_start3A_99 : memref<512xi32, #tpu.memory_space<vmem_shared>>) target(%arg7 : memref<512xi32, #tpu.memory_space<smem>>) target_semaphore(%run_scoped3A : memref<!tpu.dma_semaphore, #tpu.memory_space<semaphore_mem>>)
      %dma_wait3A_100 = arith.constant 0 : i32
      %dma_wait3A_101 = tpu.memref_slice %arg6[%arg1, %dma_wait3A_100] : memref<16x512xi32, #tpu.memory_space<vmem_shared>> -> memref<1x512xi32, #tpu.memory_space<vmem_shared>>
      %dma_wait3A_102 = tpu.memref_squeeze %dma_wait3A_101 : memref<1x512xi32, #tpu.memory_space<vmem_shared>> -> memref<512xi32, #tpu.memory_space<vmem_shared>>
      tpu.wait_dma2 semaphore(%run_scoped3A : memref<!tpu.dma_semaphore, #tpu.memory_space<semaphore_mem>>) src(%dma_wait3A_102 : memref<512xi32, #tpu.memory_space<vmem_shared>>) dst(%arg7 : memref<512xi32, #tpu.memory_space<smem>>)
      tpu.yield
    }) : () -> ()
    %dma_start3A_9 = arith.constant 0 : i32
    %dma_start3A_10 = tpu.memref_slice %arg6[%arg1, %dma_start3A_9] : memref<16x512xi32, #tpu.memory_space<vmem_shared>> -> memref<1x512xi32, #tpu.memory_space<vmem_shared>>
    %dma_start3A_11 = tpu.memref_squeeze %dma_start3A_10 : memref<1x512xi32, #tpu.memory_space<vmem_shared>> -> memref<512xi32, #tpu.memory_space<vmem_shared>>
    %dma_start3A_12 = tpu.memref_slice %arg4[%mul3A_2] : memref<16384xi32, #tpu.memory_space<hbm>> -> memref<512xi32, #tpu.memory_space<hbm>>
    tpu.enqueue_dma source(%dma_start3A_12 : memref<512xi32, #tpu.memory_space<hbm>>) target(%dma_start3A_11 : memref<512xi32, #tpu.memory_space<vmem_shared>>) target_semaphore(%arg12 : memref<!tpu.dma_semaphore, #tpu.memory_space<semaphore_mem>>)
    %dma_wait3A_13 = arith.constant 0 : i32
    %dma_wait3A_14 = tpu.memref_slice %arg6[%arg1, %dma_wait3A_13] : memref<16x512xi32, #tpu.memory_space<vmem_shared>> -> memref<1x512xi32, #tpu.memory_space<vmem_shared>>
    %dma_wait3A_15 = tpu.memref_squeeze %dma_wait3A_14 : memref<1x512xi32, #tpu.memory_space<vmem_shared>> -> memref<512xi32, #tpu.memory_space<vmem_shared>>
    %dma_wait3A_16 = tpu.memref_slice %arg4[%mul3A_2] : memref<16384xi32, #tpu.memory_space<hbm>> -> memref<512xi32, #tpu.memory_space<hbm>>
    tpu.wait_dma2 semaphore(%arg12 : memref<!tpu.dma_semaphore, #tpu.memory_space<semaphore_mem>>) src(%dma_wait3A_16 : memref<512xi32, #tpu.memory_space<hbm>>) dst(%dma_wait3A_15 : memref<512xi32, #tpu.memory_space<vmem_shared>>)
    "tpu.region"() ({
      %run_scoped3A = tpu.sem_alloc : memref<!tpu.dma_semaphore, #tpu.memory_space<semaphore_mem>>
      %dma_start3A_97 = arith.constant 0 : i32
      %dma_start3A_98 = tpu.memref_slice %arg6[%arg1, %dma_start3A_97] : memref<16x512xi32, #tpu.memory_space<vmem_shared>> -> memref<1x512xi32, #tpu.memory_space<vmem_shared>>
      %dma_start3A_99 = tpu.memref_squeeze %dma_start3A_98 : memref<1x512xi32, #tpu.memory_space<vmem_shared>> -> memref<512xi32, #tpu.memory_space<vmem_shared>>
      tpu.enqueue_dma source(%dma_start3A_99 : memref<512xi32, #tpu.memory_space<vmem_shared>>) target(%arg8 : memref<512xi32, #tpu.memory_space<smem>>) target_semaphore(%run_scoped3A : memref<!tpu.dma_semaphore, #tpu.memory_space<semaphore_mem>>)
      %dma_wait3A_100 = arith.constant 0 : i32
      %dma_wait3A_101 = tpu.memref_slice %arg6[%arg1, %dma_wait3A_100] : memref<16x512xi32, #tpu.memory_space<vmem_shared>> -> memref<1x512xi32, #tpu.memory_space<vmem_shared>>
      %dma_wait3A_102 = tpu.memref_squeeze %dma_wait3A_101 : memref<1x512xi32, #tpu.memory_space<vmem_shared>> -> memref<512xi32, #tpu.memory_space<vmem_shared>>
      tpu.wait_dma2 semaphore(%run_scoped3A : memref<!tpu.dma_semaphore, #tpu.memory_space<semaphore_mem>>) src(%dma_wait3A_102 : memref<512xi32, #tpu.memory_space<vmem_shared>>) dst(%arg8 : memref<512xi32, #tpu.memory_space<smem>>)
      tpu.yield
    }) : () -> ()
    %scan3A = arith.constant 0 : i32
    %scan3A_17 = arith.constant -1 : i32
    %scan3A_18 = arith.constant 0 : i32
    %scan3A_19 = arith.constant 512 : i32
    %scan3A_20 = arith.addi %scan3A_18, %scan3A_19 : i32
    %scan3A_21 = arith.constant 1 : i32
    %scan3A_22:2 = scf.for %scan3A_97 = %scan3A_18 to %scan3A_20 step %scan3A_21 iter_args(%scan3A_98 = %scan3A, %scan3A_99 = %scan3A_17) -> (i32, i32)  : i32 {
      %get3A = arith.index_cast %scan3A_97 : i32 to index
      %get3A_100 = memref.load %arg7[%get3A] : memref<512xi32, #tpu.memory_space<smem>>
      %shift_right_logical3A_101 = arith.constant 7 : i32
      %shift_right_logical3A_102 = arith.shrui %get3A_100, %shift_right_logical3A_101 : i32
      %ne3A = arith.cmpi ne, %shift_right_logical3A_102, %scan3A_99 : i32
      %convert_element_type3A_103 = arith.extui %ne3A : i1 to i32
      %cond3A_104 = arith.constant 0 : i32
      %cond3A_105 = arith.cmpi ne, %convert_element_type3A_103, %cond3A_104 : i32
      scf.if %cond3A_105 {
        %swap3A_108 = arith.index_cast %scan3A_98 : i32 to index
        %swap3A_109 = memref.load %arg9[%swap3A_108] : memref<513xi32, #tpu.memory_space<smem>>
        memref.store %scan3A_97, %arg9[%swap3A_108] : memref<513xi32, #tpu.memory_space<smem>>
      } else {
      }
      %add3A_106 = arith.constant 1 : i32
      %add3A_107 = arith.addi %scan3A_98, %add3A_106 : i32
      %select_n3A = arith.select %ne3A, %add3A_107, %scan3A_98 : i32
      scf.yield %select_n3A, %shift_right_logical3A_102 : i32, i32
    }
    %scan3A_23 = arith.constant 512 : i32
    %swap3A = arith.constant 512 : i32
    %swap3A_24 = arith.index_cast %scan3A_22#0 : i32 to index
    %swap3A_25 = memref.load %arg9[%swap3A_24] : memref<513xi32, #tpu.memory_space<smem>>
    memref.store %swap3A, %arg9[%swap3A_24] : memref<513xi32, #tpu.memory_space<smem>>
    %iota3A = tpu.iota {dimensions = array<i32: 0>} : vector<16xi32>
    %and3A = arith.constant 7 : i32
    %and3A_26 = vector.broadcast %and3A : i32 to vector<16xi32>
    %and3A_27 = arith.andi %iota3A, %and3A_26 : vector<16xi32>
    %shift_right_logical3A = arith.constant 3 : i32
    %shift_right_logical3A_28 = vector.broadcast %shift_right_logical3A : i32 to vector<16xi32>
    %shift_right_logical3A_29 = arith.shrui %iota3A, %shift_right_logical3A_28 : vector<16xi32>
    %add3A_30 = arith.constant 0 : i32
    %add3A_31 = vector.broadcast %add3A_30 : i32 to vector<16xi32>
    %add3A_32 = arith.addi %shift_right_logical3A_29, %add3A_31 : vector<16xi32>
    %add3A_33 = arith.constant 2 : i32
    %add3A_34 = vector.broadcast %add3A_33 : i32 to vector<16xi32>
    %add3A_35 = arith.addi %shift_right_logical3A_29, %add3A_34 : vector<16xi32>
    %add3A_36 = arith.constant 4 : i32
    %add3A_37 = vector.broadcast %add3A_36 : i32 to vector<16xi32>
    %add3A_38 = arith.addi %shift_right_logical3A_29, %add3A_37 : vector<16xi32>
    %add3A_39 = arith.constant 6 : i32
    %add3A_40 = vector.broadcast %add3A_39 : i32 to vector<16xi32>
    %add3A_41 = arith.addi %shift_right_logical3A_29, %add3A_40 : vector<16xi32>
    %gt3A = arith.constant 0 : i32
    %gt3A_42 = arith.cmpi sgt, %scan3A_22#0, %gt3A : i32
    %convert_element_type3A = arith.extui %gt3A_42 : i1 to i32
    %cond3A = arith.constant 0 : i32
    %cond3A_43 = arith.cmpi ne, %convert_element_type3A, %cond3A : i32
    scf.if %cond3A_43 {
      %get3A = arith.constant 0 : i32
      %get3A_97 = arith.index_cast %get3A : i32 to index
      %get3A_98 = memref.load %arg9[%get3A_97] : memref<513xi32, #tpu.memory_space<smem>>
      %get3A_99 = arith.index_cast %get3A_98 : i32 to index
      %get3A_100 = memref.load %arg7[%get3A_99] : memref<512xi32, #tpu.memory_space<smem>>
      %shift_right_logical3A_101 = arith.constant 7 : i32
      %shift_right_logical3A_102 = arith.shrui %get3A_100, %shift_right_logical3A_101 : i32
      %shift_left3A = arith.constant 7 : i32
      %shift_left3A_103 = arith.shli %shift_right_logical3A_102, %shift_left3A : i32
      %multiple_of3A = tpu.assume_multiple %shift_left3A_103, 128 : i32
      %dma_start3A_104 = arith.constant 0 : i32
      %dma_start3A_105 = arith.constant 0 : i32
      %dma_start3A_106 = arith.constant 0 : i32
      %dma_start3A_107 = arith.constant 0 : i32
      %dma_start3A_108 = tpu.memref_slice %arg10[%dma_start3A_104, %dma_start3A_105, %dma_start3A_106, %dma_start3A_107] : memref<8x8x8x128xf32, #tpu.memory_space<vmem>> -> memref<1x8x8x128xf32, #tpu.memory_space<vmem>>
      %dma_start3A_109 = tpu.memref_squeeze %dma_start3A_108 : memref<1x8x8x128xf32, #tpu.memory_space<vmem>> -> memref<8x8x128xf32, #tpu.memory_space<vmem>>
      %dma_start3A_110 = arith.constant 0 : i32
      %dma_start3A_111 = arith.constant 0 : i32
      %dma_start3A_112 = tpu.memref_slice %arg2[%dma_start3A_110, %dma_start3A_111, %multiple_of3A] : memref<8x8x1000001xf32, #tpu.memory_space<hbm>> -> memref<8x8x128xf32, #tpu.memory_space<hbm>>
      %dma_start3A_113 = arith.constant 0 : i32
      %dma_start3A_114 = arith.constant 0 : i32
      %dma_start3A_115 = arith.constant 0 : i32
      %dma_start3A_116 = tpu.memref_slice %arg10[%dma_start3A_104, %dma_start3A_113, %dma_start3A_114, %dma_start3A_115] : memref<8x8x8x128xf32, #tpu.memory_space<vmem>> -> memref<1x8x8x128xf32, #tpu.memory_space<vmem>>
      %dma_start3A_117 = tpu.memref_squeeze %dma_start3A_116 : memref<1x8x8x128xf32, #tpu.memory_space<vmem>> -> memref<8x8x128xf32, #tpu.memory_space<vmem>>
      %dma_start3A_118 = arith.constant 0 : i32
      %dma_start3A_119 = arith.constant 0 : i32
      %dma_start3A_120 = tpu.memref_slice %arg2[%dma_start3A_118, %dma_start3A_119, %multiple_of3A] : memref<8x8x1000001xf32, #tpu.memory_space<hbm>> -> memref<8x8x128xf32, #tpu.memory_space<hbm>>
      tpu.enqueue_dma source(%dma_start3A_120 : memref<8x8x128xf32, #tpu.memory_space<hbm>>) target(%dma_start3A_117 : memref<8x8x128xf32, #tpu.memory_space<vmem>>) target_semaphore(%arg14 : memref<!tpu.dma_semaphore, #tpu.memory_space<semaphore_mem>>)
    } else {
    }
    %gt3A_44 = arith.constant 1 : i32
    %gt3A_45 = arith.cmpi sgt, %scan3A_22#0, %gt3A_44 : i32
    %convert_element_type3A_46 = arith.extui %gt3A_45 : i1 to i32
    %cond3A_47 = arith.constant 0 : i32
    %cond3A_48 = arith.cmpi ne, %convert_element_type3A_46, %cond3A_47 : i32
    scf.if %cond3A_48 {
      %get3A = arith.constant 1 : i32
      %get3A_97 = arith.index_cast %get3A : i32 to index
      %get3A_98 = memref.load %arg9[%get3A_97] : memref<513xi32, #tpu.memory_space<smem>>
      %get3A_99 = arith.index_cast %get3A_98 : i32 to index
      %get3A_100 = memref.load %arg7[%get3A_99] : memref<512xi32, #tpu.memory_space<smem>>
      %shift_right_logical3A_101 = arith.constant 7 : i32
      %shift_right_logical3A_102 = arith.shrui %get3A_100, %shift_right_logical3A_101 : i32
      %shift_left3A = arith.constant 7 : i32
      %shift_left3A_103 = arith.shli %shift_right_logical3A_102, %shift_left3A : i32
      %multiple_of3A = tpu.assume_multiple %shift_left3A_103, 128 : i32
      %dma_start3A_104 = arith.constant 1 : i32
      %dma_start3A_105 = arith.constant 0 : i32
      %dma_start3A_106 = arith.constant 0 : i32
      %dma_start3A_107 = arith.constant 0 : i32
      %dma_start3A_108 = tpu.memref_slice %arg10[%dma_start3A_104, %dma_start3A_105, %dma_start3A_106, %dma_start3A_107] : memref<8x8x8x128xf32, #tpu.memory_space<vmem>> -> memref<1x8x8x128xf32, #tpu.memory_space<vmem>>
      %dma_start3A_109 = tpu.memref_squeeze %dma_start3A_108 : memref<1x8x8x128xf32, #tpu.memory_space<vmem>> -> memref<8x8x128xf32, #tpu.memory_space<vmem>>
      %dma_start3A_110 = arith.constant 0 : i32
      %dma_start3A_111 = arith.constant 0 : i32
      %dma_start3A_112 = tpu.memref_slice %arg2[%dma_start3A_110, %dma_start3A_111, %multiple_of3A] : memref<8x8x1000001xf32, #tpu.memory_space<hbm>> -> memref<8x8x128xf32, #tpu.memory_space<hbm>>
      %dma_start3A_113 = arith.constant 0 : i32
      %dma_start3A_114 = arith.constant 0 : i32
      %dma_start3A_115 = arith.constant 0 : i32
      %dma_start3A_116 = tpu.memref_slice %arg10[%dma_start3A_104, %dma_start3A_113, %dma_start3A_114, %dma_start3A_115] : memref<8x8x8x128xf32, #tpu.memory_space<vmem>> -> memref<1x8x8x128xf32, #tpu.memory_space<vmem>>
      %dma_start3A_117 = tpu.memref_squeeze %dma_start3A_116 : memref<1x8x8x128xf32, #tpu.memory_space<vmem>> -> memref<8x8x128xf32, #tpu.memory_space<vmem>>
      %dma_start3A_118 = arith.constant 0 : i32
      %dma_start3A_119 = arith.constant 0 : i32
      %dma_start3A_120 = tpu.memref_slice %arg2[%dma_start3A_118, %dma_start3A_119, %multiple_of3A] : memref<8x8x1000001xf32, #tpu.memory_space<hbm>> -> memref<8x8x128xf32, #tpu.memory_space<hbm>>
      tpu.enqueue_dma source(%dma_start3A_120 : memref<8x8x128xf32, #tpu.memory_space<hbm>>) target(%dma_start3A_117 : memref<8x8x128xf32, #tpu.memory_space<vmem>>) target_semaphore(%arg15 : memref<!tpu.dma_semaphore, #tpu.memory_space<semaphore_mem>>)
    } else {
    }
    %gt3A_49 = arith.constant 2 : i32
    %gt3A_50 = arith.cmpi sgt, %scan3A_22#0, %gt3A_49 : i32
    %convert_element_type3A_51 = arith.extui %gt3A_50 : i1 to i32
    %cond3A_52 = arith.constant 0 : i32
    %cond3A_53 = arith.cmpi ne, %convert_element_type3A_51, %cond3A_52 : i32
    scf.if %cond3A_53 {
      %get3A = arith.constant 2 : i32
      %get3A_97 = arith.index_cast %get3A : i32 to index
      %get3A_98 = memref.load %arg9[%get3A_97] : memref<513xi32, #tpu.memory_space<smem>>
      %get3A_99 = arith.index_cast %get3A_98 : i32 to index
      %get3A_100 = memref.load %arg7[%get3A_99] : memref<512xi32, #tpu.memory_space<smem>>
      %shift_right_logical3A_101 = arith.constant 7 : i32
      %shift_right_logical3A_102 = arith.shrui %get3A_100, %shift_right_logical3A_101 : i32
      %shift_left3A = arith.constant 7 : i32
      %shift_left3A_103 = arith.shli %shift_right_logical3A_102, %shift_left3A : i32
      %multiple_of3A = tpu.assume_multiple %shift_left3A_103, 128 : i32
      %dma_start3A_104 = arith.constant 2 : i32
      %dma_start3A_105 = arith.constant 0 : i32
      %dma_start3A_106 = arith.constant 0 : i32
      %dma_start3A_107 = arith.constant 0 : i32
      %dma_start3A_108 = tpu.memref_slice %arg10[%dma_start3A_104, %dma_start3A_105, %dma_start3A_106, %dma_start3A_107] : memref<8x8x8x128xf32, #tpu.memory_space<vmem>> -> memref<1x8x8x128xf32, #tpu.memory_space<vmem>>
      %dma_start3A_109 = tpu.memref_squeeze %dma_start3A_108 : memref<1x8x8x128xf32, #tpu.memory_space<vmem>> -> memref<8x8x128xf32, #tpu.memory_space<vmem>>
      %dma_start3A_110 = arith.constant 0 : i32
      %dma_start3A_111 = arith.constant 0 : i32
      %dma_start3A_112 = tpu.memref_slice %arg2[%dma_start3A_110, %dma_start3A_111, %multiple_of3A] : memref<8x8x1000001xf32, #tpu.memory_space<hbm>> -> memref<8x8x128xf32, #tpu.memory_space<hbm>>
      %dma_start3A_113 = arith.constant 0 : i32
      %dma_start3A_114 = arith.constant 0 : i32
      %dma_start3A_115 = arith.constant 0 : i32
      %dma_start3A_116 = tpu.memref_slice %arg10[%dma_start3A_104, %dma_start3A_113, %dma_start3A_114, %dma_start3A_115] : memref<8x8x8x128xf32, #tpu.memory_space<vmem>> -> memref<1x8x8x128xf32, #tpu.memory_space<vmem>>
      %dma_start3A_117 = tpu.memref_squeeze %dma_start3A_116 : memref<1x8x8x128xf32, #tpu.memory_space<vmem>> -> memref<8x8x128xf32, #tpu.memory_space<vmem>>
      %dma_start3A_118 = arith.constant 0 : i32
      %dma_start3A_119 = arith.constant 0 : i32
      %dma_start3A_120 = tpu.memref_slice %arg2[%dma_start3A_118, %dma_start3A_119, %multiple_of3A] : memref<8x8x1000001xf32, #tpu.memory_space<hbm>> -> memref<8x8x128xf32, #tpu.memory_space<hbm>>
      tpu.enqueue_dma source(%dma_start3A_120 : memref<8x8x128xf32, #tpu.memory_space<hbm>>) target(%dma_start3A_117 : memref<8x8x128xf32, #tpu.memory_space<vmem>>) target_semaphore(%arg16 : memref<!tpu.dma_semaphore, #tpu.memory_space<semaphore_mem>>)
    } else {
    }
    %gt3A_54 = arith.constant 3 : i32
    %gt3A_55 = arith.cmpi sgt, %scan3A_22#0, %gt3A_54 : i32
    %convert_element_type3A_56 = arith.extui %gt3A_55 : i1 to i32
    %cond3A_57 = arith.constant 0 : i32
    %cond3A_58 = arith.cmpi ne, %convert_element_type3A_56, %cond3A_57 : i32
    scf.if %cond3A_58 {
      %get3A = arith.constant 3 : i32
      %get3A_97 = arith.index_cast %get3A : i32 to index
      %get3A_98 = memref.load %arg9[%get3A_97] : memref<513xi32, #tpu.memory_space<smem>>
      %get3A_99 = arith.index_cast %get3A_98 : i32 to index
      %get3A_100 = memref.load %arg7[%get3A_99] : memref<512xi32, #tpu.memory_space<smem>>
      %shift_right_logical3A_101 = arith.constant 7 : i32
      %shift_right_logical3A_102 = arith.shrui %get3A_100, %shift_right_logical3A_101 : i32
      %shift_left3A = arith.constant 7 : i32
      %shift_left3A_103 = arith.shli %shift_right_logical3A_102, %shift_left3A : i32
      %multiple_of3A = tpu.assume_multiple %shift_left3A_103, 128 : i32
      %dma_start3A_104 = arith.constant 3 : i32
      %dma_start3A_105 = arith.constant 0 : i32
      %dma_start3A_106 = arith.constant 0 : i32
      %dma_start3A_107 = arith.constant 0 : i32
      %dma_start3A_108 = tpu.memref_slice %arg10[%dma_start3A_104, %dma_start3A_105, %dma_start3A_106, %dma_start3A_107] : memref<8x8x8x128xf32, #tpu.memory_space<vmem>> -> memref<1x8x8x128xf32, #tpu.memory_space<vmem>>
      %dma_start3A_109 = tpu.memref_squeeze %dma_start3A_108 : memref<1x8x8x128xf32, #tpu.memory_space<vmem>> -> memref<8x8x128xf32, #tpu.memory_space<vmem>>
      %dma_start3A_110 = arith.constant 0 : i32
      %dma_start3A_111 = arith.constant 0 : i32
      %dma_start3A_112 = tpu.memref_slice %arg2[%dma_start3A_110, %dma_start3A_111, %multiple_of3A] : memref<8x8x1000001xf32, #tpu.memory_space<hbm>> -> memref<8x8x128xf32, #tpu.memory_space<hbm>>
      %dma_start3A_113 = arith.constant 0 : i32
      %dma_start3A_114 = arith.constant 0 : i32
      %dma_start3A_115 = arith.constant 0 : i32
      %dma_start3A_116 = tpu.memref_slice %arg10[%dma_start3A_104, %dma_start3A_113, %dma_start3A_114, %dma_start3A_115] : memref<8x8x8x128xf32, #tpu.memory_space<vmem>> -> memref<1x8x8x128xf32, #tpu.memory_space<vmem>>
      %dma_start3A_117 = tpu.memref_squeeze %dma_start3A_116 : memref<1x8x8x128xf32, #tpu.memory_space<vmem>> -> memref<8x8x128xf32, #tpu.memory_space<vmem>>
      %dma_start3A_118 = arith.constant 0 : i32
      %dma_start3A_119 = arith.constant 0 : i32
      %dma_start3A_120 = tpu.memref_slice %arg2[%dma_start3A_118, %dma_start3A_119, %multiple_of3A] : memref<8x8x1000001xf32, #tpu.memory_space<hbm>> -> memref<8x8x128xf32, #tpu.memory_space<hbm>>
      tpu.enqueue_dma source(%dma_start3A_120 : memref<8x8x128xf32, #tpu.memory_space<hbm>>) target(%dma_start3A_117 : memref<8x8x128xf32, #tpu.memory_space<vmem>>) target_semaphore(%arg17 : memref<!tpu.dma_semaphore, #tpu.memory_space<semaphore_mem>>)
    } else {
    }
    %gt3A_59 = arith.constant 4 : i32
    %gt3A_60 = arith.cmpi sgt, %scan3A_22#0, %gt3A_59 : i32
    %convert_element_type3A_61 = arith.extui %gt3A_60 : i1 to i32
    %cond3A_62 = arith.constant 0 : i32
    %cond3A_63 = arith.cmpi ne, %convert_element_type3A_61, %cond3A_62 : i32
    scf.if %cond3A_63 {
      %get3A = arith.constant 4 : i32
      %get3A_97 = arith.index_cast %get3A : i32 to index
      %get3A_98 = memref.load %arg9[%get3A_97] : memref<513xi32, #tpu.memory_space<smem>>
      %get3A_99 = arith.index_cast %get3A_98 : i32 to index
      %get3A_100 = memref.load %arg7[%get3A_99] : memref<512xi32, #tpu.memory_space<smem>>
      %shift_right_logical3A_101 = arith.constant 7 : i32
      %shift_right_logical3A_102 = arith.shrui %get3A_100, %shift_right_logical3A_101 : i32
      %shift_left3A = arith.constant 7 : i32
      %shift_left3A_103 = arith.shli %shift_right_logical3A_102, %shift_left3A : i32
      %multiple_of3A = tpu.assume_multiple %shift_left3A_103, 128 : i32
      %dma_start3A_104 = arith.constant 4 : i32
      %dma_start3A_105 = arith.constant 0 : i32
      %dma_start3A_106 = arith.constant 0 : i32
      %dma_start3A_107 = arith.constant 0 : i32
      %dma_start3A_108 = tpu.memref_slice %arg10[%dma_start3A_104, %dma_start3A_105, %dma_start3A_106, %dma_start3A_107] : memref<8x8x8x128xf32, #tpu.memory_space<vmem>> -> memref<1x8x8x128xf32, #tpu.memory_space<vmem>>
      %dma_start3A_109 = tpu.memref_squeeze %dma_start3A_108 : memref<1x8x8x128xf32, #tpu.memory_space<vmem>> -> memref<8x8x128xf32, #tpu.memory_space<vmem>>
      %dma_start3A_110 = arith.constant 0 : i32
      %dma_start3A_111 = arith.constant 0 : i32
      %dma_start3A_112 = tpu.memref_slice %arg2[%dma_start3A_110, %dma_start3A_111, %multiple_of3A] : memref<8x8x1000001xf32, #tpu.memory_space<hbm>> -> memref<8x8x128xf32, #tpu.memory_space<hbm>>
      %dma_start3A_113 = arith.constant 0 : i32
      %dma_start3A_114 = arith.constant 0 : i32
      %dma_start3A_115 = arith.constant 0 : i32
      %dma_start3A_116 = tpu.memref_slice %arg10[%dma_start3A_104, %dma_start3A_113, %dma_start3A_114, %dma_start3A_115] : memref<8x8x8x128xf32, #tpu.memory_space<vmem>> -> memref<1x8x8x128xf32, #tpu.memory_space<vmem>>
      %dma_start3A_117 = tpu.memref_squeeze %dma_start3A_116 : memref<1x8x8x128xf32, #tpu.memory_space<vmem>> -> memref<8x8x128xf32, #tpu.memory_space<vmem>>
      %dma_start3A_118 = arith.constant 0 : i32
      %dma_start3A_119 = arith.constant 0 : i32
      %dma_start3A_120 = tpu.memref_slice %arg2[%dma_start3A_118, %dma_start3A_119, %multiple_of3A] : memref<8x8x1000001xf32, #tpu.memory_space<hbm>> -> memref<8x8x128xf32, #tpu.memory_space<hbm>>
      tpu.enqueue_dma source(%dma_start3A_120 : memref<8x8x128xf32, #tpu.memory_space<hbm>>) target(%dma_start3A_117 : memref<8x8x128xf32, #tpu.memory_space<vmem>>) target_semaphore(%arg18 : memref<!tpu.dma_semaphore, #tpu.memory_space<semaphore_mem>>)
    } else {
    }
    %gt3A_64 = arith.constant 5 : i32
    %gt3A_65 = arith.cmpi sgt, %scan3A_22#0, %gt3A_64 : i32
    %convert_element_type3A_66 = arith.extui %gt3A_65 : i1 to i32
    %cond3A_67 = arith.constant 0 : i32
    %cond3A_68 = arith.cmpi ne, %convert_element_type3A_66, %cond3A_67 : i32
    scf.if %cond3A_68 {
      %get3A = arith.constant 5 : i32
      %get3A_97 = arith.index_cast %get3A : i32 to index
      %get3A_98 = memref.load %arg9[%get3A_97] : memref<513xi32, #tpu.memory_space<smem>>
      %get3A_99 = arith.index_cast %get3A_98 : i32 to index
      %get3A_100 = memref.load %arg7[%get3A_99] : memref<512xi32, #tpu.memory_space<smem>>
      %shift_right_logical3A_101 = arith.constant 7 : i32
      %shift_right_logical3A_102 = arith.shrui %get3A_100, %shift_right_logical3A_101 : i32
      %shift_left3A = arith.constant 7 : i32
      %shift_left3A_103 = arith.shli %shift_right_logical3A_102, %shift_left3A : i32
      %multiple_of3A = tpu.assume_multiple %shift_left3A_103, 128 : i32
      %dma_start3A_104 = arith.constant 5 : i32
      %dma_start3A_105 = arith.constant 0 : i32
      %dma_start3A_106 = arith.constant 0 : i32
      %dma_start3A_107 = arith.constant 0 : i32
      %dma_start3A_108 = tpu.memref_slice %arg10[%dma_start3A_104, %dma_start3A_105, %dma_start3A_106, %dma_start3A_107] : memref<8x8x8x128xf32, #tpu.memory_space<vmem>> -> memref<1x8x8x128xf32, #tpu.memory_space<vmem>>
      %dma_start3A_109 = tpu.memref_squeeze %dma_start3A_108 : memref<1x8x8x128xf32, #tpu.memory_space<vmem>> -> memref<8x8x128xf32, #tpu.memory_space<vmem>>
      %dma_start3A_110 = arith.constant 0 : i32
      %dma_start3A_111 = arith.constant 0 : i32
      %dma_start3A_112 = tpu.memref_slice %arg2[%dma_start3A_110, %dma_start3A_111, %multiple_of3A] : memref<8x8x1000001xf32, #tpu.memory_space<hbm>> -> memref<8x8x128xf32, #tpu.memory_space<hbm>>
      %dma_start3A_113 = arith.constant 0 : i32
      %dma_start3A_114 = arith.constant 0 : i32
      %dma_start3A_115 = arith.constant 0 : i32
      %dma_start3A_116 = tpu.memref_slice %arg10[%dma_start3A_104, %dma_start3A_113, %dma_start3A_114, %dma_start3A_115] : memref<8x8x8x128xf32, #tpu.memory_space<vmem>> -> memref<1x8x8x128xf32, #tpu.memory_space<vmem>>
      %dma_start3A_117 = tpu.memref_squeeze %dma_start3A_116 : memref<1x8x8x128xf32, #tpu.memory_space<vmem>> -> memref<8x8x128xf32, #tpu.memory_space<vmem>>
      %dma_start3A_118 = arith.constant 0 : i32
      %dma_start3A_119 = arith.constant 0 : i32
      %dma_start3A_120 = tpu.memref_slice %arg2[%dma_start3A_118, %dma_start3A_119, %multiple_of3A] : memref<8x8x1000001xf32, #tpu.memory_space<hbm>> -> memref<8x8x128xf32, #tpu.memory_space<hbm>>
      tpu.enqueue_dma source(%dma_start3A_120 : memref<8x8x128xf32, #tpu.memory_space<hbm>>) target(%dma_start3A_117 : memref<8x8x128xf32, #tpu.memory_space<vmem>>) target_semaphore(%arg19 : memref<!tpu.dma_semaphore, #tpu.memory_space<semaphore_mem>>)
    } else {
    }
    %gt3A_69 = arith.constant 6 : i32
    %gt3A_70 = arith.cmpi sgt, %scan3A_22#0, %gt3A_69 : i32
    %convert_element_type3A_71 = arith.extui %gt3A_70 : i1 to i32
    %cond3A_72 = arith.constant 0 : i32
    %cond3A_73 = arith.cmpi ne, %convert_element_type3A_71, %cond3A_72 : i32
    scf.if %cond3A_73 {
      %get3A = arith.constant 6 : i32
      %get3A_97 = arith.index_cast %get3A : i32 to index
      %get3A_98 = memref.load %arg9[%get3A_97] : memref<513xi32, #tpu.memory_space<smem>>
      %get3A_99 = arith.index_cast %get3A_98 : i32 to index
      %get3A_100 = memref.load %arg7[%get3A_99] : memref<512xi32, #tpu.memory_space<smem>>
      %shift_right_logical3A_101 = arith.constant 7 : i32
      %shift_right_logical3A_102 = arith.shrui %get3A_100, %shift_right_logical3A_101 : i32
      %shift_left3A = arith.constant 7 : i32
      %shift_left3A_103 = arith.shli %shift_right_logical3A_102, %shift_left3A : i32
      %multiple_of3A = tpu.assume_multiple %shift_left3A_103, 128 : i32
      %dma_start3A_104 = arith.constant 6 : i32
      %dma_start3A_105 = arith.constant 0 : i32
      %dma_start3A_106 = arith.constant 0 : i32
      %dma_start3A_107 = arith.constant 0 : i32
      %dma_start3A_108 = tpu.memref_slice %arg10[%dma_start3A_104, %dma_start3A_105, %dma_start3A_106, %dma_start3A_107] : memref<8x8x8x128xf32, #tpu.memory_space<vmem>> -> memref<1x8x8x128xf32, #tpu.memory_space<vmem>>
      %dma_start3A_109 = tpu.memref_squeeze %dma_start3A_108 : memref<1x8x8x128xf32, #tpu.memory_space<vmem>> -> memref<8x8x128xf32, #tpu.memory_space<vmem>>
      %dma_start3A_110 = arith.constant 0 : i32
      %dma_start3A_111 = arith.constant 0 : i32
      %dma_start3A_112 = tpu.memref_slice %arg2[%dma_start3A_110, %dma_start3A_111, %multiple_of3A] : memref<8x8x1000001xf32, #tpu.memory_space<hbm>> -> memref<8x8x128xf32, #tpu.memory_space<hbm>>
      %dma_start3A_113 = arith.constant 0 : i32
      %dma_start3A_114 = arith.constant 0 : i32
      %dma_start3A_115 = arith.constant 0 : i32
      %dma_start3A_116 = tpu.memref_slice %arg10[%dma_start3A_104, %dma_start3A_113, %dma_start3A_114, %dma_start3A_115] : memref<8x8x8x128xf32, #tpu.memory_space<vmem>> -> memref<1x8x8x128xf32, #tpu.memory_space<vmem>>
      %dma_start3A_117 = tpu.memref_squeeze %dma_start3A_116 : memref<1x8x8x128xf32, #tpu.memory_space<vmem>> -> memref<8x8x128xf32, #tpu.memory_space<vmem>>
      %dma_start3A_118 = arith.constant 0 : i32
      %dma_start3A_119 = arith.constant 0 : i32
      %dma_start3A_120 = tpu.memref_slice %arg2[%dma_start3A_118, %dma_start3A_119, %multiple_of3A] : memref<8x8x1000001xf32, #tpu.memory_space<hbm>> -> memref<8x8x128xf32, #tpu.memory_space<hbm>>
      tpu.enqueue_dma source(%dma_start3A_120 : memref<8x8x128xf32, #tpu.memory_space<hbm>>) target(%dma_start3A_117 : memref<8x8x128xf32, #tpu.memory_space<vmem>>) target_semaphore(%arg20 : memref<!tpu.dma_semaphore, #tpu.memory_space<semaphore_mem>>)
    } else {
    }
    %gt3A_74 = arith.constant 7 : i32
    %gt3A_75 = arith.cmpi sgt, %scan3A_22#0, %gt3A_74 : i32
    %convert_element_type3A_76 = arith.extui %gt3A_75 : i1 to i32
    %cond3A_77 = arith.constant 0 : i32
    %cond3A_78 = arith.cmpi ne, %convert_element_type3A_76, %cond3A_77 : i32
    scf.if %cond3A_78 {
      %get3A = arith.constant 7 : i32
      %get3A_97 = arith.index_cast %get3A : i32 to index
      %get3A_98 = memref.load %arg9[%get3A_97] : memref<513xi32, #tpu.memory_space<smem>>
      %get3A_99 = arith.index_cast %get3A_98 : i32 to index
      %get3A_100 = memref.load %arg7[%get3A_99] : memref<512xi32, #tpu.memory_space<smem>>
      %shift_right_logical3A_101 = arith.constant 7 : i32
      %shift_right_logical3A_102 = arith.shrui %get3A_100, %shift_right_logical3A_101 : i32
      %shift_left3A = arith.constant 7 : i32
      %shift_left3A_103 = arith.shli %shift_right_logical3A_102, %shift_left3A : i32
      %multiple_of3A = tpu.assume_multiple %shift_left3A_103, 128 : i32
      %dma_start3A_104 = arith.constant 7 : i32
      %dma_start3A_105 = arith.constant 0 : i32
      %dma_start3A_106 = arith.constant 0 : i32
      %dma_start3A_107 = arith.constant 0 : i32
      %dma_start3A_108 = tpu.memref_slice %arg10[%dma_start3A_104, %dma_start3A_105, %dma_start3A_106, %dma_start3A_107] : memref<8x8x8x128xf32, #tpu.memory_space<vmem>> -> memref<1x8x8x128xf32, #tpu.memory_space<vmem>>
      %dma_start3A_109 = tpu.memref_squeeze %dma_start3A_108 : memref<1x8x8x128xf32, #tpu.memory_space<vmem>> -> memref<8x8x128xf32, #tpu.memory_space<vmem>>
      %dma_start3A_110 = arith.constant 0 : i32
      %dma_start3A_111 = arith.constant 0 : i32
      %dma_start3A_112 = tpu.memref_slice %arg2[%dma_start3A_110, %dma_start3A_111, %multiple_of3A] : memref<8x8x1000001xf32, #tpu.memory_space<hbm>> -> memref<8x8x128xf32, #tpu.memory_space<hbm>>
      %dma_start3A_113 = arith.constant 0 : i32
      %dma_start3A_114 = arith.constant 0 : i32
      %dma_start3A_115 = arith.constant 0 : i32
      %dma_start3A_116 = tpu.memref_slice %arg10[%dma_start3A_104, %dma_start3A_113, %dma_start3A_114, %dma_start3A_115] : memref<8x8x8x128xf32, #tpu.memory_space<vmem>> -> memref<1x8x8x128xf32, #tpu.memory_space<vmem>>
      %dma_start3A_117 = tpu.memref_squeeze %dma_start3A_116 : memref<1x8x8x128xf32, #tpu.memory_space<vmem>> -> memref<8x8x128xf32, #tpu.memory_space<vmem>>
      %dma_start3A_118 = arith.constant 0 : i32
      %dma_start3A_119 = arith.constant 0 : i32
      %dma_start3A_120 = tpu.memref_slice %arg2[%dma_start3A_118, %dma_start3A_119, %multiple_of3A] : memref<8x8x1000001xf32, #tpu.memory_space<hbm>> -> memref<8x8x128xf32, #tpu.memory_space<hbm>>
      tpu.enqueue_dma source(%dma_start3A_120 : memref<8x8x128xf32, #tpu.memory_space<hbm>>) target(%dma_start3A_117 : memref<8x8x128xf32, #tpu.memory_space<vmem>>) target_semaphore(%arg21 : memref<!tpu.dma_semaphore, #tpu.memory_space<semaphore_mem>>)
    } else {
    }
    %add3A_79 = arith.constant 7 : i32
    %add3A_80 = arith.addi %scan3A_22#0, %add3A_79 : i32
    %div3A = arith.constant 8 : i32
    %div3A_81 = arith.divsi %add3A_80, %div3A : i32
    %while3A = arith.constant 0 : i32
    %while3A_82 = arith.constant 0 : i32
    %while3A_83 = arith.subi %div3A_81, %while3A : i32
    %while3A_84 = arith.addi %while3A, %while3A_83 : i32
    %while3A_85 = arith.constant 1 : i32
    %while3A_86 = arith.divsi %while3A_83, %while3A_85 : i32
    %while3A_87 = arith.muli %while3A_86, %while3A_85 : i32
    %while3A_88 = arith.addi %while3A, %while3A_87 : i32
    %while3A_89 = arith.constant 1 : i32
    %while3A_90 = scf.for %while3A_97 = %while3A to %while3A_88 step %while3A_89 iter_args(%while3A_98 = %while3A_82) -> (i32)  : i32 {
      %mul3A_99 = arith.constant 8 : i32
      %mul3A_100 = arith.muli %while3A_97, %mul3A_99 : i32
      %add3A_101 = arith.constant 0 : i32
      %add3A_102 = arith.addi %mul3A_100, %add3A_101 : i32
      %lt3A = arith.cmpi slt, %add3A_102, %scan3A_22#0 : i32
      %convert_element_type3A_103 = arith.extui %lt3A : i1 to i32
      %cond3A_104 = arith.constant 0 : i32
      %cond3A_105 = arith.cmpi ne, %convert_element_type3A_103, %cond3A_104 : i32
      scf.if %cond3A_105 {
        %dma_wait3A_163 = arith.constant 0 : i32
        %dma_wait3A_164 = arith.constant 0 : i32
        %dma_wait3A_165 = arith.constant 0 : i32
        %dma_wait3A_166 = arith.constant 0 : i32
        %dma_wait3A_167 = tpu.memref_slice %arg10[%dma_wait3A_163, %dma_wait3A_164, %dma_wait3A_165, %dma_wait3A_166] : memref<8x8x8x128xf32, #tpu.memory_space<vmem>> -> memref<1x8x8x128xf32, #tpu.memory_space<vmem>>
        %dma_wait3A_168 = tpu.memref_squeeze %dma_wait3A_167 : memref<1x8x8x128xf32, #tpu.memory_space<vmem>> -> memref<8x8x128xf32, #tpu.memory_space<vmem>>
        %dma_wait3A_169 = arith.constant 0 : i32
        %dma_wait3A_170 = arith.constant 0 : i32
        %dma_wait3A_171 = arith.constant 0 : i32
        %dma_wait3A_172 = tpu.memref_slice %arg2[%dma_wait3A_169, %dma_wait3A_170, %dma_wait3A_171] : memref<8x8x1000001xf32, #tpu.memory_space<hbm>> -> memref<8x8x128xf32, #tpu.memory_space<hbm>>
        %dma_wait3A_173 = arith.constant 0 : i32
        %dma_wait3A_174 = arith.constant 0 : i32
        %dma_wait3A_175 = arith.constant 0 : i32
        %dma_wait3A_176 = tpu.memref_slice %arg10[%dma_wait3A_163, %dma_wait3A_173, %dma_wait3A_174, %dma_wait3A_175] : memref<8x8x8x128xf32, #tpu.memory_space<vmem>> -> memref<1x8x8x128xf32, #tpu.memory_space<vmem>>
        %dma_wait3A_177 = tpu.memref_squeeze %dma_wait3A_176 : memref<1x8x8x128xf32, #tpu.memory_space<vmem>> -> memref<8x8x128xf32, #tpu.memory_space<vmem>>
        %dma_wait3A_178 = arith.constant 0 : i32
        %dma_wait3A_179 = arith.constant 0 : i32
        %dma_wait3A_180 = arith.constant 0 : i32
        %dma_wait3A_181 = tpu.memref_slice %arg2[%dma_wait3A_178, %dma_wait3A_179, %dma_wait3A_180] : memref<8x8x1000001xf32, #tpu.memory_space<hbm>> -> memref<8x8x128xf32, #tpu.memory_space<hbm>>
        tpu.wait_dma2 semaphore(%arg14 : memref<!tpu.dma_semaphore, #tpu.memory_space<semaphore_mem>>) src(%dma_wait3A_181 : memref<8x8x128xf32, #tpu.memory_space<hbm>>) dst(%dma_wait3A_177 : memref<8x8x128xf32, #tpu.memory_space<vmem>>)
        %get3A = arith.index_cast %add3A_102 : i32 to index
        %get3A_182 = memref.load %arg9[%get3A] : memref<513xi32, #tpu.memory_space<smem>>
        %add3A_183 = arith.constant 1 : i32
        %add3A_184 = arith.addi %add3A_102, %add3A_183 : i32
        %get3A_185 = arith.index_cast %add3A_184 : i32 to index
        %get3A_186 = memref.load %arg9[%get3A_185] : memref<513xi32, #tpu.memory_space<smem>>
        %while3A_187 = arith.constant 0 : i32
        %while3A_188 = arith.constant 0 : i32
        %while3A_189 = arith.subi %get3A_186, %get3A_182 : i32
        %while3A_190 = arith.addi %get3A_182, %while3A_189 : i32
        %while3A_191 = arith.constant 1 : i32
        %while3A_192 = arith.divsi %while3A_189, %while3A_191 : i32
        %while3A_193 = arith.muli %while3A_192, %while3A_191 : i32
        %while3A_194 = arith.addi %get3A_182, %while3A_193 : i32
        %while3A_195 = arith.constant 1 : i32
        %while3A_196 = scf.for %while3A_205 = %get3A_182 to %while3A_194 step %while3A_195 iter_args(%while3A_206 = %while3A_188) -> (i32)  : i32 {
          %get3A_207 = arith.index_cast %while3A_205 : i32 to index
          %get3A_208 = memref.load %arg7[%get3A_207] : memref<512xi32, #tpu.memory_space<smem>>
          %and3A_209 = arith.constant 127 : i32
          %and3A_210 = arith.andi %get3A_208, %and3A_209 : i32
          %broadcast_in_dim3A = vector.broadcast %and3A_210 : i32 to vector<16xi32>
          %gather3A = arith.constant 0 : i32
          %gather3A_211 = arith.constant 0 : i32
          %gather3A_212 = arith.constant 0 : i32
          %gather3A_213 = tpu.memref_slice %arg10[%while3A_187, %gather3A, %gather3A_211, %gather3A_212] : memref<8x8x8x128xf32, #tpu.memory_space<vmem>> -> memref<1x8x8x128xf32, #tpu.memory_space<vmem>>
          %gather3A_214 = tpu.memref_squeeze %gather3A_213 : memref<1x8x8x128xf32, #tpu.memory_space<vmem>> -> memref<8x8x128xf32, #tpu.memory_space<vmem>>
          %gather3A_215 = tpu.vector_load_idx %gather3A_214[%add3A_32, %and3A_27, %broadcast_in_dim3A] : memref<8x8x128xf32, #tpu.memory_space<vmem>>[vector<16xi32>, vector<16xi32>, vector<16xi32>], vector<16xf32>,
          %mul3A_216 = arith.constant 64 : i32
          %mul3A_217 = arith.muli %while3A_205, %mul3A_216 : i32
          %add3A_218 = arith.constant 0 : i32
          %add3A_219 = arith.addi %mul3A_217, %add3A_218 : i32
          %swap3A_220 = arith.index_cast %add3A_219 : i32 to index
          %swap3A_221 = tpu.vector_load %arg11[%swap3A_220] {strides = array<i32>} : memref<32768xf32, #tpu.memory_space<vmem>>, vector<16xf32>,
          tpu.vector_store %arg11[%swap3A_220], %gather3A_215 {strides = array<i32>} : memref<32768xf32, #tpu.memory_space<vmem>>, vector<16xf32>,
          %gather3A_222 = arith.constant 0 : i32
          %gather3A_223 = arith.constant 0 : i32
          %gather3A_224 = arith.constant 0 : i32
          %gather3A_225 = tpu.memref_slice %arg10[%while3A_187, %gather3A_222, %gather3A_223, %gather3A_224] : memref<8x8x8x128xf32, #tpu.memory_space<vmem>> -> memref<1x8x8x128xf32, #tpu.memory_space<vmem>>
          %gather3A_226 = tpu.memref_squeeze %gather3A_225 : memref<1x8x8x128xf32, #tpu.memory_space<vmem>> -> memref<8x8x128xf32, #tpu.memory_space<vmem>>
          %gather3A_227 = tpu.vector_load_idx %gather3A_226[%add3A_35, %and3A_27, %broadcast_in_dim3A] : memref<8x8x128xf32, #tpu.memory_space<vmem>>[vector<16xi32>, vector<16xi32>, vector<16xi32>], vector<16xf32>,
          %mul3A_228 = arith.constant 64 : i32
          %mul3A_229 = arith.muli %while3A_205, %mul3A_228 : i32
          %add3A_230 = arith.constant 16 : i32
          %add3A_231 = arith.addi %mul3A_229, %add3A_230 : i32
          %swap3A_232 = arith.index_cast %add3A_231 : i32 to index
          %swap3A_233 = tpu.vector_load %arg11[%swap3A_232] {strides = array<i32>} : memref<32768xf32, #tpu.memory_space<vmem>>, vector<16xf32>,
          tpu.vector_store %arg11[%swap3A_232], %gather3A_227 {strides = array<i32>} : memref<32768xf32, #tpu.memory_space<vmem>>, vector<16xf32>,
          %gather3A_234 = arith.constant 0 : i32
          %gather3A_235 = arith.constant 0 : i32
          %gather3A_236 = arith.constant 0 : i32
          %gather3A_237 = tpu.memref_slice %arg10[%while3A_187, %gather3A_234, %gather3A_235, %gather3A_236] : memref<8x8x8x128xf32, #tpu.memory_space<vmem>> -> memref<1x8x8x128xf32, #tpu.memory_space<vmem>>
          %gather3A_238 = tpu.memref_squeeze %gather3A_237 : memref<1x8x8x128xf32, #tpu.memory_space<vmem>> -> memref<8x8x128xf32, #tpu.memory_space<vmem>>
          %gather3A_239 = tpu.vector_load_idx %gather3A_238[%add3A_38, %and3A_27, %broadcast_in_dim3A] : memref<8x8x128xf32, #tpu.memory_space<vmem>>[vector<16xi32>, vector<16xi32>, vector<16xi32>], vector<16xf32>,
          %mul3A_240 = arith.constant 64 : i32
          %mul3A_241 = arith.muli %while3A_205, %mul3A_240 : i32
          %add3A_242 = arith.constant 32 : i32
          %add3A_243 = arith.addi %mul3A_241, %add3A_242 : i32
          %swap3A_244 = arith.index_cast %add3A_243 : i32 to index
          %swap3A_245 = tpu.vector_load %arg11[%swap3A_244] {strides = array<i32>} : memref<32768xf32, #tpu.memory_space<vmem>>, vector<16xf32>,
          tpu.vector_store %arg11[%swap3A_244], %gather3A_239 {strides = array<i32>} : memref<32768xf32, #tpu.memory_space<vmem>>, vector<16xf32>,
          %gather3A_246 = arith.constant 0 : i32
          %gather3A_247 = arith.constant 0 : i32
          %gather3A_248 = arith.constant 0 : i32
          %gather3A_249 = tpu.memref_slice %arg10[%while3A_187, %gather3A_246, %gather3A_247, %gather3A_248] : memref<8x8x8x128xf32, #tpu.memory_space<vmem>> -> memref<1x8x8x128xf32, #tpu.memory_space<vmem>>
          %gather3A_250 = tpu.memref_squeeze %gather3A_249 : memref<1x8x8x128xf32, #tpu.memory_space<vmem>> -> memref<8x8x128xf32, #tpu.memory_space<vmem>>
          %gather3A_251 = tpu.vector_load_idx %gather3A_250[%add3A_41, %and3A_27, %broadcast_in_dim3A] : memref<8x8x128xf32, #tpu.memory_space<vmem>>[vector<16xi32>, vector<16xi32>, vector<16xi32>], vector<16xf32>,
          %mul3A_252 = arith.constant 64 : i32
          %mul3A_253 = arith.muli %while3A_205, %mul3A_252 : i32
          %add3A_254 = arith.constant 48 : i32
          %add3A_255 = arith.addi %mul3A_253, %add3A_254 : i32
          %swap3A_256 = arith.index_cast %add3A_255 : i32 to index
          %swap3A_257 = tpu.vector_load %arg11[%swap3A_256] {strides = array<i32>} : memref<32768xf32, #tpu.memory_space<vmem>>, vector<16xf32>,
          tpu.vector_store %arg11[%swap3A_256], %gather3A_251 {strides = array<i32>} : memref<32768xf32, #tpu.memory_space<vmem>>, vector<16xf32>,
          %mul3A_258 = arith.constant 64 : i32
          %mul3A_259 = arith.muli %while3A_205, %mul3A_258 : i32
          %get3A_260 = arith.index_cast %while3A_205 : i32 to index
          %get3A_261 = memref.load %arg8[%get3A_260] : memref<512xi32, #tpu.memory_space<smem>>
          %mul3A_262 = arith.constant 64 : i32
          %mul3A_263 = arith.muli %get3A_261, %mul3A_262 : i32
          %dma_start3A_264 = tpu.memref_slice %arg11[%mul3A_259] : memref<32768xf32, #tpu.memory_space<vmem>> -> memref<64xf32, #tpu.memory_space<vmem>>
          %dma_start3A_265 = tpu.memref_slice %arg5[%mul3A_263] : memref<1048576xf32, #tpu.memory_space<hbm>> -> memref<64xf32, #tpu.memory_space<hbm>>
          %dma_start3A_266 = tpu.memref_slice %arg5[%mul3A_263] : memref<1048576xf32, #tpu.memory_space<hbm>> -> memref<64xf32, #tpu.memory_space<hbm>>
          %dma_start3A_267 = tpu.memref_slice %arg11[%mul3A_259] : memref<32768xf32, #tpu.memory_space<vmem>> -> memref<64xf32, #tpu.memory_space<vmem>>
          tpu.enqueue_dma source(%dma_start3A_267 : memref<64xf32, #tpu.memory_space<vmem>>) target(%dma_start3A_266 : memref<64xf32, #tpu.memory_space<hbm>>) target_semaphore(%arg13 : memref<!tpu.dma_semaphore, #tpu.memory_space<semaphore_mem>>)
          %while3A_268 = arith.constant 0 : i32
          scf.yield %while3A_268 : i32
        }
        %while3A_197 = arith.constant 1 : i32
        %while3A_198 = scf.for %while3A_205 = %while3A_194 to %while3A_190 step %while3A_197 iter_args(%while3A_206 = %while3A_196) -> (i32)  : i32 {
          %get3A_207 = arith.index_cast %while3A_205 : i32 to index
          %get3A_208 = memref.load %arg7[%get3A_207] : memref<512xi32, #tpu.memory_space<smem>>
          %and3A_209 = arith.constant 127 : i32
          %and3A_210 = arith.andi %get3A_208, %and3A_209 : i32
          %broadcast_in_dim3A = vector.broadcast %and3A_210 : i32 to vector<16xi32>
          %gather3A = arith.constant 0 : i32
          %gather3A_211 = arith.constant 0 : i32
          %gather3A_212 = arith.constant 0 : i32
          %gather3A_213 = tpu.memref_slice %arg10[%while3A_187, %gather3A, %gather3A_211, %gather3A_212] : memref<8x8x8x128xf32, #tpu.memory_space<vmem>> -> memref<1x8x8x128xf32, #tpu.memory_space<vmem>>
          %gather3A_214 = tpu.memref_squeeze %gather3A_213 : memref<1x8x8x128xf32, #tpu.memory_space<vmem>> -> memref<8x8x128xf32, #tpu.memory_space<vmem>>
          %gather3A_215 = tpu.vector_load_idx %gather3A_214[%add3A_32, %and3A_27, %broadcast_in_dim3A] : memref<8x8x128xf32, #tpu.memory_space<vmem>>[vector<16xi32>, vector<16xi32>, vector<16xi32>], vector<16xf32>,
          %mul3A_216 = arith.constant 64 : i32
          %mul3A_217 = arith.muli %while3A_205, %mul3A_216 : i32
          %add3A_218 = arith.constant 0 : i32
          %add3A_219 = arith.addi %mul3A_217, %add3A_218 : i32
          %swap3A_220 = arith.index_cast %add3A_219 : i32 to index
          %swap3A_221 = tpu.vector_load %arg11[%swap3A_220] {strides = array<i32>} : memref<32768xf32, #tpu.memory_space<vmem>>, vector<16xf32>,
          tpu.vector_store %arg11[%swap3A_220], %gather3A_215 {strides = array<i32>} : memref<32768xf32, #tpu.memory_space<vmem>>, vector<16xf32>,
          %gather3A_222 = arith.constant 0 : i32
          %gather3A_223 = arith.constant 0 : i32
          %gather3A_224 = arith.constant 0 : i32
          %gather3A_225 = tpu.memref_slice %arg10[%while3A_187, %gather3A_222, %gather3A_223, %gather3A_224] : memref<8x8x8x128xf32, #tpu.memory_space<vmem>> -> memref<1x8x8x128xf32, #tpu.memory_space<vmem>>
          %gather3A_226 = tpu.memref_squeeze %gather3A_225 : memref<1x8x8x128xf32, #tpu.memory_space<vmem>> -> memref<8x8x128xf32, #tpu.memory_space<vmem>>
          %gather3A_227 = tpu.vector_load_idx %gather3A_226[%add3A_35, %and3A_27, %broadcast_in_dim3A] : memref<8x8x128xf32, #tpu.memory_space<vmem>>[vector<16xi32>, vector<16xi32>, vector<16xi32>], vector<16xf32>,
          %mul3A_228 = arith.constant 64 : i32
          %mul3A_229 = arith.muli %while3A_205, %mul3A_228 : i32
          %add3A_230 = arith.constant 16 : i32
          %add3A_231 = arith.addi %mul3A_229, %add3A_230 : i32
          %swap3A_232 = arith.index_cast %add3A_231 : i32 to index
          %swap3A_233 = tpu.vector_load %arg11[%swap3A_232] {strides = array<i32>} : memref<32768xf32, #tpu.memory_space<vmem>>, vector<16xf32>,
          tpu.vector_store %arg11[%swap3A_232], %gather3A_227 {strides = array<i32>} : memref<32768xf32, #tpu.memory_space<vmem>>, vector<16xf32>,
          %gather3A_234 = arith.constant 0 : i32
          %gather3A_235 = arith.constant 0 : i32
          %gather3A_236 = arith.constant 0 : i32
          %gather3A_237 = tpu.memref_slice %arg10[%while3A_187, %gather3A_234, %gather3A_235, %gather3A_236] : memref<8x8x8x128xf32, #tpu.memory_space<vmem>> -> memref<1x8x8x128xf32, #tpu.memory_space<vmem>>
          %gather3A_238 = tpu.memref_squeeze %gather3A_237 : memref<1x8x8x128xf32, #tpu.memory_space<vmem>> -> memref<8x8x128xf32, #tpu.memory_space<vmem>>
          %gather3A_239 = tpu.vector_load_idx %gather3A_238[%add3A_38, %and3A_27, %broadcast_in_dim3A] : memref<8x8x128xf32, #tpu.memory_space<vmem>>[vector<16xi32>, vector<16xi32>, vector<16xi32>], vector<16xf32>,
          %mul3A_240 = arith.constant 64 : i32
          %mul3A_241 = arith.muli %while3A_205, %mul3A_240 : i32
          %add3A_242 = arith.constant 32 : i32
          %add3A_243 = arith.addi %mul3A_241, %add3A_242 : i32
          %swap3A_244 = arith.index_cast %add3A_243 : i32 to index
          %swap3A_245 = tpu.vector_load %arg11[%swap3A_244] {strides = array<i32>} : memref<32768xf32, #tpu.memory_space<vmem>>, vector<16xf32>,
          tpu.vector_store %arg11[%swap3A_244], %gather3A_239 {strides = array<i32>} : memref<32768xf32, #tpu.memory_space<vmem>>, vector<16xf32>,
          %gather3A_246 = arith.constant 0 : i32
          %gather3A_247 = arith.constant 0 : i32
          %gather3A_248 = arith.constant 0 : i32
          %gather3A_249 = tpu.memref_slice %arg10[%while3A_187, %gather3A_246, %gather3A_247, %gather3A_248] : memref<8x8x8x128xf32, #tpu.memory_space<vmem>> -> memref<1x8x8x128xf32, #tpu.memory_space<vmem>>
          %gather3A_250 = tpu.memref_squeeze %gather3A_249 : memref<1x8x8x128xf32, #tpu.memory_space<vmem>> -> memref<8x8x128xf32, #tpu.memory_space<vmem>>
          %gather3A_251 = tpu.vector_load_idx %gather3A_250[%add3A_41, %and3A_27, %broadcast_in_dim3A] : memref<8x8x128xf32, #tpu.memory_space<vmem>>[vector<16xi32>, vector<16xi32>, vector<16xi32>], vector<16xf32>,
          %mul3A_252 = arith.constant 64 : i32
          %mul3A_253 = arith.muli %while3A_205, %mul3A_252 : i32
          %add3A_254 = arith.constant 48 : i32
          %add3A_255 = arith.addi %mul3A_253, %add3A_254 : i32
          %swap3A_256 = arith.index_cast %add3A_255 : i32 to index
          %swap3A_257 = tpu.vector_load %arg11[%swap3A_256] {strides = array<i32>} : memref<32768xf32, #tpu.memory_space<vmem>>, vector<16xf32>,
          tpu.vector_store %arg11[%swap3A_256], %gather3A_251 {strides = array<i32>} : memref<32768xf32, #tpu.memory_space<vmem>>, vector<16xf32>,
          %mul3A_258 = arith.constant 64 : i32
          %mul3A_259 = arith.muli %while3A_205, %mul3A_258 : i32
          %get3A_260 = arith.index_cast %while3A_205 : i32 to index
          %get3A_261 = memref.load %arg8[%get3A_260] : memref<512xi32, #tpu.memory_space<smem>>
          %mul3A_262 = arith.constant 64 : i32
          %mul3A_263 = arith.muli %get3A_261, %mul3A_262 : i32
          %dma_start3A_264 = tpu.memref_slice %arg11[%mul3A_259] : memref<32768xf32, #tpu.memory_space<vmem>> -> memref<64xf32, #tpu.memory_space<vmem>>
          %dma_start3A_265 = tpu.memref_slice %arg5[%mul3A_263] : memref<1048576xf32, #tpu.memory_space<hbm>> -> memref<64xf32, #tpu.memory_space<hbm>>
          %dma_start3A_266 = tpu.memref_slice %arg5[%mul3A_263] : memref<1048576xf32, #tpu.memory_space<hbm>> -> memref<64xf32, #tpu.memory_space<hbm>>
          %dma_start3A_267 = tpu.memref_slice %arg11[%mul3A_259] : memref<32768xf32, #tpu.memory_space<vmem>> -> memref<64xf32, #tpu.memory_space<vmem>>
          tpu.enqueue_dma source(%dma_start3A_267 : memref<64xf32, #tpu.memory_space<vmem>>) target(%dma_start3A_266 : memref<64xf32, #tpu.memory_space<hbm>>) target_semaphore(%arg13 : memref<!tpu.dma_semaphore, #tpu.memory_space<semaphore_mem>>)
          %while3A_268 = arith.constant 0 : i32
          scf.yield %while3A_268 : i32
        }
        %add3A_199 = arith.constant 8 : i32
        %add3A_200 = arith.addi %add3A_102, %add3A_199 : i32
        %lt3A_201 = arith.cmpi slt, %add3A_200, %scan3A_22#0 : i32
        %convert_element_type3A_202 = arith.extui %lt3A_201 : i1 to i32
        %cond3A_203 = arith.constant 0 : i32
        %cond3A_204 = arith.cmpi ne, %convert_element_type3A_202, %cond3A_203 : i32
        scf.if %cond3A_204 {
          %get3A_205 = arith.index_cast %add3A_200 : i32 to index
          %get3A_206 = memref.load %arg9[%get3A_205] : memref<513xi32, #tpu.memory_space<smem>>
          %get3A_207 = arith.index_cast %get3A_206 : i32 to index
          %get3A_208 = memref.load %arg7[%get3A_207] : memref<512xi32, #tpu.memory_space<smem>>
          %shift_right_logical3A_209 = arith.constant 7 : i32
          %shift_right_logical3A_210 = arith.shrui %get3A_208, %shift_right_logical3A_209 : i32
          %shift_left3A = arith.constant 7 : i32
          %shift_left3A_211 = arith.shli %shift_right_logical3A_210, %shift_left3A : i32
          %multiple_of3A = tpu.assume_multiple %shift_left3A_211, 128 : i32
          %dma_start3A_212 = arith.constant 0 : i32
          %dma_start3A_213 = arith.constant 0 : i32
          %dma_start3A_214 = arith.constant 0 : i32
          %dma_start3A_215 = arith.constant 0 : i32
          %dma_start3A_216 = tpu.memref_slice %arg10[%dma_start3A_212, %dma_start3A_213, %dma_start3A_214, %dma_start3A_215] : memref<8x8x8x128xf32, #tpu.memory_space<vmem>> -> memref<1x8x8x128xf32, #tpu.memory_space<vmem>>
          %dma_start3A_217 = tpu.memref_squeeze %dma_start3A_216 : memref<1x8x8x128xf32, #tpu.memory_space<vmem>> -> memref<8x8x128xf32, #tpu.memory_space<vmem>>
          %dma_start3A_218 = arith.constant 0 : i32
          %dma_start3A_219 = arith.constant 0 : i32
          %dma_start3A_220 = tpu.memref_slice %arg2[%dma_start3A_218, %dma_start3A_219, %multiple_of3A] : memref<8x8x1000001xf32, #tpu.memory_space<hbm>> -> memref<8x8x128xf32, #tpu.memory_space<hbm>>
          %dma_start3A_221 = arith.constant 0 : i32
          %dma_start3A_222 = arith.constant 0 : i32
          %dma_start3A_223 = arith.constant 0 : i32
          %dma_start3A_224 = tpu.memref_slice %arg10[%dma_start3A_212, %dma_start3A_221, %dma_start3A_222, %dma_start3A_223] : memref<8x8x8x128xf32, #tpu.memory_space<vmem>> -> memref<1x8x8x128xf32, #tpu.memory_space<vmem>>
          %dma_start3A_225 = tpu.memref_squeeze %dma_start3A_224 : memref<1x8x8x128xf32, #tpu.memory_space<vmem>> -> memref<8x8x128xf32, #tpu.memory_space<vmem>>
          %dma_start3A_226 = arith.constant 0 : i32
          %dma_start3A_227 = arith.constant 0 : i32
          %dma_start3A_228 = tpu.memref_slice %arg2[%dma_start3A_226, %dma_start3A_227, %multiple_of3A] : memref<8x8x1000001xf32, #tpu.memory_space<hbm>> -> memref<8x8x128xf32, #tpu.memory_space<hbm>>
          tpu.enqueue_dma source(%dma_start3A_228 : memref<8x8x128xf32, #tpu.memory_space<hbm>>) target(%dma_start3A_225 : memref<8x8x128xf32, #tpu.memory_space<vmem>>) target_semaphore(%arg14 : memref<!tpu.dma_semaphore, #tpu.memory_space<semaphore_mem>>)
        } else {
        }
      } else {
      }
      %mul3A_106 = arith.constant 8 : i32
      %mul3A_107 = arith.muli %while3A_97, %mul3A_106 : i32
      %add3A_108 = arith.constant 1 : i32
      %add3A_109 = arith.addi %mul3A_107, %add3A_108 : i32
      %lt3A_110 = arith.cmpi slt, %add3A_109, %scan3A_22#0 : i32
      %convert_element_type3A_111 = arith.extui %lt3A_110 : i1 to i32
      %cond3A_112 = arith.constant 0 : i32
      %cond3A_113 = arith.cmpi ne, %convert_element_type3A_111, %cond3A_112 : i32
      scf.if %cond3A_113 {
        %dma_wait3A_163 = arith.constant 1 : i32
        %dma_wait3A_164 = arith.constant 0 : i32
        %dma_wait3A_165 = arith.constant 0 : i32
        %dma_wait3A_166 = arith.constant 0 : i32
        %dma_wait3A_167 = tpu.memref_slice %arg10[%dma_wait3A_163, %dma_wait3A_164, %dma_wait3A_165, %dma_wait3A_166] : memref<8x8x8x128xf32, #tpu.memory_space<vmem>> -> memref<1x8x8x128xf32, #tpu.memory_space<vmem>>
        %dma_wait3A_168 = tpu.memref_squeeze %dma_wait3A_167 : memref<1x8x8x128xf32, #tpu.memory_space<vmem>> -> memref<8x8x128xf32, #tpu.memory_space<vmem>>
        %dma_wait3A_169 = arith.constant 0 : i32
        %dma_wait3A_170 = arith.constant 0 : i32
        %dma_wait3A_171 = arith.constant 0 : i32
        %dma_wait3A_172 = tpu.memref_slice %arg2[%dma_wait3A_169, %dma_wait3A_170, %dma_wait3A_171] : memref<8x8x1000001xf32, #tpu.memory_space<hbm>> -> memref<8x8x128xf32, #tpu.memory_space<hbm>>
        %dma_wait3A_173 = arith.constant 0 : i32
        %dma_wait3A_174 = arith.constant 0 : i32
        %dma_wait3A_175 = arith.constant 0 : i32
        %dma_wait3A_176 = tpu.memref_slice %arg10[%dma_wait3A_163, %dma_wait3A_173, %dma_wait3A_174, %dma_wait3A_175] : memref<8x8x8x128xf32, #tpu.memory_space<vmem>> -> memref<1x8x8x128xf32, #tpu.memory_space<vmem>>
        %dma_wait3A_177 = tpu.memref_squeeze %dma_wait3A_176 : memref<1x8x8x128xf32, #tpu.memory_space<vmem>> -> memref<8x8x128xf32, #tpu.memory_space<vmem>>
        %dma_wait3A_178 = arith.constant 0 : i32
        %dma_wait3A_179 = arith.constant 0 : i32
        %dma_wait3A_180 = arith.constant 0 : i32
        %dma_wait3A_181 = tpu.memref_slice %arg2[%dma_wait3A_178, %dma_wait3A_179, %dma_wait3A_180] : memref<8x8x1000001xf32, #tpu.memory_space<hbm>> -> memref<8x8x128xf32, #tpu.memory_space<hbm>>
        tpu.wait_dma2 semaphore(%arg15 : memref<!tpu.dma_semaphore, #tpu.memory_space<semaphore_mem>>) src(%dma_wait3A_181 : memref<8x8x128xf32, #tpu.memory_space<hbm>>) dst(%dma_wait3A_177 : memref<8x8x128xf32, #tpu.memory_space<vmem>>)
        %get3A = arith.index_cast %add3A_109 : i32 to index
        %get3A_182 = memref.load %arg9[%get3A] : memref<513xi32, #tpu.memory_space<smem>>
        %add3A_183 = arith.constant 1 : i32
        %add3A_184 = arith.addi %add3A_109, %add3A_183 : i32
        %get3A_185 = arith.index_cast %add3A_184 : i32 to index
        %get3A_186 = memref.load %arg9[%get3A_185] : memref<513xi32, #tpu.memory_space<smem>>
        %while3A_187 = arith.constant 1 : i32
        %while3A_188 = arith.constant 0 : i32
        %while3A_189 = arith.subi %get3A_186, %get3A_182 : i32
        %while3A_190 = arith.addi %get3A_182, %while3A_189 : i32
        %while3A_191 = arith.constant 1 : i32
        %while3A_192 = arith.divsi %while3A_189, %while3A_191 : i32
        %while3A_193 = arith.muli %while3A_192, %while3A_191 : i32
        %while3A_194 = arith.addi %get3A_182, %while3A_193 : i32
        %while3A_195 = arith.constant 1 : i32
        %while3A_196 = scf.for %while3A_205 = %get3A_182 to %while3A_194 step %while3A_195 iter_args(%while3A_206 = %while3A_188) -> (i32)  : i32 {
          %get3A_207 = arith.index_cast %while3A_205 : i32 to index
          %get3A_208 = memref.load %arg7[%get3A_207] : memref<512xi32, #tpu.memory_space<smem>>
          %and3A_209 = arith.constant 127 : i32
          %and3A_210 = arith.andi %get3A_208, %and3A_209 : i32
          %broadcast_in_dim3A = vector.broadcast %and3A_210 : i32 to vector<16xi32>
          %gather3A = arith.constant 0 : i32
          %gather3A_211 = arith.constant 0 : i32
          %gather3A_212 = arith.constant 0 : i32
          %gather3A_213 = tpu.memref_slice %arg10[%while3A_187, %gather3A, %gather3A_211, %gather3A_212] : memref<8x8x8x128xf32, #tpu.memory_space<vmem>> -> memref<1x8x8x128xf32, #tpu.memory_space<vmem>>
          %gather3A_214 = tpu.memref_squeeze %gather3A_213 : memref<1x8x8x128xf32, #tpu.memory_space<vmem>> -> memref<8x8x128xf32, #tpu.memory_space<vmem>>
          %gather3A_215 = tpu.vector_load_idx %gather3A_214[%add3A_32, %and3A_27, %broadcast_in_dim3A] : memref<8x8x128xf32, #tpu.memory_space<vmem>>[vector<16xi32>, vector<16xi32>, vector<16xi32>], vector<16xf32>,
          %mul3A_216 = arith.constant 64 : i32
          %mul3A_217 = arith.muli %while3A_205, %mul3A_216 : i32
          %add3A_218 = arith.constant 0 : i32
          %add3A_219 = arith.addi %mul3A_217, %add3A_218 : i32
          %swap3A_220 = arith.index_cast %add3A_219 : i32 to index
          %swap3A_221 = tpu.vector_load %arg11[%swap3A_220] {strides = array<i32>} : memref<32768xf32, #tpu.memory_space<vmem>>, vector<16xf32>,
          tpu.vector_store %arg11[%swap3A_220], %gather3A_215 {strides = array<i32>} : memref<32768xf32, #tpu.memory_space<vmem>>, vector<16xf32>,
          %gather3A_222 = arith.constant 0 : i32
          %gather3A_223 = arith.constant 0 : i32
          %gather3A_224 = arith.constant 0 : i32
          %gather3A_225 = tpu.memref_slice %arg10[%while3A_187, %gather3A_222, %gather3A_223, %gather3A_224] : memref<8x8x8x128xf32, #tpu.memory_space<vmem>> -> memref<1x8x8x128xf32, #tpu.memory_space<vmem>>
          %gather3A_226 = tpu.memref_squeeze %gather3A_225 : memref<1x8x8x128xf32, #tpu.memory_space<vmem>> -> memref<8x8x128xf32, #tpu.memory_space<vmem>>
          %gather3A_227 = tpu.vector_load_idx %gather3A_226[%add3A_35, %and3A_27, %broadcast_in_dim3A] : memref<8x8x128xf32, #tpu.memory_space<vmem>>[vector<16xi32>, vector<16xi32>, vector<16xi32>], vector<16xf32>,
          %mul3A_228 = arith.constant 64 : i32
          %mul3A_229 = arith.muli %while3A_205, %mul3A_228 : i32
          %add3A_230 = arith.constant 16 : i32
          %add3A_231 = arith.addi %mul3A_229, %add3A_230 : i32
          %swap3A_232 = arith.index_cast %add3A_231 : i32 to index
          %swap3A_233 = tpu.vector_load %arg11[%swap3A_232] {strides = array<i32>} : memref<32768xf32, #tpu.memory_space<vmem>>, vector<16xf32>,
          tpu.vector_store %arg11[%swap3A_232], %gather3A_227 {strides = array<i32>} : memref<32768xf32, #tpu.memory_space<vmem>>, vector<16xf32>,
          %gather3A_234 = arith.constant 0 : i32
          %gather3A_235 = arith.constant 0 : i32
          %gather3A_236 = arith.constant 0 : i32
          %gather3A_237 = tpu.memref_slice %arg10[%while3A_187, %gather3A_234, %gather3A_235, %gather3A_236] : memref<8x8x8x128xf32, #tpu.memory_space<vmem>> -> memref<1x8x8x128xf32, #tpu.memory_space<vmem>>
          %gather3A_238 = tpu.memref_squeeze %gather3A_237 : memref<1x8x8x128xf32, #tpu.memory_space<vmem>> -> memref<8x8x128xf32, #tpu.memory_space<vmem>>
          %gather3A_239 = tpu.vector_load_idx %gather3A_238[%add3A_38, %and3A_27, %broadcast_in_dim3A] : memref<8x8x128xf32, #tpu.memory_space<vmem>>[vector<16xi32>, vector<16xi32>, vector<16xi32>], vector<16xf32>,
          %mul3A_240 = arith.constant 64 : i32
          %mul3A_241 = arith.muli %while3A_205, %mul3A_240 : i32
          %add3A_242 = arith.constant 32 : i32
          %add3A_243 = arith.addi %mul3A_241, %add3A_242 : i32
          %swap3A_244 = arith.index_cast %add3A_243 : i32 to index
          %swap3A_245 = tpu.vector_load %arg11[%swap3A_244] {strides = array<i32>} : memref<32768xf32, #tpu.memory_space<vmem>>, vector<16xf32>,
          tpu.vector_store %arg11[%swap3A_244], %gather3A_239 {strides = array<i32>} : memref<32768xf32, #tpu.memory_space<vmem>>, vector<16xf32>,
          %gather3A_246 = arith.constant 0 : i32
          %gather3A_247 = arith.constant 0 : i32
          %gather3A_248 = arith.constant 0 : i32
          %gather3A_249 = tpu.memref_slice %arg10[%while3A_187, %gather3A_246, %gather3A_247, %gather3A_248] : memref<8x8x8x128xf32, #tpu.memory_space<vmem>> -> memref<1x8x8x128xf32, #tpu.memory_space<vmem>>
          %gather3A_250 = tpu.memref_squeeze %gather3A_249 : memref<1x8x8x128xf32, #tpu.memory_space<vmem>> -> memref<8x8x128xf32, #tpu.memory_space<vmem>>
          %gather3A_251 = tpu.vector_load_idx %gather3A_250[%add3A_41, %and3A_27, %broadcast_in_dim3A] : memref<8x8x128xf32, #tpu.memory_space<vmem>>[vector<16xi32>, vector<16xi32>, vector<16xi32>], vector<16xf32>,
          %mul3A_252 = arith.constant 64 : i32
          %mul3A_253 = arith.muli %while3A_205, %mul3A_252 : i32
          %add3A_254 = arith.constant 48 : i32
          %add3A_255 = arith.addi %mul3A_253, %add3A_254 : i32
          %swap3A_256 = arith.index_cast %add3A_255 : i32 to index
          %swap3A_257 = tpu.vector_load %arg11[%swap3A_256] {strides = array<i32>} : memref<32768xf32, #tpu.memory_space<vmem>>, vector<16xf32>,
          tpu.vector_store %arg11[%swap3A_256], %gather3A_251 {strides = array<i32>} : memref<32768xf32, #tpu.memory_space<vmem>>, vector<16xf32>,
          %mul3A_258 = arith.constant 64 : i32
          %mul3A_259 = arith.muli %while3A_205, %mul3A_258 : i32
          %get3A_260 = arith.index_cast %while3A_205 : i32 to index
          %get3A_261 = memref.load %arg8[%get3A_260] : memref<512xi32, #tpu.memory_space<smem>>
          %mul3A_262 = arith.constant 64 : i32
          %mul3A_263 = arith.muli %get3A_261, %mul3A_262 : i32
          %dma_start3A_264 = tpu.memref_slice %arg11[%mul3A_259] : memref<32768xf32, #tpu.memory_space<vmem>> -> memref<64xf32, #tpu.memory_space<vmem>>
          %dma_start3A_265 = tpu.memref_slice %arg5[%mul3A_263] : memref<1048576xf32, #tpu.memory_space<hbm>> -> memref<64xf32, #tpu.memory_space<hbm>>
          %dma_start3A_266 = tpu.memref_slice %arg5[%mul3A_263] : memref<1048576xf32, #tpu.memory_space<hbm>> -> memref<64xf32, #tpu.memory_space<hbm>>
          %dma_start3A_267 = tpu.memref_slice %arg11[%mul3A_259] : memref<32768xf32, #tpu.memory_space<vmem>> -> memref<64xf32, #tpu.memory_space<vmem>>
          tpu.enqueue_dma source(%dma_start3A_267 : memref<64xf32, #tpu.memory_space<vmem>>) target(%dma_start3A_266 : memref<64xf32, #tpu.memory_space<hbm>>) target_semaphore(%arg13 : memref<!tpu.dma_semaphore, #tpu.memory_space<semaphore_mem>>)
          %while3A_268 = arith.constant 0 : i32
          scf.yield %while3A_268 : i32
        }
        %while3A_197 = arith.constant 1 : i32
        %while3A_198 = scf.for %while3A_205 = %while3A_194 to %while3A_190 step %while3A_197 iter_args(%while3A_206 = %while3A_196) -> (i32)  : i32 {
          %get3A_207 = arith.index_cast %while3A_205 : i32 to index
          %get3A_208 = memref.load %arg7[%get3A_207] : memref<512xi32, #tpu.memory_space<smem>>
          %and3A_209 = arith.constant 127 : i32
          %and3A_210 = arith.andi %get3A_208, %and3A_209 : i32
          %broadcast_in_dim3A = vector.broadcast %and3A_210 : i32 to vector<16xi32>
          %gather3A = arith.constant 0 : i32
          %gather3A_211 = arith.constant 0 : i32
          %gather3A_212 = arith.constant 0 : i32
          %gather3A_213 = tpu.memref_slice %arg10[%while3A_187, %gather3A, %gather3A_211, %gather3A_212] : memref<8x8x8x128xf32, #tpu.memory_space<vmem>> -> memref<1x8x8x128xf32, #tpu.memory_space<vmem>>
          %gather3A_214 = tpu.memref_squeeze %gather3A_213 : memref<1x8x8x128xf32, #tpu.memory_space<vmem>> -> memref<8x8x128xf32, #tpu.memory_space<vmem>>
          %gather3A_215 = tpu.vector_load_idx %gather3A_214[%add3A_32, %and3A_27, %broadcast_in_dim3A] : memref<8x8x128xf32, #tpu.memory_space<vmem>>[vector<16xi32>, vector<16xi32>, vector<16xi32>], vector<16xf32>,
          %mul3A_216 = arith.constant 64 : i32
          %mul3A_217 = arith.muli %while3A_205, %mul3A_216 : i32
          %add3A_218 = arith.constant 0 : i32
          %add3A_219 = arith.addi %mul3A_217, %add3A_218 : i32
          %swap3A_220 = arith.index_cast %add3A_219 : i32 to index
          %swap3A_221 = tpu.vector_load %arg11[%swap3A_220] {strides = array<i32>} : memref<32768xf32, #tpu.memory_space<vmem>>, vector<16xf32>,
          tpu.vector_store %arg11[%swap3A_220], %gather3A_215 {strides = array<i32>} : memref<32768xf32, #tpu.memory_space<vmem>>, vector<16xf32>,
          %gather3A_222 = arith.constant 0 : i32
          %gather3A_223 = arith.constant 0 : i32
          %gather3A_224 = arith.constant 0 : i32
          %gather3A_225 = tpu.memref_slice %arg10[%while3A_187, %gather3A_222, %gather3A_223, %gather3A_224] : memref<8x8x8x128xf32, #tpu.memory_space<vmem>> -> memref<1x8x8x128xf32, #tpu.memory_space<vmem>>
          %gather3A_226 = tpu.memref_squeeze %gather3A_225 : memref<1x8x8x128xf32, #tpu.memory_space<vmem>> -> memref<8x8x128xf32, #tpu.memory_space<vmem>>
          %gather3A_227 = tpu.vector_load_idx %gather3A_226[%add3A_35, %and3A_27, %broadcast_in_dim3A] : memref<8x8x128xf32, #tpu.memory_space<vmem>>[vector<16xi32>, vector<16xi32>, vector<16xi32>], vector<16xf32>,
          %mul3A_228 = arith.constant 64 : i32
          %mul3A_229 = arith.muli %while3A_205, %mul3A_228 : i32
          %add3A_230 = arith.constant 16 : i32
          %add3A_231 = arith.addi %mul3A_229, %add3A_230 : i32
          %swap3A_232 = arith.index_cast %add3A_231 : i32 to index
          %swap3A_233 = tpu.vector_load %arg11[%swap3A_232] {strides = array<i32>} : memref<32768xf32, #tpu.memory_space<vmem>>, vector<16xf32>,
          tpu.vector_store %arg11[%swap3A_232], %gather3A_227 {strides = array<i32>} : memref<32768xf32, #tpu.memory_space<vmem>>, vector<16xf32>,
          %gather3A_234 = arith.constant 0 : i32
          %gather3A_235 = arith.constant 0 : i32
          %gather3A_236 = arith.constant 0 : i32
          %gather3A_237 = tpu.memref_slice %arg10[%while3A_187, %gather3A_234, %gather3A_235, %gather3A_236] : memref<8x8x8x128xf32, #tpu.memory_space<vmem>> -> memref<1x8x8x128xf32, #tpu.memory_space<vmem>>
          %gather3A_238 = tpu.memref_squeeze %gather3A_237 : memref<1x8x8x128xf32, #tpu.memory_space<vmem>> -> memref<8x8x128xf32, #tpu.memory_space<vmem>>
          %gather3A_239 = tpu.vector_load_idx %gather3A_238[%add3A_38, %and3A_27, %broadcast_in_dim3A] : memref<8x8x128xf32, #tpu.memory_space<vmem>>[vector<16xi32>, vector<16xi32>, vector<16xi32>], vector<16xf32>,
          %mul3A_240 = arith.constant 64 : i32
          %mul3A_241 = arith.muli %while3A_205, %mul3A_240 : i32
          %add3A_242 = arith.constant 32 : i32
          %add3A_243 = arith.addi %mul3A_241, %add3A_242 : i32
          %swap3A_244 = arith.index_cast %add3A_243 : i32 to index
          %swap3A_245 = tpu.vector_load %arg11[%swap3A_244] {strides = array<i32>} : memref<32768xf32, #tpu.memory_space<vmem>>, vector<16xf32>,
          tpu.vector_store %arg11[%swap3A_244], %gather3A_239 {strides = array<i32>} : memref<32768xf32, #tpu.memory_space<vmem>>, vector<16xf32>,
          %gather3A_246 = arith.constant 0 : i32
          %gather3A_247 = arith.constant 0 : i32
          %gather3A_248 = arith.constant 0 : i32
          %gather3A_249 = tpu.memref_slice %arg10[%while3A_187, %gather3A_246, %gather3A_247, %gather3A_248] : memref<8x8x8x128xf32, #tpu.memory_space<vmem>> -> memref<1x8x8x128xf32, #tpu.memory_space<vmem>>
          %gather3A_250 = tpu.memref_squeeze %gather3A_249 : memref<1x8x8x128xf32, #tpu.memory_space<vmem>> -> memref<8x8x128xf32, #tpu.memory_space<vmem>>
          %gather3A_251 = tpu.vector_load_idx %gather3A_250[%add3A_41, %and3A_27, %broadcast_in_dim3A] : memref<8x8x128xf32, #tpu.memory_space<vmem>>[vector<16xi32>, vector<16xi32>, vector<16xi32>], vector<16xf32>,
          %mul3A_252 = arith.constant 64 : i32
          %mul3A_253 = arith.muli %while3A_205, %mul3A_252 : i32
          %add3A_254 = arith.constant 48 : i32
          %add3A_255 = arith.addi %mul3A_253, %add3A_254 : i32
          %swap3A_256 = arith.index_cast %add3A_255 : i32 to index
          %swap3A_257 = tpu.vector_load %arg11[%swap3A_256] {strides = array<i32>} : memref<32768xf32, #tpu.memory_space<vmem>>, vector<16xf32>,
          tpu.vector_store %arg11[%swap3A_256], %gather3A_251 {strides = array<i32>} : memref<32768xf32, #tpu.memory_space<vmem>>, vector<16xf32>,
          %mul3A_258 = arith.constant 64 : i32
          %mul3A_259 = arith.muli %while3A_205, %mul3A_258 : i32
          %get3A_260 = arith.index_cast %while3A_205 : i32 to index
          %get3A_261 = memref.load %arg8[%get3A_260] : memref<512xi32, #tpu.memory_space<smem>>
          %mul3A_262 = arith.constant 64 : i32
          %mul3A_263 = arith.muli %get3A_261, %mul3A_262 : i32
          %dma_start3A_264 = tpu.memref_slice %arg11[%mul3A_259] : memref<32768xf32, #tpu.memory_space<vmem>> -> memref<64xf32, #tpu.memory_space<vmem>>
          %dma_start3A_265 = tpu.memref_slice %arg5[%mul3A_263] : memref<1048576xf32, #tpu.memory_space<hbm>> -> memref<64xf32, #tpu.memory_space<hbm>>
          %dma_start3A_266 = tpu.memref_slice %arg5[%mul3A_263] : memref<1048576xf32, #tpu.memory_space<hbm>> -> memref<64xf32, #tpu.memory_space<hbm>>
          %dma_start3A_267 = tpu.memref_slice %arg11[%mul3A_259] : memref<32768xf32, #tpu.memory_space<vmem>> -> memref<64xf32, #tpu.memory_space<vmem>>
          tpu.enqueue_dma source(%dma_start3A_267 : memref<64xf32, #tpu.memory_space<vmem>>) target(%dma_start3A_266 : memref<64xf32, #tpu.memory_space<hbm>>) target_semaphore(%arg13 : memref<!tpu.dma_semaphore, #tpu.memory_space<semaphore_mem>>)
          %while3A_268 = arith.constant 0 : i32
          scf.yield %while3A_268 : i32
        }
        %add3A_199 = arith.constant 8 : i32
        %add3A_200 = arith.addi %add3A_109, %add3A_199 : i32
        %lt3A_201 = arith.cmpi slt, %add3A_200, %scan3A_22#0 : i32
        %convert_element_type3A_202 = arith.extui %lt3A_201 : i1 to i32
        %cond3A_203 = arith.constant 0 : i32
        %cond3A_204 = arith.cmpi ne, %convert_element_type3A_202, %cond3A_203 : i32
        scf.if %cond3A_204 {
          %get3A_205 = arith.index_cast %add3A_200 : i32 to index
          %get3A_206 = memref.load %arg9[%get3A_205] : memref<513xi32, #tpu.memory_space<smem>>
          %get3A_207 = arith.index_cast %get3A_206 : i32 to index
          %get3A_208 = memref.load %arg7[%get3A_207] : memref<512xi32, #tpu.memory_space<smem>>
          %shift_right_logical3A_209 = arith.constant 7 : i32
          %shift_right_logical3A_210 = arith.shrui %get3A_208, %shift_right_logical3A_209 : i32
          %shift_left3A = arith.constant 7 : i32
          %shift_left3A_211 = arith.shli %shift_right_logical3A_210, %shift_left3A : i32
          %multiple_of3A = tpu.assume_multiple %shift_left3A_211, 128 : i32
          %dma_start3A_212 = arith.constant 1 : i32
          %dma_start3A_213 = arith.constant 0 : i32
          %dma_start3A_214 = arith.constant 0 : i32
          %dma_start3A_215 = arith.constant 0 : i32
          %dma_start3A_216 = tpu.memref_slice %arg10[%dma_start3A_212, %dma_start3A_213, %dma_start3A_214, %dma_start3A_215] : memref<8x8x8x128xf32, #tpu.memory_space<vmem>> -> memref<1x8x8x128xf32, #tpu.memory_space<vmem>>
          %dma_start3A_217 = tpu.memref_squeeze %dma_start3A_216 : memref<1x8x8x128xf32, #tpu.memory_space<vmem>> -> memref<8x8x128xf32, #tpu.memory_space<vmem>>
          %dma_start3A_218 = arith.constant 0 : i32
          %dma_start3A_219 = arith.constant 0 : i32
          %dma_start3A_220 = tpu.memref_slice %arg2[%dma_start3A_218, %dma_start3A_219, %multiple_of3A] : memref<8x8x1000001xf32, #tpu.memory_space<hbm>> -> memref<8x8x128xf32, #tpu.memory_space<hbm>>
          %dma_start3A_221 = arith.constant 0 : i32
          %dma_start3A_222 = arith.constant 0 : i32
          %dma_start3A_223 = arith.constant 0 : i32
          %dma_start3A_224 = tpu.memref_slice %arg10[%dma_start3A_212, %dma_start3A_221, %dma_start3A_222, %dma_start3A_223] : memref<8x8x8x128xf32, #tpu.memory_space<vmem>> -> memref<1x8x8x128xf32, #tpu.memory_space<vmem>>
          %dma_start3A_225 = tpu.memref_squeeze %dma_start3A_224 : memref<1x8x8x128xf32, #tpu.memory_space<vmem>> -> memref<8x8x128xf32, #tpu.memory_space<vmem>>
          %dma_start3A_226 = arith.constant 0 : i32
          %dma_start3A_227 = arith.constant 0 : i32
          %dma_start3A_228 = tpu.memref_slice %arg2[%dma_start3A_226, %dma_start3A_227, %multiple_of3A] : memref<8x8x1000001xf32, #tpu.memory_space<hbm>> -> memref<8x8x128xf32, #tpu.memory_space<hbm>>
          tpu.enqueue_dma source(%dma_start3A_228 : memref<8x8x128xf32, #tpu.memory_space<hbm>>) target(%dma_start3A_225 : memref<8x8x128xf32, #tpu.memory_space<vmem>>) target_semaphore(%arg15 : memref<!tpu.dma_semaphore, #tpu.memory_space<semaphore_mem>>)
        } else {
        }
      } else {
      }
      %mul3A_114 = arith.constant 8 : i32
      %mul3A_115 = arith.muli %while3A_97, %mul3A_114 : i32
      %add3A_116 = arith.constant 2 : i32
      %add3A_117 = arith.addi %mul3A_115, %add3A_116 : i32
      %lt3A_118 = arith.cmpi slt, %add3A_117, %scan3A_22#0 : i32
      %convert_element_type3A_119 = arith.extui %lt3A_118 : i1 to i32
      %cond3A_120 = arith.constant 0 : i32
      %cond3A_121 = arith.cmpi ne, %convert_element_type3A_119, %cond3A_120 : i32
      scf.if %cond3A_121 {
        %dma_wait3A_163 = arith.constant 2 : i32
        %dma_wait3A_164 = arith.constant 0 : i32
        %dma_wait3A_165 = arith.constant 0 : i32
        %dma_wait3A_166 = arith.constant 0 : i32
        %dma_wait3A_167 = tpu.memref_slice %arg10[%dma_wait3A_163, %dma_wait3A_164, %dma_wait3A_165, %dma_wait3A_166] : memref<8x8x8x128xf32, #tpu.memory_space<vmem>> -> memref<1x8x8x128xf32, #tpu.memory_space<vmem>>
        %dma_wait3A_168 = tpu.memref_squeeze %dma_wait3A_167 : memref<1x8x8x128xf32, #tpu.memory_space<vmem>> -> memref<8x8x128xf32, #tpu.memory_space<vmem>>
        %dma_wait3A_169 = arith.constant 0 : i32
        %dma_wait3A_170 = arith.constant 0 : i32
        %dma_wait3A_171 = arith.constant 0 : i32
        %dma_wait3A_172 = tpu.memref_slice %arg2[%dma_wait3A_169, %dma_wait3A_170, %dma_wait3A_171] : memref<8x8x1000001xf32, #tpu.memory_space<hbm>> -> memref<8x8x128xf32, #tpu.memory_space<hbm>>
        %dma_wait3A_173 = arith.constant 0 : i32
        %dma_wait3A_174 = arith.constant 0 : i32
        %dma_wait3A_175 = arith.constant 0 : i32
        %dma_wait3A_176 = tpu.memref_slice %arg10[%dma_wait3A_163, %dma_wait3A_173, %dma_wait3A_174, %dma_wait3A_175] : memref<8x8x8x128xf32, #tpu.memory_space<vmem>> -> memref<1x8x8x128xf32, #tpu.memory_space<vmem>>
        %dma_wait3A_177 = tpu.memref_squeeze %dma_wait3A_176 : memref<1x8x8x128xf32, #tpu.memory_space<vmem>> -> memref<8x8x128xf32, #tpu.memory_space<vmem>>
        %dma_wait3A_178 = arith.constant 0 : i32
        %dma_wait3A_179 = arith.constant 0 : i32
        %dma_wait3A_180 = arith.constant 0 : i32
        %dma_wait3A_181 = tpu.memref_slice %arg2[%dma_wait3A_178, %dma_wait3A_179, %dma_wait3A_180] : memref<8x8x1000001xf32, #tpu.memory_space<hbm>> -> memref<8x8x128xf32, #tpu.memory_space<hbm>>
        tpu.wait_dma2 semaphore(%arg16 : memref<!tpu.dma_semaphore, #tpu.memory_space<semaphore_mem>>) src(%dma_wait3A_181 : memref<8x8x128xf32, #tpu.memory_space<hbm>>) dst(%dma_wait3A_177 : memref<8x8x128xf32, #tpu.memory_space<vmem>>)
        %get3A = arith.index_cast %add3A_117 : i32 to index
        %get3A_182 = memref.load %arg9[%get3A] : memref<513xi32, #tpu.memory_space<smem>>
        %add3A_183 = arith.constant 1 : i32
        %add3A_184 = arith.addi %add3A_117, %add3A_183 : i32
        %get3A_185 = arith.index_cast %add3A_184 : i32 to index
        %get3A_186 = memref.load %arg9[%get3A_185] : memref<513xi32, #tpu.memory_space<smem>>
        %while3A_187 = arith.constant 2 : i32
        %while3A_188 = arith.constant 0 : i32
        %while3A_189 = arith.subi %get3A_186, %get3A_182 : i32
        %while3A_190 = arith.addi %get3A_182, %while3A_189 : i32
        %while3A_191 = arith.constant 1 : i32
        %while3A_192 = arith.divsi %while3A_189, %while3A_191 : i32
        %while3A_193 = arith.muli %while3A_192, %while3A_191 : i32
        %while3A_194 = arith.addi %get3A_182, %while3A_193 : i32
        %while3A_195 = arith.constant 1 : i32
        %while3A_196 = scf.for %while3A_205 = %get3A_182 to %while3A_194 step %while3A_195 iter_args(%while3A_206 = %while3A_188) -> (i32)  : i32 {
          %get3A_207 = arith.index_cast %while3A_205 : i32 to index
          %get3A_208 = memref.load %arg7[%get3A_207] : memref<512xi32, #tpu.memory_space<smem>>
          %and3A_209 = arith.constant 127 : i32
          %and3A_210 = arith.andi %get3A_208, %and3A_209 : i32
          %broadcast_in_dim3A = vector.broadcast %and3A_210 : i32 to vector<16xi32>
          %gather3A = arith.constant 0 : i32
          %gather3A_211 = arith.constant 0 : i32
          %gather3A_212 = arith.constant 0 : i32
          %gather3A_213 = tpu.memref_slice %arg10[%while3A_187, %gather3A, %gather3A_211, %gather3A_212] : memref<8x8x8x128xf32, #tpu.memory_space<vmem>> -> memref<1x8x8x128xf32, #tpu.memory_space<vmem>>
          %gather3A_214 = tpu.memref_squeeze %gather3A_213 : memref<1x8x8x128xf32, #tpu.memory_space<vmem>> -> memref<8x8x128xf32, #tpu.memory_space<vmem>>
          %gather3A_215 = tpu.vector_load_idx %gather3A_214[%add3A_32, %and3A_27, %broadcast_in_dim3A] : memref<8x8x128xf32, #tpu.memory_space<vmem>>[vector<16xi32>, vector<16xi32>, vector<16xi32>], vector<16xf32>,
          %mul3A_216 = arith.constant 64 : i32
          %mul3A_217 = arith.muli %while3A_205, %mul3A_216 : i32
          %add3A_218 = arith.constant 0 : i32
          %add3A_219 = arith.addi %mul3A_217, %add3A_218 : i32
          %swap3A_220 = arith.index_cast %add3A_219 : i32 to index
          %swap3A_221 = tpu.vector_load %arg11[%swap3A_220] {strides = array<i32>} : memref<32768xf32, #tpu.memory_space<vmem>>, vector<16xf32>,
          tpu.vector_store %arg11[%swap3A_220], %gather3A_215 {strides = array<i32>} : memref<32768xf32, #tpu.memory_space<vmem>>, vector<16xf32>,
          %gather3A_222 = arith.constant 0 : i32
          %gather3A_223 = arith.constant 0 : i32
          %gather3A_224 = arith.constant 0 : i32
          %gather3A_225 = tpu.memref_slice %arg10[%while3A_187, %gather3A_222, %gather3A_223, %gather3A_224] : memref<8x8x8x128xf32, #tpu.memory_space<vmem>> -> memref<1x8x8x128xf32, #tpu.memory_space<vmem>>
          %gather3A_226 = tpu.memref_squeeze %gather3A_225 : memref<1x8x8x128xf32, #tpu.memory_space<vmem>> -> memref<8x8x128xf32, #tpu.memory_space<vmem>>
          %gather3A_227 = tpu.vector_load_idx %gather3A_226[%add3A_35, %and3A_27, %broadcast_in_dim3A] : memref<8x8x128xf32, #tpu.memory_space<vmem>>[vector<16xi32>, vector<16xi32>, vector<16xi32>], vector<16xf32>,
          %mul3A_228 = arith.constant 64 : i32
          %mul3A_229 = arith.muli %while3A_205, %mul3A_228 : i32
          %add3A_230 = arith.constant 16 : i32
          %add3A_231 = arith.addi %mul3A_229, %add3A_230 : i32
          %swap3A_232 = arith.index_cast %add3A_231 : i32 to index
          %swap3A_233 = tpu.vector_load %arg11[%swap3A_232] {strides = array<i32>} : memref<32768xf32, #tpu.memory_space<vmem>>, vector<16xf32>,
          tpu.vector_store %arg11[%swap3A_232], %gather3A_227 {strides = array<i32>} : memref<32768xf32, #tpu.memory_space<vmem>>, vector<16xf32>,
          %gather3A_234 = arith.constant 0 : i32
          %gather3A_235 = arith.constant 0 : i32
          %gather3A_236 = arith.constant 0 : i32
          %gather3A_237 = tpu.memref_slice %arg10[%while3A_187, %gather3A_234, %gather3A_235, %gather3A_236] : memref<8x8x8x128xf32, #tpu.memory_space<vmem>> -> memref<1x8x8x128xf32, #tpu.memory_space<vmem>>
          %gather3A_238 = tpu.memref_squeeze %gather3A_237 : memref<1x8x8x128xf32, #tpu.memory_space<vmem>> -> memref<8x8x128xf32, #tpu.memory_space<vmem>>
          %gather3A_239 = tpu.vector_load_idx %gather3A_238[%add3A_38, %and3A_27, %broadcast_in_dim3A] : memref<8x8x128xf32, #tpu.memory_space<vmem>>[vector<16xi32>, vector<16xi32>, vector<16xi32>], vector<16xf32>,
          %mul3A_240 = arith.constant 64 : i32
          %mul3A_241 = arith.muli %while3A_205, %mul3A_240 : i32
          %add3A_242 = arith.constant 32 : i32
          %add3A_243 = arith.addi %mul3A_241, %add3A_242 : i32
          %swap3A_244 = arith.index_cast %add3A_243 : i32 to index
          %swap3A_245 = tpu.vector_load %arg11[%swap3A_244] {strides = array<i32>} : memref<32768xf32, #tpu.memory_space<vmem>>, vector<16xf32>,
          tpu.vector_store %arg11[%swap3A_244], %gather3A_239 {strides = array<i32>} : memref<32768xf32, #tpu.memory_space<vmem>>, vector<16xf32>,
          %gather3A_246 = arith.constant 0 : i32
          %gather3A_247 = arith.constant 0 : i32
          %gather3A_248 = arith.constant 0 : i32
          %gather3A_249 = tpu.memref_slice %arg10[%while3A_187, %gather3A_246, %gather3A_247, %gather3A_248] : memref<8x8x8x128xf32, #tpu.memory_space<vmem>> -> memref<1x8x8x128xf32, #tpu.memory_space<vmem>>
          %gather3A_250 = tpu.memref_squeeze %gather3A_249 : memref<1x8x8x128xf32, #tpu.memory_space<vmem>> -> memref<8x8x128xf32, #tpu.memory_space<vmem>>
          %gather3A_251 = tpu.vector_load_idx %gather3A_250[%add3A_41, %and3A_27, %broadcast_in_dim3A] : memref<8x8x128xf32, #tpu.memory_space<vmem>>[vector<16xi32>, vector<16xi32>, vector<16xi32>], vector<16xf32>,
          %mul3A_252 = arith.constant 64 : i32
          %mul3A_253 = arith.muli %while3A_205, %mul3A_252 : i32
          %add3A_254 = arith.constant 48 : i32
          %add3A_255 = arith.addi %mul3A_253, %add3A_254 : i32
          %swap3A_256 = arith.index_cast %add3A_255 : i32 to index
          %swap3A_257 = tpu.vector_load %arg11[%swap3A_256] {strides = array<i32>} : memref<32768xf32, #tpu.memory_space<vmem>>, vector<16xf32>,
          tpu.vector_store %arg11[%swap3A_256], %gather3A_251 {strides = array<i32>} : memref<32768xf32, #tpu.memory_space<vmem>>, vector<16xf32>,
          %mul3A_258 = arith.constant 64 : i32
          %mul3A_259 = arith.muli %while3A_205, %mul3A_258 : i32
          %get3A_260 = arith.index_cast %while3A_205 : i32 to index
          %get3A_261 = memref.load %arg8[%get3A_260] : memref<512xi32, #tpu.memory_space<smem>>
          %mul3A_262 = arith.constant 64 : i32
          %mul3A_263 = arith.muli %get3A_261, %mul3A_262 : i32
          %dma_start3A_264 = tpu.memref_slice %arg11[%mul3A_259] : memref<32768xf32, #tpu.memory_space<vmem>> -> memref<64xf32, #tpu.memory_space<vmem>>
          %dma_start3A_265 = tpu.memref_slice %arg5[%mul3A_263] : memref<1048576xf32, #tpu.memory_space<hbm>> -> memref<64xf32, #tpu.memory_space<hbm>>
          %dma_start3A_266 = tpu.memref_slice %arg5[%mul3A_263] : memref<1048576xf32, #tpu.memory_space<hbm>> -> memref<64xf32, #tpu.memory_space<hbm>>
          %dma_start3A_267 = tpu.memref_slice %arg11[%mul3A_259] : memref<32768xf32, #tpu.memory_space<vmem>> -> memref<64xf32, #tpu.memory_space<vmem>>
          tpu.enqueue_dma source(%dma_start3A_267 : memref<64xf32, #tpu.memory_space<vmem>>) target(%dma_start3A_266 : memref<64xf32, #tpu.memory_space<hbm>>) target_semaphore(%arg13 : memref<!tpu.dma_semaphore, #tpu.memory_space<semaphore_mem>>)
          %while3A_268 = arith.constant 0 : i32
          scf.yield %while3A_268 : i32
        }
        %while3A_197 = arith.constant 1 : i32
        %while3A_198 = scf.for %while3A_205 = %while3A_194 to %while3A_190 step %while3A_197 iter_args(%while3A_206 = %while3A_196) -> (i32)  : i32 {
          %get3A_207 = arith.index_cast %while3A_205 : i32 to index
          %get3A_208 = memref.load %arg7[%get3A_207] : memref<512xi32, #tpu.memory_space<smem>>
          %and3A_209 = arith.constant 127 : i32
          %and3A_210 = arith.andi %get3A_208, %and3A_209 : i32
          %broadcast_in_dim3A = vector.broadcast %and3A_210 : i32 to vector<16xi32>
          %gather3A = arith.constant 0 : i32
          %gather3A_211 = arith.constant 0 : i32
          %gather3A_212 = arith.constant 0 : i32
          %gather3A_213 = tpu.memref_slice %arg10[%while3A_187, %gather3A, %gather3A_211, %gather3A_212] : memref<8x8x8x128xf32, #tpu.memory_space<vmem>> -> memref<1x8x8x128xf32, #tpu.memory_space<vmem>>
          %gather3A_214 = tpu.memref_squeeze %gather3A_213 : memref<1x8x8x128xf32, #tpu.memory_space<vmem>> -> memref<8x8x128xf32, #tpu.memory_space<vmem>>
          %gather3A_215 = tpu.vector_load_idx %gather3A_214[%add3A_32, %and3A_27, %broadcast_in_dim3A] : memref<8x8x128xf32, #tpu.memory_space<vmem>>[vector<16xi32>, vector<16xi32>, vector<16xi32>], vector<16xf32>,
          %mul3A_216 = arith.constant 64 : i32
          %mul3A_217 = arith.muli %while3A_205, %mul3A_216 : i32
          %add3A_218 = arith.constant 0 : i32
          %add3A_219 = arith.addi %mul3A_217, %add3A_218 : i32
          %swap3A_220 = arith.index_cast %add3A_219 : i32 to index
          %swap3A_221 = tpu.vector_load %arg11[%swap3A_220] {strides = array<i32>} : memref<32768xf32, #tpu.memory_space<vmem>>, vector<16xf32>,
          tpu.vector_store %arg11[%swap3A_220], %gather3A_215 {strides = array<i32>} : memref<32768xf32, #tpu.memory_space<vmem>>, vector<16xf32>,
          %gather3A_222 = arith.constant 0 : i32
          %gather3A_223 = arith.constant 0 : i32
          %gather3A_224 = arith.constant 0 : i32
          %gather3A_225 = tpu.memref_slice %arg10[%while3A_187, %gather3A_222, %gather3A_223, %gather3A_224] : memref<8x8x8x128xf32, #tpu.memory_space<vmem>> -> memref<1x8x8x128xf32, #tpu.memory_space<vmem>>
          %gather3A_226 = tpu.memref_squeeze %gather3A_225 : memref<1x8x8x128xf32, #tpu.memory_space<vmem>> -> memref<8x8x128xf32, #tpu.memory_space<vmem>>
          %gather3A_227 = tpu.vector_load_idx %gather3A_226[%add3A_35, %and3A_27, %broadcast_in_dim3A] : memref<8x8x128xf32, #tpu.memory_space<vmem>>[vector<16xi32>, vector<16xi32>, vector<16xi32>], vector<16xf32>,
          %mul3A_228 = arith.constant 64 : i32
          %mul3A_229 = arith.muli %while3A_205, %mul3A_228 : i32
          %add3A_230 = arith.constant 16 : i32
          %add3A_231 = arith.addi %mul3A_229, %add3A_230 : i32
          %swap3A_232 = arith.index_cast %add3A_231 : i32 to index
          %swap3A_233 = tpu.vector_load %arg11[%swap3A_232] {strides = array<i32>} : memref<32768xf32, #tpu.memory_space<vmem>>, vector<16xf32>,
          tpu.vector_store %arg11[%swap3A_232], %gather3A_227 {strides = array<i32>} : memref<32768xf32, #tpu.memory_space<vmem>>, vector<16xf32>,
          %gather3A_234 = arith.constant 0 : i32
          %gather3A_235 = arith.constant 0 : i32
          %gather3A_236 = arith.constant 0 : i32
          %gather3A_237 = tpu.memref_slice %arg10[%while3A_187, %gather3A_234, %gather3A_235, %gather3A_236] : memref<8x8x8x128xf32, #tpu.memory_space<vmem>> -> memref<1x8x8x128xf32, #tpu.memory_space<vmem>>
          %gather3A_238 = tpu.memref_squeeze %gather3A_237 : memref<1x8x8x128xf32, #tpu.memory_space<vmem>> -> memref<8x8x128xf32, #tpu.memory_space<vmem>>
          %gather3A_239 = tpu.vector_load_idx %gather3A_238[%add3A_38, %and3A_27, %broadcast_in_dim3A] : memref<8x8x128xf32, #tpu.memory_space<vmem>>[vector<16xi32>, vector<16xi32>, vector<16xi32>], vector<16xf32>,
          %mul3A_240 = arith.constant 64 : i32
          %mul3A_241 = arith.muli %while3A_205, %mul3A_240 : i32
          %add3A_242 = arith.constant 32 : i32
          %add3A_243 = arith.addi %mul3A_241, %add3A_242 : i32
          %swap3A_244 = arith.index_cast %add3A_243 : i32 to index
          %swap3A_245 = tpu.vector_load %arg11[%swap3A_244] {strides = array<i32>} : memref<32768xf32, #tpu.memory_space<vmem>>, vector<16xf32>,
          tpu.vector_store %arg11[%swap3A_244], %gather3A_239 {strides = array<i32>} : memref<32768xf32, #tpu.memory_space<vmem>>, vector<16xf32>,
          %gather3A_246 = arith.constant 0 : i32
          %gather3A_247 = arith.constant 0 : i32
          %gather3A_248 = arith.constant 0 : i32
          %gather3A_249 = tpu.memref_slice %arg10[%while3A_187, %gather3A_246, %gather3A_247, %gather3A_248] : memref<8x8x8x128xf32, #tpu.memory_space<vmem>> -> memref<1x8x8x128xf32, #tpu.memory_space<vmem>>
          %gather3A_250 = tpu.memref_squeeze %gather3A_249 : memref<1x8x8x128xf32, #tpu.memory_space<vmem>> -> memref<8x8x128xf32, #tpu.memory_space<vmem>>
          %gather3A_251 = tpu.vector_load_idx %gather3A_250[%add3A_41, %and3A_27, %broadcast_in_dim3A] : memref<8x8x128xf32, #tpu.memory_space<vmem>>[vector<16xi32>, vector<16xi32>, vector<16xi32>], vector<16xf32>,
          %mul3A_252 = arith.constant 64 : i32
          %mul3A_253 = arith.muli %while3A_205, %mul3A_252 : i32
          %add3A_254 = arith.constant 48 : i32
          %add3A_255 = arith.addi %mul3A_253, %add3A_254 : i32
          %swap3A_256 = arith.index_cast %add3A_255 : i32 to index
          %swap3A_257 = tpu.vector_load %arg11[%swap3A_256] {strides = array<i32>} : memref<32768xf32, #tpu.memory_space<vmem>>, vector<16xf32>,
          tpu.vector_store %arg11[%swap3A_256], %gather3A_251 {strides = array<i32>} : memref<32768xf32, #tpu.memory_space<vmem>>, vector<16xf32>,
          %mul3A_258 = arith.constant 64 : i32
          %mul3A_259 = arith.muli %while3A_205, %mul3A_258 : i32
          %get3A_260 = arith.index_cast %while3A_205 : i32 to index
          %get3A_261 = memref.load %arg8[%get3A_260] : memref<512xi32, #tpu.memory_space<smem>>
          %mul3A_262 = arith.constant 64 : i32
          %mul3A_263 = arith.muli %get3A_261, %mul3A_262 : i32
          %dma_start3A_264 = tpu.memref_slice %arg11[%mul3A_259] : memref<32768xf32, #tpu.memory_space<vmem>> -> memref<64xf32, #tpu.memory_space<vmem>>
          %dma_start3A_265 = tpu.memref_slice %arg5[%mul3A_263] : memref<1048576xf32, #tpu.memory_space<hbm>> -> memref<64xf32, #tpu.memory_space<hbm>>
          %dma_start3A_266 = tpu.memref_slice %arg5[%mul3A_263] : memref<1048576xf32, #tpu.memory_space<hbm>> -> memref<64xf32, #tpu.memory_space<hbm>>
          %dma_start3A_267 = tpu.memref_slice %arg11[%mul3A_259] : memref<32768xf32, #tpu.memory_space<vmem>> -> memref<64xf32, #tpu.memory_space<vmem>>
          tpu.enqueue_dma source(%dma_start3A_267 : memref<64xf32, #tpu.memory_space<vmem>>) target(%dma_start3A_266 : memref<64xf32, #tpu.memory_space<hbm>>) target_semaphore(%arg13 : memref<!tpu.dma_semaphore, #tpu.memory_space<semaphore_mem>>)
          %while3A_268 = arith.constant 0 : i32
          scf.yield %while3A_268 : i32
        }
        %add3A_199 = arith.constant 8 : i32
        %add3A_200 = arith.addi %add3A_117, %add3A_199 : i32
        %lt3A_201 = arith.cmpi slt, %add3A_200, %scan3A_22#0 : i32
        %convert_element_type3A_202 = arith.extui %lt3A_201 : i1 to i32
        %cond3A_203 = arith.constant 0 : i32
        %cond3A_204 = arith.cmpi ne, %convert_element_type3A_202, %cond3A_203 : i32
        scf.if %cond3A_204 {
          %get3A_205 = arith.index_cast %add3A_200 : i32 to index
          %get3A_206 = memref.load %arg9[%get3A_205] : memref<513xi32, #tpu.memory_space<smem>>
          %get3A_207 = arith.index_cast %get3A_206 : i32 to index
          %get3A_208 = memref.load %arg7[%get3A_207] : memref<512xi32, #tpu.memory_space<smem>>
          %shift_right_logical3A_209 = arith.constant 7 : i32
          %shift_right_logical3A_210 = arith.shrui %get3A_208, %shift_right_logical3A_209 : i32
          %shift_left3A = arith.constant 7 : i32
          %shift_left3A_211 = arith.shli %shift_right_logical3A_210, %shift_left3A : i32
          %multiple_of3A = tpu.assume_multiple %shift_left3A_211, 128 : i32
          %dma_start3A_212 = arith.constant 2 : i32
          %dma_start3A_213 = arith.constant 0 : i32
          %dma_start3A_214 = arith.constant 0 : i32
          %dma_start3A_215 = arith.constant 0 : i32
          %dma_start3A_216 = tpu.memref_slice %arg10[%dma_start3A_212, %dma_start3A_213, %dma_start3A_214, %dma_start3A_215] : memref<8x8x8x128xf32, #tpu.memory_space<vmem>> -> memref<1x8x8x128xf32, #tpu.memory_space<vmem>>
          %dma_start3A_217 = tpu.memref_squeeze %dma_start3A_216 : memref<1x8x8x128xf32, #tpu.memory_space<vmem>> -> memref<8x8x128xf32, #tpu.memory_space<vmem>>
          %dma_start3A_218 = arith.constant 0 : i32
          %dma_start3A_219 = arith.constant 0 : i32
          %dma_start3A_220 = tpu.memref_slice %arg2[%dma_start3A_218, %dma_start3A_219, %multiple_of3A] : memref<8x8x1000001xf32, #tpu.memory_space<hbm>> -> memref<8x8x128xf32, #tpu.memory_space<hbm>>
          %dma_start3A_221 = arith.constant 0 : i32
          %dma_start3A_222 = arith.constant 0 : i32
          %dma_start3A_223 = arith.constant 0 : i32
          %dma_start3A_224 = tpu.memref_slice %arg10[%dma_start3A_212, %dma_start3A_221, %dma_start3A_222, %dma_start3A_223] : memref<8x8x8x128xf32, #tpu.memory_space<vmem>> -> memref<1x8x8x128xf32, #tpu.memory_space<vmem>>
          %dma_start3A_225 = tpu.memref_squeeze %dma_start3A_224 : memref<1x8x8x128xf32, #tpu.memory_space<vmem>> -> memref<8x8x128xf32, #tpu.memory_space<vmem>>
          %dma_start3A_226 = arith.constant 0 : i32
          %dma_start3A_227 = arith.constant 0 : i32
          %dma_start3A_228 = tpu.memref_slice %arg2[%dma_start3A_226, %dma_start3A_227, %multiple_of3A] : memref<8x8x1000001xf32, #tpu.memory_space<hbm>> -> memref<8x8x128xf32, #tpu.memory_space<hbm>>
          tpu.enqueue_dma source(%dma_start3A_228 : memref<8x8x128xf32, #tpu.memory_space<hbm>>) target(%dma_start3A_225 : memref<8x8x128xf32, #tpu.memory_space<vmem>>) target_semaphore(%arg16 : memref<!tpu.dma_semaphore, #tpu.memory_space<semaphore_mem>>)
        } else {
        }
      } else {
      }
      %mul3A_122 = arith.constant 8 : i32
      %mul3A_123 = arith.muli %while3A_97, %mul3A_122 : i32
      %add3A_124 = arith.constant 3 : i32
      %add3A_125 = arith.addi %mul3A_123, %add3A_124 : i32
      %lt3A_126 = arith.cmpi slt, %add3A_125, %scan3A_22#0 : i32
      %convert_element_type3A_127 = arith.extui %lt3A_126 : i1 to i32
      %cond3A_128 = arith.constant 0 : i32
      %cond3A_129 = arith.cmpi ne, %convert_element_type3A_127, %cond3A_128 : i32
      scf.if %cond3A_129 {
        %dma_wait3A_163 = arith.constant 3 : i32
        %dma_wait3A_164 = arith.constant 0 : i32
        %dma_wait3A_165 = arith.constant 0 : i32
        %dma_wait3A_166 = arith.constant 0 : i32
        %dma_wait3A_167 = tpu.memref_slice %arg10[%dma_wait3A_163, %dma_wait3A_164, %dma_wait3A_165, %dma_wait3A_166] : memref<8x8x8x128xf32, #tpu.memory_space<vmem>> -> memref<1x8x8x128xf32, #tpu.memory_space<vmem>>
        %dma_wait3A_168 = tpu.memref_squeeze %dma_wait3A_167 : memref<1x8x8x128xf32, #tpu.memory_space<vmem>> -> memref<8x8x128xf32, #tpu.memory_space<vmem>>
        %dma_wait3A_169 = arith.constant 0 : i32
        %dma_wait3A_170 = arith.constant 0 : i32
        %dma_wait3A_171 = arith.constant 0 : i32
        %dma_wait3A_172 = tpu.memref_slice %arg2[%dma_wait3A_169, %dma_wait3A_170, %dma_wait3A_171] : memref<8x8x1000001xf32, #tpu.memory_space<hbm>> -> memref<8x8x128xf32, #tpu.memory_space<hbm>>
        %dma_wait3A_173 = arith.constant 0 : i32
        %dma_wait3A_174 = arith.constant 0 : i32
        %dma_wait3A_175 = arith.constant 0 : i32
        %dma_wait3A_176 = tpu.memref_slice %arg10[%dma_wait3A_163, %dma_wait3A_173, %dma_wait3A_174, %dma_wait3A_175] : memref<8x8x8x128xf32, #tpu.memory_space<vmem>> -> memref<1x8x8x128xf32, #tpu.memory_space<vmem>>
        %dma_wait3A_177 = tpu.memref_squeeze %dma_wait3A_176 : memref<1x8x8x128xf32, #tpu.memory_space<vmem>> -> memref<8x8x128xf32, #tpu.memory_space<vmem>>
        %dma_wait3A_178 = arith.constant 0 : i32
        %dma_wait3A_179 = arith.constant 0 : i32
        %dma_wait3A_180 = arith.constant 0 : i32
        %dma_wait3A_181 = tpu.memref_slice %arg2[%dma_wait3A_178, %dma_wait3A_179, %dma_wait3A_180] : memref<8x8x1000001xf32, #tpu.memory_space<hbm>> -> memref<8x8x128xf32, #tpu.memory_space<hbm>>
        tpu.wait_dma2 semaphore(%arg17 : memref<!tpu.dma_semaphore, #tpu.memory_space<semaphore_mem>>) src(%dma_wait3A_181 : memref<8x8x128xf32, #tpu.memory_space<hbm>>) dst(%dma_wait3A_177 : memref<8x8x128xf32, #tpu.memory_space<vmem>>)
        %get3A = arith.index_cast %add3A_125 : i32 to index
        %get3A_182 = memref.load %arg9[%get3A] : memref<513xi32, #tpu.memory_space<smem>>
        %add3A_183 = arith.constant 1 : i32
        %add3A_184 = arith.addi %add3A_125, %add3A_183 : i32
        %get3A_185 = arith.index_cast %add3A_184 : i32 to index
        %get3A_186 = memref.load %arg9[%get3A_185] : memref<513xi32, #tpu.memory_space<smem>>
        %while3A_187 = arith.constant 3 : i32
        %while3A_188 = arith.constant 0 : i32
        %while3A_189 = arith.subi %get3A_186, %get3A_182 : i32
        %while3A_190 = arith.addi %get3A_182, %while3A_189 : i32
        %while3A_191 = arith.constant 1 : i32
        %while3A_192 = arith.divsi %while3A_189, %while3A_191 : i32
        %while3A_193 = arith.muli %while3A_192, %while3A_191 : i32
        %while3A_194 = arith.addi %get3A_182, %while3A_193 : i32
        %while3A_195 = arith.constant 1 : i32
        %while3A_196 = scf.for %while3A_205 = %get3A_182 to %while3A_194 step %while3A_195 iter_args(%while3A_206 = %while3A_188) -> (i32)  : i32 {
          %get3A_207 = arith.index_cast %while3A_205 : i32 to index
          %get3A_208 = memref.load %arg7[%get3A_207] : memref<512xi32, #tpu.memory_space<smem>>
          %and3A_209 = arith.constant 127 : i32
          %and3A_210 = arith.andi %get3A_208, %and3A_209 : i32
          %broadcast_in_dim3A = vector.broadcast %and3A_210 : i32 to vector<16xi32>
          %gather3A = arith.constant 0 : i32
          %gather3A_211 = arith.constant 0 : i32
          %gather3A_212 = arith.constant 0 : i32
          %gather3A_213 = tpu.memref_slice %arg10[%while3A_187, %gather3A, %gather3A_211, %gather3A_212] : memref<8x8x8x128xf32, #tpu.memory_space<vmem>> -> memref<1x8x8x128xf32, #tpu.memory_space<vmem>>
          %gather3A_214 = tpu.memref_squeeze %gather3A_213 : memref<1x8x8x128xf32, #tpu.memory_space<vmem>> -> memref<8x8x128xf32, #tpu.memory_space<vmem>>
          %gather3A_215 = tpu.vector_load_idx %gather3A_214[%add3A_32, %and3A_27, %broadcast_in_dim3A] : memref<8x8x128xf32, #tpu.memory_space<vmem>>[vector<16xi32>, vector<16xi32>, vector<16xi32>], vector<16xf32>,
          %mul3A_216 = arith.constant 64 : i32
          %mul3A_217 = arith.muli %while3A_205, %mul3A_216 : i32
          %add3A_218 = arith.constant 0 : i32
          %add3A_219 = arith.addi %mul3A_217, %add3A_218 : i32
          %swap3A_220 = arith.index_cast %add3A_219 : i32 to index
          %swap3A_221 = tpu.vector_load %arg11[%swap3A_220] {strides = array<i32>} : memref<32768xf32, #tpu.memory_space<vmem>>, vector<16xf32>,
          tpu.vector_store %arg11[%swap3A_220], %gather3A_215 {strides = array<i32>} : memref<32768xf32, #tpu.memory_space<vmem>>, vector<16xf32>,
          %gather3A_222 = arith.constant 0 : i32
          %gather3A_223 = arith.constant 0 : i32
          %gather3A_224 = arith.constant 0 : i32
          %gather3A_225 = tpu.memref_slice %arg10[%while3A_187, %gather3A_222, %gather3A_223, %gather3A_224] : memref<8x8x8x128xf32, #tpu.memory_space<vmem>> -> memref<1x8x8x128xf32, #tpu.memory_space<vmem>>
          %gather3A_226 = tpu.memref_squeeze %gather3A_225 : memref<1x8x8x128xf32, #tpu.memory_space<vmem>> -> memref<8x8x128xf32, #tpu.memory_space<vmem>>
          %gather3A_227 = tpu.vector_load_idx %gather3A_226[%add3A_35, %and3A_27, %broadcast_in_dim3A] : memref<8x8x128xf32, #tpu.memory_space<vmem>>[vector<16xi32>, vector<16xi32>, vector<16xi32>], vector<16xf32>,
          %mul3A_228 = arith.constant 64 : i32
          %mul3A_229 = arith.muli %while3A_205, %mul3A_228 : i32
          %add3A_230 = arith.constant 16 : i32
          %add3A_231 = arith.addi %mul3A_229, %add3A_230 : i32
          %swap3A_232 = arith.index_cast %add3A_231 : i32 to index
          %swap3A_233 = tpu.vector_load %arg11[%swap3A_232] {strides = array<i32>} : memref<32768xf32, #tpu.memory_space<vmem>>, vector<16xf32>,
          tpu.vector_store %arg11[%swap3A_232], %gather3A_227 {strides = array<i32>} : memref<32768xf32, #tpu.memory_space<vmem>>, vector<16xf32>,
          %gather3A_234 = arith.constant 0 : i32
          %gather3A_235 = arith.constant 0 : i32
          %gather3A_236 = arith.constant 0 : i32
          %gather3A_237 = tpu.memref_slice %arg10[%while3A_187, %gather3A_234, %gather3A_235, %gather3A_236] : memref<8x8x8x128xf32, #tpu.memory_space<vmem>> -> memref<1x8x8x128xf32, #tpu.memory_space<vmem>>
          %gather3A_238 = tpu.memref_squeeze %gather3A_237 : memref<1x8x8x128xf32, #tpu.memory_space<vmem>> -> memref<8x8x128xf32, #tpu.memory_space<vmem>>
          %gather3A_239 = tpu.vector_load_idx %gather3A_238[%add3A_38, %and3A_27, %broadcast_in_dim3A] : memref<8x8x128xf32, #tpu.memory_space<vmem>>[vector<16xi32>, vector<16xi32>, vector<16xi32>], vector<16xf32>,
          %mul3A_240 = arith.constant 64 : i32
          %mul3A_241 = arith.muli %while3A_205, %mul3A_240 : i32
          %add3A_242 = arith.constant 32 : i32
          %add3A_243 = arith.addi %mul3A_241, %add3A_242 : i32
          %swap3A_244 = arith.index_cast %add3A_243 : i32 to index
          %swap3A_245 = tpu.vector_load %arg11[%swap3A_244] {strides = array<i32>} : memref<32768xf32, #tpu.memory_space<vmem>>, vector<16xf32>,
          tpu.vector_store %arg11[%swap3A_244], %gather3A_239 {strides = array<i32>} : memref<32768xf32, #tpu.memory_space<vmem>>, vector<16xf32>,
          %gather3A_246 = arith.constant 0 : i32
          %gather3A_247 = arith.constant 0 : i32
          %gather3A_248 = arith.constant 0 : i32
          %gather3A_249 = tpu.memref_slice %arg10[%while3A_187, %gather3A_246, %gather3A_247, %gather3A_248] : memref<8x8x8x128xf32, #tpu.memory_space<vmem>> -> memref<1x8x8x128xf32, #tpu.memory_space<vmem>>
          %gather3A_250 = tpu.memref_squeeze %gather3A_249 : memref<1x8x8x128xf32, #tpu.memory_space<vmem>> -> memref<8x8x128xf32, #tpu.memory_space<vmem>>
          %gather3A_251 = tpu.vector_load_idx %gather3A_250[%add3A_41, %and3A_27, %broadcast_in_dim3A] : memref<8x8x128xf32, #tpu.memory_space<vmem>>[vector<16xi32>, vector<16xi32>, vector<16xi32>], vector<16xf32>,
          %mul3A_252 = arith.constant 64 : i32
          %mul3A_253 = arith.muli %while3A_205, %mul3A_252 : i32
          %add3A_254 = arith.constant 48 : i32
          %add3A_255 = arith.addi %mul3A_253, %add3A_254 : i32
          %swap3A_256 = arith.index_cast %add3A_255 : i32 to index
          %swap3A_257 = tpu.vector_load %arg11[%swap3A_256] {strides = array<i32>} : memref<32768xf32, #tpu.memory_space<vmem>>, vector<16xf32>,
          tpu.vector_store %arg11[%swap3A_256], %gather3A_251 {strides = array<i32>} : memref<32768xf32, #tpu.memory_space<vmem>>, vector<16xf32>,
          %mul3A_258 = arith.constant 64 : i32
          %mul3A_259 = arith.muli %while3A_205, %mul3A_258 : i32
          %get3A_260 = arith.index_cast %while3A_205 : i32 to index
          %get3A_261 = memref.load %arg8[%get3A_260] : memref<512xi32, #tpu.memory_space<smem>>
          %mul3A_262 = arith.constant 64 : i32
          %mul3A_263 = arith.muli %get3A_261, %mul3A_262 : i32
          %dma_start3A_264 = tpu.memref_slice %arg11[%mul3A_259] : memref<32768xf32, #tpu.memory_space<vmem>> -> memref<64xf32, #tpu.memory_space<vmem>>
          %dma_start3A_265 = tpu.memref_slice %arg5[%mul3A_263] : memref<1048576xf32, #tpu.memory_space<hbm>> -> memref<64xf32, #tpu.memory_space<hbm>>
          %dma_start3A_266 = tpu.memref_slice %arg5[%mul3A_263] : memref<1048576xf32, #tpu.memory_space<hbm>> -> memref<64xf32, #tpu.memory_space<hbm>>
          %dma_start3A_267 = tpu.memref_slice %arg11[%mul3A_259] : memref<32768xf32, #tpu.memory_space<vmem>> -> memref<64xf32, #tpu.memory_space<vmem>>
          tpu.enqueue_dma source(%dma_start3A_267 : memref<64xf32, #tpu.memory_space<vmem>>) target(%dma_start3A_266 : memref<64xf32, #tpu.memory_space<hbm>>) target_semaphore(%arg13 : memref<!tpu.dma_semaphore, #tpu.memory_space<semaphore_mem>>)
          %while3A_268 = arith.constant 0 : i32
          scf.yield %while3A_268 : i32
        }
        %while3A_197 = arith.constant 1 : i32
        %while3A_198 = scf.for %while3A_205 = %while3A_194 to %while3A_190 step %while3A_197 iter_args(%while3A_206 = %while3A_196) -> (i32)  : i32 {
          %get3A_207 = arith.index_cast %while3A_205 : i32 to index
          %get3A_208 = memref.load %arg7[%get3A_207] : memref<512xi32, #tpu.memory_space<smem>>
          %and3A_209 = arith.constant 127 : i32
          %and3A_210 = arith.andi %get3A_208, %and3A_209 : i32
          %broadcast_in_dim3A = vector.broadcast %and3A_210 : i32 to vector<16xi32>
          %gather3A = arith.constant 0 : i32
          %gather3A_211 = arith.constant 0 : i32
          %gather3A_212 = arith.constant 0 : i32
          %gather3A_213 = tpu.memref_slice %arg10[%while3A_187, %gather3A, %gather3A_211, %gather3A_212] : memref<8x8x8x128xf32, #tpu.memory_space<vmem>> -> memref<1x8x8x128xf32, #tpu.memory_space<vmem>>
          %gather3A_214 = tpu.memref_squeeze %gather3A_213 : memref<1x8x8x128xf32, #tpu.memory_space<vmem>> -> memref<8x8x128xf32, #tpu.memory_space<vmem>>
          %gather3A_215 = tpu.vector_load_idx %gather3A_214[%add3A_32, %and3A_27, %broadcast_in_dim3A] : memref<8x8x128xf32, #tpu.memory_space<vmem>>[vector<16xi32>, vector<16xi32>, vector<16xi32>], vector<16xf32>,
          %mul3A_216 = arith.constant 64 : i32
          %mul3A_217 = arith.muli %while3A_205, %mul3A_216 : i32
          %add3A_218 = arith.constant 0 : i32
          %add3A_219 = arith.addi %mul3A_217, %add3A_218 : i32
          %swap3A_220 = arith.index_cast %add3A_219 : i32 to index
          %swap3A_221 = tpu.vector_load %arg11[%swap3A_220] {strides = array<i32>} : memref<32768xf32, #tpu.memory_space<vmem>>, vector<16xf32>,
          tpu.vector_store %arg11[%swap3A_220], %gather3A_215 {strides = array<i32>} : memref<32768xf32, #tpu.memory_space<vmem>>, vector<16xf32>,
          %gather3A_222 = arith.constant 0 : i32
          %gather3A_223 = arith.constant 0 : i32
          %gather3A_224 = arith.constant 0 : i32
          %gather3A_225 = tpu.memref_slice %arg10[%while3A_187, %gather3A_222, %gather3A_223, %gather3A_224] : memref<8x8x8x128xf32, #tpu.memory_space<vmem>> -> memref<1x8x8x128xf32, #tpu.memory_space<vmem>>
          %gather3A_226 = tpu.memref_squeeze %gather3A_225 : memref<1x8x8x128xf32, #tpu.memory_space<vmem>> -> memref<8x8x128xf32, #tpu.memory_space<vmem>>
          %gather3A_227 = tpu.vector_load_idx %gather3A_226[%add3A_35, %and3A_27, %broadcast_in_dim3A] : memref<8x8x128xf32, #tpu.memory_space<vmem>>[vector<16xi32>, vector<16xi32>, vector<16xi32>], vector<16xf32>,
          %mul3A_228 = arith.constant 64 : i32
          %mul3A_229 = arith.muli %while3A_205, %mul3A_228 : i32
          %add3A_230 = arith.constant 16 : i32
          %add3A_231 = arith.addi %mul3A_229, %add3A_230 : i32
          %swap3A_232 = arith.index_cast %add3A_231 : i32 to index
          %swap3A_233 = tpu.vector_load %arg11[%swap3A_232] {strides = array<i32>} : memref<32768xf32, #tpu.memory_space<vmem>>, vector<16xf32>,
          tpu.vector_store %arg11[%swap3A_232], %gather3A_227 {strides = array<i32>} : memref<32768xf32, #tpu.memory_space<vmem>>, vector<16xf32>,
          %gather3A_234 = arith.constant 0 : i32
          %gather3A_235 = arith.constant 0 : i32
          %gather3A_236 = arith.constant 0 : i32
          %gather3A_237 = tpu.memref_slice %arg10[%while3A_187, %gather3A_234, %gather3A_235, %gather3A_236] : memref<8x8x8x128xf32, #tpu.memory_space<vmem>> -> memref<1x8x8x128xf32, #tpu.memory_space<vmem>>
          %gather3A_238 = tpu.memref_squeeze %gather3A_237 : memref<1x8x8x128xf32, #tpu.memory_space<vmem>> -> memref<8x8x128xf32, #tpu.memory_space<vmem>>
          %gather3A_239 = tpu.vector_load_idx %gather3A_238[%add3A_38, %and3A_27, %broadcast_in_dim3A] : memref<8x8x128xf32, #tpu.memory_space<vmem>>[vector<16xi32>, vector<16xi32>, vector<16xi32>], vector<16xf32>,
          %mul3A_240 = arith.constant 64 : i32
          %mul3A_241 = arith.muli %while3A_205, %mul3A_240 : i32
          %add3A_242 = arith.constant 32 : i32
          %add3A_243 = arith.addi %mul3A_241, %add3A_242 : i32
          %swap3A_244 = arith.index_cast %add3A_243 : i32 to index
          %swap3A_245 = tpu.vector_load %arg11[%swap3A_244] {strides = array<i32>} : memref<32768xf32, #tpu.memory_space<vmem>>, vector<16xf32>,
          tpu.vector_store %arg11[%swap3A_244], %gather3A_239 {strides = array<i32>} : memref<32768xf32, #tpu.memory_space<vmem>>, vector<16xf32>,
          %gather3A_246 = arith.constant 0 : i32
          %gather3A_247 = arith.constant 0 : i32
          %gather3A_248 = arith.constant 0 : i32
          %gather3A_249 = tpu.memref_slice %arg10[%while3A_187, %gather3A_246, %gather3A_247, %gather3A_248] : memref<8x8x8x128xf32, #tpu.memory_space<vmem>> -> memref<1x8x8x128xf32, #tpu.memory_space<vmem>>
          %gather3A_250 = tpu.memref_squeeze %gather3A_249 : memref<1x8x8x128xf32, #tpu.memory_space<vmem>> -> memref<8x8x128xf32, #tpu.memory_space<vmem>>
          %gather3A_251 = tpu.vector_load_idx %gather3A_250[%add3A_41, %and3A_27, %broadcast_in_dim3A] : memref<8x8x128xf32, #tpu.memory_space<vmem>>[vector<16xi32>, vector<16xi32>, vector<16xi32>], vector<16xf32>,
          %mul3A_252 = arith.constant 64 : i32
          %mul3A_253 = arith.muli %while3A_205, %mul3A_252 : i32
          %add3A_254 = arith.constant 48 : i32
          %add3A_255 = arith.addi %mul3A_253, %add3A_254 : i32
          %swap3A_256 = arith.index_cast %add3A_255 : i32 to index
          %swap3A_257 = tpu.vector_load %arg11[%swap3A_256] {strides = array<i32>} : memref<32768xf32, #tpu.memory_space<vmem>>, vector<16xf32>,
          tpu.vector_store %arg11[%swap3A_256], %gather3A_251 {strides = array<i32>} : memref<32768xf32, #tpu.memory_space<vmem>>, vector<16xf32>,
          %mul3A_258 = arith.constant 64 : i32
          %mul3A_259 = arith.muli %while3A_205, %mul3A_258 : i32
          %get3A_260 = arith.index_cast %while3A_205 : i32 to index
          %get3A_261 = memref.load %arg8[%get3A_260] : memref<512xi32, #tpu.memory_space<smem>>
          %mul3A_262 = arith.constant 64 : i32
          %mul3A_263 = arith.muli %get3A_261, %mul3A_262 : i32
          %dma_start3A_264 = tpu.memref_slice %arg11[%mul3A_259] : memref<32768xf32, #tpu.memory_space<vmem>> -> memref<64xf32, #tpu.memory_space<vmem>>
          %dma_start3A_265 = tpu.memref_slice %arg5[%mul3A_263] : memref<1048576xf32, #tpu.memory_space<hbm>> -> memref<64xf32, #tpu.memory_space<hbm>>
          %dma_start3A_266 = tpu.memref_slice %arg5[%mul3A_263] : memref<1048576xf32, #tpu.memory_space<hbm>> -> memref<64xf32, #tpu.memory_space<hbm>>
          %dma_start3A_267 = tpu.memref_slice %arg11[%mul3A_259] : memref<32768xf32, #tpu.memory_space<vmem>> -> memref<64xf32, #tpu.memory_space<vmem>>
          tpu.enqueue_dma source(%dma_start3A_267 : memref<64xf32, #tpu.memory_space<vmem>>) target(%dma_start3A_266 : memref<64xf32, #tpu.memory_space<hbm>>) target_semaphore(%arg13 : memref<!tpu.dma_semaphore, #tpu.memory_space<semaphore_mem>>)
          %while3A_268 = arith.constant 0 : i32
          scf.yield %while3A_268 : i32
        }
        %add3A_199 = arith.constant 8 : i32
        %add3A_200 = arith.addi %add3A_125, %add3A_199 : i32
        %lt3A_201 = arith.cmpi slt, %add3A_200, %scan3A_22#0 : i32
        %convert_element_type3A_202 = arith.extui %lt3A_201 : i1 to i32
        %cond3A_203 = arith.constant 0 : i32
        %cond3A_204 = arith.cmpi ne, %convert_element_type3A_202, %cond3A_203 : i32
        scf.if %cond3A_204 {
          %get3A_205 = arith.index_cast %add3A_200 : i32 to index
          %get3A_206 = memref.load %arg9[%get3A_205] : memref<513xi32, #tpu.memory_space<smem>>
          %get3A_207 = arith.index_cast %get3A_206 : i32 to index
          %get3A_208 = memref.load %arg7[%get3A_207] : memref<512xi32, #tpu.memory_space<smem>>
          %shift_right_logical3A_209 = arith.constant 7 : i32
          %shift_right_logical3A_210 = arith.shrui %get3A_208, %shift_right_logical3A_209 : i32
          %shift_left3A = arith.constant 7 : i32
          %shift_left3A_211 = arith.shli %shift_right_logical3A_210, %shift_left3A : i32
          %multiple_of3A = tpu.assume_multiple %shift_left3A_211, 128 : i32
          %dma_start3A_212 = arith.constant 3 : i32
          %dma_start3A_213 = arith.constant 0 : i32
          %dma_start3A_214 = arith.constant 0 : i32
          %dma_start3A_215 = arith.constant 0 : i32
          %dma_start3A_216 = tpu.memref_slice %arg10[%dma_start3A_212, %dma_start3A_213, %dma_start3A_214, %dma_start3A_215] : memref<8x8x8x128xf32, #tpu.memory_space<vmem>> -> memref<1x8x8x128xf32, #tpu.memory_space<vmem>>
          %dma_start3A_217 = tpu.memref_squeeze %dma_start3A_216 : memref<1x8x8x128xf32, #tpu.memory_space<vmem>> -> memref<8x8x128xf32, #tpu.memory_space<vmem>>
          %dma_start3A_218 = arith.constant 0 : i32
          %dma_start3A_219 = arith.constant 0 : i32
          %dma_start3A_220 = tpu.memref_slice %arg2[%dma_start3A_218, %dma_start3A_219, %multiple_of3A] : memref<8x8x1000001xf32, #tpu.memory_space<hbm>> -> memref<8x8x128xf32, #tpu.memory_space<hbm>>
          %dma_start3A_221 = arith.constant 0 : i32
          %dma_start3A_222 = arith.constant 0 : i32
          %dma_start3A_223 = arith.constant 0 : i32
          %dma_start3A_224 = tpu.memref_slice %arg10[%dma_start3A_212, %dma_start3A_221, %dma_start3A_222, %dma_start3A_223] : memref<8x8x8x128xf32, #tpu.memory_space<vmem>> -> memref<1x8x8x128xf32, #tpu.memory_space<vmem>>
          %dma_start3A_225 = tpu.memref_squeeze %dma_start3A_224 : memref<1x8x8x128xf32, #tpu.memory_space<vmem>> -> memref<8x8x128xf32, #tpu.memory_space<vmem>>
          %dma_start3A_226 = arith.constant 0 : i32
          %dma_start3A_227 = arith.constant 0 : i32
          %dma_start3A_228 = tpu.memref_slice %arg2[%dma_start3A_226, %dma_start3A_227, %multiple_of3A] : memref<8x8x1000001xf32, #tpu.memory_space<hbm>> -> memref<8x8x128xf32, #tpu.memory_space<hbm>>
          tpu.enqueue_dma source(%dma_start3A_228 : memref<8x8x128xf32, #tpu.memory_space<hbm>>) target(%dma_start3A_225 : memref<8x8x128xf32, #tpu.memory_space<vmem>>) target_semaphore(%arg17 : memref<!tpu.dma_semaphore, #tpu.memory_space<semaphore_mem>>)
        } else {
        }
      } else {
      }
      %mul3A_130 = arith.constant 8 : i32
      %mul3A_131 = arith.muli %while3A_97, %mul3A_130 : i32
      %add3A_132 = arith.constant 4 : i32
      %add3A_133 = arith.addi %mul3A_131, %add3A_132 : i32
      %lt3A_134 = arith.cmpi slt, %add3A_133, %scan3A_22#0 : i32
      %convert_element_type3A_135 = arith.extui %lt3A_134 : i1 to i32
      %cond3A_136 = arith.constant 0 : i32
      %cond3A_137 = arith.cmpi ne, %convert_element_type3A_135, %cond3A_136 : i32
      scf.if %cond3A_137 {
        %dma_wait3A_163 = arith.constant 4 : i32
        %dma_wait3A_164 = arith.constant 0 : i32
        %dma_wait3A_165 = arith.constant 0 : i32
        %dma_wait3A_166 = arith.constant 0 : i32
        %dma_wait3A_167 = tpu.memref_slice %arg10[%dma_wait3A_163, %dma_wait3A_164, %dma_wait3A_165, %dma_wait3A_166] : memref<8x8x8x128xf32, #tpu.memory_space<vmem>> -> memref<1x8x8x128xf32, #tpu.memory_space<vmem>>
        %dma_wait3A_168 = tpu.memref_squeeze %dma_wait3A_167 : memref<1x8x8x128xf32, #tpu.memory_space<vmem>> -> memref<8x8x128xf32, #tpu.memory_space<vmem>>
        %dma_wait3A_169 = arith.constant 0 : i32
        %dma_wait3A_170 = arith.constant 0 : i32
        %dma_wait3A_171 = arith.constant 0 : i32
        %dma_wait3A_172 = tpu.memref_slice %arg2[%dma_wait3A_169, %dma_wait3A_170, %dma_wait3A_171] : memref<8x8x1000001xf32, #tpu.memory_space<hbm>> -> memref<8x8x128xf32, #tpu.memory_space<hbm>>
        %dma_wait3A_173 = arith.constant 0 : i32
        %dma_wait3A_174 = arith.constant 0 : i32
        %dma_wait3A_175 = arith.constant 0 : i32
        %dma_wait3A_176 = tpu.memref_slice %arg10[%dma_wait3A_163, %dma_wait3A_173, %dma_wait3A_174, %dma_wait3A_175] : memref<8x8x8x128xf32, #tpu.memory_space<vmem>> -> memref<1x8x8x128xf32, #tpu.memory_space<vmem>>
        %dma_wait3A_177 = tpu.memref_squeeze %dma_wait3A_176 : memref<1x8x8x128xf32, #tpu.memory_space<vmem>> -> memref<8x8x128xf32, #tpu.memory_space<vmem>>
        %dma_wait3A_178 = arith.constant 0 : i32
        %dma_wait3A_179 = arith.constant 0 : i32
        %dma_wait3A_180 = arith.constant 0 : i32
        %dma_wait3A_181 = tpu.memref_slice %arg2[%dma_wait3A_178, %dma_wait3A_179, %dma_wait3A_180] : memref<8x8x1000001xf32, #tpu.memory_space<hbm>> -> memref<8x8x128xf32, #tpu.memory_space<hbm>>
        tpu.wait_dma2 semaphore(%arg18 : memref<!tpu.dma_semaphore, #tpu.memory_space<semaphore_mem>>) src(%dma_wait3A_181 : memref<8x8x128xf32, #tpu.memory_space<hbm>>) dst(%dma_wait3A_177 : memref<8x8x128xf32, #tpu.memory_space<vmem>>)
        %get3A = arith.index_cast %add3A_133 : i32 to index
        %get3A_182 = memref.load %arg9[%get3A] : memref<513xi32, #tpu.memory_space<smem>>
        %add3A_183 = arith.constant 1 : i32
        %add3A_184 = arith.addi %add3A_133, %add3A_183 : i32
        %get3A_185 = arith.index_cast %add3A_184 : i32 to index
        %get3A_186 = memref.load %arg9[%get3A_185] : memref<513xi32, #tpu.memory_space<smem>>
        %while3A_187 = arith.constant 4 : i32
        %while3A_188 = arith.constant 0 : i32
        %while3A_189 = arith.subi %get3A_186, %get3A_182 : i32
        %while3A_190 = arith.addi %get3A_182, %while3A_189 : i32
        %while3A_191 = arith.constant 1 : i32
        %while3A_192 = arith.divsi %while3A_189, %while3A_191 : i32
        %while3A_193 = arith.muli %while3A_192, %while3A_191 : i32
        %while3A_194 = arith.addi %get3A_182, %while3A_193 : i32
        %while3A_195 = arith.constant 1 : i32
        %while3A_196 = scf.for %while3A_205 = %get3A_182 to %while3A_194 step %while3A_195 iter_args(%while3A_206 = %while3A_188) -> (i32)  : i32 {
          %get3A_207 = arith.index_cast %while3A_205 : i32 to index
          %get3A_208 = memref.load %arg7[%get3A_207] : memref<512xi32, #tpu.memory_space<smem>>
          %and3A_209 = arith.constant 127 : i32
          %and3A_210 = arith.andi %get3A_208, %and3A_209 : i32
          %broadcast_in_dim3A = vector.broadcast %and3A_210 : i32 to vector<16xi32>
          %gather3A = arith.constant 0 : i32
          %gather3A_211 = arith.constant 0 : i32
          %gather3A_212 = arith.constant 0 : i32
          %gather3A_213 = tpu.memref_slice %arg10[%while3A_187, %gather3A, %gather3A_211, %gather3A_212] : memref<8x8x8x128xf32, #tpu.memory_space<vmem>> -> memref<1x8x8x128xf32, #tpu.memory_space<vmem>>
          %gather3A_214 = tpu.memref_squeeze %gather3A_213 : memref<1x8x8x128xf32, #tpu.memory_space<vmem>> -> memref<8x8x128xf32, #tpu.memory_space<vmem>>
          %gather3A_215 = tpu.vector_load_idx %gather3A_214[%add3A_32, %and3A_27, %broadcast_in_dim3A] : memref<8x8x128xf32, #tpu.memory_space<vmem>>[vector<16xi32>, vector<16xi32>, vector<16xi32>], vector<16xf32>,
          %mul3A_216 = arith.constant 64 : i32
          %mul3A_217 = arith.muli %while3A_205, %mul3A_216 : i32
          %add3A_218 = arith.constant 0 : i32
          %add3A_219 = arith.addi %mul3A_217, %add3A_218 : i32
          %swap3A_220 = arith.index_cast %add3A_219 : i32 to index
          %swap3A_221 = tpu.vector_load %arg11[%swap3A_220] {strides = array<i32>} : memref<32768xf32, #tpu.memory_space<vmem>>, vector<16xf32>,
          tpu.vector_store %arg11[%swap3A_220], %gather3A_215 {strides = array<i32>} : memref<32768xf32, #tpu.memory_space<vmem>>, vector<16xf32>,
          %gather3A_222 = arith.constant 0 : i32
          %gather3A_223 = arith.constant 0 : i32
          %gather3A_224 = arith.constant 0 : i32
          %gather3A_225 = tpu.memref_slice %arg10[%while3A_187, %gather3A_222, %gather3A_223, %gather3A_224] : memref<8x8x8x128xf32, #tpu.memory_space<vmem>> -> memref<1x8x8x128xf32, #tpu.memory_space<vmem>>
          %gather3A_226 = tpu.memref_squeeze %gather3A_225 : memref<1x8x8x128xf32, #tpu.memory_space<vmem>> -> memref<8x8x128xf32, #tpu.memory_space<vmem>>
          %gather3A_227 = tpu.vector_load_idx %gather3A_226[%add3A_35, %and3A_27, %broadcast_in_dim3A] : memref<8x8x128xf32, #tpu.memory_space<vmem>>[vector<16xi32>, vector<16xi32>, vector<16xi32>], vector<16xf32>,
          %mul3A_228 = arith.constant 64 : i32
          %mul3A_229 = arith.muli %while3A_205, %mul3A_228 : i32
          %add3A_230 = arith.constant 16 : i32
          %add3A_231 = arith.addi %mul3A_229, %add3A_230 : i32
          %swap3A_232 = arith.index_cast %add3A_231 : i32 to index
          %swap3A_233 = tpu.vector_load %arg11[%swap3A_232] {strides = array<i32>} : memref<32768xf32, #tpu.memory_space<vmem>>, vector<16xf32>,
          tpu.vector_store %arg11[%swap3A_232], %gather3A_227 {strides = array<i32>} : memref<32768xf32, #tpu.memory_space<vmem>>, vector<16xf32>,
          %gather3A_234 = arith.constant 0 : i32
          %gather3A_235 = arith.constant 0 : i32
          %gather3A_236 = arith.constant 0 : i32
          %gather3A_237 = tpu.memref_slice %arg10[%while3A_187, %gather3A_234, %gather3A_235, %gather3A_236] : memref<8x8x8x128xf32, #tpu.memory_space<vmem>> -> memref<1x8x8x128xf32, #tpu.memory_space<vmem>>
          %gather3A_238 = tpu.memref_squeeze %gather3A_237 : memref<1x8x8x128xf32, #tpu.memory_space<vmem>> -> memref<8x8x128xf32, #tpu.memory_space<vmem>>
          %gather3A_239 = tpu.vector_load_idx %gather3A_238[%add3A_38, %and3A_27, %broadcast_in_dim3A] : memref<8x8x128xf32, #tpu.memory_space<vmem>>[vector<16xi32>, vector<16xi32>, vector<16xi32>], vector<16xf32>,
          %mul3A_240 = arith.constant 64 : i32
          %mul3A_241 = arith.muli %while3A_205, %mul3A_240 : i32
          %add3A_242 = arith.constant 32 : i32
          %add3A_243 = arith.addi %mul3A_241, %add3A_242 : i32
          %swap3A_244 = arith.index_cast %add3A_243 : i32 to index
          %swap3A_245 = tpu.vector_load %arg11[%swap3A_244] {strides = array<i32>} : memref<32768xf32, #tpu.memory_space<vmem>>, vector<16xf32>,
          tpu.vector_store %arg11[%swap3A_244], %gather3A_239 {strides = array<i32>} : memref<32768xf32, #tpu.memory_space<vmem>>, vector<16xf32>,
          %gather3A_246 = arith.constant 0 : i32
          %gather3A_247 = arith.constant 0 : i32
          %gather3A_248 = arith.constant 0 : i32
          %gather3A_249 = tpu.memref_slice %arg10[%while3A_187, %gather3A_246, %gather3A_247, %gather3A_248] : memref<8x8x8x128xf32, #tpu.memory_space<vmem>> -> memref<1x8x8x128xf32, #tpu.memory_space<vmem>>
          %gather3A_250 = tpu.memref_squeeze %gather3A_249 : memref<1x8x8x128xf32, #tpu.memory_space<vmem>> -> memref<8x8x128xf32, #tpu.memory_space<vmem>>
          %gather3A_251 = tpu.vector_load_idx %gather3A_250[%add3A_41, %and3A_27, %broadcast_in_dim3A] : memref<8x8x128xf32, #tpu.memory_space<vmem>>[vector<16xi32>, vector<16xi32>, vector<16xi32>], vector<16xf32>,
          %mul3A_252 = arith.constant 64 : i32
          %mul3A_253 = arith.muli %while3A_205, %mul3A_252 : i32
          %add3A_254 = arith.constant 48 : i32
          %add3A_255 = arith.addi %mul3A_253, %add3A_254 : i32
          %swap3A_256 = arith.index_cast %add3A_255 : i32 to index
          %swap3A_257 = tpu.vector_load %arg11[%swap3A_256] {strides = array<i32>} : memref<32768xf32, #tpu.memory_space<vmem>>, vector<16xf32>,
          tpu.vector_store %arg11[%swap3A_256], %gather3A_251 {strides = array<i32>} : memref<32768xf32, #tpu.memory_space<vmem>>, vector<16xf32>,
          %mul3A_258 = arith.constant 64 : i32
          %mul3A_259 = arith.muli %while3A_205, %mul3A_258 : i32
          %get3A_260 = arith.index_cast %while3A_205 : i32 to index
          %get3A_261 = memref.load %arg8[%get3A_260] : memref<512xi32, #tpu.memory_space<smem>>
          %mul3A_262 = arith.constant 64 : i32
          %mul3A_263 = arith.muli %get3A_261, %mul3A_262 : i32
          %dma_start3A_264 = tpu.memref_slice %arg11[%mul3A_259] : memref<32768xf32, #tpu.memory_space<vmem>> -> memref<64xf32, #tpu.memory_space<vmem>>
          %dma_start3A_265 = tpu.memref_slice %arg5[%mul3A_263] : memref<1048576xf32, #tpu.memory_space<hbm>> -> memref<64xf32, #tpu.memory_space<hbm>>
          %dma_start3A_266 = tpu.memref_slice %arg5[%mul3A_263] : memref<1048576xf32, #tpu.memory_space<hbm>> -> memref<64xf32, #tpu.memory_space<hbm>>
          %dma_start3A_267 = tpu.memref_slice %arg11[%mul3A_259] : memref<32768xf32, #tpu.memory_space<vmem>> -> memref<64xf32, #tpu.memory_space<vmem>>
          tpu.enqueue_dma source(%dma_start3A_267 : memref<64xf32, #tpu.memory_space<vmem>>) target(%dma_start3A_266 : memref<64xf32, #tpu.memory_space<hbm>>) target_semaphore(%arg13 : memref<!tpu.dma_semaphore, #tpu.memory_space<semaphore_mem>>)
          %while3A_268 = arith.constant 0 : i32
          scf.yield %while3A_268 : i32
        }
        %while3A_197 = arith.constant 1 : i32
        %while3A_198 = scf.for %while3A_205 = %while3A_194 to %while3A_190 step %while3A_197 iter_args(%while3A_206 = %while3A_196) -> (i32)  : i32 {
          %get3A_207 = arith.index_cast %while3A_205 : i32 to index
          %get3A_208 = memref.load %arg7[%get3A_207] : memref<512xi32, #tpu.memory_space<smem>>
          %and3A_209 = arith.constant 127 : i32
          %and3A_210 = arith.andi %get3A_208, %and3A_209 : i32
          %broadcast_in_dim3A = vector.broadcast %and3A_210 : i32 to vector<16xi32>
          %gather3A = arith.constant 0 : i32
          %gather3A_211 = arith.constant 0 : i32
          %gather3A_212 = arith.constant 0 : i32
          %gather3A_213 = tpu.memref_slice %arg10[%while3A_187, %gather3A, %gather3A_211, %gather3A_212] : memref<8x8x8x128xf32, #tpu.memory_space<vmem>> -> memref<1x8x8x128xf32, #tpu.memory_space<vmem>>
          %gather3A_214 = tpu.memref_squeeze %gather3A_213 : memref<1x8x8x128xf32, #tpu.memory_space<vmem>> -> memref<8x8x128xf32, #tpu.memory_space<vmem>>
          %gather3A_215 = tpu.vector_load_idx %gather3A_214[%add3A_32, %and3A_27, %broadcast_in_dim3A] : memref<8x8x128xf32, #tpu.memory_space<vmem>>[vector<16xi32>, vector<16xi32>, vector<16xi32>], vector<16xf32>,
          %mul3A_216 = arith.constant 64 : i32
          %mul3A_217 = arith.muli %while3A_205, %mul3A_216 : i32
          %add3A_218 = arith.constant 0 : i32
          %add3A_219 = arith.addi %mul3A_217, %add3A_218 : i32
          %swap3A_220 = arith.index_cast %add3A_219 : i32 to index
          %swap3A_221 = tpu.vector_load %arg11[%swap3A_220] {strides = array<i32>} : memref<32768xf32, #tpu.memory_space<vmem>>, vector<16xf32>,
          tpu.vector_store %arg11[%swap3A_220], %gather3A_215 {strides = array<i32>} : memref<32768xf32, #tpu.memory_space<vmem>>, vector<16xf32>,
          %gather3A_222 = arith.constant 0 : i32
          %gather3A_223 = arith.constant 0 : i32
          %gather3A_224 = arith.constant 0 : i32
          %gather3A_225 = tpu.memref_slice %arg10[%while3A_187, %gather3A_222, %gather3A_223, %gather3A_224] : memref<8x8x8x128xf32, #tpu.memory_space<vmem>> -> memref<1x8x8x128xf32, #tpu.memory_space<vmem>>
          %gather3A_226 = tpu.memref_squeeze %gather3A_225 : memref<1x8x8x128xf32, #tpu.memory_space<vmem>> -> memref<8x8x128xf32, #tpu.memory_space<vmem>>
          %gather3A_227 = tpu.vector_load_idx %gather3A_226[%add3A_35, %and3A_27, %broadcast_in_dim3A] : memref<8x8x128xf32, #tpu.memory_space<vmem>>[vector<16xi32>, vector<16xi32>, vector<16xi32>], vector<16xf32>,
          %mul3A_228 = arith.constant 64 : i32
          %mul3A_229 = arith.muli %while3A_205, %mul3A_228 : i32
          %add3A_230 = arith.constant 16 : i32
          %add3A_231 = arith.addi %mul3A_229, %add3A_230 : i32
          %swap3A_232 = arith.index_cast %add3A_231 : i32 to index
          %swap3A_233 = tpu.vector_load %arg11[%swap3A_232] {strides = array<i32>} : memref<32768xf32, #tpu.memory_space<vmem>>, vector<16xf32>,
          tpu.vector_store %arg11[%swap3A_232], %gather3A_227 {strides = array<i32>} : memref<32768xf32, #tpu.memory_space<vmem>>, vector<16xf32>,
          %gather3A_234 = arith.constant 0 : i32
          %gather3A_235 = arith.constant 0 : i32
          %gather3A_236 = arith.constant 0 : i32
          %gather3A_237 = tpu.memref_slice %arg10[%while3A_187, %gather3A_234, %gather3A_235, %gather3A_236] : memref<8x8x8x128xf32, #tpu.memory_space<vmem>> -> memref<1x8x8x128xf32, #tpu.memory_space<vmem>>
          %gather3A_238 = tpu.memref_squeeze %gather3A_237 : memref<1x8x8x128xf32, #tpu.memory_space<vmem>> -> memref<8x8x128xf32, #tpu.memory_space<vmem>>
          %gather3A_239 = tpu.vector_load_idx %gather3A_238[%add3A_38, %and3A_27, %broadcast_in_dim3A] : memref<8x8x128xf32, #tpu.memory_space<vmem>>[vector<16xi32>, vector<16xi32>, vector<16xi32>], vector<16xf32>,
          %mul3A_240 = arith.constant 64 : i32
          %mul3A_241 = arith.muli %while3A_205, %mul3A_240 : i32
          %add3A_242 = arith.constant 32 : i32
          %add3A_243 = arith.addi %mul3A_241, %add3A_242 : i32
          %swap3A_244 = arith.index_cast %add3A_243 : i32 to index
          %swap3A_245 = tpu.vector_load %arg11[%swap3A_244] {strides = array<i32>} : memref<32768xf32, #tpu.memory_space<vmem>>, vector<16xf32>,
          tpu.vector_store %arg11[%swap3A_244], %gather3A_239 {strides = array<i32>} : memref<32768xf32, #tpu.memory_space<vmem>>, vector<16xf32>,
          %gather3A_246 = arith.constant 0 : i32
          %gather3A_247 = arith.constant 0 : i32
          %gather3A_248 = arith.constant 0 : i32
          %gather3A_249 = tpu.memref_slice %arg10[%while3A_187, %gather3A_246, %gather3A_247, %gather3A_248] : memref<8x8x8x128xf32, #tpu.memory_space<vmem>> -> memref<1x8x8x128xf32, #tpu.memory_space<vmem>>
          %gather3A_250 = tpu.memref_squeeze %gather3A_249 : memref<1x8x8x128xf32, #tpu.memory_space<vmem>> -> memref<8x8x128xf32, #tpu.memory_space<vmem>>
          %gather3A_251 = tpu.vector_load_idx %gather3A_250[%add3A_41, %and3A_27, %broadcast_in_dim3A] : memref<8x8x128xf32, #tpu.memory_space<vmem>>[vector<16xi32>, vector<16xi32>, vector<16xi32>], vector<16xf32>,
          %mul3A_252 = arith.constant 64 : i32
          %mul3A_253 = arith.muli %while3A_205, %mul3A_252 : i32
          %add3A_254 = arith.constant 48 : i32
          %add3A_255 = arith.addi %mul3A_253, %add3A_254 : i32
          %swap3A_256 = arith.index_cast %add3A_255 : i32 to index
          %swap3A_257 = tpu.vector_load %arg11[%swap3A_256] {strides = array<i32>} : memref<32768xf32, #tpu.memory_space<vmem>>, vector<16xf32>,
          tpu.vector_store %arg11[%swap3A_256], %gather3A_251 {strides = array<i32>} : memref<32768xf32, #tpu.memory_space<vmem>>, vector<16xf32>,
          %mul3A_258 = arith.constant 64 : i32
          %mul3A_259 = arith.muli %while3A_205, %mul3A_258 : i32
          %get3A_260 = arith.index_cast %while3A_205 : i32 to index
          %get3A_261 = memref.load %arg8[%get3A_260] : memref<512xi32, #tpu.memory_space<smem>>
          %mul3A_262 = arith.constant 64 : i32
          %mul3A_263 = arith.muli %get3A_261, %mul3A_262 : i32
          %dma_start3A_264 = tpu.memref_slice %arg11[%mul3A_259] : memref<32768xf32, #tpu.memory_space<vmem>> -> memref<64xf32, #tpu.memory_space<vmem>>
          %dma_start3A_265 = tpu.memref_slice %arg5[%mul3A_263] : memref<1048576xf32, #tpu.memory_space<hbm>> -> memref<64xf32, #tpu.memory_space<hbm>>
          %dma_start3A_266 = tpu.memref_slice %arg5[%mul3A_263] : memref<1048576xf32, #tpu.memory_space<hbm>> -> memref<64xf32, #tpu.memory_space<hbm>>
          %dma_start3A_267 = tpu.memref_slice %arg11[%mul3A_259] : memref<32768xf32, #tpu.memory_space<vmem>> -> memref<64xf32, #tpu.memory_space<vmem>>
          tpu.enqueue_dma source(%dma_start3A_267 : memref<64xf32, #tpu.memory_space<vmem>>) target(%dma_start3A_266 : memref<64xf32, #tpu.memory_space<hbm>>) target_semaphore(%arg13 : memref<!tpu.dma_semaphore, #tpu.memory_space<semaphore_mem>>)
          %while3A_268 = arith.constant 0 : i32
          scf.yield %while3A_268 : i32
        }
        %add3A_199 = arith.constant 8 : i32
        %add3A_200 = arith.addi %add3A_133, %add3A_199 : i32
        %lt3A_201 = arith.cmpi slt, %add3A_200, %scan3A_22#0 : i32
        %convert_element_type3A_202 = arith.extui %lt3A_201 : i1 to i32
        %cond3A_203 = arith.constant 0 : i32
        %cond3A_204 = arith.cmpi ne, %convert_element_type3A_202, %cond3A_203 : i32
        scf.if %cond3A_204 {
          %get3A_205 = arith.index_cast %add3A_200 : i32 to index
          %get3A_206 = memref.load %arg9[%get3A_205] : memref<513xi32, #tpu.memory_space<smem>>
          %get3A_207 = arith.index_cast %get3A_206 : i32 to index
          %get3A_208 = memref.load %arg7[%get3A_207] : memref<512xi32, #tpu.memory_space<smem>>
          %shift_right_logical3A_209 = arith.constant 7 : i32
          %shift_right_logical3A_210 = arith.shrui %get3A_208, %shift_right_logical3A_209 : i32
          %shift_left3A = arith.constant 7 : i32
          %shift_left3A_211 = arith.shli %shift_right_logical3A_210, %shift_left3A : i32
          %multiple_of3A = tpu.assume_multiple %shift_left3A_211, 128 : i32
          %dma_start3A_212 = arith.constant 4 : i32
          %dma_start3A_213 = arith.constant 0 : i32
          %dma_start3A_214 = arith.constant 0 : i32
          %dma_start3A_215 = arith.constant 0 : i32
          %dma_start3A_216 = tpu.memref_slice %arg10[%dma_start3A_212, %dma_start3A_213, %dma_start3A_214, %dma_start3A_215] : memref<8x8x8x128xf32, #tpu.memory_space<vmem>> -> memref<1x8x8x128xf32, #tpu.memory_space<vmem>>
          %dma_start3A_217 = tpu.memref_squeeze %dma_start3A_216 : memref<1x8x8x128xf32, #tpu.memory_space<vmem>> -> memref<8x8x128xf32, #tpu.memory_space<vmem>>
          %dma_start3A_218 = arith.constant 0 : i32
          %dma_start3A_219 = arith.constant 0 : i32
          %dma_start3A_220 = tpu.memref_slice %arg2[%dma_start3A_218, %dma_start3A_219, %multiple_of3A] : memref<8x8x1000001xf32, #tpu.memory_space<hbm>> -> memref<8x8x128xf32, #tpu.memory_space<hbm>>
          %dma_start3A_221 = arith.constant 0 : i32
          %dma_start3A_222 = arith.constant 0 : i32
          %dma_start3A_223 = arith.constant 0 : i32
          %dma_start3A_224 = tpu.memref_slice %arg10[%dma_start3A_212, %dma_start3A_221, %dma_start3A_222, %dma_start3A_223] : memref<8x8x8x128xf32, #tpu.memory_space<vmem>> -> memref<1x8x8x128xf32, #tpu.memory_space<vmem>>
          %dma_start3A_225 = tpu.memref_squeeze %dma_start3A_224 : memref<1x8x8x128xf32, #tpu.memory_space<vmem>> -> memref<8x8x128xf32, #tpu.memory_space<vmem>>
          %dma_start3A_226 = arith.constant 0 : i32
          %dma_start3A_227 = arith.constant 0 : i32
          %dma_start3A_228 = tpu.memref_slice %arg2[%dma_start3A_226, %dma_start3A_227, %multiple_of3A] : memref<8x8x1000001xf32, #tpu.memory_space<hbm>> -> memref<8x8x128xf32, #tpu.memory_space<hbm>>
          tpu.enqueue_dma source(%dma_start3A_228 : memref<8x8x128xf32, #tpu.memory_space<hbm>>) target(%dma_start3A_225 : memref<8x8x128xf32, #tpu.memory_space<vmem>>) target_semaphore(%arg18 : memref<!tpu.dma_semaphore, #tpu.memory_space<semaphore_mem>>)
        } else {
        }
      } else {
      }
      %mul3A_138 = arith.constant 8 : i32
      %mul3A_139 = arith.muli %while3A_97, %mul3A_138 : i32
      %add3A_140 = arith.constant 5 : i32
      %add3A_141 = arith.addi %mul3A_139, %add3A_140 : i32
      %lt3A_142 = arith.cmpi slt, %add3A_141, %scan3A_22#0 : i32
      %convert_element_type3A_143 = arith.extui %lt3A_142 : i1 to i32
      %cond3A_144 = arith.constant 0 : i32
      %cond3A_145 = arith.cmpi ne, %convert_element_type3A_143, %cond3A_144 : i32
      scf.if %cond3A_145 {
        %dma_wait3A_163 = arith.constant 5 : i32
        %dma_wait3A_164 = arith.constant 0 : i32
        %dma_wait3A_165 = arith.constant 0 : i32
        %dma_wait3A_166 = arith.constant 0 : i32
        %dma_wait3A_167 = tpu.memref_slice %arg10[%dma_wait3A_163, %dma_wait3A_164, %dma_wait3A_165, %dma_wait3A_166] : memref<8x8x8x128xf32, #tpu.memory_space<vmem>> -> memref<1x8x8x128xf32, #tpu.memory_space<vmem>>
        %dma_wait3A_168 = tpu.memref_squeeze %dma_wait3A_167 : memref<1x8x8x128xf32, #tpu.memory_space<vmem>> -> memref<8x8x128xf32, #tpu.memory_space<vmem>>
        %dma_wait3A_169 = arith.constant 0 : i32
        %dma_wait3A_170 = arith.constant 0 : i32
        %dma_wait3A_171 = arith.constant 0 : i32
        %dma_wait3A_172 = tpu.memref_slice %arg2[%dma_wait3A_169, %dma_wait3A_170, %dma_wait3A_171] : memref<8x8x1000001xf32, #tpu.memory_space<hbm>> -> memref<8x8x128xf32, #tpu.memory_space<hbm>>
        %dma_wait3A_173 = arith.constant 0 : i32
        %dma_wait3A_174 = arith.constant 0 : i32
        %dma_wait3A_175 = arith.constant 0 : i32
        %dma_wait3A_176 = tpu.memref_slice %arg10[%dma_wait3A_163, %dma_wait3A_173, %dma_wait3A_174, %dma_wait3A_175] : memref<8x8x8x128xf32, #tpu.memory_space<vmem>> -> memref<1x8x8x128xf32, #tpu.memory_space<vmem>>
        %dma_wait3A_177 = tpu.memref_squeeze %dma_wait3A_176 : memref<1x8x8x128xf32, #tpu.memory_space<vmem>> -> memref<8x8x128xf32, #tpu.memory_space<vmem>>
        %dma_wait3A_178 = arith.constant 0 : i32
        %dma_wait3A_179 = arith.constant 0 : i32
        %dma_wait3A_180 = arith.constant 0 : i32
        %dma_wait3A_181 = tpu.memref_slice %arg2[%dma_wait3A_178, %dma_wait3A_179, %dma_wait3A_180] : memref<8x8x1000001xf32, #tpu.memory_space<hbm>> -> memref<8x8x128xf32, #tpu.memory_space<hbm>>
        tpu.wait_dma2 semaphore(%arg19 : memref<!tpu.dma_semaphore, #tpu.memory_space<semaphore_mem>>) src(%dma_wait3A_181 : memref<8x8x128xf32, #tpu.memory_space<hbm>>) dst(%dma_wait3A_177 : memref<8x8x128xf32, #tpu.memory_space<vmem>>)
        %get3A = arith.index_cast %add3A_141 : i32 to index
        %get3A_182 = memref.load %arg9[%get3A] : memref<513xi32, #tpu.memory_space<smem>>
        %add3A_183 = arith.constant 1 : i32
        %add3A_184 = arith.addi %add3A_141, %add3A_183 : i32
        %get3A_185 = arith.index_cast %add3A_184 : i32 to index
        %get3A_186 = memref.load %arg9[%get3A_185] : memref<513xi32, #tpu.memory_space<smem>>
        %while3A_187 = arith.constant 5 : i32
        %while3A_188 = arith.constant 0 : i32
        %while3A_189 = arith.subi %get3A_186, %get3A_182 : i32
        %while3A_190 = arith.addi %get3A_182, %while3A_189 : i32
        %while3A_191 = arith.constant 1 : i32
        %while3A_192 = arith.divsi %while3A_189, %while3A_191 : i32
        %while3A_193 = arith.muli %while3A_192, %while3A_191 : i32
        %while3A_194 = arith.addi %get3A_182, %while3A_193 : i32
        %while3A_195 = arith.constant 1 : i32
        %while3A_196 = scf.for %while3A_205 = %get3A_182 to %while3A_194 step %while3A_195 iter_args(%while3A_206 = %while3A_188) -> (i32)  : i32 {
          %get3A_207 = arith.index_cast %while3A_205 : i32 to index
          %get3A_208 = memref.load %arg7[%get3A_207] : memref<512xi32, #tpu.memory_space<smem>>
          %and3A_209 = arith.constant 127 : i32
          %and3A_210 = arith.andi %get3A_208, %and3A_209 : i32
          %broadcast_in_dim3A = vector.broadcast %and3A_210 : i32 to vector<16xi32>
          %gather3A = arith.constant 0 : i32
          %gather3A_211 = arith.constant 0 : i32
          %gather3A_212 = arith.constant 0 : i32
          %gather3A_213 = tpu.memref_slice %arg10[%while3A_187, %gather3A, %gather3A_211, %gather3A_212] : memref<8x8x8x128xf32, #tpu.memory_space<vmem>> -> memref<1x8x8x128xf32, #tpu.memory_space<vmem>>
          %gather3A_214 = tpu.memref_squeeze %gather3A_213 : memref<1x8x8x128xf32, #tpu.memory_space<vmem>> -> memref<8x8x128xf32, #tpu.memory_space<vmem>>
          %gather3A_215 = tpu.vector_load_idx %gather3A_214[%add3A_32, %and3A_27, %broadcast_in_dim3A] : memref<8x8x128xf32, #tpu.memory_space<vmem>>[vector<16xi32>, vector<16xi32>, vector<16xi32>], vector<16xf32>,
          %mul3A_216 = arith.constant 64 : i32
          %mul3A_217 = arith.muli %while3A_205, %mul3A_216 : i32
          %add3A_218 = arith.constant 0 : i32
          %add3A_219 = arith.addi %mul3A_217, %add3A_218 : i32
          %swap3A_220 = arith.index_cast %add3A_219 : i32 to index
          %swap3A_221 = tpu.vector_load %arg11[%swap3A_220] {strides = array<i32>} : memref<32768xf32, #tpu.memory_space<vmem>>, vector<16xf32>,
          tpu.vector_store %arg11[%swap3A_220], %gather3A_215 {strides = array<i32>} : memref<32768xf32, #tpu.memory_space<vmem>>, vector<16xf32>,
          %gather3A_222 = arith.constant 0 : i32
          %gather3A_223 = arith.constant 0 : i32
          %gather3A_224 = arith.constant 0 : i32
          %gather3A_225 = tpu.memref_slice %arg10[%while3A_187, %gather3A_222, %gather3A_223, %gather3A_224] : memref<8x8x8x128xf32, #tpu.memory_space<vmem>> -> memref<1x8x8x128xf32, #tpu.memory_space<vmem>>
          %gather3A_226 = tpu.memref_squeeze %gather3A_225 : memref<1x8x8x128xf32, #tpu.memory_space<vmem>> -> memref<8x8x128xf32, #tpu.memory_space<vmem>>
          %gather3A_227 = tpu.vector_load_idx %gather3A_226[%add3A_35, %and3A_27, %broadcast_in_dim3A] : memref<8x8x128xf32, #tpu.memory_space<vmem>>[vector<16xi32>, vector<16xi32>, vector<16xi32>], vector<16xf32>,
          %mul3A_228 = arith.constant 64 : i32
          %mul3A_229 = arith.muli %while3A_205, %mul3A_228 : i32
          %add3A_230 = arith.constant 16 : i32
          %add3A_231 = arith.addi %mul3A_229, %add3A_230 : i32
          %swap3A_232 = arith.index_cast %add3A_231 : i32 to index
          %swap3A_233 = tpu.vector_load %arg11[%swap3A_232] {strides = array<i32>} : memref<32768xf32, #tpu.memory_space<vmem>>, vector<16xf32>,
          tpu.vector_store %arg11[%swap3A_232], %gather3A_227 {strides = array<i32>} : memref<32768xf32, #tpu.memory_space<vmem>>, vector<16xf32>,
          %gather3A_234 = arith.constant 0 : i32
          %gather3A_235 = arith.constant 0 : i32
          %gather3A_236 = arith.constant 0 : i32
          %gather3A_237 = tpu.memref_slice %arg10[%while3A_187, %gather3A_234, %gather3A_235, %gather3A_236] : memref<8x8x8x128xf32, #tpu.memory_space<vmem>> -> memref<1x8x8x128xf32, #tpu.memory_space<vmem>>
          %gather3A_238 = tpu.memref_squeeze %gather3A_237 : memref<1x8x8x128xf32, #tpu.memory_space<vmem>> -> memref<8x8x128xf32, #tpu.memory_space<vmem>>
          %gather3A_239 = tpu.vector_load_idx %gather3A_238[%add3A_38, %and3A_27, %broadcast_in_dim3A] : memref<8x8x128xf32, #tpu.memory_space<vmem>>[vector<16xi32>, vector<16xi32>, vector<16xi32>], vector<16xf32>,
          %mul3A_240 = arith.constant 64 : i32
          %mul3A_241 = arith.muli %while3A_205, %mul3A_240 : i32
          %add3A_242 = arith.constant 32 : i32
          %add3A_243 = arith.addi %mul3A_241, %add3A_242 : i32
          %swap3A_244 = arith.index_cast %add3A_243 : i32 to index
          %swap3A_245 = tpu.vector_load %arg11[%swap3A_244] {strides = array<i32>} : memref<32768xf32, #tpu.memory_space<vmem>>, vector<16xf32>,
          tpu.vector_store %arg11[%swap3A_244], %gather3A_239 {strides = array<i32>} : memref<32768xf32, #tpu.memory_space<vmem>>, vector<16xf32>,
          %gather3A_246 = arith.constant 0 : i32
          %gather3A_247 = arith.constant 0 : i32
          %gather3A_248 = arith.constant 0 : i32
          %gather3A_249 = tpu.memref_slice %arg10[%while3A_187, %gather3A_246, %gather3A_247, %gather3A_248] : memref<8x8x8x128xf32, #tpu.memory_space<vmem>> -> memref<1x8x8x128xf32, #tpu.memory_space<vmem>>
          %gather3A_250 = tpu.memref_squeeze %gather3A_249 : memref<1x8x8x128xf32, #tpu.memory_space<vmem>> -> memref<8x8x128xf32, #tpu.memory_space<vmem>>
          %gather3A_251 = tpu.vector_load_idx %gather3A_250[%add3A_41, %and3A_27, %broadcast_in_dim3A] : memref<8x8x128xf32, #tpu.memory_space<vmem>>[vector<16xi32>, vector<16xi32>, vector<16xi32>], vector<16xf32>,
          %mul3A_252 = arith.constant 64 : i32
          %mul3A_253 = arith.muli %while3A_205, %mul3A_252 : i32
          %add3A_254 = arith.constant 48 : i32
          %add3A_255 = arith.addi %mul3A_253, %add3A_254 : i32
          %swap3A_256 = arith.index_cast %add3A_255 : i32 to index
          %swap3A_257 = tpu.vector_load %arg11[%swap3A_256] {strides = array<i32>} : memref<32768xf32, #tpu.memory_space<vmem>>, vector<16xf32>,
          tpu.vector_store %arg11[%swap3A_256], %gather3A_251 {strides = array<i32>} : memref<32768xf32, #tpu.memory_space<vmem>>, vector<16xf32>,
          %mul3A_258 = arith.constant 64 : i32
          %mul3A_259 = arith.muli %while3A_205, %mul3A_258 : i32
          %get3A_260 = arith.index_cast %while3A_205 : i32 to index
          %get3A_261 = memref.load %arg8[%get3A_260] : memref<512xi32, #tpu.memory_space<smem>>
          %mul3A_262 = arith.constant 64 : i32
          %mul3A_263 = arith.muli %get3A_261, %mul3A_262 : i32
          %dma_start3A_264 = tpu.memref_slice %arg11[%mul3A_259] : memref<32768xf32, #tpu.memory_space<vmem>> -> memref<64xf32, #tpu.memory_space<vmem>>
          %dma_start3A_265 = tpu.memref_slice %arg5[%mul3A_263] : memref<1048576xf32, #tpu.memory_space<hbm>> -> memref<64xf32, #tpu.memory_space<hbm>>
          %dma_start3A_266 = tpu.memref_slice %arg5[%mul3A_263] : memref<1048576xf32, #tpu.memory_space<hbm>> -> memref<64xf32, #tpu.memory_space<hbm>>
          %dma_start3A_267 = tpu.memref_slice %arg11[%mul3A_259] : memref<32768xf32, #tpu.memory_space<vmem>> -> memref<64xf32, #tpu.memory_space<vmem>>
          tpu.enqueue_dma source(%dma_start3A_267 : memref<64xf32, #tpu.memory_space<vmem>>) target(%dma_start3A_266 : memref<64xf32, #tpu.memory_space<hbm>>) target_semaphore(%arg13 : memref<!tpu.dma_semaphore, #tpu.memory_space<semaphore_mem>>)
          %while3A_268 = arith.constant 0 : i32
          scf.yield %while3A_268 : i32
        }
        %while3A_197 = arith.constant 1 : i32
        %while3A_198 = scf.for %while3A_205 = %while3A_194 to %while3A_190 step %while3A_197 iter_args(%while3A_206 = %while3A_196) -> (i32)  : i32 {
          %get3A_207 = arith.index_cast %while3A_205 : i32 to index
          %get3A_208 = memref.load %arg7[%get3A_207] : memref<512xi32, #tpu.memory_space<smem>>
          %and3A_209 = arith.constant 127 : i32
          %and3A_210 = arith.andi %get3A_208, %and3A_209 : i32
          %broadcast_in_dim3A = vector.broadcast %and3A_210 : i32 to vector<16xi32>
          %gather3A = arith.constant 0 : i32
          %gather3A_211 = arith.constant 0 : i32
          %gather3A_212 = arith.constant 0 : i32
          %gather3A_213 = tpu.memref_slice %arg10[%while3A_187, %gather3A, %gather3A_211, %gather3A_212] : memref<8x8x8x128xf32, #tpu.memory_space<vmem>> -> memref<1x8x8x128xf32, #tpu.memory_space<vmem>>
          %gather3A_214 = tpu.memref_squeeze %gather3A_213 : memref<1x8x8x128xf32, #tpu.memory_space<vmem>> -> memref<8x8x128xf32, #tpu.memory_space<vmem>>
          %gather3A_215 = tpu.vector_load_idx %gather3A_214[%add3A_32, %and3A_27, %broadcast_in_dim3A] : memref<8x8x128xf32, #tpu.memory_space<vmem>>[vector<16xi32>, vector<16xi32>, vector<16xi32>], vector<16xf32>,
          %mul3A_216 = arith.constant 64 : i32
          %mul3A_217 = arith.muli %while3A_205, %mul3A_216 : i32
          %add3A_218 = arith.constant 0 : i32
          %add3A_219 = arith.addi %mul3A_217, %add3A_218 : i32
          %swap3A_220 = arith.index_cast %add3A_219 : i32 to index
          %swap3A_221 = tpu.vector_load %arg11[%swap3A_220] {strides = array<i32>} : memref<32768xf32, #tpu.memory_space<vmem>>, vector<16xf32>,
          tpu.vector_store %arg11[%swap3A_220], %gather3A_215 {strides = array<i32>} : memref<32768xf32, #tpu.memory_space<vmem>>, vector<16xf32>,
          %gather3A_222 = arith.constant 0 : i32
          %gather3A_223 = arith.constant 0 : i32
          %gather3A_224 = arith.constant 0 : i32
          %gather3A_225 = tpu.memref_slice %arg10[%while3A_187, %gather3A_222, %gather3A_223, %gather3A_224] : memref<8x8x8x128xf32, #tpu.memory_space<vmem>> -> memref<1x8x8x128xf32, #tpu.memory_space<vmem>>
          %gather3A_226 = tpu.memref_squeeze %gather3A_225 : memref<1x8x8x128xf32, #tpu.memory_space<vmem>> -> memref<8x8x128xf32, #tpu.memory_space<vmem>>
          %gather3A_227 = tpu.vector_load_idx %gather3A_226[%add3A_35, %and3A_27, %broadcast_in_dim3A] : memref<8x8x128xf32, #tpu.memory_space<vmem>>[vector<16xi32>, vector<16xi32>, vector<16xi32>], vector<16xf32>,
          %mul3A_228 = arith.constant 64 : i32
          %mul3A_229 = arith.muli %while3A_205, %mul3A_228 : i32
          %add3A_230 = arith.constant 16 : i32
          %add3A_231 = arith.addi %mul3A_229, %add3A_230 : i32
          %swap3A_232 = arith.index_cast %add3A_231 : i32 to index
          %swap3A_233 = tpu.vector_load %arg11[%swap3A_232] {strides = array<i32>} : memref<32768xf32, #tpu.memory_space<vmem>>, vector<16xf32>,
          tpu.vector_store %arg11[%swap3A_232], %gather3A_227 {strides = array<i32>} : memref<32768xf32, #tpu.memory_space<vmem>>, vector<16xf32>,
          %gather3A_234 = arith.constant 0 : i32
          %gather3A_235 = arith.constant 0 : i32
          %gather3A_236 = arith.constant 0 : i32
          %gather3A_237 = tpu.memref_slice %arg10[%while3A_187, %gather3A_234, %gather3A_235, %gather3A_236] : memref<8x8x8x128xf32, #tpu.memory_space<vmem>> -> memref<1x8x8x128xf32, #tpu.memory_space<vmem>>
          %gather3A_238 = tpu.memref_squeeze %gather3A_237 : memref<1x8x8x128xf32, #tpu.memory_space<vmem>> -> memref<8x8x128xf32, #tpu.memory_space<vmem>>
          %gather3A_239 = tpu.vector_load_idx %gather3A_238[%add3A_38, %and3A_27, %broadcast_in_dim3A] : memref<8x8x128xf32, #tpu.memory_space<vmem>>[vector<16xi32>, vector<16xi32>, vector<16xi32>], vector<16xf32>,
          %mul3A_240 = arith.constant 64 : i32
          %mul3A_241 = arith.muli %while3A_205, %mul3A_240 : i32
          %add3A_242 = arith.constant 32 : i32
          %add3A_243 = arith.addi %mul3A_241, %add3A_242 : i32
          %swap3A_244 = arith.index_cast %add3A_243 : i32 to index
          %swap3A_245 = tpu.vector_load %arg11[%swap3A_244] {strides = array<i32>} : memref<32768xf32, #tpu.memory_space<vmem>>, vector<16xf32>,
          tpu.vector_store %arg11[%swap3A_244], %gather3A_239 {strides = array<i32>} : memref<32768xf32, #tpu.memory_space<vmem>>, vector<16xf32>,
          %gather3A_246 = arith.constant 0 : i32
          %gather3A_247 = arith.constant 0 : i32
          %gather3A_248 = arith.constant 0 : i32
          %gather3A_249 = tpu.memref_slice %arg10[%while3A_187, %gather3A_246, %gather3A_247, %gather3A_248] : memref<8x8x8x128xf32, #tpu.memory_space<vmem>> -> memref<1x8x8x128xf32, #tpu.memory_space<vmem>>
          %gather3A_250 = tpu.memref_squeeze %gather3A_249 : memref<1x8x8x128xf32, #tpu.memory_space<vmem>> -> memref<8x8x128xf32, #tpu.memory_space<vmem>>
          %gather3A_251 = tpu.vector_load_idx %gather3A_250[%add3A_41, %and3A_27, %broadcast_in_dim3A] : memref<8x8x128xf32, #tpu.memory_space<vmem>>[vector<16xi32>, vector<16xi32>, vector<16xi32>], vector<16xf32>,
          %mul3A_252 = arith.constant 64 : i32
          %mul3A_253 = arith.muli %while3A_205, %mul3A_252 : i32
          %add3A_254 = arith.constant 48 : i32
          %add3A_255 = arith.addi %mul3A_253, %add3A_254 : i32
          %swap3A_256 = arith.index_cast %add3A_255 : i32 to index
          %swap3A_257 = tpu.vector_load %arg11[%swap3A_256] {strides = array<i32>} : memref<32768xf32, #tpu.memory_space<vmem>>, vector<16xf32>,
          tpu.vector_store %arg11[%swap3A_256], %gather3A_251 {strides = array<i32>} : memref<32768xf32, #tpu.memory_space<vmem>>, vector<16xf32>,
          %mul3A_258 = arith.constant 64 : i32
          %mul3A_259 = arith.muli %while3A_205, %mul3A_258 : i32
          %get3A_260 = arith.index_cast %while3A_205 : i32 to index
          %get3A_261 = memref.load %arg8[%get3A_260] : memref<512xi32, #tpu.memory_space<smem>>
          %mul3A_262 = arith.constant 64 : i32
          %mul3A_263 = arith.muli %get3A_261, %mul3A_262 : i32
          %dma_start3A_264 = tpu.memref_slice %arg11[%mul3A_259] : memref<32768xf32, #tpu.memory_space<vmem>> -> memref<64xf32, #tpu.memory_space<vmem>>
          %dma_start3A_265 = tpu.memref_slice %arg5[%mul3A_263] : memref<1048576xf32, #tpu.memory_space<hbm>> -> memref<64xf32, #tpu.memory_space<hbm>>
          %dma_start3A_266 = tpu.memref_slice %arg5[%mul3A_263] : memref<1048576xf32, #tpu.memory_space<hbm>> -> memref<64xf32, #tpu.memory_space<hbm>>
          %dma_start3A_267 = tpu.memref_slice %arg11[%mul3A_259] : memref<32768xf32, #tpu.memory_space<vmem>> -> memref<64xf32, #tpu.memory_space<vmem>>
          tpu.enqueue_dma source(%dma_start3A_267 : memref<64xf32, #tpu.memory_space<vmem>>) target(%dma_start3A_266 : memref<64xf32, #tpu.memory_space<hbm>>) target_semaphore(%arg13 : memref<!tpu.dma_semaphore, #tpu.memory_space<semaphore_mem>>)
          %while3A_268 = arith.constant 0 : i32
          scf.yield %while3A_268 : i32
        }
        %add3A_199 = arith.constant 8 : i32
        %add3A_200 = arith.addi %add3A_141, %add3A_199 : i32
        %lt3A_201 = arith.cmpi slt, %add3A_200, %scan3A_22#0 : i32
        %convert_element_type3A_202 = arith.extui %lt3A_201 : i1 to i32
        %cond3A_203 = arith.constant 0 : i32
        %cond3A_204 = arith.cmpi ne, %convert_element_type3A_202, %cond3A_203 : i32
        scf.if %cond3A_204 {
          %get3A_205 = arith.index_cast %add3A_200 : i32 to index
          %get3A_206 = memref.load %arg9[%get3A_205] : memref<513xi32, #tpu.memory_space<smem>>
          %get3A_207 = arith.index_cast %get3A_206 : i32 to index
          %get3A_208 = memref.load %arg7[%get3A_207] : memref<512xi32, #tpu.memory_space<smem>>
          %shift_right_logical3A_209 = arith.constant 7 : i32
          %shift_right_logical3A_210 = arith.shrui %get3A_208, %shift_right_logical3A_209 : i32
          %shift_left3A = arith.constant 7 : i32
          %shift_left3A_211 = arith.shli %shift_right_logical3A_210, %shift_left3A : i32
          %multiple_of3A = tpu.assume_multiple %shift_left3A_211, 128 : i32
          %dma_start3A_212 = arith.constant 5 : i32
          %dma_start3A_213 = arith.constant 0 : i32
          %dma_start3A_214 = arith.constant 0 : i32
          %dma_start3A_215 = arith.constant 0 : i32
          %dma_start3A_216 = tpu.memref_slice %arg10[%dma_start3A_212, %dma_start3A_213, %dma_start3A_214, %dma_start3A_215] : memref<8x8x8x128xf32, #tpu.memory_space<vmem>> -> memref<1x8x8x128xf32, #tpu.memory_space<vmem>>
          %dma_start3A_217 = tpu.memref_squeeze %dma_start3A_216 : memref<1x8x8x128xf32, #tpu.memory_space<vmem>> -> memref<8x8x128xf32, #tpu.memory_space<vmem>>
          %dma_start3A_218 = arith.constant 0 : i32
          %dma_start3A_219 = arith.constant 0 : i32
          %dma_start3A_220 = tpu.memref_slice %arg2[%dma_start3A_218, %dma_start3A_219, %multiple_of3A] : memref<8x8x1000001xf32, #tpu.memory_space<hbm>> -> memref<8x8x128xf32, #tpu.memory_space<hbm>>
          %dma_start3A_221 = arith.constant 0 : i32
          %dma_start3A_222 = arith.constant 0 : i32
          %dma_start3A_223 = arith.constant 0 : i32
          %dma_start3A_224 = tpu.memref_slice %arg10[%dma_start3A_212, %dma_start3A_221, %dma_start3A_222, %dma_start3A_223] : memref<8x8x8x128xf32, #tpu.memory_space<vmem>> -> memref<1x8x8x128xf32, #tpu.memory_space<vmem>>
          %dma_start3A_225 = tpu.memref_squeeze %dma_start3A_224 : memref<1x8x8x128xf32, #tpu.memory_space<vmem>> -> memref<8x8x128xf32, #tpu.memory_space<vmem>>
          %dma_start3A_226 = arith.constant 0 : i32
          %dma_start3A_227 = arith.constant 0 : i32
          %dma_start3A_228 = tpu.memref_slice %arg2[%dma_start3A_226, %dma_start3A_227, %multiple_of3A] : memref<8x8x1000001xf32, #tpu.memory_space<hbm>> -> memref<8x8x128xf32, #tpu.memory_space<hbm>>
          tpu.enqueue_dma source(%dma_start3A_228 : memref<8x8x128xf32, #tpu.memory_space<hbm>>) target(%dma_start3A_225 : memref<8x8x128xf32, #tpu.memory_space<vmem>>) target_semaphore(%arg19 : memref<!tpu.dma_semaphore, #tpu.memory_space<semaphore_mem>>)
        } else {
        }
      } else {
      }
      %mul3A_146 = arith.constant 8 : i32
      %mul3A_147 = arith.muli %while3A_97, %mul3A_146 : i32
      %add3A_148 = arith.constant 6 : i32
      %add3A_149 = arith.addi %mul3A_147, %add3A_148 : i32
      %lt3A_150 = arith.cmpi slt, %add3A_149, %scan3A_22#0 : i32
      %convert_element_type3A_151 = arith.extui %lt3A_150 : i1 to i32
      %cond3A_152 = arith.constant 0 : i32
      %cond3A_153 = arith.cmpi ne, %convert_element_type3A_151, %cond3A_152 : i32
      scf.if %cond3A_153 {
        %dma_wait3A_163 = arith.constant 6 : i32
        %dma_wait3A_164 = arith.constant 0 : i32
        %dma_wait3A_165 = arith.constant 0 : i32
        %dma_wait3A_166 = arith.constant 0 : i32
        %dma_wait3A_167 = tpu.memref_slice %arg10[%dma_wait3A_163, %dma_wait3A_164, %dma_wait3A_165, %dma_wait3A_166] : memref<8x8x8x128xf32, #tpu.memory_space<vmem>> -> memref<1x8x8x128xf32, #tpu.memory_space<vmem>>
        %dma_wait3A_168 = tpu.memref_squeeze %dma_wait3A_167 : memref<1x8x8x128xf32, #tpu.memory_space<vmem>> -> memref<8x8x128xf32, #tpu.memory_space<vmem>>
        %dma_wait3A_169 = arith.constant 0 : i32
        %dma_wait3A_170 = arith.constant 0 : i32
        %dma_wait3A_171 = arith.constant 0 : i32
        %dma_wait3A_172 = tpu.memref_slice %arg2[%dma_wait3A_169, %dma_wait3A_170, %dma_wait3A_171] : memref<8x8x1000001xf32, #tpu.memory_space<hbm>> -> memref<8x8x128xf32, #tpu.memory_space<hbm>>
        %dma_wait3A_173 = arith.constant 0 : i32
        %dma_wait3A_174 = arith.constant 0 : i32
        %dma_wait3A_175 = arith.constant 0 : i32
        %dma_wait3A_176 = tpu.memref_slice %arg10[%dma_wait3A_163, %dma_wait3A_173, %dma_wait3A_174, %dma_wait3A_175] : memref<8x8x8x128xf32, #tpu.memory_space<vmem>> -> memref<1x8x8x128xf32, #tpu.memory_space<vmem>>
        %dma_wait3A_177 = tpu.memref_squeeze %dma_wait3A_176 : memref<1x8x8x128xf32, #tpu.memory_space<vmem>> -> memref<8x8x128xf32, #tpu.memory_space<vmem>>
        %dma_wait3A_178 = arith.constant 0 : i32
        %dma_wait3A_179 = arith.constant 0 : i32
        %dma_wait3A_180 = arith.constant 0 : i32
        %dma_wait3A_181 = tpu.memref_slice %arg2[%dma_wait3A_178, %dma_wait3A_179, %dma_wait3A_180] : memref<8x8x1000001xf32, #tpu.memory_space<hbm>> -> memref<8x8x128xf32, #tpu.memory_space<hbm>>
        tpu.wait_dma2 semaphore(%arg20 : memref<!tpu.dma_semaphore, #tpu.memory_space<semaphore_mem>>) src(%dma_wait3A_181 : memref<8x8x128xf32, #tpu.memory_space<hbm>>) dst(%dma_wait3A_177 : memref<8x8x128xf32, #tpu.memory_space<vmem>>)
        %get3A = arith.index_cast %add3A_149 : i32 to index
        %get3A_182 = memref.load %arg9[%get3A] : memref<513xi32, #tpu.memory_space<smem>>
        %add3A_183 = arith.constant 1 : i32
        %add3A_184 = arith.addi %add3A_149, %add3A_183 : i32
        %get3A_185 = arith.index_cast %add3A_184 : i32 to index
        %get3A_186 = memref.load %arg9[%get3A_185] : memref<513xi32, #tpu.memory_space<smem>>
        %while3A_187 = arith.constant 6 : i32
        %while3A_188 = arith.constant 0 : i32
        %while3A_189 = arith.subi %get3A_186, %get3A_182 : i32
        %while3A_190 = arith.addi %get3A_182, %while3A_189 : i32
        %while3A_191 = arith.constant 1 : i32
        %while3A_192 = arith.divsi %while3A_189, %while3A_191 : i32
        %while3A_193 = arith.muli %while3A_192, %while3A_191 : i32
        %while3A_194 = arith.addi %get3A_182, %while3A_193 : i32
        %while3A_195 = arith.constant 1 : i32
        %while3A_196 = scf.for %while3A_205 = %get3A_182 to %while3A_194 step %while3A_195 iter_args(%while3A_206 = %while3A_188) -> (i32)  : i32 {
          %get3A_207 = arith.index_cast %while3A_205 : i32 to index
          %get3A_208 = memref.load %arg7[%get3A_207] : memref<512xi32, #tpu.memory_space<smem>>
          %and3A_209 = arith.constant 127 : i32
          %and3A_210 = arith.andi %get3A_208, %and3A_209 : i32
          %broadcast_in_dim3A = vector.broadcast %and3A_210 : i32 to vector<16xi32>
          %gather3A = arith.constant 0 : i32
          %gather3A_211 = arith.constant 0 : i32
          %gather3A_212 = arith.constant 0 : i32
          %gather3A_213 = tpu.memref_slice %arg10[%while3A_187, %gather3A, %gather3A_211, %gather3A_212] : memref<8x8x8x128xf32, #tpu.memory_space<vmem>> -> memref<1x8x8x128xf32, #tpu.memory_space<vmem>>
          %gather3A_214 = tpu.memref_squeeze %gather3A_213 : memref<1x8x8x128xf32, #tpu.memory_space<vmem>> -> memref<8x8x128xf32, #tpu.memory_space<vmem>>
          %gather3A_215 = tpu.vector_load_idx %gather3A_214[%add3A_32, %and3A_27, %broadcast_in_dim3A] : memref<8x8x128xf32, #tpu.memory_space<vmem>>[vector<16xi32>, vector<16xi32>, vector<16xi32>], vector<16xf32>,
          %mul3A_216 = arith.constant 64 : i32
          %mul3A_217 = arith.muli %while3A_205, %mul3A_216 : i32
          %add3A_218 = arith.constant 0 : i32
          %add3A_219 = arith.addi %mul3A_217, %add3A_218 : i32
          %swap3A_220 = arith.index_cast %add3A_219 : i32 to index
          %swap3A_221 = tpu.vector_load %arg11[%swap3A_220] {strides = array<i32>} : memref<32768xf32, #tpu.memory_space<vmem>>, vector<16xf32>,
          tpu.vector_store %arg11[%swap3A_220], %gather3A_215 {strides = array<i32>} : memref<32768xf32, #tpu.memory_space<vmem>>, vector<16xf32>,
          %gather3A_222 = arith.constant 0 : i32
          %gather3A_223 = arith.constant 0 : i32
          %gather3A_224 = arith.constant 0 : i32
          %gather3A_225 = tpu.memref_slice %arg10[%while3A_187, %gather3A_222, %gather3A_223, %gather3A_224] : memref<8x8x8x128xf32, #tpu.memory_space<vmem>> -> memref<1x8x8x128xf32, #tpu.memory_space<vmem>>
          %gather3A_226 = tpu.memref_squeeze %gather3A_225 : memref<1x8x8x128xf32, #tpu.memory_space<vmem>> -> memref<8x8x128xf32, #tpu.memory_space<vmem>>
          %gather3A_227 = tpu.vector_load_idx %gather3A_226[%add3A_35, %and3A_27, %broadcast_in_dim3A] : memref<8x8x128xf32, #tpu.memory_space<vmem>>[vector<16xi32>, vector<16xi32>, vector<16xi32>], vector<16xf32>,
          %mul3A_228 = arith.constant 64 : i32
          %mul3A_229 = arith.muli %while3A_205, %mul3A_228 : i32
          %add3A_230 = arith.constant 16 : i32
          %add3A_231 = arith.addi %mul3A_229, %add3A_230 : i32
          %swap3A_232 = arith.index_cast %add3A_231 : i32 to index
          %swap3A_233 = tpu.vector_load %arg11[%swap3A_232] {strides = array<i32>} : memref<32768xf32, #tpu.memory_space<vmem>>, vector<16xf32>,
          tpu.vector_store %arg11[%swap3A_232], %gather3A_227 {strides = array<i32>} : memref<32768xf32, #tpu.memory_space<vmem>>, vector<16xf32>,
          %gather3A_234 = arith.constant 0 : i32
          %gather3A_235 = arith.constant 0 : i32
          %gather3A_236 = arith.constant 0 : i32
          %gather3A_237 = tpu.memref_slice %arg10[%while3A_187, %gather3A_234, %gather3A_235, %gather3A_236] : memref<8x8x8x128xf32, #tpu.memory_space<vmem>> -> memref<1x8x8x128xf32, #tpu.memory_space<vmem>>
          %gather3A_238 = tpu.memref_squeeze %gather3A_237 : memref<1x8x8x128xf32, #tpu.memory_space<vmem>> -> memref<8x8x128xf32, #tpu.memory_space<vmem>>
          %gather3A_239 = tpu.vector_load_idx %gather3A_238[%add3A_38, %and3A_27, %broadcast_in_dim3A] : memref<8x8x128xf32, #tpu.memory_space<vmem>>[vector<16xi32>, vector<16xi32>, vector<16xi32>], vector<16xf32>,
          %mul3A_240 = arith.constant 64 : i32
          %mul3A_241 = arith.muli %while3A_205, %mul3A_240 : i32
          %add3A_242 = arith.constant 32 : i32
          %add3A_243 = arith.addi %mul3A_241, %add3A_242 : i32
          %swap3A_244 = arith.index_cast %add3A_243 : i32 to index
          %swap3A_245 = tpu.vector_load %arg11[%swap3A_244] {strides = array<i32>} : memref<32768xf32, #tpu.memory_space<vmem>>, vector<16xf32>,
          tpu.vector_store %arg11[%swap3A_244], %gather3A_239 {strides = array<i32>} : memref<32768xf32, #tpu.memory_space<vmem>>, vector<16xf32>,
          %gather3A_246 = arith.constant 0 : i32
          %gather3A_247 = arith.constant 0 : i32
          %gather3A_248 = arith.constant 0 : i32
          %gather3A_249 = tpu.memref_slice %arg10[%while3A_187, %gather3A_246, %gather3A_247, %gather3A_248] : memref<8x8x8x128xf32, #tpu.memory_space<vmem>> -> memref<1x8x8x128xf32, #tpu.memory_space<vmem>>
          %gather3A_250 = tpu.memref_squeeze %gather3A_249 : memref<1x8x8x128xf32, #tpu.memory_space<vmem>> -> memref<8x8x128xf32, #tpu.memory_space<vmem>>
          %gather3A_251 = tpu.vector_load_idx %gather3A_250[%add3A_41, %and3A_27, %broadcast_in_dim3A] : memref<8x8x128xf32, #tpu.memory_space<vmem>>[vector<16xi32>, vector<16xi32>, vector<16xi32>], vector<16xf32>,
          %mul3A_252 = arith.constant 64 : i32
          %mul3A_253 = arith.muli %while3A_205, %mul3A_252 : i32
          %add3A_254 = arith.constant 48 : i32
          %add3A_255 = arith.addi %mul3A_253, %add3A_254 : i32
          %swap3A_256 = arith.index_cast %add3A_255 : i32 to index
          %swap3A_257 = tpu.vector_load %arg11[%swap3A_256] {strides = array<i32>} : memref<32768xf32, #tpu.memory_space<vmem>>, vector<16xf32>,
          tpu.vector_store %arg11[%swap3A_256], %gather3A_251 {strides = array<i32>} : memref<32768xf32, #tpu.memory_space<vmem>>, vector<16xf32>,
          %mul3A_258 = arith.constant 64 : i32
          %mul3A_259 = arith.muli %while3A_205, %mul3A_258 : i32
          %get3A_260 = arith.index_cast %while3A_205 : i32 to index
          %get3A_261 = memref.load %arg8[%get3A_260] : memref<512xi32, #tpu.memory_space<smem>>
          %mul3A_262 = arith.constant 64 : i32
          %mul3A_263 = arith.muli %get3A_261, %mul3A_262 : i32
          %dma_start3A_264 = tpu.memref_slice %arg11[%mul3A_259] : memref<32768xf32, #tpu.memory_space<vmem>> -> memref<64xf32, #tpu.memory_space<vmem>>
          %dma_start3A_265 = tpu.memref_slice %arg5[%mul3A_263] : memref<1048576xf32, #tpu.memory_space<hbm>> -> memref<64xf32, #tpu.memory_space<hbm>>
          %dma_start3A_266 = tpu.memref_slice %arg5[%mul3A_263] : memref<1048576xf32, #tpu.memory_space<hbm>> -> memref<64xf32, #tpu.memory_space<hbm>>
          %dma_start3A_267 = tpu.memref_slice %arg11[%mul3A_259] : memref<32768xf32, #tpu.memory_space<vmem>> -> memref<64xf32, #tpu.memory_space<vmem>>
          tpu.enqueue_dma source(%dma_start3A_267 : memref<64xf32, #tpu.memory_space<vmem>>) target(%dma_start3A_266 : memref<64xf32, #tpu.memory_space<hbm>>) target_semaphore(%arg13 : memref<!tpu.dma_semaphore, #tpu.memory_space<semaphore_mem>>)
          %while3A_268 = arith.constant 0 : i32
          scf.yield %while3A_268 : i32
        }
        %while3A_197 = arith.constant 1 : i32
        %while3A_198 = scf.for %while3A_205 = %while3A_194 to %while3A_190 step %while3A_197 iter_args(%while3A_206 = %while3A_196) -> (i32)  : i32 {
          %get3A_207 = arith.index_cast %while3A_205 : i32 to index
          %get3A_208 = memref.load %arg7[%get3A_207] : memref<512xi32, #tpu.memory_space<smem>>
          %and3A_209 = arith.constant 127 : i32
          %and3A_210 = arith.andi %get3A_208, %and3A_209 : i32
          %broadcast_in_dim3A = vector.broadcast %and3A_210 : i32 to vector<16xi32>
          %gather3A = arith.constant 0 : i32
          %gather3A_211 = arith.constant 0 : i32
          %gather3A_212 = arith.constant 0 : i32
          %gather3A_213 = tpu.memref_slice %arg10[%while3A_187, %gather3A, %gather3A_211, %gather3A_212] : memref<8x8x8x128xf32, #tpu.memory_space<vmem>> -> memref<1x8x8x128xf32, #tpu.memory_space<vmem>>
          %gather3A_214 = tpu.memref_squeeze %gather3A_213 : memref<1x8x8x128xf32, #tpu.memory_space<vmem>> -> memref<8x8x128xf32, #tpu.memory_space<vmem>>
          %gather3A_215 = tpu.vector_load_idx %gather3A_214[%add3A_32, %and3A_27, %broadcast_in_dim3A] : memref<8x8x128xf32, #tpu.memory_space<vmem>>[vector<16xi32>, vector<16xi32>, vector<16xi32>], vector<16xf32>,
          %mul3A_216 = arith.constant 64 : i32
          %mul3A_217 = arith.muli %while3A_205, %mul3A_216 : i32
          %add3A_218 = arith.constant 0 : i32
          %add3A_219 = arith.addi %mul3A_217, %add3A_218 : i32
          %swap3A_220 = arith.index_cast %add3A_219 : i32 to index
          %swap3A_221 = tpu.vector_load %arg11[%swap3A_220] {strides = array<i32>} : memref<32768xf32, #tpu.memory_space<vmem>>, vector<16xf32>,
          tpu.vector_store %arg11[%swap3A_220], %gather3A_215 {strides = array<i32>} : memref<32768xf32, #tpu.memory_space<vmem>>, vector<16xf32>,
          %gather3A_222 = arith.constant 0 : i32
          %gather3A_223 = arith.constant 0 : i32
          %gather3A_224 = arith.constant 0 : i32
          %gather3A_225 = tpu.memref_slice %arg10[%while3A_187, %gather3A_222, %gather3A_223, %gather3A_224] : memref<8x8x8x128xf32, #tpu.memory_space<vmem>> -> memref<1x8x8x128xf32, #tpu.memory_space<vmem>>
          %gather3A_226 = tpu.memref_squeeze %gather3A_225 : memref<1x8x8x128xf32, #tpu.memory_space<vmem>> -> memref<8x8x128xf32, #tpu.memory_space<vmem>>
          %gather3A_227 = tpu.vector_load_idx %gather3A_226[%add3A_35, %and3A_27, %broadcast_in_dim3A] : memref<8x8x128xf32, #tpu.memory_space<vmem>>[vector<16xi32>, vector<16xi32>, vector<16xi32>], vector<16xf32>,
          %mul3A_228 = arith.constant 64 : i32
          %mul3A_229 = arith.muli %while3A_205, %mul3A_228 : i32
          %add3A_230 = arith.constant 16 : i32
          %add3A_231 = arith.addi %mul3A_229, %add3A_230 : i32
          %swap3A_232 = arith.index_cast %add3A_231 : i32 to index
          %swap3A_233 = tpu.vector_load %arg11[%swap3A_232] {strides = array<i32>} : memref<32768xf32, #tpu.memory_space<vmem>>, vector<16xf32>,
          tpu.vector_store %arg11[%swap3A_232], %gather3A_227 {strides = array<i32>} : memref<32768xf32, #tpu.memory_space<vmem>>, vector<16xf32>,
          %gather3A_234 = arith.constant 0 : i32
          %gather3A_235 = arith.constant 0 : i32
          %gather3A_236 = arith.constant 0 : i32
          %gather3A_237 = tpu.memref_slice %arg10[%while3A_187, %gather3A_234, %gather3A_235, %gather3A_236] : memref<8x8x8x128xf32, #tpu.memory_space<vmem>> -> memref<1x8x8x128xf32, #tpu.memory_space<vmem>>
          %gather3A_238 = tpu.memref_squeeze %gather3A_237 : memref<1x8x8x128xf32, #tpu.memory_space<vmem>> -> memref<8x8x128xf32, #tpu.memory_space<vmem>>
          %gather3A_239 = tpu.vector_load_idx %gather3A_238[%add3A_38, %and3A_27, %broadcast_in_dim3A] : memref<8x8x128xf32, #tpu.memory_space<vmem>>[vector<16xi32>, vector<16xi32>, vector<16xi32>], vector<16xf32>,
          %mul3A_240 = arith.constant 64 : i32
          %mul3A_241 = arith.muli %while3A_205, %mul3A_240 : i32
          %add3A_242 = arith.constant 32 : i32
          %add3A_243 = arith.addi %mul3A_241, %add3A_242 : i32
          %swap3A_244 = arith.index_cast %add3A_243 : i32 to index
          %swap3A_245 = tpu.vector_load %arg11[%swap3A_244] {strides = array<i32>} : memref<32768xf32, #tpu.memory_space<vmem>>, vector<16xf32>,
          tpu.vector_store %arg11[%swap3A_244], %gather3A_239 {strides = array<i32>} : memref<32768xf32, #tpu.memory_space<vmem>>, vector<16xf32>,
          %gather3A_246 = arith.constant 0 : i32
          %gather3A_247 = arith.constant 0 : i32
          %gather3A_248 = arith.constant 0 : i32
          %gather3A_249 = tpu.memref_slice %arg10[%while3A_187, %gather3A_246, %gather3A_247, %gather3A_248] : memref<8x8x8x128xf32, #tpu.memory_space<vmem>> -> memref<1x8x8x128xf32, #tpu.memory_space<vmem>>
          %gather3A_250 = tpu.memref_squeeze %gather3A_249 : memref<1x8x8x128xf32, #tpu.memory_space<vmem>> -> memref<8x8x128xf32, #tpu.memory_space<vmem>>
          %gather3A_251 = tpu.vector_load_idx %gather3A_250[%add3A_41, %and3A_27, %broadcast_in_dim3A] : memref<8x8x128xf32, #tpu.memory_space<vmem>>[vector<16xi32>, vector<16xi32>, vector<16xi32>], vector<16xf32>,
          %mul3A_252 = arith.constant 64 : i32
          %mul3A_253 = arith.muli %while3A_205, %mul3A_252 : i32
          %add3A_254 = arith.constant 48 : i32
          %add3A_255 = arith.addi %mul3A_253, %add3A_254 : i32
          %swap3A_256 = arith.index_cast %add3A_255 : i32 to index
          %swap3A_257 = tpu.vector_load %arg11[%swap3A_256] {strides = array<i32>} : memref<32768xf32, #tpu.memory_space<vmem>>, vector<16xf32>,
          tpu.vector_store %arg11[%swap3A_256], %gather3A_251 {strides = array<i32>} : memref<32768xf32, #tpu.memory_space<vmem>>, vector<16xf32>,
          %mul3A_258 = arith.constant 64 : i32
          %mul3A_259 = arith.muli %while3A_205, %mul3A_258 : i32
          %get3A_260 = arith.index_cast %while3A_205 : i32 to index
          %get3A_261 = memref.load %arg8[%get3A_260] : memref<512xi32, #tpu.memory_space<smem>>
          %mul3A_262 = arith.constant 64 : i32
          %mul3A_263 = arith.muli %get3A_261, %mul3A_262 : i32
          %dma_start3A_264 = tpu.memref_slice %arg11[%mul3A_259] : memref<32768xf32, #tpu.memory_space<vmem>> -> memref<64xf32, #tpu.memory_space<vmem>>
          %dma_start3A_265 = tpu.memref_slice %arg5[%mul3A_263] : memref<1048576xf32, #tpu.memory_space<hbm>> -> memref<64xf32, #tpu.memory_space<hbm>>
          %dma_start3A_266 = tpu.memref_slice %arg5[%mul3A_263] : memref<1048576xf32, #tpu.memory_space<hbm>> -> memref<64xf32, #tpu.memory_space<hbm>>
          %dma_start3A_267 = tpu.memref_slice %arg11[%mul3A_259] : memref<32768xf32, #tpu.memory_space<vmem>> -> memref<64xf32, #tpu.memory_space<vmem>>
          tpu.enqueue_dma source(%dma_start3A_267 : memref<64xf32, #tpu.memory_space<vmem>>) target(%dma_start3A_266 : memref<64xf32, #tpu.memory_space<hbm>>) target_semaphore(%arg13 : memref<!tpu.dma_semaphore, #tpu.memory_space<semaphore_mem>>)
          %while3A_268 = arith.constant 0 : i32
          scf.yield %while3A_268 : i32
        }
        %add3A_199 = arith.constant 8 : i32
        %add3A_200 = arith.addi %add3A_149, %add3A_199 : i32
        %lt3A_201 = arith.cmpi slt, %add3A_200, %scan3A_22#0 : i32
        %convert_element_type3A_202 = arith.extui %lt3A_201 : i1 to i32
        %cond3A_203 = arith.constant 0 : i32
        %cond3A_204 = arith.cmpi ne, %convert_element_type3A_202, %cond3A_203 : i32
        scf.if %cond3A_204 {
          %get3A_205 = arith.index_cast %add3A_200 : i32 to index
          %get3A_206 = memref.load %arg9[%get3A_205] : memref<513xi32, #tpu.memory_space<smem>>
          %get3A_207 = arith.index_cast %get3A_206 : i32 to index
          %get3A_208 = memref.load %arg7[%get3A_207] : memref<512xi32, #tpu.memory_space<smem>>
          %shift_right_logical3A_209 = arith.constant 7 : i32
          %shift_right_logical3A_210 = arith.shrui %get3A_208, %shift_right_logical3A_209 : i32
          %shift_left3A = arith.constant 7 : i32
          %shift_left3A_211 = arith.shli %shift_right_logical3A_210, %shift_left3A : i32
          %multiple_of3A = tpu.assume_multiple %shift_left3A_211, 128 : i32
          %dma_start3A_212 = arith.constant 6 : i32
          %dma_start3A_213 = arith.constant 0 : i32
          %dma_start3A_214 = arith.constant 0 : i32
          %dma_start3A_215 = arith.constant 0 : i32
          %dma_start3A_216 = tpu.memref_slice %arg10[%dma_start3A_212, %dma_start3A_213, %dma_start3A_214, %dma_start3A_215] : memref<8x8x8x128xf32, #tpu.memory_space<vmem>> -> memref<1x8x8x128xf32, #tpu.memory_space<vmem>>
          %dma_start3A_217 = tpu.memref_squeeze %dma_start3A_216 : memref<1x8x8x128xf32, #tpu.memory_space<vmem>> -> memref<8x8x128xf32, #tpu.memory_space<vmem>>
          %dma_start3A_218 = arith.constant 0 : i32
          %dma_start3A_219 = arith.constant 0 : i32
          %dma_start3A_220 = tpu.memref_slice %arg2[%dma_start3A_218, %dma_start3A_219, %multiple_of3A] : memref<8x8x1000001xf32, #tpu.memory_space<hbm>> -> memref<8x8x128xf32, #tpu.memory_space<hbm>>
          %dma_start3A_221 = arith.constant 0 : i32
          %dma_start3A_222 = arith.constant 0 : i32
          %dma_start3A_223 = arith.constant 0 : i32
          %dma_start3A_224 = tpu.memref_slice %arg10[%dma_start3A_212, %dma_start3A_221, %dma_start3A_222, %dma_start3A_223] : memref<8x8x8x128xf32, #tpu.memory_space<vmem>> -> memref<1x8x8x128xf32, #tpu.memory_space<vmem>>
          %dma_start3A_225 = tpu.memref_squeeze %dma_start3A_224 : memref<1x8x8x128xf32, #tpu.memory_space<vmem>> -> memref<8x8x128xf32, #tpu.memory_space<vmem>>
          %dma_start3A_226 = arith.constant 0 : i32
          %dma_start3A_227 = arith.constant 0 : i32
          %dma_start3A_228 = tpu.memref_slice %arg2[%dma_start3A_226, %dma_start3A_227, %multiple_of3A] : memref<8x8x1000001xf32, #tpu.memory_space<hbm>> -> memref<8x8x128xf32, #tpu.memory_space<hbm>>
          tpu.enqueue_dma source(%dma_start3A_228 : memref<8x8x128xf32, #tpu.memory_space<hbm>>) target(%dma_start3A_225 : memref<8x8x128xf32, #tpu.memory_space<vmem>>) target_semaphore(%arg20 : memref<!tpu.dma_semaphore, #tpu.memory_space<semaphore_mem>>)
        } else {
        }
      } else {
      }
      %mul3A_154 = arith.constant 8 : i32
      %mul3A_155 = arith.muli %while3A_97, %mul3A_154 : i32
      %add3A_156 = arith.constant 7 : i32
      %add3A_157 = arith.addi %mul3A_155, %add3A_156 : i32
      %lt3A_158 = arith.cmpi slt, %add3A_157, %scan3A_22#0 : i32
      %convert_element_type3A_159 = arith.extui %lt3A_158 : i1 to i32
      %cond3A_160 = arith.constant 0 : i32
      %cond3A_161 = arith.cmpi ne, %convert_element_type3A_159, %cond3A_160 : i32
      scf.if %cond3A_161 {
        %dma_wait3A_163 = arith.constant 7 : i32
        %dma_wait3A_164 = arith.constant 0 : i32
        %dma_wait3A_165 = arith.constant 0 : i32
        %dma_wait3A_166 = arith.constant 0 : i32
        %dma_wait3A_167 = tpu.memref_slice %arg10[%dma_wait3A_163, %dma_wait3A_164, %dma_wait3A_165, %dma_wait3A_166] : memref<8x8x8x128xf32, #tpu.memory_space<vmem>> -> memref<1x8x8x128xf32, #tpu.memory_space<vmem>>
        %dma_wait3A_168 = tpu.memref_squeeze %dma_wait3A_167 : memref<1x8x8x128xf32, #tpu.memory_space<vmem>> -> memref<8x8x128xf32, #tpu.memory_space<vmem>>
        %dma_wait3A_169 = arith.constant 0 : i32
        %dma_wait3A_170 = arith.constant 0 : i32
        %dma_wait3A_171 = arith.constant 0 : i32
        %dma_wait3A_172 = tpu.memref_slice %arg2[%dma_wait3A_169, %dma_wait3A_170, %dma_wait3A_171] : memref<8x8x1000001xf32, #tpu.memory_space<hbm>> -> memref<8x8x128xf32, #tpu.memory_space<hbm>>
        %dma_wait3A_173 = arith.constant 0 : i32
        %dma_wait3A_174 = arith.constant 0 : i32
        %dma_wait3A_175 = arith.constant 0 : i32
        %dma_wait3A_176 = tpu.memref_slice %arg10[%dma_wait3A_163, %dma_wait3A_173, %dma_wait3A_174, %dma_wait3A_175] : memref<8x8x8x128xf32, #tpu.memory_space<vmem>> -> memref<1x8x8x128xf32, #tpu.memory_space<vmem>>
        %dma_wait3A_177 = tpu.memref_squeeze %dma_wait3A_176 : memref<1x8x8x128xf32, #tpu.memory_space<vmem>> -> memref<8x8x128xf32, #tpu.memory_space<vmem>>
        %dma_wait3A_178 = arith.constant 0 : i32
        %dma_wait3A_179 = arith.constant 0 : i32
        %dma_wait3A_180 = arith.constant 0 : i32
        %dma_wait3A_181 = tpu.memref_slice %arg2[%dma_wait3A_178, %dma_wait3A_179, %dma_wait3A_180] : memref<8x8x1000001xf32, #tpu.memory_space<hbm>> -> memref<8x8x128xf32, #tpu.memory_space<hbm>>
        tpu.wait_dma2 semaphore(%arg21 : memref<!tpu.dma_semaphore, #tpu.memory_space<semaphore_mem>>) src(%dma_wait3A_181 : memref<8x8x128xf32, #tpu.memory_space<hbm>>) dst(%dma_wait3A_177 : memref<8x8x128xf32, #tpu.memory_space<vmem>>)
        %get3A = arith.index_cast %add3A_157 : i32 to index
        %get3A_182 = memref.load %arg9[%get3A] : memref<513xi32, #tpu.memory_space<smem>>
        %add3A_183 = arith.constant 1 : i32
        %add3A_184 = arith.addi %add3A_157, %add3A_183 : i32
        %get3A_185 = arith.index_cast %add3A_184 : i32 to index
        %get3A_186 = memref.load %arg9[%get3A_185] : memref<513xi32, #tpu.memory_space<smem>>
        %while3A_187 = arith.constant 7 : i32
        %while3A_188 = arith.constant 0 : i32
        %while3A_189 = arith.subi %get3A_186, %get3A_182 : i32
        %while3A_190 = arith.addi %get3A_182, %while3A_189 : i32
        %while3A_191 = arith.constant 1 : i32
        %while3A_192 = arith.divsi %while3A_189, %while3A_191 : i32
        %while3A_193 = arith.muli %while3A_192, %while3A_191 : i32
        %while3A_194 = arith.addi %get3A_182, %while3A_193 : i32
        %while3A_195 = arith.constant 1 : i32
        %while3A_196 = scf.for %while3A_205 = %get3A_182 to %while3A_194 step %while3A_195 iter_args(%while3A_206 = %while3A_188) -> (i32)  : i32 {
          %get3A_207 = arith.index_cast %while3A_205 : i32 to index
          %get3A_208 = memref.load %arg7[%get3A_207] : memref<512xi32, #tpu.memory_space<smem>>
          %and3A_209 = arith.constant 127 : i32
          %and3A_210 = arith.andi %get3A_208, %and3A_209 : i32
          %broadcast_in_dim3A = vector.broadcast %and3A_210 : i32 to vector<16xi32>
          %gather3A = arith.constant 0 : i32
          %gather3A_211 = arith.constant 0 : i32
          %gather3A_212 = arith.constant 0 : i32
          %gather3A_213 = tpu.memref_slice %arg10[%while3A_187, %gather3A, %gather3A_211, %gather3A_212] : memref<8x8x8x128xf32, #tpu.memory_space<vmem>> -> memref<1x8x8x128xf32, #tpu.memory_space<vmem>>
          %gather3A_214 = tpu.memref_squeeze %gather3A_213 : memref<1x8x8x128xf32, #tpu.memory_space<vmem>> -> memref<8x8x128xf32, #tpu.memory_space<vmem>>
          %gather3A_215 = tpu.vector_load_idx %gather3A_214[%add3A_32, %and3A_27, %broadcast_in_dim3A] : memref<8x8x128xf32, #tpu.memory_space<vmem>>[vector<16xi32>, vector<16xi32>, vector<16xi32>], vector<16xf32>,
          %mul3A_216 = arith.constant 64 : i32
          %mul3A_217 = arith.muli %while3A_205, %mul3A_216 : i32
          %add3A_218 = arith.constant 0 : i32
          %add3A_219 = arith.addi %mul3A_217, %add3A_218 : i32
          %swap3A_220 = arith.index_cast %add3A_219 : i32 to index
          %swap3A_221 = tpu.vector_load %arg11[%swap3A_220] {strides = array<i32>} : memref<32768xf32, #tpu.memory_space<vmem>>, vector<16xf32>,
          tpu.vector_store %arg11[%swap3A_220], %gather3A_215 {strides = array<i32>} : memref<32768xf32, #tpu.memory_space<vmem>>, vector<16xf32>,
          %gather3A_222 = arith.constant 0 : i32
          %gather3A_223 = arith.constant 0 : i32
          %gather3A_224 = arith.constant 0 : i32
          %gather3A_225 = tpu.memref_slice %arg10[%while3A_187, %gather3A_222, %gather3A_223, %gather3A_224] : memref<8x8x8x128xf32, #tpu.memory_space<vmem>> -> memref<1x8x8x128xf32, #tpu.memory_space<vmem>>
          %gather3A_226 = tpu.memref_squeeze %gather3A_225 : memref<1x8x8x128xf32, #tpu.memory_space<vmem>> -> memref<8x8x128xf32, #tpu.memory_space<vmem>>
          %gather3A_227 = tpu.vector_load_idx %gather3A_226[%add3A_35, %and3A_27, %broadcast_in_dim3A] : memref<8x8x128xf32, #tpu.memory_space<vmem>>[vector<16xi32>, vector<16xi32>, vector<16xi32>], vector<16xf32>,
          %mul3A_228 = arith.constant 64 : i32
          %mul3A_229 = arith.muli %while3A_205, %mul3A_228 : i32
          %add3A_230 = arith.constant 16 : i32
          %add3A_231 = arith.addi %mul3A_229, %add3A_230 : i32
          %swap3A_232 = arith.index_cast %add3A_231 : i32 to index
          %swap3A_233 = tpu.vector_load %arg11[%swap3A_232] {strides = array<i32>} : memref<32768xf32, #tpu.memory_space<vmem>>, vector<16xf32>,
          tpu.vector_store %arg11[%swap3A_232], %gather3A_227 {strides = array<i32>} : memref<32768xf32, #tpu.memory_space<vmem>>, vector<16xf32>,
          %gather3A_234 = arith.constant 0 : i32
          %gather3A_235 = arith.constant 0 : i32
          %gather3A_236 = arith.constant 0 : i32
          %gather3A_237 = tpu.memref_slice %arg10[%while3A_187, %gather3A_234, %gather3A_235, %gather3A_236] : memref<8x8x8x128xf32, #tpu.memory_space<vmem>> -> memref<1x8x8x128xf32, #tpu.memory_space<vmem>>
          %gather3A_238 = tpu.memref_squeeze %gather3A_237 : memref<1x8x8x128xf32, #tpu.memory_space<vmem>> -> memref<8x8x128xf32, #tpu.memory_space<vmem>>
          %gather3A_239 = tpu.vector_load_idx %gather3A_238[%add3A_38, %and3A_27, %broadcast_in_dim3A] : memref<8x8x128xf32, #tpu.memory_space<vmem>>[vector<16xi32>, vector<16xi32>, vector<16xi32>], vector<16xf32>,
          %mul3A_240 = arith.constant 64 : i32
          %mul3A_241 = arith.muli %while3A_205, %mul3A_240 : i32
          %add3A_242 = arith.constant 32 : i32
          %add3A_243 = arith.addi %mul3A_241, %add3A_242 : i32
          %swap3A_244 = arith.index_cast %add3A_243 : i32 to index
          %swap3A_245 = tpu.vector_load %arg11[%swap3A_244] {strides = array<i32>} : memref<32768xf32, #tpu.memory_space<vmem>>, vector<16xf32>,
          tpu.vector_store %arg11[%swap3A_244], %gather3A_239 {strides = array<i32>} : memref<32768xf32, #tpu.memory_space<vmem>>, vector<16xf32>,
          %gather3A_246 = arith.constant 0 : i32
          %gather3A_247 = arith.constant 0 : i32
          %gather3A_248 = arith.constant 0 : i32
          %gather3A_249 = tpu.memref_slice %arg10[%while3A_187, %gather3A_246, %gather3A_247, %gather3A_248] : memref<8x8x8x128xf32, #tpu.memory_space<vmem>> -> memref<1x8x8x128xf32, #tpu.memory_space<vmem>>
          %gather3A_250 = tpu.memref_squeeze %gather3A_249 : memref<1x8x8x128xf32, #tpu.memory_space<vmem>> -> memref<8x8x128xf32, #tpu.memory_space<vmem>>
          %gather3A_251 = tpu.vector_load_idx %gather3A_250[%add3A_41, %and3A_27, %broadcast_in_dim3A] : memref<8x8x128xf32, #tpu.memory_space<vmem>>[vector<16xi32>, vector<16xi32>, vector<16xi32>], vector<16xf32>,
          %mul3A_252 = arith.constant 64 : i32
          %mul3A_253 = arith.muli %while3A_205, %mul3A_252 : i32
          %add3A_254 = arith.constant 48 : i32
          %add3A_255 = arith.addi %mul3A_253, %add3A_254 : i32
          %swap3A_256 = arith.index_cast %add3A_255 : i32 to index
          %swap3A_257 = tpu.vector_load %arg11[%swap3A_256] {strides = array<i32>} : memref<32768xf32, #tpu.memory_space<vmem>>, vector<16xf32>,
          tpu.vector_store %arg11[%swap3A_256], %gather3A_251 {strides = array<i32>} : memref<32768xf32, #tpu.memory_space<vmem>>, vector<16xf32>,
          %mul3A_258 = arith.constant 64 : i32
          %mul3A_259 = arith.muli %while3A_205, %mul3A_258 : i32
          %get3A_260 = arith.index_cast %while3A_205 : i32 to index
          %get3A_261 = memref.load %arg8[%get3A_260] : memref<512xi32, #tpu.memory_space<smem>>
          %mul3A_262 = arith.constant 64 : i32
          %mul3A_263 = arith.muli %get3A_261, %mul3A_262 : i32
          %dma_start3A_264 = tpu.memref_slice %arg11[%mul3A_259] : memref<32768xf32, #tpu.memory_space<vmem>> -> memref<64xf32, #tpu.memory_space<vmem>>
          %dma_start3A_265 = tpu.memref_slice %arg5[%mul3A_263] : memref<1048576xf32, #tpu.memory_space<hbm>> -> memref<64xf32, #tpu.memory_space<hbm>>
          %dma_start3A_266 = tpu.memref_slice %arg5[%mul3A_263] : memref<1048576xf32, #tpu.memory_space<hbm>> -> memref<64xf32, #tpu.memory_space<hbm>>
          %dma_start3A_267 = tpu.memref_slice %arg11[%mul3A_259] : memref<32768xf32, #tpu.memory_space<vmem>> -> memref<64xf32, #tpu.memory_space<vmem>>
          tpu.enqueue_dma source(%dma_start3A_267 : memref<64xf32, #tpu.memory_space<vmem>>) target(%dma_start3A_266 : memref<64xf32, #tpu.memory_space<hbm>>) target_semaphore(%arg13 : memref<!tpu.dma_semaphore, #tpu.memory_space<semaphore_mem>>)
          %while3A_268 = arith.constant 0 : i32
          scf.yield %while3A_268 : i32
        }
        %while3A_197 = arith.constant 1 : i32
        %while3A_198 = scf.for %while3A_205 = %while3A_194 to %while3A_190 step %while3A_197 iter_args(%while3A_206 = %while3A_196) -> (i32)  : i32 {
          %get3A_207 = arith.index_cast %while3A_205 : i32 to index
          %get3A_208 = memref.load %arg7[%get3A_207] : memref<512xi32, #tpu.memory_space<smem>>
          %and3A_209 = arith.constant 127 : i32
          %and3A_210 = arith.andi %get3A_208, %and3A_209 : i32
          %broadcast_in_dim3A = vector.broadcast %and3A_210 : i32 to vector<16xi32>
          %gather3A = arith.constant 0 : i32
          %gather3A_211 = arith.constant 0 : i32
          %gather3A_212 = arith.constant 0 : i32
          %gather3A_213 = tpu.memref_slice %arg10[%while3A_187, %gather3A, %gather3A_211, %gather3A_212] : memref<8x8x8x128xf32, #tpu.memory_space<vmem>> -> memref<1x8x8x128xf32, #tpu.memory_space<vmem>>
          %gather3A_214 = tpu.memref_squeeze %gather3A_213 : memref<1x8x8x128xf32, #tpu.memory_space<vmem>> -> memref<8x8x128xf32, #tpu.memory_space<vmem>>
          %gather3A_215 = tpu.vector_load_idx %gather3A_214[%add3A_32, %and3A_27, %broadcast_in_dim3A] : memref<8x8x128xf32, #tpu.memory_space<vmem>>[vector<16xi32>, vector<16xi32>, vector<16xi32>], vector<16xf32>,
          %mul3A_216 = arith.constant 64 : i32
          %mul3A_217 = arith.muli %while3A_205, %mul3A_216 : i32
          %add3A_218 = arith.constant 0 : i32
          %add3A_219 = arith.addi %mul3A_217, %add3A_218 : i32
          %swap3A_220 = arith.index_cast %add3A_219 : i32 to index
          %swap3A_221 = tpu.vector_load %arg11[%swap3A_220] {strides = array<i32>} : memref<32768xf32, #tpu.memory_space<vmem>>, vector<16xf32>,
          tpu.vector_store %arg11[%swap3A_220], %gather3A_215 {strides = array<i32>} : memref<32768xf32, #tpu.memory_space<vmem>>, vector<16xf32>,
          %gather3A_222 = arith.constant 0 : i32
          %gather3A_223 = arith.constant 0 : i32
          %gather3A_224 = arith.constant 0 : i32
          %gather3A_225 = tpu.memref_slice %arg10[%while3A_187, %gather3A_222, %gather3A_223, %gather3A_224] : memref<8x8x8x128xf32, #tpu.memory_space<vmem>> -> memref<1x8x8x128xf32, #tpu.memory_space<vmem>>
          %gather3A_226 = tpu.memref_squeeze %gather3A_225 : memref<1x8x8x128xf32, #tpu.memory_space<vmem>> -> memref<8x8x128xf32, #tpu.memory_space<vmem>>
          %gather3A_227 = tpu.vector_load_idx %gather3A_226[%add3A_35, %and3A_27, %broadcast_in_dim3A] : memref<8x8x128xf32, #tpu.memory_space<vmem>>[vector<16xi32>, vector<16xi32>, vector<16xi32>], vector<16xf32>,
          %mul3A_228 = arith.constant 64 : i32
          %mul3A_229 = arith.muli %while3A_205, %mul3A_228 : i32
          %add3A_230 = arith.constant 16 : i32
          %add3A_231 = arith.addi %mul3A_229, %add3A_230 : i32
          %swap3A_232 = arith.index_cast %add3A_231 : i32 to index
          %swap3A_233 = tpu.vector_load %arg11[%swap3A_232] {strides = array<i32>} : memref<32768xf32, #tpu.memory_space<vmem>>, vector<16xf32>,
          tpu.vector_store %arg11[%swap3A_232], %gather3A_227 {strides = array<i32>} : memref<32768xf32, #tpu.memory_space<vmem>>, vector<16xf32>,
          %gather3A_234 = arith.constant 0 : i32
          %gather3A_235 = arith.constant 0 : i32
          %gather3A_236 = arith.constant 0 : i32
          %gather3A_237 = tpu.memref_slice %arg10[%while3A_187, %gather3A_234, %gather3A_235, %gather3A_236] : memref<8x8x8x128xf32, #tpu.memory_space<vmem>> -> memref<1x8x8x128xf32, #tpu.memory_space<vmem>>
          %gather3A_238 = tpu.memref_squeeze %gather3A_237 : memref<1x8x8x128xf32, #tpu.memory_space<vmem>> -> memref<8x8x128xf32, #tpu.memory_space<vmem>>
          %gather3A_239 = tpu.vector_load_idx %gather3A_238[%add3A_38, %and3A_27, %broadcast_in_dim3A] : memref<8x8x128xf32, #tpu.memory_space<vmem>>[vector<16xi32>, vector<16xi32>, vector<16xi32>], vector<16xf32>,
          %mul3A_240 = arith.constant 64 : i32
          %mul3A_241 = arith.muli %while3A_205, %mul3A_240 : i32
          %add3A_242 = arith.constant 32 : i32
          %add3A_243 = arith.addi %mul3A_241, %add3A_242 : i32
          %swap3A_244 = arith.index_cast %add3A_243 : i32 to index
          %swap3A_245 = tpu.vector_load %arg11[%swap3A_244] {strides = array<i32>} : memref<32768xf32, #tpu.memory_space<vmem>>, vector<16xf32>,
          tpu.vector_store %arg11[%swap3A_244], %gather3A_239 {strides = array<i32>} : memref<32768xf32, #tpu.memory_space<vmem>>, vector<16xf32>,
          %gather3A_246 = arith.constant 0 : i32
          %gather3A_247 = arith.constant 0 : i32
          %gather3A_248 = arith.constant 0 : i32
          %gather3A_249 = tpu.memref_slice %arg10[%while3A_187, %gather3A_246, %gather3A_247, %gather3A_248] : memref<8x8x8x128xf32, #tpu.memory_space<vmem>> -> memref<1x8x8x128xf32, #tpu.memory_space<vmem>>
          %gather3A_250 = tpu.memref_squeeze %gather3A_249 : memref<1x8x8x128xf32, #tpu.memory_space<vmem>> -> memref<8x8x128xf32, #tpu.memory_space<vmem>>
          %gather3A_251 = tpu.vector_load_idx %gather3A_250[%add3A_41, %and3A_27, %broadcast_in_dim3A] : memref<8x8x128xf32, #tpu.memory_space<vmem>>[vector<16xi32>, vector<16xi32>, vector<16xi32>], vector<16xf32>,
          %mul3A_252 = arith.constant 64 : i32
          %mul3A_253 = arith.muli %while3A_205, %mul3A_252 : i32
          %add3A_254 = arith.constant 48 : i32
          %add3A_255 = arith.addi %mul3A_253, %add3A_254 : i32
          %swap3A_256 = arith.index_cast %add3A_255 : i32 to index
          %swap3A_257 = tpu.vector_load %arg11[%swap3A_256] {strides = array<i32>} : memref<32768xf32, #tpu.memory_space<vmem>>, vector<16xf32>,
          tpu.vector_store %arg11[%swap3A_256], %gather3A_251 {strides = array<i32>} : memref<32768xf32, #tpu.memory_space<vmem>>, vector<16xf32>,
          %mul3A_258 = arith.constant 64 : i32
          %mul3A_259 = arith.muli %while3A_205, %mul3A_258 : i32
          %get3A_260 = arith.index_cast %while3A_205 : i32 to index
          %get3A_261 = memref.load %arg8[%get3A_260] : memref<512xi32, #tpu.memory_space<smem>>
          %mul3A_262 = arith.constant 64 : i32
          %mul3A_263 = arith.muli %get3A_261, %mul3A_262 : i32
          %dma_start3A_264 = tpu.memref_slice %arg11[%mul3A_259] : memref<32768xf32, #tpu.memory_space<vmem>> -> memref<64xf32, #tpu.memory_space<vmem>>
          %dma_start3A_265 = tpu.memref_slice %arg5[%mul3A_263] : memref<1048576xf32, #tpu.memory_space<hbm>> -> memref<64xf32, #tpu.memory_space<hbm>>
          %dma_start3A_266 = tpu.memref_slice %arg5[%mul3A_263] : memref<1048576xf32, #tpu.memory_space<hbm>> -> memref<64xf32, #tpu.memory_space<hbm>>
          %dma_start3A_267 = tpu.memref_slice %arg11[%mul3A_259] : memref<32768xf32, #tpu.memory_space<vmem>> -> memref<64xf32, #tpu.memory_space<vmem>>
          tpu.enqueue_dma source(%dma_start3A_267 : memref<64xf32, #tpu.memory_space<vmem>>) target(%dma_start3A_266 : memref<64xf32, #tpu.memory_space<hbm>>) target_semaphore(%arg13 : memref<!tpu.dma_semaphore, #tpu.memory_space<semaphore_mem>>)
          %while3A_268 = arith.constant 0 : i32
          scf.yield %while3A_268 : i32
        }
        %add3A_199 = arith.constant 8 : i32
        %add3A_200 = arith.addi %add3A_157, %add3A_199 : i32
        %lt3A_201 = arith.cmpi slt, %add3A_200, %scan3A_22#0 : i32
        %convert_element_type3A_202 = arith.extui %lt3A_201 : i1 to i32
        %cond3A_203 = arith.constant 0 : i32
        %cond3A_204 = arith.cmpi ne, %convert_element_type3A_202, %cond3A_203 : i32
        scf.if %cond3A_204 {
          %get3A_205 = arith.index_cast %add3A_200 : i32 to index
          %get3A_206 = memref.load %arg9[%get3A_205] : memref<513xi32, #tpu.memory_space<smem>>
          %get3A_207 = arith.index_cast %get3A_206 : i32 to index
          %get3A_208 = memref.load %arg7[%get3A_207] : memref<512xi32, #tpu.memory_space<smem>>
          %shift_right_logical3A_209 = arith.constant 7 : i32
          %shift_right_logical3A_210 = arith.shrui %get3A_208, %shift_right_logical3A_209 : i32
          %shift_left3A = arith.constant 7 : i32
          %shift_left3A_211 = arith.shli %shift_right_logical3A_210, %shift_left3A : i32
          %multiple_of3A = tpu.assume_multiple %shift_left3A_211, 128 : i32
          %dma_start3A_212 = arith.constant 7 : i32
          %dma_start3A_213 = arith.constant 0 : i32
          %dma_start3A_214 = arith.constant 0 : i32
          %dma_start3A_215 = arith.constant 0 : i32
          %dma_start3A_216 = tpu.memref_slice %arg10[%dma_start3A_212, %dma_start3A_213, %dma_start3A_214, %dma_start3A_215] : memref<8x8x8x128xf32, #tpu.memory_space<vmem>> -> memref<1x8x8x128xf32, #tpu.memory_space<vmem>>
          %dma_start3A_217 = tpu.memref_squeeze %dma_start3A_216 : memref<1x8x8x128xf32, #tpu.memory_space<vmem>> -> memref<8x8x128xf32, #tpu.memory_space<vmem>>
          %dma_start3A_218 = arith.constant 0 : i32
          %dma_start3A_219 = arith.constant 0 : i32
          %dma_start3A_220 = tpu.memref_slice %arg2[%dma_start3A_218, %dma_start3A_219, %multiple_of3A] : memref<8x8x1000001xf32, #tpu.memory_space<hbm>> -> memref<8x8x128xf32, #tpu.memory_space<hbm>>
          %dma_start3A_221 = arith.constant 0 : i32
          %dma_start3A_222 = arith.constant 0 : i32
          %dma_start3A_223 = arith.constant 0 : i32
          %dma_start3A_224 = tpu.memref_slice %arg10[%dma_start3A_212, %dma_start3A_221, %dma_start3A_222, %dma_start3A_223] : memref<8x8x8x128xf32, #tpu.memory_space<vmem>> -> memref<1x8x8x128xf32, #tpu.memory_space<vmem>>
          %dma_start3A_225 = tpu.memref_squeeze %dma_start3A_224 : memref<1x8x8x128xf32, #tpu.memory_space<vmem>> -> memref<8x8x128xf32, #tpu.memory_space<vmem>>
          %dma_start3A_226 = arith.constant 0 : i32
          %dma_start3A_227 = arith.constant 0 : i32
          %dma_start3A_228 = tpu.memref_slice %arg2[%dma_start3A_226, %dma_start3A_227, %multiple_of3A] : memref<8x8x1000001xf32, #tpu.memory_space<hbm>> -> memref<8x8x128xf32, #tpu.memory_space<hbm>>
          tpu.enqueue_dma source(%dma_start3A_228 : memref<8x8x128xf32, #tpu.memory_space<hbm>>) target(%dma_start3A_225 : memref<8x8x128xf32, #tpu.memory_space<vmem>>) target_semaphore(%arg21 : memref<!tpu.dma_semaphore, #tpu.memory_space<semaphore_mem>>)
        } else {
        }
      } else {
      }
      %while3A_162 = arith.constant 0 : i32
      scf.yield %while3A_162 : i32
    }
    %while3A_91 = arith.constant 1 : i32
    %while3A_92 = scf.for %while3A_97 = %while3A_88 to %while3A_84 step %while3A_91 iter_args(%while3A_98 = %while3A_90) -> (i32)  : i32 {
      %mul3A_99 = arith.constant 8 : i32
      %mul3A_100 = arith.muli %while3A_97, %mul3A_99 : i32
      %add3A_101 = arith.constant 0 : i32
      %add3A_102 = arith.addi %mul3A_100, %add3A_101 : i32
      %lt3A = arith.cmpi slt, %add3A_102, %scan3A_22#0 : i32
      %convert_element_type3A_103 = arith.extui %lt3A : i1 to i32
      %cond3A_104 = arith.constant 0 : i32
      %cond3A_105 = arith.cmpi ne, %convert_element_type3A_103, %cond3A_104 : i32
      scf.if %cond3A_105 {
        %dma_wait3A_163 = arith.constant 0 : i32
        %dma_wait3A_164 = arith.constant 0 : i32
        %dma_wait3A_165 = arith.constant 0 : i32
        %dma_wait3A_166 = arith.constant 0 : i32
        %dma_wait3A_167 = tpu.memref_slice %arg10[%dma_wait3A_163, %dma_wait3A_164, %dma_wait3A_165, %dma_wait3A_166] : memref<8x8x8x128xf32, #tpu.memory_space<vmem>> -> memref<1x8x8x128xf32, #tpu.memory_space<vmem>>
        %dma_wait3A_168 = tpu.memref_squeeze %dma_wait3A_167 : memref<1x8x8x128xf32, #tpu.memory_space<vmem>> -> memref<8x8x128xf32, #tpu.memory_space<vmem>>
        %dma_wait3A_169 = arith.constant 0 : i32
        %dma_wait3A_170 = arith.constant 0 : i32
        %dma_wait3A_171 = arith.constant 0 : i32
        %dma_wait3A_172 = tpu.memref_slice %arg2[%dma_wait3A_169, %dma_wait3A_170, %dma_wait3A_171] : memref<8x8x1000001xf32, #tpu.memory_space<hbm>> -> memref<8x8x128xf32, #tpu.memory_space<hbm>>
        %dma_wait3A_173 = arith.constant 0 : i32
        %dma_wait3A_174 = arith.constant 0 : i32
        %dma_wait3A_175 = arith.constant 0 : i32
        %dma_wait3A_176 = tpu.memref_slice %arg10[%dma_wait3A_163, %dma_wait3A_173, %dma_wait3A_174, %dma_wait3A_175] : memref<8x8x8x128xf32, #tpu.memory_space<vmem>> -> memref<1x8x8x128xf32, #tpu.memory_space<vmem>>
        %dma_wait3A_177 = tpu.memref_squeeze %dma_wait3A_176 : memref<1x8x8x128xf32, #tpu.memory_space<vmem>> -> memref<8x8x128xf32, #tpu.memory_space<vmem>>
        %dma_wait3A_178 = arith.constant 0 : i32
        %dma_wait3A_179 = arith.constant 0 : i32
        %dma_wait3A_180 = arith.constant 0 : i32
        %dma_wait3A_181 = tpu.memref_slice %arg2[%dma_wait3A_178, %dma_wait3A_179, %dma_wait3A_180] : memref<8x8x1000001xf32, #tpu.memory_space<hbm>> -> memref<8x8x128xf32, #tpu.memory_space<hbm>>
        tpu.wait_dma2 semaphore(%arg14 : memref<!tpu.dma_semaphore, #tpu.memory_space<semaphore_mem>>) src(%dma_wait3A_181 : memref<8x8x128xf32, #tpu.memory_space<hbm>>) dst(%dma_wait3A_177 : memref<8x8x128xf32, #tpu.memory_space<vmem>>)
        %get3A = arith.index_cast %add3A_102 : i32 to index
        %get3A_182 = memref.load %arg9[%get3A] : memref<513xi32, #tpu.memory_space<smem>>
        %add3A_183 = arith.constant 1 : i32
        %add3A_184 = arith.addi %add3A_102, %add3A_183 : i32
        %get3A_185 = arith.index_cast %add3A_184 : i32 to index
        %get3A_186 = memref.load %arg9[%get3A_185] : memref<513xi32, #tpu.memory_space<smem>>
        %while3A_187 = arith.constant 0 : i32
        %while3A_188 = arith.constant 0 : i32
        %while3A_189 = arith.subi %get3A_186, %get3A_182 : i32
        %while3A_190 = arith.addi %get3A_182, %while3A_189 : i32
        %while3A_191 = arith.constant 1 : i32
        %while3A_192 = arith.divsi %while3A_189, %while3A_191 : i32
        %while3A_193 = arith.muli %while3A_192, %while3A_191 : i32
        %while3A_194 = arith.addi %get3A_182, %while3A_193 : i32
        %while3A_195 = arith.constant 1 : i32
        %while3A_196 = scf.for %while3A_205 = %get3A_182 to %while3A_194 step %while3A_195 iter_args(%while3A_206 = %while3A_188) -> (i32)  : i32 {
          %get3A_207 = arith.index_cast %while3A_205 : i32 to index
          %get3A_208 = memref.load %arg7[%get3A_207] : memref<512xi32, #tpu.memory_space<smem>>
          %and3A_209 = arith.constant 127 : i32
          %and3A_210 = arith.andi %get3A_208, %and3A_209 : i32
          %broadcast_in_dim3A = vector.broadcast %and3A_210 : i32 to vector<16xi32>
          %gather3A = arith.constant 0 : i32
          %gather3A_211 = arith.constant 0 : i32
          %gather3A_212 = arith.constant 0 : i32
          %gather3A_213 = tpu.memref_slice %arg10[%while3A_187, %gather3A, %gather3A_211, %gather3A_212] : memref<8x8x8x128xf32, #tpu.memory_space<vmem>> -> memref<1x8x8x128xf32, #tpu.memory_space<vmem>>
          %gather3A_214 = tpu.memref_squeeze %gather3A_213 : memref<1x8x8x128xf32, #tpu.memory_space<vmem>> -> memref<8x8x128xf32, #tpu.memory_space<vmem>>
          %gather3A_215 = tpu.vector_load_idx %gather3A_214[%add3A_32, %and3A_27, %broadcast_in_dim3A] : memref<8x8x128xf32, #tpu.memory_space<vmem>>[vector<16xi32>, vector<16xi32>, vector<16xi32>], vector<16xf32>,
          %mul3A_216 = arith.constant 64 : i32
          %mul3A_217 = arith.muli %while3A_205, %mul3A_216 : i32
          %add3A_218 = arith.constant 0 : i32
          %add3A_219 = arith.addi %mul3A_217, %add3A_218 : i32
          %swap3A_220 = arith.index_cast %add3A_219 : i32 to index
          %swap3A_221 = tpu.vector_load %arg11[%swap3A_220] {strides = array<i32>} : memref<32768xf32, #tpu.memory_space<vmem>>, vector<16xf32>,
          tpu.vector_store %arg11[%swap3A_220], %gather3A_215 {strides = array<i32>} : memref<32768xf32, #tpu.memory_space<vmem>>, vector<16xf32>,
          %gather3A_222 = arith.constant 0 : i32
          %gather3A_223 = arith.constant 0 : i32
          %gather3A_224 = arith.constant 0 : i32
          %gather3A_225 = tpu.memref_slice %arg10[%while3A_187, %gather3A_222, %gather3A_223, %gather3A_224] : memref<8x8x8x128xf32, #tpu.memory_space<vmem>> -> memref<1x8x8x128xf32, #tpu.memory_space<vmem>>
          %gather3A_226 = tpu.memref_squeeze %gather3A_225 : memref<1x8x8x128xf32, #tpu.memory_space<vmem>> -> memref<8x8x128xf32, #tpu.memory_space<vmem>>
          %gather3A_227 = tpu.vector_load_idx %gather3A_226[%add3A_35, %and3A_27, %broadcast_in_dim3A] : memref<8x8x128xf32, #tpu.memory_space<vmem>>[vector<16xi32>, vector<16xi32>, vector<16xi32>], vector<16xf32>,
          %mul3A_228 = arith.constant 64 : i32
          %mul3A_229 = arith.muli %while3A_205, %mul3A_228 : i32
          %add3A_230 = arith.constant 16 : i32
          %add3A_231 = arith.addi %mul3A_229, %add3A_230 : i32
          %swap3A_232 = arith.index_cast %add3A_231 : i32 to index
          %swap3A_233 = tpu.vector_load %arg11[%swap3A_232] {strides = array<i32>} : memref<32768xf32, #tpu.memory_space<vmem>>, vector<16xf32>,
          tpu.vector_store %arg11[%swap3A_232], %gather3A_227 {strides = array<i32>} : memref<32768xf32, #tpu.memory_space<vmem>>, vector<16xf32>,
          %gather3A_234 = arith.constant 0 : i32
          %gather3A_235 = arith.constant 0 : i32
          %gather3A_236 = arith.constant 0 : i32
          %gather3A_237 = tpu.memref_slice %arg10[%while3A_187, %gather3A_234, %gather3A_235, %gather3A_236] : memref<8x8x8x128xf32, #tpu.memory_space<vmem>> -> memref<1x8x8x128xf32, #tpu.memory_space<vmem>>
          %gather3A_238 = tpu.memref_squeeze %gather3A_237 : memref<1x8x8x128xf32, #tpu.memory_space<vmem>> -> memref<8x8x128xf32, #tpu.memory_space<vmem>>
          %gather3A_239 = tpu.vector_load_idx %gather3A_238[%add3A_38, %and3A_27, %broadcast_in_dim3A] : memref<8x8x128xf32, #tpu.memory_space<vmem>>[vector<16xi32>, vector<16xi32>, vector<16xi32>], vector<16xf32>,
          %mul3A_240 = arith.constant 64 : i32
          %mul3A_241 = arith.muli %while3A_205, %mul3A_240 : i32
          %add3A_242 = arith.constant 32 : i32
          %add3A_243 = arith.addi %mul3A_241, %add3A_242 : i32
          %swap3A_244 = arith.index_cast %add3A_243 : i32 to index
          %swap3A_245 = tpu.vector_load %arg11[%swap3A_244] {strides = array<i32>} : memref<32768xf32, #tpu.memory_space<vmem>>, vector<16xf32>,
          tpu.vector_store %arg11[%swap3A_244], %gather3A_239 {strides = array<i32>} : memref<32768xf32, #tpu.memory_space<vmem>>, vector<16xf32>,
          %gather3A_246 = arith.constant 0 : i32
          %gather3A_247 = arith.constant 0 : i32
          %gather3A_248 = arith.constant 0 : i32
          %gather3A_249 = tpu.memref_slice %arg10[%while3A_187, %gather3A_246, %gather3A_247, %gather3A_248] : memref<8x8x8x128xf32, #tpu.memory_space<vmem>> -> memref<1x8x8x128xf32, #tpu.memory_space<vmem>>
          %gather3A_250 = tpu.memref_squeeze %gather3A_249 : memref<1x8x8x128xf32, #tpu.memory_space<vmem>> -> memref<8x8x128xf32, #tpu.memory_space<vmem>>
          %gather3A_251 = tpu.vector_load_idx %gather3A_250[%add3A_41, %and3A_27, %broadcast_in_dim3A] : memref<8x8x128xf32, #tpu.memory_space<vmem>>[vector<16xi32>, vector<16xi32>, vector<16xi32>], vector<16xf32>,
          %mul3A_252 = arith.constant 64 : i32
          %mul3A_253 = arith.muli %while3A_205, %mul3A_252 : i32
          %add3A_254 = arith.constant 48 : i32
          %add3A_255 = arith.addi %mul3A_253, %add3A_254 : i32
          %swap3A_256 = arith.index_cast %add3A_255 : i32 to index
          %swap3A_257 = tpu.vector_load %arg11[%swap3A_256] {strides = array<i32>} : memref<32768xf32, #tpu.memory_space<vmem>>, vector<16xf32>,
          tpu.vector_store %arg11[%swap3A_256], %gather3A_251 {strides = array<i32>} : memref<32768xf32, #tpu.memory_space<vmem>>, vector<16xf32>,
          %mul3A_258 = arith.constant 64 : i32
          %mul3A_259 = arith.muli %while3A_205, %mul3A_258 : i32
          %get3A_260 = arith.index_cast %while3A_205 : i32 to index
          %get3A_261 = memref.load %arg8[%get3A_260] : memref<512xi32, #tpu.memory_space<smem>>
          %mul3A_262 = arith.constant 64 : i32
          %mul3A_263 = arith.muli %get3A_261, %mul3A_262 : i32
          %dma_start3A_264 = tpu.memref_slice %arg11[%mul3A_259] : memref<32768xf32, #tpu.memory_space<vmem>> -> memref<64xf32, #tpu.memory_space<vmem>>
          %dma_start3A_265 = tpu.memref_slice %arg5[%mul3A_263] : memref<1048576xf32, #tpu.memory_space<hbm>> -> memref<64xf32, #tpu.memory_space<hbm>>
          %dma_start3A_266 = tpu.memref_slice %arg5[%mul3A_263] : memref<1048576xf32, #tpu.memory_space<hbm>> -> memref<64xf32, #tpu.memory_space<hbm>>
          %dma_start3A_267 = tpu.memref_slice %arg11[%mul3A_259] : memref<32768xf32, #tpu.memory_space<vmem>> -> memref<64xf32, #tpu.memory_space<vmem>>
          tpu.enqueue_dma source(%dma_start3A_267 : memref<64xf32, #tpu.memory_space<vmem>>) target(%dma_start3A_266 : memref<64xf32, #tpu.memory_space<hbm>>) target_semaphore(%arg13 : memref<!tpu.dma_semaphore, #tpu.memory_space<semaphore_mem>>)
          %while3A_268 = arith.constant 0 : i32
          scf.yield %while3A_268 : i32
        }
        %while3A_197 = arith.constant 1 : i32
        %while3A_198 = scf.for %while3A_205 = %while3A_194 to %while3A_190 step %while3A_197 iter_args(%while3A_206 = %while3A_196) -> (i32)  : i32 {
          %get3A_207 = arith.index_cast %while3A_205 : i32 to index
          %get3A_208 = memref.load %arg7[%get3A_207] : memref<512xi32, #tpu.memory_space<smem>>
          %and3A_209 = arith.constant 127 : i32
          %and3A_210 = arith.andi %get3A_208, %and3A_209 : i32
          %broadcast_in_dim3A = vector.broadcast %and3A_210 : i32 to vector<16xi32>
          %gather3A = arith.constant 0 : i32
          %gather3A_211 = arith.constant 0 : i32
          %gather3A_212 = arith.constant 0 : i32
          %gather3A_213 = tpu.memref_slice %arg10[%while3A_187, %gather3A, %gather3A_211, %gather3A_212] : memref<8x8x8x128xf32, #tpu.memory_space<vmem>> -> memref<1x8x8x128xf32, #tpu.memory_space<vmem>>
          %gather3A_214 = tpu.memref_squeeze %gather3A_213 : memref<1x8x8x128xf32, #tpu.memory_space<vmem>> -> memref<8x8x128xf32, #tpu.memory_space<vmem>>
          %gather3A_215 = tpu.vector_load_idx %gather3A_214[%add3A_32, %and3A_27, %broadcast_in_dim3A] : memref<8x8x128xf32, #tpu.memory_space<vmem>>[vector<16xi32>, vector<16xi32>, vector<16xi32>], vector<16xf32>,
          %mul3A_216 = arith.constant 64 : i32
          %mul3A_217 = arith.muli %while3A_205, %mul3A_216 : i32
          %add3A_218 = arith.constant 0 : i32
          %add3A_219 = arith.addi %mul3A_217, %add3A_218 : i32
          %swap3A_220 = arith.index_cast %add3A_219 : i32 to index
          %swap3A_221 = tpu.vector_load %arg11[%swap3A_220] {strides = array<i32>} : memref<32768xf32, #tpu.memory_space<vmem>>, vector<16xf32>,
          tpu.vector_store %arg11[%swap3A_220], %gather3A_215 {strides = array<i32>} : memref<32768xf32, #tpu.memory_space<vmem>>, vector<16xf32>,
          %gather3A_222 = arith.constant 0 : i32
          %gather3A_223 = arith.constant 0 : i32
          %gather3A_224 = arith.constant 0 : i32
          %gather3A_225 = tpu.memref_slice %arg10[%while3A_187, %gather3A_222, %gather3A_223, %gather3A_224] : memref<8x8x8x128xf32, #tpu.memory_space<vmem>> -> memref<1x8x8x128xf32, #tpu.memory_space<vmem>>
          %gather3A_226 = tpu.memref_squeeze %gather3A_225 : memref<1x8x8x128xf32, #tpu.memory_space<vmem>> -> memref<8x8x128xf32, #tpu.memory_space<vmem>>
          %gather3A_227 = tpu.vector_load_idx %gather3A_226[%add3A_35, %and3A_27, %broadcast_in_dim3A] : memref<8x8x128xf32, #tpu.memory_space<vmem>>[vector<16xi32>, vector<16xi32>, vector<16xi32>], vector<16xf32>,
          %mul3A_228 = arith.constant 64 : i32
          %mul3A_229 = arith.muli %while3A_205, %mul3A_228 : i32
          %add3A_230 = arith.constant 16 : i32
          %add3A_231 = arith.addi %mul3A_229, %add3A_230 : i32
          %swap3A_232 = arith.index_cast %add3A_231 : i32 to index
          %swap3A_233 = tpu.vector_load %arg11[%swap3A_232] {strides = array<i32>} : memref<32768xf32, #tpu.memory_space<vmem>>, vector<16xf32>,
          tpu.vector_store %arg11[%swap3A_232], %gather3A_227 {strides = array<i32>} : memref<32768xf32, #tpu.memory_space<vmem>>, vector<16xf32>,
          %gather3A_234 = arith.constant 0 : i32
          %gather3A_235 = arith.constant 0 : i32
          %gather3A_236 = arith.constant 0 : i32
          %gather3A_237 = tpu.memref_slice %arg10[%while3A_187, %gather3A_234, %gather3A_235, %gather3A_236] : memref<8x8x8x128xf32, #tpu.memory_space<vmem>> -> memref<1x8x8x128xf32, #tpu.memory_space<vmem>>
          %gather3A_238 = tpu.memref_squeeze %gather3A_237 : memref<1x8x8x128xf32, #tpu.memory_space<vmem>> -> memref<8x8x128xf32, #tpu.memory_space<vmem>>
          %gather3A_239 = tpu.vector_load_idx %gather3A_238[%add3A_38, %and3A_27, %broadcast_in_dim3A] : memref<8x8x128xf32, #tpu.memory_space<vmem>>[vector<16xi32>, vector<16xi32>, vector<16xi32>], vector<16xf32>,
          %mul3A_240 = arith.constant 64 : i32
          %mul3A_241 = arith.muli %while3A_205, %mul3A_240 : i32
          %add3A_242 = arith.constant 32 : i32
          %add3A_243 = arith.addi %mul3A_241, %add3A_242 : i32
          %swap3A_244 = arith.index_cast %add3A_243 : i32 to index
          %swap3A_245 = tpu.vector_load %arg11[%swap3A_244] {strides = array<i32>} : memref<32768xf32, #tpu.memory_space<vmem>>, vector<16xf32>,
          tpu.vector_store %arg11[%swap3A_244], %gather3A_239 {strides = array<i32>} : memref<32768xf32, #tpu.memory_space<vmem>>, vector<16xf32>,
          %gather3A_246 = arith.constant 0 : i32
          %gather3A_247 = arith.constant 0 : i32
          %gather3A_248 = arith.constant 0 : i32
          %gather3A_249 = tpu.memref_slice %arg10[%while3A_187, %gather3A_246, %gather3A_247, %gather3A_248] : memref<8x8x8x128xf32, #tpu.memory_space<vmem>> -> memref<1x8x8x128xf32, #tpu.memory_space<vmem>>
          %gather3A_250 = tpu.memref_squeeze %gather3A_249 : memref<1x8x8x128xf32, #tpu.memory_space<vmem>> -> memref<8x8x128xf32, #tpu.memory_space<vmem>>
          %gather3A_251 = tpu.vector_load_idx %gather3A_250[%add3A_41, %and3A_27, %broadcast_in_dim3A] : memref<8x8x128xf32, #tpu.memory_space<vmem>>[vector<16xi32>, vector<16xi32>, vector<16xi32>], vector<16xf32>,
          %mul3A_252 = arith.constant 64 : i32
          %mul3A_253 = arith.muli %while3A_205, %mul3A_252 : i32
          %add3A_254 = arith.constant 48 : i32
          %add3A_255 = arith.addi %mul3A_253, %add3A_254 : i32
          %swap3A_256 = arith.index_cast %add3A_255 : i32 to index
          %swap3A_257 = tpu.vector_load %arg11[%swap3A_256] {strides = array<i32>} : memref<32768xf32, #tpu.memory_space<vmem>>, vector<16xf32>,
          tpu.vector_store %arg11[%swap3A_256], %gather3A_251 {strides = array<i32>} : memref<32768xf32, #tpu.memory_space<vmem>>, vector<16xf32>,
          %mul3A_258 = arith.constant 64 : i32
          %mul3A_259 = arith.muli %while3A_205, %mul3A_258 : i32
          %get3A_260 = arith.index_cast %while3A_205 : i32 to index
          %get3A_261 = memref.load %arg8[%get3A_260] : memref<512xi32, #tpu.memory_space<smem>>
          %mul3A_262 = arith.constant 64 : i32
          %mul3A_263 = arith.muli %get3A_261, %mul3A_262 : i32
          %dma_start3A_264 = tpu.memref_slice %arg11[%mul3A_259] : memref<32768xf32, #tpu.memory_space<vmem>> -> memref<64xf32, #tpu.memory_space<vmem>>
          %dma_start3A_265 = tpu.memref_slice %arg5[%mul3A_263] : memref<1048576xf32, #tpu.memory_space<hbm>> -> memref<64xf32, #tpu.memory_space<hbm>>
          %dma_start3A_266 = tpu.memref_slice %arg5[%mul3A_263] : memref<1048576xf32, #tpu.memory_space<hbm>> -> memref<64xf32, #tpu.memory_space<hbm>>
          %dma_start3A_267 = tpu.memref_slice %arg11[%mul3A_259] : memref<32768xf32, #tpu.memory_space<vmem>> -> memref<64xf32, #tpu.memory_space<vmem>>
          tpu.enqueue_dma source(%dma_start3A_267 : memref<64xf32, #tpu.memory_space<vmem>>) target(%dma_start3A_266 : memref<64xf32, #tpu.memory_space<hbm>>) target_semaphore(%arg13 : memref<!tpu.dma_semaphore, #tpu.memory_space<semaphore_mem>>)
          %while3A_268 = arith.constant 0 : i32
          scf.yield %while3A_268 : i32
        }
        %add3A_199 = arith.constant 8 : i32
        %add3A_200 = arith.addi %add3A_102, %add3A_199 : i32
        %lt3A_201 = arith.cmpi slt, %add3A_200, %scan3A_22#0 : i32
        %convert_element_type3A_202 = arith.extui %lt3A_201 : i1 to i32
        %cond3A_203 = arith.constant 0 : i32
        %cond3A_204 = arith.cmpi ne, %convert_element_type3A_202, %cond3A_203 : i32
        scf.if %cond3A_204 {
          %get3A_205 = arith.index_cast %add3A_200 : i32 to index
          %get3A_206 = memref.load %arg9[%get3A_205] : memref<513xi32, #tpu.memory_space<smem>>
          %get3A_207 = arith.index_cast %get3A_206 : i32 to index
          %get3A_208 = memref.load %arg7[%get3A_207] : memref<512xi32, #tpu.memory_space<smem>>
          %shift_right_logical3A_209 = arith.constant 7 : i32
          %shift_right_logical3A_210 = arith.shrui %get3A_208, %shift_right_logical3A_209 : i32
          %shift_left3A = arith.constant 7 : i32
          %shift_left3A_211 = arith.shli %shift_right_logical3A_210, %shift_left3A : i32
          %multiple_of3A = tpu.assume_multiple %shift_left3A_211, 128 : i32
          %dma_start3A_212 = arith.constant 0 : i32
          %dma_start3A_213 = arith.constant 0 : i32
          %dma_start3A_214 = arith.constant 0 : i32
          %dma_start3A_215 = arith.constant 0 : i32
          %dma_start3A_216 = tpu.memref_slice %arg10[%dma_start3A_212, %dma_start3A_213, %dma_start3A_214, %dma_start3A_215] : memref<8x8x8x128xf32, #tpu.memory_space<vmem>> -> memref<1x8x8x128xf32, #tpu.memory_space<vmem>>
          %dma_start3A_217 = tpu.memref_squeeze %dma_start3A_216 : memref<1x8x8x128xf32, #tpu.memory_space<vmem>> -> memref<8x8x128xf32, #tpu.memory_space<vmem>>
          %dma_start3A_218 = arith.constant 0 : i32
          %dma_start3A_219 = arith.constant 0 : i32
          %dma_start3A_220 = tpu.memref_slice %arg2[%dma_start3A_218, %dma_start3A_219, %multiple_of3A] : memref<8x8x1000001xf32, #tpu.memory_space<hbm>> -> memref<8x8x128xf32, #tpu.memory_space<hbm>>
          %dma_start3A_221 = arith.constant 0 : i32
          %dma_start3A_222 = arith.constant 0 : i32
          %dma_start3A_223 = arith.constant 0 : i32
          %dma_start3A_224 = tpu.memref_slice %arg10[%dma_start3A_212, %dma_start3A_221, %dma_start3A_222, %dma_start3A_223] : memref<8x8x8x128xf32, #tpu.memory_space<vmem>> -> memref<1x8x8x128xf32, #tpu.memory_space<vmem>>
          %dma_start3A_225 = tpu.memref_squeeze %dma_start3A_224 : memref<1x8x8x128xf32, #tpu.memory_space<vmem>> -> memref<8x8x128xf32, #tpu.memory_space<vmem>>
          %dma_start3A_226 = arith.constant 0 : i32
          %dma_start3A_227 = arith.constant 0 : i32
          %dma_start3A_228 = tpu.memref_slice %arg2[%dma_start3A_226, %dma_start3A_227, %multiple_of3A] : memref<8x8x1000001xf32, #tpu.memory_space<hbm>> -> memref<8x8x128xf32, #tpu.memory_space<hbm>>
          tpu.enqueue_dma source(%dma_start3A_228 : memref<8x8x128xf32, #tpu.memory_space<hbm>>) target(%dma_start3A_225 : memref<8x8x128xf32, #tpu.memory_space<vmem>>) target_semaphore(%arg14 : memref<!tpu.dma_semaphore, #tpu.memory_space<semaphore_mem>>)
        } else {
        }
      } else {
      }
      %mul3A_106 = arith.constant 8 : i32
      %mul3A_107 = arith.muli %while3A_97, %mul3A_106 : i32
      %add3A_108 = arith.constant 1 : i32
      %add3A_109 = arith.addi %mul3A_107, %add3A_108 : i32
      %lt3A_110 = arith.cmpi slt, %add3A_109, %scan3A_22#0 : i32
      %convert_element_type3A_111 = arith.extui %lt3A_110 : i1 to i32
      %cond3A_112 = arith.constant 0 : i32
      %cond3A_113 = arith.cmpi ne, %convert_element_type3A_111, %cond3A_112 : i32
      scf.if %cond3A_113 {
        %dma_wait3A_163 = arith.constant 1 : i32
        %dma_wait3A_164 = arith.constant 0 : i32
        %dma_wait3A_165 = arith.constant 0 : i32
        %dma_wait3A_166 = arith.constant 0 : i32
        %dma_wait3A_167 = tpu.memref_slice %arg10[%dma_wait3A_163, %dma_wait3A_164, %dma_wait3A_165, %dma_wait3A_166] : memref<8x8x8x128xf32, #tpu.memory_space<vmem>> -> memref<1x8x8x128xf32, #tpu.memory_space<vmem>>
        %dma_wait3A_168 = tpu.memref_squeeze %dma_wait3A_167 : memref<1x8x8x128xf32, #tpu.memory_space<vmem>> -> memref<8x8x128xf32, #tpu.memory_space<vmem>>
        %dma_wait3A_169 = arith.constant 0 : i32
        %dma_wait3A_170 = arith.constant 0 : i32
        %dma_wait3A_171 = arith.constant 0 : i32
        %dma_wait3A_172 = tpu.memref_slice %arg2[%dma_wait3A_169, %dma_wait3A_170, %dma_wait3A_171] : memref<8x8x1000001xf32, #tpu.memory_space<hbm>> -> memref<8x8x128xf32, #tpu.memory_space<hbm>>
        %dma_wait3A_173 = arith.constant 0 : i32
        %dma_wait3A_174 = arith.constant 0 : i32
        %dma_wait3A_175 = arith.constant 0 : i32
        %dma_wait3A_176 = tpu.memref_slice %arg10[%dma_wait3A_163, %dma_wait3A_173, %dma_wait3A_174, %dma_wait3A_175] : memref<8x8x8x128xf32, #tpu.memory_space<vmem>> -> memref<1x8x8x128xf32, #tpu.memory_space<vmem>>
        %dma_wait3A_177 = tpu.memref_squeeze %dma_wait3A_176 : memref<1x8x8x128xf32, #tpu.memory_space<vmem>> -> memref<8x8x128xf32, #tpu.memory_space<vmem>>
        %dma_wait3A_178 = arith.constant 0 : i32
        %dma_wait3A_179 = arith.constant 0 : i32
        %dma_wait3A_180 = arith.constant 0 : i32
        %dma_wait3A_181 = tpu.memref_slice %arg2[%dma_wait3A_178, %dma_wait3A_179, %dma_wait3A_180] : memref<8x8x1000001xf32, #tpu.memory_space<hbm>> -> memref<8x8x128xf32, #tpu.memory_space<hbm>>
        tpu.wait_dma2 semaphore(%arg15 : memref<!tpu.dma_semaphore, #tpu.memory_space<semaphore_mem>>) src(%dma_wait3A_181 : memref<8x8x128xf32, #tpu.memory_space<hbm>>) dst(%dma_wait3A_177 : memref<8x8x128xf32, #tpu.memory_space<vmem>>)
        %get3A = arith.index_cast %add3A_109 : i32 to index
        %get3A_182 = memref.load %arg9[%get3A] : memref<513xi32, #tpu.memory_space<smem>>
        %add3A_183 = arith.constant 1 : i32
        %add3A_184 = arith.addi %add3A_109, %add3A_183 : i32
        %get3A_185 = arith.index_cast %add3A_184 : i32 to index
        %get3A_186 = memref.load %arg9[%get3A_185] : memref<513xi32, #tpu.memory_space<smem>>
        %while3A_187 = arith.constant 1 : i32
        %while3A_188 = arith.constant 0 : i32
        %while3A_189 = arith.subi %get3A_186, %get3A_182 : i32
        %while3A_190 = arith.addi %get3A_182, %while3A_189 : i32
        %while3A_191 = arith.constant 1 : i32
        %while3A_192 = arith.divsi %while3A_189, %while3A_191 : i32
        %while3A_193 = arith.muli %while3A_192, %while3A_191 : i32
        %while3A_194 = arith.addi %get3A_182, %while3A_193 : i32
        %while3A_195 = arith.constant 1 : i32
        %while3A_196 = scf.for %while3A_205 = %get3A_182 to %while3A_194 step %while3A_195 iter_args(%while3A_206 = %while3A_188) -> (i32)  : i32 {
          %get3A_207 = arith.index_cast %while3A_205 : i32 to index
          %get3A_208 = memref.load %arg7[%get3A_207] : memref<512xi32, #tpu.memory_space<smem>>
          %and3A_209 = arith.constant 127 : i32
          %and3A_210 = arith.andi %get3A_208, %and3A_209 : i32
          %broadcast_in_dim3A = vector.broadcast %and3A_210 : i32 to vector<16xi32>
          %gather3A = arith.constant 0 : i32
          %gather3A_211 = arith.constant 0 : i32
          %gather3A_212 = arith.constant 0 : i32
          %gather3A_213 = tpu.memref_slice %arg10[%while3A_187, %gather3A, %gather3A_211, %gather3A_212] : memref<8x8x8x128xf32, #tpu.memory_space<vmem>> -> memref<1x8x8x128xf32, #tpu.memory_space<vmem>>
          %gather3A_214 = tpu.memref_squeeze %gather3A_213 : memref<1x8x8x128xf32, #tpu.memory_space<vmem>> -> memref<8x8x128xf32, #tpu.memory_space<vmem>>
          %gather3A_215 = tpu.vector_load_idx %gather3A_214[%add3A_32, %and3A_27, %broadcast_in_dim3A] : memref<8x8x128xf32, #tpu.memory_space<vmem>>[vector<16xi32>, vector<16xi32>, vector<16xi32>], vector<16xf32>,
          %mul3A_216 = arith.constant 64 : i32
          %mul3A_217 = arith.muli %while3A_205, %mul3A_216 : i32
          %add3A_218 = arith.constant 0 : i32
          %add3A_219 = arith.addi %mul3A_217, %add3A_218 : i32
          %swap3A_220 = arith.index_cast %add3A_219 : i32 to index
          %swap3A_221 = tpu.vector_load %arg11[%swap3A_220] {strides = array<i32>} : memref<32768xf32, #tpu.memory_space<vmem>>, vector<16xf32>,
          tpu.vector_store %arg11[%swap3A_220], %gather3A_215 {strides = array<i32>} : memref<32768xf32, #tpu.memory_space<vmem>>, vector<16xf32>,
          %gather3A_222 = arith.constant 0 : i32
          %gather3A_223 = arith.constant 0 : i32
          %gather3A_224 = arith.constant 0 : i32
          %gather3A_225 = tpu.memref_slice %arg10[%while3A_187, %gather3A_222, %gather3A_223, %gather3A_224] : memref<8x8x8x128xf32, #tpu.memory_space<vmem>> -> memref<1x8x8x128xf32, #tpu.memory_space<vmem>>
          %gather3A_226 = tpu.memref_squeeze %gather3A_225 : memref<1x8x8x128xf32, #tpu.memory_space<vmem>> -> memref<8x8x128xf32, #tpu.memory_space<vmem>>
          %gather3A_227 = tpu.vector_load_idx %gather3A_226[%add3A_35, %and3A_27, %broadcast_in_dim3A] : memref<8x8x128xf32, #tpu.memory_space<vmem>>[vector<16xi32>, vector<16xi32>, vector<16xi32>], vector<16xf32>,
          %mul3A_228 = arith.constant 64 : i32
          %mul3A_229 = arith.muli %while3A_205, %mul3A_228 : i32
          %add3A_230 = arith.constant 16 : i32
          %add3A_231 = arith.addi %mul3A_229, %add3A_230 : i32
          %swap3A_232 = arith.index_cast %add3A_231 : i32 to index
          %swap3A_233 = tpu.vector_load %arg11[%swap3A_232] {strides = array<i32>} : memref<32768xf32, #tpu.memory_space<vmem>>, vector<16xf32>,
          tpu.vector_store %arg11[%swap3A_232], %gather3A_227 {strides = array<i32>} : memref<32768xf32, #tpu.memory_space<vmem>>, vector<16xf32>,
          %gather3A_234 = arith.constant 0 : i32
          %gather3A_235 = arith.constant 0 : i32
          %gather3A_236 = arith.constant 0 : i32
          %gather3A_237 = tpu.memref_slice %arg10[%while3A_187, %gather3A_234, %gather3A_235, %gather3A_236] : memref<8x8x8x128xf32, #tpu.memory_space<vmem>> -> memref<1x8x8x128xf32, #tpu.memory_space<vmem>>
          %gather3A_238 = tpu.memref_squeeze %gather3A_237 : memref<1x8x8x128xf32, #tpu.memory_space<vmem>> -> memref<8x8x128xf32, #tpu.memory_space<vmem>>
          %gather3A_239 = tpu.vector_load_idx %gather3A_238[%add3A_38, %and3A_27, %broadcast_in_dim3A] : memref<8x8x128xf32, #tpu.memory_space<vmem>>[vector<16xi32>, vector<16xi32>, vector<16xi32>], vector<16xf32>,
          %mul3A_240 = arith.constant 64 : i32
          %mul3A_241 = arith.muli %while3A_205, %mul3A_240 : i32
          %add3A_242 = arith.constant 32 : i32
          %add3A_243 = arith.addi %mul3A_241, %add3A_242 : i32
          %swap3A_244 = arith.index_cast %add3A_243 : i32 to index
          %swap3A_245 = tpu.vector_load %arg11[%swap3A_244] {strides = array<i32>} : memref<32768xf32, #tpu.memory_space<vmem>>, vector<16xf32>,
          tpu.vector_store %arg11[%swap3A_244], %gather3A_239 {strides = array<i32>} : memref<32768xf32, #tpu.memory_space<vmem>>, vector<16xf32>,
          %gather3A_246 = arith.constant 0 : i32
          %gather3A_247 = arith.constant 0 : i32
          %gather3A_248 = arith.constant 0 : i32
          %gather3A_249 = tpu.memref_slice %arg10[%while3A_187, %gather3A_246, %gather3A_247, %gather3A_248] : memref<8x8x8x128xf32, #tpu.memory_space<vmem>> -> memref<1x8x8x128xf32, #tpu.memory_space<vmem>>
          %gather3A_250 = tpu.memref_squeeze %gather3A_249 : memref<1x8x8x128xf32, #tpu.memory_space<vmem>> -> memref<8x8x128xf32, #tpu.memory_space<vmem>>
          %gather3A_251 = tpu.vector_load_idx %gather3A_250[%add3A_41, %and3A_27, %broadcast_in_dim3A] : memref<8x8x128xf32, #tpu.memory_space<vmem>>[vector<16xi32>, vector<16xi32>, vector<16xi32>], vector<16xf32>,
          %mul3A_252 = arith.constant 64 : i32
          %mul3A_253 = arith.muli %while3A_205, %mul3A_252 : i32
          %add3A_254 = arith.constant 48 : i32
          %add3A_255 = arith.addi %mul3A_253, %add3A_254 : i32
          %swap3A_256 = arith.index_cast %add3A_255 : i32 to index
          %swap3A_257 = tpu.vector_load %arg11[%swap3A_256] {strides = array<i32>} : memref<32768xf32, #tpu.memory_space<vmem>>, vector<16xf32>,
          tpu.vector_store %arg11[%swap3A_256], %gather3A_251 {strides = array<i32>} : memref<32768xf32, #tpu.memory_space<vmem>>, vector<16xf32>,
          %mul3A_258 = arith.constant 64 : i32
          %mul3A_259 = arith.muli %while3A_205, %mul3A_258 : i32
          %get3A_260 = arith.index_cast %while3A_205 : i32 to index
          %get3A_261 = memref.load %arg8[%get3A_260] : memref<512xi32, #tpu.memory_space<smem>>
          %mul3A_262 = arith.constant 64 : i32
          %mul3A_263 = arith.muli %get3A_261, %mul3A_262 : i32
          %dma_start3A_264 = tpu.memref_slice %arg11[%mul3A_259] : memref<32768xf32, #tpu.memory_space<vmem>> -> memref<64xf32, #tpu.memory_space<vmem>>
          %dma_start3A_265 = tpu.memref_slice %arg5[%mul3A_263] : memref<1048576xf32, #tpu.memory_space<hbm>> -> memref<64xf32, #tpu.memory_space<hbm>>
          %dma_start3A_266 = tpu.memref_slice %arg5[%mul3A_263] : memref<1048576xf32, #tpu.memory_space<hbm>> -> memref<64xf32, #tpu.memory_space<hbm>>
          %dma_start3A_267 = tpu.memref_slice %arg11[%mul3A_259] : memref<32768xf32, #tpu.memory_space<vmem>> -> memref<64xf32, #tpu.memory_space<vmem>>
          tpu.enqueue_dma source(%dma_start3A_267 : memref<64xf32, #tpu.memory_space<vmem>>) target(%dma_start3A_266 : memref<64xf32, #tpu.memory_space<hbm>>) target_semaphore(%arg13 : memref<!tpu.dma_semaphore, #tpu.memory_space<semaphore_mem>>)
          %while3A_268 = arith.constant 0 : i32
          scf.yield %while3A_268 : i32
        }
        %while3A_197 = arith.constant 1 : i32
        %while3A_198 = scf.for %while3A_205 = %while3A_194 to %while3A_190 step %while3A_197 iter_args(%while3A_206 = %while3A_196) -> (i32)  : i32 {
          %get3A_207 = arith.index_cast %while3A_205 : i32 to index
          %get3A_208 = memref.load %arg7[%get3A_207] : memref<512xi32, #tpu.memory_space<smem>>
          %and3A_209 = arith.constant 127 : i32
          %and3A_210 = arith.andi %get3A_208, %and3A_209 : i32
          %broadcast_in_dim3A = vector.broadcast %and3A_210 : i32 to vector<16xi32>
          %gather3A = arith.constant 0 : i32
          %gather3A_211 = arith.constant 0 : i32
          %gather3A_212 = arith.constant 0 : i32
          %gather3A_213 = tpu.memref_slice %arg10[%while3A_187, %gather3A, %gather3A_211, %gather3A_212] : memref<8x8x8x128xf32, #tpu.memory_space<vmem>> -> memref<1x8x8x128xf32, #tpu.memory_space<vmem>>
          %gather3A_214 = tpu.memref_squeeze %gather3A_213 : memref<1x8x8x128xf32, #tpu.memory_space<vmem>> -> memref<8x8x128xf32, #tpu.memory_space<vmem>>
          %gather3A_215 = tpu.vector_load_idx %gather3A_214[%add3A_32, %and3A_27, %broadcast_in_dim3A] : memref<8x8x128xf32, #tpu.memory_space<vmem>>[vector<16xi32>, vector<16xi32>, vector<16xi32>], vector<16xf32>,
          %mul3A_216 = arith.constant 64 : i32
          %mul3A_217 = arith.muli %while3A_205, %mul3A_216 : i32
          %add3A_218 = arith.constant 0 : i32
          %add3A_219 = arith.addi %mul3A_217, %add3A_218 : i32
          %swap3A_220 = arith.index_cast %add3A_219 : i32 to index
          %swap3A_221 = tpu.vector_load %arg11[%swap3A_220] {strides = array<i32>} : memref<32768xf32, #tpu.memory_space<vmem>>, vector<16xf32>,
          tpu.vector_store %arg11[%swap3A_220], %gather3A_215 {strides = array<i32>} : memref<32768xf32, #tpu.memory_space<vmem>>, vector<16xf32>,
          %gather3A_222 = arith.constant 0 : i32
          %gather3A_223 = arith.constant 0 : i32
          %gather3A_224 = arith.constant 0 : i32
          %gather3A_225 = tpu.memref_slice %arg10[%while3A_187, %gather3A_222, %gather3A_223, %gather3A_224] : memref<8x8x8x128xf32, #tpu.memory_space<vmem>> -> memref<1x8x8x128xf32, #tpu.memory_space<vmem>>
          %gather3A_226 = tpu.memref_squeeze %gather3A_225 : memref<1x8x8x128xf32, #tpu.memory_space<vmem>> -> memref<8x8x128xf32, #tpu.memory_space<vmem>>
          %gather3A_227 = tpu.vector_load_idx %gather3A_226[%add3A_35, %and3A_27, %broadcast_in_dim3A] : memref<8x8x128xf32, #tpu.memory_space<vmem>>[vector<16xi32>, vector<16xi32>, vector<16xi32>], vector<16xf32>,
          %mul3A_228 = arith.constant 64 : i32
          %mul3A_229 = arith.muli %while3A_205, %mul3A_228 : i32
          %add3A_230 = arith.constant 16 : i32
          %add3A_231 = arith.addi %mul3A_229, %add3A_230 : i32
          %swap3A_232 = arith.index_cast %add3A_231 : i32 to index
          %swap3A_233 = tpu.vector_load %arg11[%swap3A_232] {strides = array<i32>} : memref<32768xf32, #tpu.memory_space<vmem>>, vector<16xf32>,
          tpu.vector_store %arg11[%swap3A_232], %gather3A_227 {strides = array<i32>} : memref<32768xf32, #tpu.memory_space<vmem>>, vector<16xf32>,
          %gather3A_234 = arith.constant 0 : i32
          %gather3A_235 = arith.constant 0 : i32
          %gather3A_236 = arith.constant 0 : i32
          %gather3A_237 = tpu.memref_slice %arg10[%while3A_187, %gather3A_234, %gather3A_235, %gather3A_236] : memref<8x8x8x128xf32, #tpu.memory_space<vmem>> -> memref<1x8x8x128xf32, #tpu.memory_space<vmem>>
          %gather3A_238 = tpu.memref_squeeze %gather3A_237 : memref<1x8x8x128xf32, #tpu.memory_space<vmem>> -> memref<8x8x128xf32, #tpu.memory_space<vmem>>
          %gather3A_239 = tpu.vector_load_idx %gather3A_238[%add3A_38, %and3A_27, %broadcast_in_dim3A] : memref<8x8x128xf32, #tpu.memory_space<vmem>>[vector<16xi32>, vector<16xi32>, vector<16xi32>], vector<16xf32>,
          %mul3A_240 = arith.constant 64 : i32
          %mul3A_241 = arith.muli %while3A_205, %mul3A_240 : i32
          %add3A_242 = arith.constant 32 : i32
          %add3A_243 = arith.addi %mul3A_241, %add3A_242 : i32
          %swap3A_244 = arith.index_cast %add3A_243 : i32 to index
          %swap3A_245 = tpu.vector_load %arg11[%swap3A_244] {strides = array<i32>} : memref<32768xf32, #tpu.memory_space<vmem>>, vector<16xf32>,
          tpu.vector_store %arg11[%swap3A_244], %gather3A_239 {strides = array<i32>} : memref<32768xf32, #tpu.memory_space<vmem>>, vector<16xf32>,
          %gather3A_246 = arith.constant 0 : i32
          %gather3A_247 = arith.constant 0 : i32
          %gather3A_248 = arith.constant 0 : i32
          %gather3A_249 = tpu.memref_slice %arg10[%while3A_187, %gather3A_246, %gather3A_247, %gather3A_248] : memref<8x8x8x128xf32, #tpu.memory_space<vmem>> -> memref<1x8x8x128xf32, #tpu.memory_space<vmem>>
          %gather3A_250 = tpu.memref_squeeze %gather3A_249 : memref<1x8x8x128xf32, #tpu.memory_space<vmem>> -> memref<8x8x128xf32, #tpu.memory_space<vmem>>
          %gather3A_251 = tpu.vector_load_idx %gather3A_250[%add3A_41, %and3A_27, %broadcast_in_dim3A] : memref<8x8x128xf32, #tpu.memory_space<vmem>>[vector<16xi32>, vector<16xi32>, vector<16xi32>], vector<16xf32>,
          %mul3A_252 = arith.constant 64 : i32
          %mul3A_253 = arith.muli %while3A_205, %mul3A_252 : i32
          %add3A_254 = arith.constant 48 : i32
          %add3A_255 = arith.addi %mul3A_253, %add3A_254 : i32
          %swap3A_256 = arith.index_cast %add3A_255 : i32 to index
          %swap3A_257 = tpu.vector_load %arg11[%swap3A_256] {strides = array<i32>} : memref<32768xf32, #tpu.memory_space<vmem>>, vector<16xf32>,
          tpu.vector_store %arg11[%swap3A_256], %gather3A_251 {strides = array<i32>} : memref<32768xf32, #tpu.memory_space<vmem>>, vector<16xf32>,
          %mul3A_258 = arith.constant 64 : i32
          %mul3A_259 = arith.muli %while3A_205, %mul3A_258 : i32
          %get3A_260 = arith.index_cast %while3A_205 : i32 to index
          %get3A_261 = memref.load %arg8[%get3A_260] : memref<512xi32, #tpu.memory_space<smem>>
          %mul3A_262 = arith.constant 64 : i32
          %mul3A_263 = arith.muli %get3A_261, %mul3A_262 : i32
          %dma_start3A_264 = tpu.memref_slice %arg11[%mul3A_259] : memref<32768xf32, #tpu.memory_space<vmem>> -> memref<64xf32, #tpu.memory_space<vmem>>
          %dma_start3A_265 = tpu.memref_slice %arg5[%mul3A_263] : memref<1048576xf32, #tpu.memory_space<hbm>> -> memref<64xf32, #tpu.memory_space<hbm>>
          %dma_start3A_266 = tpu.memref_slice %arg5[%mul3A_263] : memref<1048576xf32, #tpu.memory_space<hbm>> -> memref<64xf32, #tpu.memory_space<hbm>>
          %dma_start3A_267 = tpu.memref_slice %arg11[%mul3A_259] : memref<32768xf32, #tpu.memory_space<vmem>> -> memref<64xf32, #tpu.memory_space<vmem>>
          tpu.enqueue_dma source(%dma_start3A_267 : memref<64xf32, #tpu.memory_space<vmem>>) target(%dma_start3A_266 : memref<64xf32, #tpu.memory_space<hbm>>) target_semaphore(%arg13 : memref<!tpu.dma_semaphore, #tpu.memory_space<semaphore_mem>>)
          %while3A_268 = arith.constant 0 : i32
          scf.yield %while3A_268 : i32
        }
        %add3A_199 = arith.constant 8 : i32
        %add3A_200 = arith.addi %add3A_109, %add3A_199 : i32
        %lt3A_201 = arith.cmpi slt, %add3A_200, %scan3A_22#0 : i32
        %convert_element_type3A_202 = arith.extui %lt3A_201 : i1 to i32
        %cond3A_203 = arith.constant 0 : i32
        %cond3A_204 = arith.cmpi ne, %convert_element_type3A_202, %cond3A_203 : i32
        scf.if %cond3A_204 {
          %get3A_205 = arith.index_cast %add3A_200 : i32 to index
          %get3A_206 = memref.load %arg9[%get3A_205] : memref<513xi32, #tpu.memory_space<smem>>
          %get3A_207 = arith.index_cast %get3A_206 : i32 to index
          %get3A_208 = memref.load %arg7[%get3A_207] : memref<512xi32, #tpu.memory_space<smem>>
          %shift_right_logical3A_209 = arith.constant 7 : i32
          %shift_right_logical3A_210 = arith.shrui %get3A_208, %shift_right_logical3A_209 : i32
          %shift_left3A = arith.constant 7 : i32
          %shift_left3A_211 = arith.shli %shift_right_logical3A_210, %shift_left3A : i32
          %multiple_of3A = tpu.assume_multiple %shift_left3A_211, 128 : i32
          %dma_start3A_212 = arith.constant 1 : i32
          %dma_start3A_213 = arith.constant 0 : i32
          %dma_start3A_214 = arith.constant 0 : i32
          %dma_start3A_215 = arith.constant 0 : i32
          %dma_start3A_216 = tpu.memref_slice %arg10[%dma_start3A_212, %dma_start3A_213, %dma_start3A_214, %dma_start3A_215] : memref<8x8x8x128xf32, #tpu.memory_space<vmem>> -> memref<1x8x8x128xf32, #tpu.memory_space<vmem>>
          %dma_start3A_217 = tpu.memref_squeeze %dma_start3A_216 : memref<1x8x8x128xf32, #tpu.memory_space<vmem>> -> memref<8x8x128xf32, #tpu.memory_space<vmem>>
          %dma_start3A_218 = arith.constant 0 : i32
          %dma_start3A_219 = arith.constant 0 : i32
          %dma_start3A_220 = tpu.memref_slice %arg2[%dma_start3A_218, %dma_start3A_219, %multiple_of3A] : memref<8x8x1000001xf32, #tpu.memory_space<hbm>> -> memref<8x8x128xf32, #tpu.memory_space<hbm>>
          %dma_start3A_221 = arith.constant 0 : i32
          %dma_start3A_222 = arith.constant 0 : i32
          %dma_start3A_223 = arith.constant 0 : i32
          %dma_start3A_224 = tpu.memref_slice %arg10[%dma_start3A_212, %dma_start3A_221, %dma_start3A_222, %dma_start3A_223] : memref<8x8x8x128xf32, #tpu.memory_space<vmem>> -> memref<1x8x8x128xf32, #tpu.memory_space<vmem>>
          %dma_start3A_225 = tpu.memref_squeeze %dma_start3A_224 : memref<1x8x8x128xf32, #tpu.memory_space<vmem>> -> memref<8x8x128xf32, #tpu.memory_space<vmem>>
          %dma_start3A_226 = arith.constant 0 : i32
          %dma_start3A_227 = arith.constant 0 : i32
          %dma_start3A_228 = tpu.memref_slice %arg2[%dma_start3A_226, %dma_start3A_227, %multiple_of3A] : memref<8x8x1000001xf32, #tpu.memory_space<hbm>> -> memref<8x8x128xf32, #tpu.memory_space<hbm>>
          tpu.enqueue_dma source(%dma_start3A_228 : memref<8x8x128xf32, #tpu.memory_space<hbm>>) target(%dma_start3A_225 : memref<8x8x128xf32, #tpu.memory_space<vmem>>) target_semaphore(%arg15 : memref<!tpu.dma_semaphore, #tpu.memory_space<semaphore_mem>>)
        } else {
        }
      } else {
      }
      %mul3A_114 = arith.constant 8 : i32
      %mul3A_115 = arith.muli %while3A_97, %mul3A_114 : i32
      %add3A_116 = arith.constant 2 : i32
      %add3A_117 = arith.addi %mul3A_115, %add3A_116 : i32
      %lt3A_118 = arith.cmpi slt, %add3A_117, %scan3A_22#0 : i32
      %convert_element_type3A_119 = arith.extui %lt3A_118 : i1 to i32
      %cond3A_120 = arith.constant 0 : i32
      %cond3A_121 = arith.cmpi ne, %convert_element_type3A_119, %cond3A_120 : i32
      scf.if %cond3A_121 {
        %dma_wait3A_163 = arith.constant 2 : i32
        %dma_wait3A_164 = arith.constant 0 : i32
        %dma_wait3A_165 = arith.constant 0 : i32
        %dma_wait3A_166 = arith.constant 0 : i32
        %dma_wait3A_167 = tpu.memref_slice %arg10[%dma_wait3A_163, %dma_wait3A_164, %dma_wait3A_165, %dma_wait3A_166] : memref<8x8x8x128xf32, #tpu.memory_space<vmem>> -> memref<1x8x8x128xf32, #tpu.memory_space<vmem>>
        %dma_wait3A_168 = tpu.memref_squeeze %dma_wait3A_167 : memref<1x8x8x128xf32, #tpu.memory_space<vmem>> -> memref<8x8x128xf32, #tpu.memory_space<vmem>>
        %dma_wait3A_169 = arith.constant 0 : i32
        %dma_wait3A_170 = arith.constant 0 : i32
        %dma_wait3A_171 = arith.constant 0 : i32
        %dma_wait3A_172 = tpu.memref_slice %arg2[%dma_wait3A_169, %dma_wait3A_170, %dma_wait3A_171] : memref<8x8x1000001xf32, #tpu.memory_space<hbm>> -> memref<8x8x128xf32, #tpu.memory_space<hbm>>
        %dma_wait3A_173 = arith.constant 0 : i32
        %dma_wait3A_174 = arith.constant 0 : i32
        %dma_wait3A_175 = arith.constant 0 : i32
        %dma_wait3A_176 = tpu.memref_slice %arg10[%dma_wait3A_163, %dma_wait3A_173, %dma_wait3A_174, %dma_wait3A_175] : memref<8x8x8x128xf32, #tpu.memory_space<vmem>> -> memref<1x8x8x128xf32, #tpu.memory_space<vmem>>
        %dma_wait3A_177 = tpu.memref_squeeze %dma_wait3A_176 : memref<1x8x8x128xf32, #tpu.memory_space<vmem>> -> memref<8x8x128xf32, #tpu.memory_space<vmem>>
        %dma_wait3A_178 = arith.constant 0 : i32
        %dma_wait3A_179 = arith.constant 0 : i32
        %dma_wait3A_180 = arith.constant 0 : i32
        %dma_wait3A_181 = tpu.memref_slice %arg2[%dma_wait3A_178, %dma_wait3A_179, %dma_wait3A_180] : memref<8x8x1000001xf32, #tpu.memory_space<hbm>> -> memref<8x8x128xf32, #tpu.memory_space<hbm>>
        tpu.wait_dma2 semaphore(%arg16 : memref<!tpu.dma_semaphore, #tpu.memory_space<semaphore_mem>>) src(%dma_wait3A_181 : memref<8x8x128xf32, #tpu.memory_space<hbm>>) dst(%dma_wait3A_177 : memref<8x8x128xf32, #tpu.memory_space<vmem>>)
        %get3A = arith.index_cast %add3A_117 : i32 to index
        %get3A_182 = memref.load %arg9[%get3A] : memref<513xi32, #tpu.memory_space<smem>>
        %add3A_183 = arith.constant 1 : i32
        %add3A_184 = arith.addi %add3A_117, %add3A_183 : i32
        %get3A_185 = arith.index_cast %add3A_184 : i32 to index
        %get3A_186 = memref.load %arg9[%get3A_185] : memref<513xi32, #tpu.memory_space<smem>>
        %while3A_187 = arith.constant 2 : i32
        %while3A_188 = arith.constant 0 : i32
        %while3A_189 = arith.subi %get3A_186, %get3A_182 : i32
        %while3A_190 = arith.addi %get3A_182, %while3A_189 : i32
        %while3A_191 = arith.constant 1 : i32
        %while3A_192 = arith.divsi %while3A_189, %while3A_191 : i32
        %while3A_193 = arith.muli %while3A_192, %while3A_191 : i32
        %while3A_194 = arith.addi %get3A_182, %while3A_193 : i32
        %while3A_195 = arith.constant 1 : i32
        %while3A_196 = scf.for %while3A_205 = %get3A_182 to %while3A_194 step %while3A_195 iter_args(%while3A_206 = %while3A_188) -> (i32)  : i32 {
          %get3A_207 = arith.index_cast %while3A_205 : i32 to index
          %get3A_208 = memref.load %arg7[%get3A_207] : memref<512xi32, #tpu.memory_space<smem>>
          %and3A_209 = arith.constant 127 : i32
          %and3A_210 = arith.andi %get3A_208, %and3A_209 : i32
          %broadcast_in_dim3A = vector.broadcast %and3A_210 : i32 to vector<16xi32>
          %gather3A = arith.constant 0 : i32
          %gather3A_211 = arith.constant 0 : i32
          %gather3A_212 = arith.constant 0 : i32
          %gather3A_213 = tpu.memref_slice %arg10[%while3A_187, %gather3A, %gather3A_211, %gather3A_212] : memref<8x8x8x128xf32, #tpu.memory_space<vmem>> -> memref<1x8x8x128xf32, #tpu.memory_space<vmem>>
          %gather3A_214 = tpu.memref_squeeze %gather3A_213 : memref<1x8x8x128xf32, #tpu.memory_space<vmem>> -> memref<8x8x128xf32, #tpu.memory_space<vmem>>
          %gather3A_215 = tpu.vector_load_idx %gather3A_214[%add3A_32, %and3A_27, %broadcast_in_dim3A] : memref<8x8x128xf32, #tpu.memory_space<vmem>>[vector<16xi32>, vector<16xi32>, vector<16xi32>], vector<16xf32>,
          %mul3A_216 = arith.constant 64 : i32
          %mul3A_217 = arith.muli %while3A_205, %mul3A_216 : i32
          %add3A_218 = arith.constant 0 : i32
          %add3A_219 = arith.addi %mul3A_217, %add3A_218 : i32
          %swap3A_220 = arith.index_cast %add3A_219 : i32 to index
          %swap3A_221 = tpu.vector_load %arg11[%swap3A_220] {strides = array<i32>} : memref<32768xf32, #tpu.memory_space<vmem>>, vector<16xf32>,
          tpu.vector_store %arg11[%swap3A_220], %gather3A_215 {strides = array<i32>} : memref<32768xf32, #tpu.memory_space<vmem>>, vector<16xf32>,
          %gather3A_222 = arith.constant 0 : i32
          %gather3A_223 = arith.constant 0 : i32
          %gather3A_224 = arith.constant 0 : i32
          %gather3A_225 = tpu.memref_slice %arg10[%while3A_187, %gather3A_222, %gather3A_223, %gather3A_224] : memref<8x8x8x128xf32, #tpu.memory_space<vmem>> -> memref<1x8x8x128xf32, #tpu.memory_space<vmem>>
          %gather3A_226 = tpu.memref_squeeze %gather3A_225 : memref<1x8x8x128xf32, #tpu.memory_space<vmem>> -> memref<8x8x128xf32, #tpu.memory_space<vmem>>
          %gather3A_227 = tpu.vector_load_idx %gather3A_226[%add3A_35, %and3A_27, %broadcast_in_dim3A] : memref<8x8x128xf32, #tpu.memory_space<vmem>>[vector<16xi32>, vector<16xi32>, vector<16xi32>], vector<16xf32>,
          %mul3A_228 = arith.constant 64 : i32
          %mul3A_229 = arith.muli %while3A_205, %mul3A_228 : i32
          %add3A_230 = arith.constant 16 : i32
          %add3A_231 = arith.addi %mul3A_229, %add3A_230 : i32
          %swap3A_232 = arith.index_cast %add3A_231 : i32 to index
          %swap3A_233 = tpu.vector_load %arg11[%swap3A_232] {strides = array<i32>} : memref<32768xf32, #tpu.memory_space<vmem>>, vector<16xf32>,
          tpu.vector_store %arg11[%swap3A_232], %gather3A_227 {strides = array<i32>} : memref<32768xf32, #tpu.memory_space<vmem>>, vector<16xf32>,
          %gather3A_234 = arith.constant 0 : i32
          %gather3A_235 = arith.constant 0 : i32
          %gather3A_236 = arith.constant 0 : i32
          %gather3A_237 = tpu.memref_slice %arg10[%while3A_187, %gather3A_234, %gather3A_235, %gather3A_236] : memref<8x8x8x128xf32, #tpu.memory_space<vmem>> -> memref<1x8x8x128xf32, #tpu.memory_space<vmem>>
          %gather3A_238 = tpu.memref_squeeze %gather3A_237 : memref<1x8x8x128xf32, #tpu.memory_space<vmem>> -> memref<8x8x128xf32, #tpu.memory_space<vmem>>
          %gather3A_239 = tpu.vector_load_idx %gather3A_238[%add3A_38, %and3A_27, %broadcast_in_dim3A] : memref<8x8x128xf32, #tpu.memory_space<vmem>>[vector<16xi32>, vector<16xi32>, vector<16xi32>], vector<16xf32>,
          %mul3A_240 = arith.constant 64 : i32
          %mul3A_241 = arith.muli %while3A_205, %mul3A_240 : i32
          %add3A_242 = arith.constant 32 : i32
          %add3A_243 = arith.addi %mul3A_241, %add3A_242 : i32
          %swap3A_244 = arith.index_cast %add3A_243 : i32 to index
          %swap3A_245 = tpu.vector_load %arg11[%swap3A_244] {strides = array<i32>} : memref<32768xf32, #tpu.memory_space<vmem>>, vector<16xf32>,
          tpu.vector_store %arg11[%swap3A_244], %gather3A_239 {strides = array<i32>} : memref<32768xf32, #tpu.memory_space<vmem>>, vector<16xf32>,
          %gather3A_246 = arith.constant 0 : i32
          %gather3A_247 = arith.constant 0 : i32
          %gather3A_248 = arith.constant 0 : i32
          %gather3A_249 = tpu.memref_slice %arg10[%while3A_187, %gather3A_246, %gather3A_247, %gather3A_248] : memref<8x8x8x128xf32, #tpu.memory_space<vmem>> -> memref<1x8x8x128xf32, #tpu.memory_space<vmem>>
          %gather3A_250 = tpu.memref_squeeze %gather3A_249 : memref<1x8x8x128xf32, #tpu.memory_space<vmem>> -> memref<8x8x128xf32, #tpu.memory_space<vmem>>
          %gather3A_251 = tpu.vector_load_idx %gather3A_250[%add3A_41, %and3A_27, %broadcast_in_dim3A] : memref<8x8x128xf32, #tpu.memory_space<vmem>>[vector<16xi32>, vector<16xi32>, vector<16xi32>], vector<16xf32>,
          %mul3A_252 = arith.constant 64 : i32
          %mul3A_253 = arith.muli %while3A_205, %mul3A_252 : i32
          %add3A_254 = arith.constant 48 : i32
          %add3A_255 = arith.addi %mul3A_253, %add3A_254 : i32
          %swap3A_256 = arith.index_cast %add3A_255 : i32 to index
          %swap3A_257 = tpu.vector_load %arg11[%swap3A_256] {strides = array<i32>} : memref<32768xf32, #tpu.memory_space<vmem>>, vector<16xf32>,
          tpu.vector_store %arg11[%swap3A_256], %gather3A_251 {strides = array<i32>} : memref<32768xf32, #tpu.memory_space<vmem>>, vector<16xf32>,
          %mul3A_258 = arith.constant 64 : i32
          %mul3A_259 = arith.muli %while3A_205, %mul3A_258 : i32
          %get3A_260 = arith.index_cast %while3A_205 : i32 to index
          %get3A_261 = memref.load %arg8[%get3A_260] : memref<512xi32, #tpu.memory_space<smem>>
          %mul3A_262 = arith.constant 64 : i32
          %mul3A_263 = arith.muli %get3A_261, %mul3A_262 : i32
          %dma_start3A_264 = tpu.memref_slice %arg11[%mul3A_259] : memref<32768xf32, #tpu.memory_space<vmem>> -> memref<64xf32, #tpu.memory_space<vmem>>
          %dma_start3A_265 = tpu.memref_slice %arg5[%mul3A_263] : memref<1048576xf32, #tpu.memory_space<hbm>> -> memref<64xf32, #tpu.memory_space<hbm>>
          %dma_start3A_266 = tpu.memref_slice %arg5[%mul3A_263] : memref<1048576xf32, #tpu.memory_space<hbm>> -> memref<64xf32, #tpu.memory_space<hbm>>
          %dma_start3A_267 = tpu.memref_slice %arg11[%mul3A_259] : memref<32768xf32, #tpu.memory_space<vmem>> -> memref<64xf32, #tpu.memory_space<vmem>>
          tpu.enqueue_dma source(%dma_start3A_267 : memref<64xf32, #tpu.memory_space<vmem>>) target(%dma_start3A_266 : memref<64xf32, #tpu.memory_space<hbm>>) target_semaphore(%arg13 : memref<!tpu.dma_semaphore, #tpu.memory_space<semaphore_mem>>)
          %while3A_268 = arith.constant 0 : i32
          scf.yield %while3A_268 : i32
        }
        %while3A_197 = arith.constant 1 : i32
        %while3A_198 = scf.for %while3A_205 = %while3A_194 to %while3A_190 step %while3A_197 iter_args(%while3A_206 = %while3A_196) -> (i32)  : i32 {
          %get3A_207 = arith.index_cast %while3A_205 : i32 to index
          %get3A_208 = memref.load %arg7[%get3A_207] : memref<512xi32, #tpu.memory_space<smem>>
          %and3A_209 = arith.constant 127 : i32
          %and3A_210 = arith.andi %get3A_208, %and3A_209 : i32
          %broadcast_in_dim3A = vector.broadcast %and3A_210 : i32 to vector<16xi32>
          %gather3A = arith.constant 0 : i32
          %gather3A_211 = arith.constant 0 : i32
          %gather3A_212 = arith.constant 0 : i32
          %gather3A_213 = tpu.memref_slice %arg10[%while3A_187, %gather3A, %gather3A_211, %gather3A_212] : memref<8x8x8x128xf32, #tpu.memory_space<vmem>> -> memref<1x8x8x128xf32, #tpu.memory_space<vmem>>
          %gather3A_214 = tpu.memref_squeeze %gather3A_213 : memref<1x8x8x128xf32, #tpu.memory_space<vmem>> -> memref<8x8x128xf32, #tpu.memory_space<vmem>>
          %gather3A_215 = tpu.vector_load_idx %gather3A_214[%add3A_32, %and3A_27, %broadcast_in_dim3A] : memref<8x8x128xf32, #tpu.memory_space<vmem>>[vector<16xi32>, vector<16xi32>, vector<16xi32>], vector<16xf32>,
          %mul3A_216 = arith.constant 64 : i32
          %mul3A_217 = arith.muli %while3A_205, %mul3A_216 : i32
          %add3A_218 = arith.constant 0 : i32
          %add3A_219 = arith.addi %mul3A_217, %add3A_218 : i32
          %swap3A_220 = arith.index_cast %add3A_219 : i32 to index
          %swap3A_221 = tpu.vector_load %arg11[%swap3A_220] {strides = array<i32>} : memref<32768xf32, #tpu.memory_space<vmem>>, vector<16xf32>,
          tpu.vector_store %arg11[%swap3A_220], %gather3A_215 {strides = array<i32>} : memref<32768xf32, #tpu.memory_space<vmem>>, vector<16xf32>,
          %gather3A_222 = arith.constant 0 : i32
          %gather3A_223 = arith.constant 0 : i32
          %gather3A_224 = arith.constant 0 : i32
          %gather3A_225 = tpu.memref_slice %arg10[%while3A_187, %gather3A_222, %gather3A_223, %gather3A_224] : memref<8x8x8x128xf32, #tpu.memory_space<vmem>> -> memref<1x8x8x128xf32, #tpu.memory_space<vmem>>
          %gather3A_226 = tpu.memref_squeeze %gather3A_225 : memref<1x8x8x128xf32, #tpu.memory_space<vmem>> -> memref<8x8x128xf32, #tpu.memory_space<vmem>>
          %gather3A_227 = tpu.vector_load_idx %gather3A_226[%add3A_35, %and3A_27, %broadcast_in_dim3A] : memref<8x8x128xf32, #tpu.memory_space<vmem>>[vector<16xi32>, vector<16xi32>, vector<16xi32>], vector<16xf32>,
          %mul3A_228 = arith.constant 64 : i32
          %mul3A_229 = arith.muli %while3A_205, %mul3A_228 : i32
          %add3A_230 = arith.constant 16 : i32
          %add3A_231 = arith.addi %mul3A_229, %add3A_230 : i32
          %swap3A_232 = arith.index_cast %add3A_231 : i32 to index
          %swap3A_233 = tpu.vector_load %arg11[%swap3A_232] {strides = array<i32>} : memref<32768xf32, #tpu.memory_space<vmem>>, vector<16xf32>,
          tpu.vector_store %arg11[%swap3A_232], %gather3A_227 {strides = array<i32>} : memref<32768xf32, #tpu.memory_space<vmem>>, vector<16xf32>,
          %gather3A_234 = arith.constant 0 : i32
          %gather3A_235 = arith.constant 0 : i32
          %gather3A_236 = arith.constant 0 : i32
          %gather3A_237 = tpu.memref_slice %arg10[%while3A_187, %gather3A_234, %gather3A_235, %gather3A_236] : memref<8x8x8x128xf32, #tpu.memory_space<vmem>> -> memref<1x8x8x128xf32, #tpu.memory_space<vmem>>
          %gather3A_238 = tpu.memref_squeeze %gather3A_237 : memref<1x8x8x128xf32, #tpu.memory_space<vmem>> -> memref<8x8x128xf32, #tpu.memory_space<vmem>>
          %gather3A_239 = tpu.vector_load_idx %gather3A_238[%add3A_38, %and3A_27, %broadcast_in_dim3A] : memref<8x8x128xf32, #tpu.memory_space<vmem>>[vector<16xi32>, vector<16xi32>, vector<16xi32>], vector<16xf32>,
          %mul3A_240 = arith.constant 64 : i32
          %mul3A_241 = arith.muli %while3A_205, %mul3A_240 : i32
          %add3A_242 = arith.constant 32 : i32
          %add3A_243 = arith.addi %mul3A_241, %add3A_242 : i32
          %swap3A_244 = arith.index_cast %add3A_243 : i32 to index
          %swap3A_245 = tpu.vector_load %arg11[%swap3A_244] {strides = array<i32>} : memref<32768xf32, #tpu.memory_space<vmem>>, vector<16xf32>,
          tpu.vector_store %arg11[%swap3A_244], %gather3A_239 {strides = array<i32>} : memref<32768xf32, #tpu.memory_space<vmem>>, vector<16xf32>,
          %gather3A_246 = arith.constant 0 : i32
          %gather3A_247 = arith.constant 0 : i32
          %gather3A_248 = arith.constant 0 : i32
          %gather3A_249 = tpu.memref_slice %arg10[%while3A_187, %gather3A_246, %gather3A_247, %gather3A_248] : memref<8x8x8x128xf32, #tpu.memory_space<vmem>> -> memref<1x8x8x128xf32, #tpu.memory_space<vmem>>
          %gather3A_250 = tpu.memref_squeeze %gather3A_249 : memref<1x8x8x128xf32, #tpu.memory_space<vmem>> -> memref<8x8x128xf32, #tpu.memory_space<vmem>>
          %gather3A_251 = tpu.vector_load_idx %gather3A_250[%add3A_41, %and3A_27, %broadcast_in_dim3A] : memref<8x8x128xf32, #tpu.memory_space<vmem>>[vector<16xi32>, vector<16xi32>, vector<16xi32>], vector<16xf32>,
          %mul3A_252 = arith.constant 64 : i32
          %mul3A_253 = arith.muli %while3A_205, %mul3A_252 : i32
          %add3A_254 = arith.constant 48 : i32
          %add3A_255 = arith.addi %mul3A_253, %add3A_254 : i32
          %swap3A_256 = arith.index_cast %add3A_255 : i32 to index
          %swap3A_257 = tpu.vector_load %arg11[%swap3A_256] {strides = array<i32>} : memref<32768xf32, #tpu.memory_space<vmem>>, vector<16xf32>,
          tpu.vector_store %arg11[%swap3A_256], %gather3A_251 {strides = array<i32>} : memref<32768xf32, #tpu.memory_space<vmem>>, vector<16xf32>,
          %mul3A_258 = arith.constant 64 : i32
          %mul3A_259 = arith.muli %while3A_205, %mul3A_258 : i32
          %get3A_260 = arith.index_cast %while3A_205 : i32 to index
          %get3A_261 = memref.load %arg8[%get3A_260] : memref<512xi32, #tpu.memory_space<smem>>
          %mul3A_262 = arith.constant 64 : i32
          %mul3A_263 = arith.muli %get3A_261, %mul3A_262 : i32
          %dma_start3A_264 = tpu.memref_slice %arg11[%mul3A_259] : memref<32768xf32, #tpu.memory_space<vmem>> -> memref<64xf32, #tpu.memory_space<vmem>>
          %dma_start3A_265 = tpu.memref_slice %arg5[%mul3A_263] : memref<1048576xf32, #tpu.memory_space<hbm>> -> memref<64xf32, #tpu.memory_space<hbm>>
          %dma_start3A_266 = tpu.memref_slice %arg5[%mul3A_263] : memref<1048576xf32, #tpu.memory_space<hbm>> -> memref<64xf32, #tpu.memory_space<hbm>>
          %dma_start3A_267 = tpu.memref_slice %arg11[%mul3A_259] : memref<32768xf32, #tpu.memory_space<vmem>> -> memref<64xf32, #tpu.memory_space<vmem>>
          tpu.enqueue_dma source(%dma_start3A_267 : memref<64xf32, #tpu.memory_space<vmem>>) target(%dma_start3A_266 : memref<64xf32, #tpu.memory_space<hbm>>) target_semaphore(%arg13 : memref<!tpu.dma_semaphore, #tpu.memory_space<semaphore_mem>>)
          %while3A_268 = arith.constant 0 : i32
          scf.yield %while3A_268 : i32
        }
        %add3A_199 = arith.constant 8 : i32
        %add3A_200 = arith.addi %add3A_117, %add3A_199 : i32
        %lt3A_201 = arith.cmpi slt, %add3A_200, %scan3A_22#0 : i32
        %convert_element_type3A_202 = arith.extui %lt3A_201 : i1 to i32
        %cond3A_203 = arith.constant 0 : i32
        %cond3A_204 = arith.cmpi ne, %convert_element_type3A_202, %cond3A_203 : i32
        scf.if %cond3A_204 {
          %get3A_205 = arith.index_cast %add3A_200 : i32 to index
          %get3A_206 = memref.load %arg9[%get3A_205] : memref<513xi32, #tpu.memory_space<smem>>
          %get3A_207 = arith.index_cast %get3A_206 : i32 to index
          %get3A_208 = memref.load %arg7[%get3A_207] : memref<512xi32, #tpu.memory_space<smem>>
          %shift_right_logical3A_209 = arith.constant 7 : i32
          %shift_right_logical3A_210 = arith.shrui %get3A_208, %shift_right_logical3A_209 : i32
          %shift_left3A = arith.constant 7 : i32
          %shift_left3A_211 = arith.shli %shift_right_logical3A_210, %shift_left3A : i32
          %multiple_of3A = tpu.assume_multiple %shift_left3A_211, 128 : i32
          %dma_start3A_212 = arith.constant 2 : i32
          %dma_start3A_213 = arith.constant 0 : i32
          %dma_start3A_214 = arith.constant 0 : i32
          %dma_start3A_215 = arith.constant 0 : i32
          %dma_start3A_216 = tpu.memref_slice %arg10[%dma_start3A_212, %dma_start3A_213, %dma_start3A_214, %dma_start3A_215] : memref<8x8x8x128xf32, #tpu.memory_space<vmem>> -> memref<1x8x8x128xf32, #tpu.memory_space<vmem>>
          %dma_start3A_217 = tpu.memref_squeeze %dma_start3A_216 : memref<1x8x8x128xf32, #tpu.memory_space<vmem>> -> memref<8x8x128xf32, #tpu.memory_space<vmem>>
          %dma_start3A_218 = arith.constant 0 : i32
          %dma_start3A_219 = arith.constant 0 : i32
          %dma_start3A_220 = tpu.memref_slice %arg2[%dma_start3A_218, %dma_start3A_219, %multiple_of3A] : memref<8x8x1000001xf32, #tpu.memory_space<hbm>> -> memref<8x8x128xf32, #tpu.memory_space<hbm>>
          %dma_start3A_221 = arith.constant 0 : i32
          %dma_start3A_222 = arith.constant 0 : i32
          %dma_start3A_223 = arith.constant 0 : i32
          %dma_start3A_224 = tpu.memref_slice %arg10[%dma_start3A_212, %dma_start3A_221, %dma_start3A_222, %dma_start3A_223] : memref<8x8x8x128xf32, #tpu.memory_space<vmem>> -> memref<1x8x8x128xf32, #tpu.memory_space<vmem>>
          %dma_start3A_225 = tpu.memref_squeeze %dma_start3A_224 : memref<1x8x8x128xf32, #tpu.memory_space<vmem>> -> memref<8x8x128xf32, #tpu.memory_space<vmem>>
          %dma_start3A_226 = arith.constant 0 : i32
          %dma_start3A_227 = arith.constant 0 : i32
          %dma_start3A_228 = tpu.memref_slice %arg2[%dma_start3A_226, %dma_start3A_227, %multiple_of3A] : memref<8x8x1000001xf32, #tpu.memory_space<hbm>> -> memref<8x8x128xf32, #tpu.memory_space<hbm>>
          tpu.enqueue_dma source(%dma_start3A_228 : memref<8x8x128xf32, #tpu.memory_space<hbm>>) target(%dma_start3A_225 : memref<8x8x128xf32, #tpu.memory_space<vmem>>) target_semaphore(%arg16 : memref<!tpu.dma_semaphore, #tpu.memory_space<semaphore_mem>>)
        } else {
        }
      } else {
      }
      %mul3A_122 = arith.constant 8 : i32
      %mul3A_123 = arith.muli %while3A_97, %mul3A_122 : i32
      %add3A_124 = arith.constant 3 : i32
      %add3A_125 = arith.addi %mul3A_123, %add3A_124 : i32
      %lt3A_126 = arith.cmpi slt, %add3A_125, %scan3A_22#0 : i32
      %convert_element_type3A_127 = arith.extui %lt3A_126 : i1 to i32
      %cond3A_128 = arith.constant 0 : i32
      %cond3A_129 = arith.cmpi ne, %convert_element_type3A_127, %cond3A_128 : i32
      scf.if %cond3A_129 {
        %dma_wait3A_163 = arith.constant 3 : i32
        %dma_wait3A_164 = arith.constant 0 : i32
        %dma_wait3A_165 = arith.constant 0 : i32
        %dma_wait3A_166 = arith.constant 0 : i32
        %dma_wait3A_167 = tpu.memref_slice %arg10[%dma_wait3A_163, %dma_wait3A_164, %dma_wait3A_165, %dma_wait3A_166] : memref<8x8x8x128xf32, #tpu.memory_space<vmem>> -> memref<1x8x8x128xf32, #tpu.memory_space<vmem>>
        %dma_wait3A_168 = tpu.memref_squeeze %dma_wait3A_167 : memref<1x8x8x128xf32, #tpu.memory_space<vmem>> -> memref<8x8x128xf32, #tpu.memory_space<vmem>>
        %dma_wait3A_169 = arith.constant 0 : i32
        %dma_wait3A_170 = arith.constant 0 : i32
        %dma_wait3A_171 = arith.constant 0 : i32
        %dma_wait3A_172 = tpu.memref_slice %arg2[%dma_wait3A_169, %dma_wait3A_170, %dma_wait3A_171] : memref<8x8x1000001xf32, #tpu.memory_space<hbm>> -> memref<8x8x128xf32, #tpu.memory_space<hbm>>
        %dma_wait3A_173 = arith.constant 0 : i32
        %dma_wait3A_174 = arith.constant 0 : i32
        %dma_wait3A_175 = arith.constant 0 : i32
        %dma_wait3A_176 = tpu.memref_slice %arg10[%dma_wait3A_163, %dma_wait3A_173, %dma_wait3A_174, %dma_wait3A_175] : memref<8x8x8x128xf32, #tpu.memory_space<vmem>> -> memref<1x8x8x128xf32, #tpu.memory_space<vmem>>
        %dma_wait3A_177 = tpu.memref_squeeze %dma_wait3A_176 : memref<1x8x8x128xf32, #tpu.memory_space<vmem>> -> memref<8x8x128xf32, #tpu.memory_space<vmem>>
        %dma_wait3A_178 = arith.constant 0 : i32
        %dma_wait3A_179 = arith.constant 0 : i32
        %dma_wait3A_180 = arith.constant 0 : i32
        %dma_wait3A_181 = tpu.memref_slice %arg2[%dma_wait3A_178, %dma_wait3A_179, %dma_wait3A_180] : memref<8x8x1000001xf32, #tpu.memory_space<hbm>> -> memref<8x8x128xf32, #tpu.memory_space<hbm>>
        tpu.wait_dma2 semaphore(%arg17 : memref<!tpu.dma_semaphore, #tpu.memory_space<semaphore_mem>>) src(%dma_wait3A_181 : memref<8x8x128xf32, #tpu.memory_space<hbm>>) dst(%dma_wait3A_177 : memref<8x8x128xf32, #tpu.memory_space<vmem>>)
        %get3A = arith.index_cast %add3A_125 : i32 to index
        %get3A_182 = memref.load %arg9[%get3A] : memref<513xi32, #tpu.memory_space<smem>>
        %add3A_183 = arith.constant 1 : i32
        %add3A_184 = arith.addi %add3A_125, %add3A_183 : i32
        %get3A_185 = arith.index_cast %add3A_184 : i32 to index
        %get3A_186 = memref.load %arg9[%get3A_185] : memref<513xi32, #tpu.memory_space<smem>>
        %while3A_187 = arith.constant 3 : i32
        %while3A_188 = arith.constant 0 : i32
        %while3A_189 = arith.subi %get3A_186, %get3A_182 : i32
        %while3A_190 = arith.addi %get3A_182, %while3A_189 : i32
        %while3A_191 = arith.constant 1 : i32
        %while3A_192 = arith.divsi %while3A_189, %while3A_191 : i32
        %while3A_193 = arith.muli %while3A_192, %while3A_191 : i32
        %while3A_194 = arith.addi %get3A_182, %while3A_193 : i32
        %while3A_195 = arith.constant 1 : i32
        %while3A_196 = scf.for %while3A_205 = %get3A_182 to %while3A_194 step %while3A_195 iter_args(%while3A_206 = %while3A_188) -> (i32)  : i32 {
          %get3A_207 = arith.index_cast %while3A_205 : i32 to index
          %get3A_208 = memref.load %arg7[%get3A_207] : memref<512xi32, #tpu.memory_space<smem>>
          %and3A_209 = arith.constant 127 : i32
          %and3A_210 = arith.andi %get3A_208, %and3A_209 : i32
          %broadcast_in_dim3A = vector.broadcast %and3A_210 : i32 to vector<16xi32>
          %gather3A = arith.constant 0 : i32
          %gather3A_211 = arith.constant 0 : i32
          %gather3A_212 = arith.constant 0 : i32
          %gather3A_213 = tpu.memref_slice %arg10[%while3A_187, %gather3A, %gather3A_211, %gather3A_212] : memref<8x8x8x128xf32, #tpu.memory_space<vmem>> -> memref<1x8x8x128xf32, #tpu.memory_space<vmem>>
          %gather3A_214 = tpu.memref_squeeze %gather3A_213 : memref<1x8x8x128xf32, #tpu.memory_space<vmem>> -> memref<8x8x128xf32, #tpu.memory_space<vmem>>
          %gather3A_215 = tpu.vector_load_idx %gather3A_214[%add3A_32, %and3A_27, %broadcast_in_dim3A] : memref<8x8x128xf32, #tpu.memory_space<vmem>>[vector<16xi32>, vector<16xi32>, vector<16xi32>], vector<16xf32>,
          %mul3A_216 = arith.constant 64 : i32
          %mul3A_217 = arith.muli %while3A_205, %mul3A_216 : i32
          %add3A_218 = arith.constant 0 : i32
          %add3A_219 = arith.addi %mul3A_217, %add3A_218 : i32
          %swap3A_220 = arith.index_cast %add3A_219 : i32 to index
          %swap3A_221 = tpu.vector_load %arg11[%swap3A_220] {strides = array<i32>} : memref<32768xf32, #tpu.memory_space<vmem>>, vector<16xf32>,
          tpu.vector_store %arg11[%swap3A_220], %gather3A_215 {strides = array<i32>} : memref<32768xf32, #tpu.memory_space<vmem>>, vector<16xf32>,
          %gather3A_222 = arith.constant 0 : i32
          %gather3A_223 = arith.constant 0 : i32
          %gather3A_224 = arith.constant 0 : i32
          %gather3A_225 = tpu.memref_slice %arg10[%while3A_187, %gather3A_222, %gather3A_223, %gather3A_224] : memref<8x8x8x128xf32, #tpu.memory_space<vmem>> -> memref<1x8x8x128xf32, #tpu.memory_space<vmem>>
          %gather3A_226 = tpu.memref_squeeze %gather3A_225 : memref<1x8x8x128xf32, #tpu.memory_space<vmem>> -> memref<8x8x128xf32, #tpu.memory_space<vmem>>
          %gather3A_227 = tpu.vector_load_idx %gather3A_226[%add3A_35, %and3A_27, %broadcast_in_dim3A] : memref<8x8x128xf32, #tpu.memory_space<vmem>>[vector<16xi32>, vector<16xi32>, vector<16xi32>], vector<16xf32>,
          %mul3A_228 = arith.constant 64 : i32
          %mul3A_229 = arith.muli %while3A_205, %mul3A_228 : i32
          %add3A_230 = arith.constant 16 : i32
          %add3A_231 = arith.addi %mul3A_229, %add3A_230 : i32
          %swap3A_232 = arith.index_cast %add3A_231 : i32 to index
          %swap3A_233 = tpu.vector_load %arg11[%swap3A_232] {strides = array<i32>} : memref<32768xf32, #tpu.memory_space<vmem>>, vector<16xf32>,
          tpu.vector_store %arg11[%swap3A_232], %gather3A_227 {strides = array<i32>} : memref<32768xf32, #tpu.memory_space<vmem>>, vector<16xf32>,
          %gather3A_234 = arith.constant 0 : i32
          %gather3A_235 = arith.constant 0 : i32
          %gather3A_236 = arith.constant 0 : i32
          %gather3A_237 = tpu.memref_slice %arg10[%while3A_187, %gather3A_234, %gather3A_235, %gather3A_236] : memref<8x8x8x128xf32, #tpu.memory_space<vmem>> -> memref<1x8x8x128xf32, #tpu.memory_space<vmem>>
          %gather3A_238 = tpu.memref_squeeze %gather3A_237 : memref<1x8x8x128xf32, #tpu.memory_space<vmem>> -> memref<8x8x128xf32, #tpu.memory_space<vmem>>
          %gather3A_239 = tpu.vector_load_idx %gather3A_238[%add3A_38, %and3A_27, %broadcast_in_dim3A] : memref<8x8x128xf32, #tpu.memory_space<vmem>>[vector<16xi32>, vector<16xi32>, vector<16xi32>], vector<16xf32>,
          %mul3A_240 = arith.constant 64 : i32
          %mul3A_241 = arith.muli %while3A_205, %mul3A_240 : i32
          %add3A_242 = arith.constant 32 : i32
          %add3A_243 = arith.addi %mul3A_241, %add3A_242 : i32
          %swap3A_244 = arith.index_cast %add3A_243 : i32 to index
          %swap3A_245 = tpu.vector_load %arg11[%swap3A_244] {strides = array<i32>} : memref<32768xf32, #tpu.memory_space<vmem>>, vector<16xf32>,
          tpu.vector_store %arg11[%swap3A_244], %gather3A_239 {strides = array<i32>} : memref<32768xf32, #tpu.memory_space<vmem>>, vector<16xf32>,
          %gather3A_246 = arith.constant 0 : i32
          %gather3A_247 = arith.constant 0 : i32
          %gather3A_248 = arith.constant 0 : i32
          %gather3A_249 = tpu.memref_slice %arg10[%while3A_187, %gather3A_246, %gather3A_247, %gather3A_248] : memref<8x8x8x128xf32, #tpu.memory_space<vmem>> -> memref<1x8x8x128xf32, #tpu.memory_space<vmem>>
          %gather3A_250 = tpu.memref_squeeze %gather3A_249 : memref<1x8x8x128xf32, #tpu.memory_space<vmem>> -> memref<8x8x128xf32, #tpu.memory_space<vmem>>
          %gather3A_251 = tpu.vector_load_idx %gather3A_250[%add3A_41, %and3A_27, %broadcast_in_dim3A] : memref<8x8x128xf32, #tpu.memory_space<vmem>>[vector<16xi32>, vector<16xi32>, vector<16xi32>], vector<16xf32>,
          %mul3A_252 = arith.constant 64 : i32
          %mul3A_253 = arith.muli %while3A_205, %mul3A_252 : i32
          %add3A_254 = arith.constant 48 : i32
          %add3A_255 = arith.addi %mul3A_253, %add3A_254 : i32
          %swap3A_256 = arith.index_cast %add3A_255 : i32 to index
          %swap3A_257 = tpu.vector_load %arg11[%swap3A_256] {strides = array<i32>} : memref<32768xf32, #tpu.memory_space<vmem>>, vector<16xf32>,
          tpu.vector_store %arg11[%swap3A_256], %gather3A_251 {strides = array<i32>} : memref<32768xf32, #tpu.memory_space<vmem>>, vector<16xf32>,
          %mul3A_258 = arith.constant 64 : i32
          %mul3A_259 = arith.muli %while3A_205, %mul3A_258 : i32
          %get3A_260 = arith.index_cast %while3A_205 : i32 to index
          %get3A_261 = memref.load %arg8[%get3A_260] : memref<512xi32, #tpu.memory_space<smem>>
          %mul3A_262 = arith.constant 64 : i32
          %mul3A_263 = arith.muli %get3A_261, %mul3A_262 : i32
          %dma_start3A_264 = tpu.memref_slice %arg11[%mul3A_259] : memref<32768xf32, #tpu.memory_space<vmem>> -> memref<64xf32, #tpu.memory_space<vmem>>
          %dma_start3A_265 = tpu.memref_slice %arg5[%mul3A_263] : memref<1048576xf32, #tpu.memory_space<hbm>> -> memref<64xf32, #tpu.memory_space<hbm>>
          %dma_start3A_266 = tpu.memref_slice %arg5[%mul3A_263] : memref<1048576xf32, #tpu.memory_space<hbm>> -> memref<64xf32, #tpu.memory_space<hbm>>
          %dma_start3A_267 = tpu.memref_slice %arg11[%mul3A_259] : memref<32768xf32, #tpu.memory_space<vmem>> -> memref<64xf32, #tpu.memory_space<vmem>>
          tpu.enqueue_dma source(%dma_start3A_267 : memref<64xf32, #tpu.memory_space<vmem>>) target(%dma_start3A_266 : memref<64xf32, #tpu.memory_space<hbm>>) target_semaphore(%arg13 : memref<!tpu.dma_semaphore, #tpu.memory_space<semaphore_mem>>)
          %while3A_268 = arith.constant 0 : i32
          scf.yield %while3A_268 : i32
        }
        %while3A_197 = arith.constant 1 : i32
        %while3A_198 = scf.for %while3A_205 = %while3A_194 to %while3A_190 step %while3A_197 iter_args(%while3A_206 = %while3A_196) -> (i32)  : i32 {
          %get3A_207 = arith.index_cast %while3A_205 : i32 to index
          %get3A_208 = memref.load %arg7[%get3A_207] : memref<512xi32, #tpu.memory_space<smem>>
          %and3A_209 = arith.constant 127 : i32
          %and3A_210 = arith.andi %get3A_208, %and3A_209 : i32
          %broadcast_in_dim3A = vector.broadcast %and3A_210 : i32 to vector<16xi32>
          %gather3A = arith.constant 0 : i32
          %gather3A_211 = arith.constant 0 : i32
          %gather3A_212 = arith.constant 0 : i32
          %gather3A_213 = tpu.memref_slice %arg10[%while3A_187, %gather3A, %gather3A_211, %gather3A_212] : memref<8x8x8x128xf32, #tpu.memory_space<vmem>> -> memref<1x8x8x128xf32, #tpu.memory_space<vmem>>
          %gather3A_214 = tpu.memref_squeeze %gather3A_213 : memref<1x8x8x128xf32, #tpu.memory_space<vmem>> -> memref<8x8x128xf32, #tpu.memory_space<vmem>>
          %gather3A_215 = tpu.vector_load_idx %gather3A_214[%add3A_32, %and3A_27, %broadcast_in_dim3A] : memref<8x8x128xf32, #tpu.memory_space<vmem>>[vector<16xi32>, vector<16xi32>, vector<16xi32>], vector<16xf32>,
          %mul3A_216 = arith.constant 64 : i32
          %mul3A_217 = arith.muli %while3A_205, %mul3A_216 : i32
          %add3A_218 = arith.constant 0 : i32
          %add3A_219 = arith.addi %mul3A_217, %add3A_218 : i32
          %swap3A_220 = arith.index_cast %add3A_219 : i32 to index
          %swap3A_221 = tpu.vector_load %arg11[%swap3A_220] {strides = array<i32>} : memref<32768xf32, #tpu.memory_space<vmem>>, vector<16xf32>,
          tpu.vector_store %arg11[%swap3A_220], %gather3A_215 {strides = array<i32>} : memref<32768xf32, #tpu.memory_space<vmem>>, vector<16xf32>,
          %gather3A_222 = arith.constant 0 : i32
          %gather3A_223 = arith.constant 0 : i32
          %gather3A_224 = arith.constant 0 : i32
          %gather3A_225 = tpu.memref_slice %arg10[%while3A_187, %gather3A_222, %gather3A_223, %gather3A_224] : memref<8x8x8x128xf32, #tpu.memory_space<vmem>> -> memref<1x8x8x128xf32, #tpu.memory_space<vmem>>
          %gather3A_226 = tpu.memref_squeeze %gather3A_225 : memref<1x8x8x128xf32, #tpu.memory_space<vmem>> -> memref<8x8x128xf32, #tpu.memory_space<vmem>>
          %gather3A_227 = tpu.vector_load_idx %gather3A_226[%add3A_35, %and3A_27, %broadcast_in_dim3A] : memref<8x8x128xf32, #tpu.memory_space<vmem>>[vector<16xi32>, vector<16xi32>, vector<16xi32>], vector<16xf32>,
          %mul3A_228 = arith.constant 64 : i32
          %mul3A_229 = arith.muli %while3A_205, %mul3A_228 : i32
          %add3A_230 = arith.constant 16 : i32
          %add3A_231 = arith.addi %mul3A_229, %add3A_230 : i32
          %swap3A_232 = arith.index_cast %add3A_231 : i32 to index
          %swap3A_233 = tpu.vector_load %arg11[%swap3A_232] {strides = array<i32>} : memref<32768xf32, #tpu.memory_space<vmem>>, vector<16xf32>,
          tpu.vector_store %arg11[%swap3A_232], %gather3A_227 {strides = array<i32>} : memref<32768xf32, #tpu.memory_space<vmem>>, vector<16xf32>,
          %gather3A_234 = arith.constant 0 : i32
          %gather3A_235 = arith.constant 0 : i32
          %gather3A_236 = arith.constant 0 : i32
          %gather3A_237 = tpu.memref_slice %arg10[%while3A_187, %gather3A_234, %gather3A_235, %gather3A_236] : memref<8x8x8x128xf32, #tpu.memory_space<vmem>> -> memref<1x8x8x128xf32, #tpu.memory_space<vmem>>
          %gather3A_238 = tpu.memref_squeeze %gather3A_237 : memref<1x8x8x128xf32, #tpu.memory_space<vmem>> -> memref<8x8x128xf32, #tpu.memory_space<vmem>>
          %gather3A_239 = tpu.vector_load_idx %gather3A_238[%add3A_38, %and3A_27, %broadcast_in_dim3A] : memref<8x8x128xf32, #tpu.memory_space<vmem>>[vector<16xi32>, vector<16xi32>, vector<16xi32>], vector<16xf32>,
          %mul3A_240 = arith.constant 64 : i32
          %mul3A_241 = arith.muli %while3A_205, %mul3A_240 : i32
          %add3A_242 = arith.constant 32 : i32
          %add3A_243 = arith.addi %mul3A_241, %add3A_242 : i32
          %swap3A_244 = arith.index_cast %add3A_243 : i32 to index
          %swap3A_245 = tpu.vector_load %arg11[%swap3A_244] {strides = array<i32>} : memref<32768xf32, #tpu.memory_space<vmem>>, vector<16xf32>,
          tpu.vector_store %arg11[%swap3A_244], %gather3A_239 {strides = array<i32>} : memref<32768xf32, #tpu.memory_space<vmem>>, vector<16xf32>,
          %gather3A_246 = arith.constant 0 : i32
          %gather3A_247 = arith.constant 0 : i32
          %gather3A_248 = arith.constant 0 : i32
          %gather3A_249 = tpu.memref_slice %arg10[%while3A_187, %gather3A_246, %gather3A_247, %gather3A_248] : memref<8x8x8x128xf32, #tpu.memory_space<vmem>> -> memref<1x8x8x128xf32, #tpu.memory_space<vmem>>
          %gather3A_250 = tpu.memref_squeeze %gather3A_249 : memref<1x8x8x128xf32, #tpu.memory_space<vmem>> -> memref<8x8x128xf32, #tpu.memory_space<vmem>>
          %gather3A_251 = tpu.vector_load_idx %gather3A_250[%add3A_41, %and3A_27, %broadcast_in_dim3A] : memref<8x8x128xf32, #tpu.memory_space<vmem>>[vector<16xi32>, vector<16xi32>, vector<16xi32>], vector<16xf32>,
          %mul3A_252 = arith.constant 64 : i32
          %mul3A_253 = arith.muli %while3A_205, %mul3A_252 : i32
          %add3A_254 = arith.constant 48 : i32
          %add3A_255 = arith.addi %mul3A_253, %add3A_254 : i32
          %swap3A_256 = arith.index_cast %add3A_255 : i32 to index
          %swap3A_257 = tpu.vector_load %arg11[%swap3A_256] {strides = array<i32>} : memref<32768xf32, #tpu.memory_space<vmem>>, vector<16xf32>,
          tpu.vector_store %arg11[%swap3A_256], %gather3A_251 {strides = array<i32>} : memref<32768xf32, #tpu.memory_space<vmem>>, vector<16xf32>,
          %mul3A_258 = arith.constant 64 : i32
          %mul3A_259 = arith.muli %while3A_205, %mul3A_258 : i32
          %get3A_260 = arith.index_cast %while3A_205 : i32 to index
          %get3A_261 = memref.load %arg8[%get3A_260] : memref<512xi32, #tpu.memory_space<smem>>
          %mul3A_262 = arith.constant 64 : i32
          %mul3A_263 = arith.muli %get3A_261, %mul3A_262 : i32
          %dma_start3A_264 = tpu.memref_slice %arg11[%mul3A_259] : memref<32768xf32, #tpu.memory_space<vmem>> -> memref<64xf32, #tpu.memory_space<vmem>>
          %dma_start3A_265 = tpu.memref_slice %arg5[%mul3A_263] : memref<1048576xf32, #tpu.memory_space<hbm>> -> memref<64xf32, #tpu.memory_space<hbm>>
          %dma_start3A_266 = tpu.memref_slice %arg5[%mul3A_263] : memref<1048576xf32, #tpu.memory_space<hbm>> -> memref<64xf32, #tpu.memory_space<hbm>>
          %dma_start3A_267 = tpu.memref_slice %arg11[%mul3A_259] : memref<32768xf32, #tpu.memory_space<vmem>> -> memref<64xf32, #tpu.memory_space<vmem>>
          tpu.enqueue_dma source(%dma_start3A_267 : memref<64xf32, #tpu.memory_space<vmem>>) target(%dma_start3A_266 : memref<64xf32, #tpu.memory_space<hbm>>) target_semaphore(%arg13 : memref<!tpu.dma_semaphore, #tpu.memory_space<semaphore_mem>>)
          %while3A_268 = arith.constant 0 : i32
          scf.yield %while3A_268 : i32
        }
        %add3A_199 = arith.constant 8 : i32
        %add3A_200 = arith.addi %add3A_125, %add3A_199 : i32
        %lt3A_201 = arith.cmpi slt, %add3A_200, %scan3A_22#0 : i32
        %convert_element_type3A_202 = arith.extui %lt3A_201 : i1 to i32
        %cond3A_203 = arith.constant 0 : i32
        %cond3A_204 = arith.cmpi ne, %convert_element_type3A_202, %cond3A_203 : i32
        scf.if %cond3A_204 {
          %get3A_205 = arith.index_cast %add3A_200 : i32 to index
          %get3A_206 = memref.load %arg9[%get3A_205] : memref<513xi32, #tpu.memory_space<smem>>
          %get3A_207 = arith.index_cast %get3A_206 : i32 to index
          %get3A_208 = memref.load %arg7[%get3A_207] : memref<512xi32, #tpu.memory_space<smem>>
          %shift_right_logical3A_209 = arith.constant 7 : i32
          %shift_right_logical3A_210 = arith.shrui %get3A_208, %shift_right_logical3A_209 : i32
          %shift_left3A = arith.constant 7 : i32
          %shift_left3A_211 = arith.shli %shift_right_logical3A_210, %shift_left3A : i32
          %multiple_of3A = tpu.assume_multiple %shift_left3A_211, 128 : i32
          %dma_start3A_212 = arith.constant 3 : i32
          %dma_start3A_213 = arith.constant 0 : i32
          %dma_start3A_214 = arith.constant 0 : i32
          %dma_start3A_215 = arith.constant 0 : i32
          %dma_start3A_216 = tpu.memref_slice %arg10[%dma_start3A_212, %dma_start3A_213, %dma_start3A_214, %dma_start3A_215] : memref<8x8x8x128xf32, #tpu.memory_space<vmem>> -> memref<1x8x8x128xf32, #tpu.memory_space<vmem>>
          %dma_start3A_217 = tpu.memref_squeeze %dma_start3A_216 : memref<1x8x8x128xf32, #tpu.memory_space<vmem>> -> memref<8x8x128xf32, #tpu.memory_space<vmem>>
          %dma_start3A_218 = arith.constant 0 : i32
          %dma_start3A_219 = arith.constant 0 : i32
          %dma_start3A_220 = tpu.memref_slice %arg2[%dma_start3A_218, %dma_start3A_219, %multiple_of3A] : memref<8x8x1000001xf32, #tpu.memory_space<hbm>> -> memref<8x8x128xf32, #tpu.memory_space<hbm>>
          %dma_start3A_221 = arith.constant 0 : i32
          %dma_start3A_222 = arith.constant 0 : i32
          %dma_start3A_223 = arith.constant 0 : i32
          %dma_start3A_224 = tpu.memref_slice %arg10[%dma_start3A_212, %dma_start3A_221, %dma_start3A_222, %dma_start3A_223] : memref<8x8x8x128xf32, #tpu.memory_space<vmem>> -> memref<1x8x8x128xf32, #tpu.memory_space<vmem>>
          %dma_start3A_225 = tpu.memref_squeeze %dma_start3A_224 : memref<1x8x8x128xf32, #tpu.memory_space<vmem>> -> memref<8x8x128xf32, #tpu.memory_space<vmem>>
          %dma_start3A_226 = arith.constant 0 : i32
          %dma_start3A_227 = arith.constant 0 : i32
          %dma_start3A_228 = tpu.memref_slice %arg2[%dma_start3A_226, %dma_start3A_227, %multiple_of3A] : memref<8x8x1000001xf32, #tpu.memory_space<hbm>> -> memref<8x8x128xf32, #tpu.memory_space<hbm>>
          tpu.enqueue_dma source(%dma_start3A_228 : memref<8x8x128xf32, #tpu.memory_space<hbm>>) target(%dma_start3A_225 : memref<8x8x128xf32, #tpu.memory_space<vmem>>) target_semaphore(%arg17 : memref<!tpu.dma_semaphore, #tpu.memory_space<semaphore_mem>>)
        } else {
        }
      } else {
      }
      %mul3A_130 = arith.constant 8 : i32
      %mul3A_131 = arith.muli %while3A_97, %mul3A_130 : i32
      %add3A_132 = arith.constant 4 : i32
      %add3A_133 = arith.addi %mul3A_131, %add3A_132 : i32
      %lt3A_134 = arith.cmpi slt, %add3A_133, %scan3A_22#0 : i32
      %convert_element_type3A_135 = arith.extui %lt3A_134 : i1 to i32
      %cond3A_136 = arith.constant 0 : i32
      %cond3A_137 = arith.cmpi ne, %convert_element_type3A_135, %cond3A_136 : i32
      scf.if %cond3A_137 {
        %dma_wait3A_163 = arith.constant 4 : i32
        %dma_wait3A_164 = arith.constant 0 : i32
        %dma_wait3A_165 = arith.constant 0 : i32
        %dma_wait3A_166 = arith.constant 0 : i32
        %dma_wait3A_167 = tpu.memref_slice %arg10[%dma_wait3A_163, %dma_wait3A_164, %dma_wait3A_165, %dma_wait3A_166] : memref<8x8x8x128xf32, #tpu.memory_space<vmem>> -> memref<1x8x8x128xf32, #tpu.memory_space<vmem>>
        %dma_wait3A_168 = tpu.memref_squeeze %dma_wait3A_167 : memref<1x8x8x128xf32, #tpu.memory_space<vmem>> -> memref<8x8x128xf32, #tpu.memory_space<vmem>>
        %dma_wait3A_169 = arith.constant 0 : i32
        %dma_wait3A_170 = arith.constant 0 : i32
        %dma_wait3A_171 = arith.constant 0 : i32
        %dma_wait3A_172 = tpu.memref_slice %arg2[%dma_wait3A_169, %dma_wait3A_170, %dma_wait3A_171] : memref<8x8x1000001xf32, #tpu.memory_space<hbm>> -> memref<8x8x128xf32, #tpu.memory_space<hbm>>
        %dma_wait3A_173 = arith.constant 0 : i32
        %dma_wait3A_174 = arith.constant 0 : i32
        %dma_wait3A_175 = arith.constant 0 : i32
        %dma_wait3A_176 = tpu.memref_slice %arg10[%dma_wait3A_163, %dma_wait3A_173, %dma_wait3A_174, %dma_wait3A_175] : memref<8x8x8x128xf32, #tpu.memory_space<vmem>> -> memref<1x8x8x128xf32, #tpu.memory_space<vmem>>
        %dma_wait3A_177 = tpu.memref_squeeze %dma_wait3A_176 : memref<1x8x8x128xf32, #tpu.memory_space<vmem>> -> memref<8x8x128xf32, #tpu.memory_space<vmem>>
        %dma_wait3A_178 = arith.constant 0 : i32
        %dma_wait3A_179 = arith.constant 0 : i32
        %dma_wait3A_180 = arith.constant 0 : i32
        %dma_wait3A_181 = tpu.memref_slice %arg2[%dma_wait3A_178, %dma_wait3A_179, %dma_wait3A_180] : memref<8x8x1000001xf32, #tpu.memory_space<hbm>> -> memref<8x8x128xf32, #tpu.memory_space<hbm>>
        tpu.wait_dma2 semaphore(%arg18 : memref<!tpu.dma_semaphore, #tpu.memory_space<semaphore_mem>>) src(%dma_wait3A_181 : memref<8x8x128xf32, #tpu.memory_space<hbm>>) dst(%dma_wait3A_177 : memref<8x8x128xf32, #tpu.memory_space<vmem>>)
        %get3A = arith.index_cast %add3A_133 : i32 to index
        %get3A_182 = memref.load %arg9[%get3A] : memref<513xi32, #tpu.memory_space<smem>>
        %add3A_183 = arith.constant 1 : i32
        %add3A_184 = arith.addi %add3A_133, %add3A_183 : i32
        %get3A_185 = arith.index_cast %add3A_184 : i32 to index
        %get3A_186 = memref.load %arg9[%get3A_185] : memref<513xi32, #tpu.memory_space<smem>>
        %while3A_187 = arith.constant 4 : i32
        %while3A_188 = arith.constant 0 : i32
        %while3A_189 = arith.subi %get3A_186, %get3A_182 : i32
        %while3A_190 = arith.addi %get3A_182, %while3A_189 : i32
        %while3A_191 = arith.constant 1 : i32
        %while3A_192 = arith.divsi %while3A_189, %while3A_191 : i32
        %while3A_193 = arith.muli %while3A_192, %while3A_191 : i32
        %while3A_194 = arith.addi %get3A_182, %while3A_193 : i32
        %while3A_195 = arith.constant 1 : i32
        %while3A_196 = scf.for %while3A_205 = %get3A_182 to %while3A_194 step %while3A_195 iter_args(%while3A_206 = %while3A_188) -> (i32)  : i32 {
          %get3A_207 = arith.index_cast %while3A_205 : i32 to index
          %get3A_208 = memref.load %arg7[%get3A_207] : memref<512xi32, #tpu.memory_space<smem>>
          %and3A_209 = arith.constant 127 : i32
          %and3A_210 = arith.andi %get3A_208, %and3A_209 : i32
          %broadcast_in_dim3A = vector.broadcast %and3A_210 : i32 to vector<16xi32>
          %gather3A = arith.constant 0 : i32
          %gather3A_211 = arith.constant 0 : i32
          %gather3A_212 = arith.constant 0 : i32
          %gather3A_213 = tpu.memref_slice %arg10[%while3A_187, %gather3A, %gather3A_211, %gather3A_212] : memref<8x8x8x128xf32, #tpu.memory_space<vmem>> -> memref<1x8x8x128xf32, #tpu.memory_space<vmem>>
          %gather3A_214 = tpu.memref_squeeze %gather3A_213 : memref<1x8x8x128xf32, #tpu.memory_space<vmem>> -> memref<8x8x128xf32, #tpu.memory_space<vmem>>
          %gather3A_215 = tpu.vector_load_idx %gather3A_214[%add3A_32, %and3A_27, %broadcast_in_dim3A] : memref<8x8x128xf32, #tpu.memory_space<vmem>>[vector<16xi32>, vector<16xi32>, vector<16xi32>], vector<16xf32>,
          %mul3A_216 = arith.constant 64 : i32
          %mul3A_217 = arith.muli %while3A_205, %mul3A_216 : i32
          %add3A_218 = arith.constant 0 : i32
          %add3A_219 = arith.addi %mul3A_217, %add3A_218 : i32
          %swap3A_220 = arith.index_cast %add3A_219 : i32 to index
          %swap3A_221 = tpu.vector_load %arg11[%swap3A_220] {strides = array<i32>} : memref<32768xf32, #tpu.memory_space<vmem>>, vector<16xf32>,
          tpu.vector_store %arg11[%swap3A_220], %gather3A_215 {strides = array<i32>} : memref<32768xf32, #tpu.memory_space<vmem>>, vector<16xf32>,
          %gather3A_222 = arith.constant 0 : i32
          %gather3A_223 = arith.constant 0 : i32
          %gather3A_224 = arith.constant 0 : i32
          %gather3A_225 = tpu.memref_slice %arg10[%while3A_187, %gather3A_222, %gather3A_223, %gather3A_224] : memref<8x8x8x128xf32, #tpu.memory_space<vmem>> -> memref<1x8x8x128xf32, #tpu.memory_space<vmem>>
          %gather3A_226 = tpu.memref_squeeze %gather3A_225 : memref<1x8x8x128xf32, #tpu.memory_space<vmem>> -> memref<8x8x128xf32, #tpu.memory_space<vmem>>
          %gather3A_227 = tpu.vector_load_idx %gather3A_226[%add3A_35, %and3A_27, %broadcast_in_dim3A] : memref<8x8x128xf32, #tpu.memory_space<vmem>>[vector<16xi32>, vector<16xi32>, vector<16xi32>], vector<16xf32>,
          %mul3A_228 = arith.constant 64 : i32
          %mul3A_229 = arith.muli %while3A_205, %mul3A_228 : i32
          %add3A_230 = arith.constant 16 : i32
          %add3A_231 = arith.addi %mul3A_229, %add3A_230 : i32
          %swap3A_232 = arith.index_cast %add3A_231 : i32 to index
          %swap3A_233 = tpu.vector_load %arg11[%swap3A_232] {strides = array<i32>} : memref<32768xf32, #tpu.memory_space<vmem>>, vector<16xf32>,
          tpu.vector_store %arg11[%swap3A_232], %gather3A_227 {strides = array<i32>} : memref<32768xf32, #tpu.memory_space<vmem>>, vector<16xf32>,
          %gather3A_234 = arith.constant 0 : i32
          %gather3A_235 = arith.constant 0 : i32
          %gather3A_236 = arith.constant 0 : i32
          %gather3A_237 = tpu.memref_slice %arg10[%while3A_187, %gather3A_234, %gather3A_235, %gather3A_236] : memref<8x8x8x128xf32, #tpu.memory_space<vmem>> -> memref<1x8x8x128xf32, #tpu.memory_space<vmem>>
          %gather3A_238 = tpu.memref_squeeze %gather3A_237 : memref<1x8x8x128xf32, #tpu.memory_space<vmem>> -> memref<8x8x128xf32, #tpu.memory_space<vmem>>
          %gather3A_239 = tpu.vector_load_idx %gather3A_238[%add3A_38, %and3A_27, %broadcast_in_dim3A] : memref<8x8x128xf32, #tpu.memory_space<vmem>>[vector<16xi32>, vector<16xi32>, vector<16xi32>], vector<16xf32>,
          %mul3A_240 = arith.constant 64 : i32
          %mul3A_241 = arith.muli %while3A_205, %mul3A_240 : i32
          %add3A_242 = arith.constant 32 : i32
          %add3A_243 = arith.addi %mul3A_241, %add3A_242 : i32
          %swap3A_244 = arith.index_cast %add3A_243 : i32 to index
          %swap3A_245 = tpu.vector_load %arg11[%swap3A_244] {strides = array<i32>} : memref<32768xf32, #tpu.memory_space<vmem>>, vector<16xf32>,
          tpu.vector_store %arg11[%swap3A_244], %gather3A_239 {strides = array<i32>} : memref<32768xf32, #tpu.memory_space<vmem>>, vector<16xf32>,
          %gather3A_246 = arith.constant 0 : i32
          %gather3A_247 = arith.constant 0 : i32
          %gather3A_248 = arith.constant 0 : i32
          %gather3A_249 = tpu.memref_slice %arg10[%while3A_187, %gather3A_246, %gather3A_247, %gather3A_248] : memref<8x8x8x128xf32, #tpu.memory_space<vmem>> -> memref<1x8x8x128xf32, #tpu.memory_space<vmem>>
          %gather3A_250 = tpu.memref_squeeze %gather3A_249 : memref<1x8x8x128xf32, #tpu.memory_space<vmem>> -> memref<8x8x128xf32, #tpu.memory_space<vmem>>
          %gather3A_251 = tpu.vector_load_idx %gather3A_250[%add3A_41, %and3A_27, %broadcast_in_dim3A] : memref<8x8x128xf32, #tpu.memory_space<vmem>>[vector<16xi32>, vector<16xi32>, vector<16xi32>], vector<16xf32>,
          %mul3A_252 = arith.constant 64 : i32
          %mul3A_253 = arith.muli %while3A_205, %mul3A_252 : i32
          %add3A_254 = arith.constant 48 : i32
          %add3A_255 = arith.addi %mul3A_253, %add3A_254 : i32
          %swap3A_256 = arith.index_cast %add3A_255 : i32 to index
          %swap3A_257 = tpu.vector_load %arg11[%swap3A_256] {strides = array<i32>} : memref<32768xf32, #tpu.memory_space<vmem>>, vector<16xf32>,
          tpu.vector_store %arg11[%swap3A_256], %gather3A_251 {strides = array<i32>} : memref<32768xf32, #tpu.memory_space<vmem>>, vector<16xf32>,
          %mul3A_258 = arith.constant 64 : i32
          %mul3A_259 = arith.muli %while3A_205, %mul3A_258 : i32
          %get3A_260 = arith.index_cast %while3A_205 : i32 to index
          %get3A_261 = memref.load %arg8[%get3A_260] : memref<512xi32, #tpu.memory_space<smem>>
          %mul3A_262 = arith.constant 64 : i32
          %mul3A_263 = arith.muli %get3A_261, %mul3A_262 : i32
          %dma_start3A_264 = tpu.memref_slice %arg11[%mul3A_259] : memref<32768xf32, #tpu.memory_space<vmem>> -> memref<64xf32, #tpu.memory_space<vmem>>
          %dma_start3A_265 = tpu.memref_slice %arg5[%mul3A_263] : memref<1048576xf32, #tpu.memory_space<hbm>> -> memref<64xf32, #tpu.memory_space<hbm>>
          %dma_start3A_266 = tpu.memref_slice %arg5[%mul3A_263] : memref<1048576xf32, #tpu.memory_space<hbm>> -> memref<64xf32, #tpu.memory_space<hbm>>
          %dma_start3A_267 = tpu.memref_slice %arg11[%mul3A_259] : memref<32768xf32, #tpu.memory_space<vmem>> -> memref<64xf32, #tpu.memory_space<vmem>>
          tpu.enqueue_dma source(%dma_start3A_267 : memref<64xf32, #tpu.memory_space<vmem>>) target(%dma_start3A_266 : memref<64xf32, #tpu.memory_space<hbm>>) target_semaphore(%arg13 : memref<!tpu.dma_semaphore, #tpu.memory_space<semaphore_mem>>)
          %while3A_268 = arith.constant 0 : i32
          scf.yield %while3A_268 : i32
        }
        %while3A_197 = arith.constant 1 : i32
        %while3A_198 = scf.for %while3A_205 = %while3A_194 to %while3A_190 step %while3A_197 iter_args(%while3A_206 = %while3A_196) -> (i32)  : i32 {
          %get3A_207 = arith.index_cast %while3A_205 : i32 to index
          %get3A_208 = memref.load %arg7[%get3A_207] : memref<512xi32, #tpu.memory_space<smem>>
          %and3A_209 = arith.constant 127 : i32
          %and3A_210 = arith.andi %get3A_208, %and3A_209 : i32
          %broadcast_in_dim3A = vector.broadcast %and3A_210 : i32 to vector<16xi32>
          %gather3A = arith.constant 0 : i32
          %gather3A_211 = arith.constant 0 : i32
          %gather3A_212 = arith.constant 0 : i32
          %gather3A_213 = tpu.memref_slice %arg10[%while3A_187, %gather3A, %gather3A_211, %gather3A_212] : memref<8x8x8x128xf32, #tpu.memory_space<vmem>> -> memref<1x8x8x128xf32, #tpu.memory_space<vmem>>
          %gather3A_214 = tpu.memref_squeeze %gather3A_213 : memref<1x8x8x128xf32, #tpu.memory_space<vmem>> -> memref<8x8x128xf32, #tpu.memory_space<vmem>>
          %gather3A_215 = tpu.vector_load_idx %gather3A_214[%add3A_32, %and3A_27, %broadcast_in_dim3A] : memref<8x8x128xf32, #tpu.memory_space<vmem>>[vector<16xi32>, vector<16xi32>, vector<16xi32>], vector<16xf32>,
          %mul3A_216 = arith.constant 64 : i32
          %mul3A_217 = arith.muli %while3A_205, %mul3A_216 : i32
          %add3A_218 = arith.constant 0 : i32
          %add3A_219 = arith.addi %mul3A_217, %add3A_218 : i32
          %swap3A_220 = arith.index_cast %add3A_219 : i32 to index
          %swap3A_221 = tpu.vector_load %arg11[%swap3A_220] {strides = array<i32>} : memref<32768xf32, #tpu.memory_space<vmem>>, vector<16xf32>,
          tpu.vector_store %arg11[%swap3A_220], %gather3A_215 {strides = array<i32>} : memref<32768xf32, #tpu.memory_space<vmem>>, vector<16xf32>,
          %gather3A_222 = arith.constant 0 : i32
          %gather3A_223 = arith.constant 0 : i32
          %gather3A_224 = arith.constant 0 : i32
          %gather3A_225 = tpu.memref_slice %arg10[%while3A_187, %gather3A_222, %gather3A_223, %gather3A_224] : memref<8x8x8x128xf32, #tpu.memory_space<vmem>> -> memref<1x8x8x128xf32, #tpu.memory_space<vmem>>
          %gather3A_226 = tpu.memref_squeeze %gather3A_225 : memref<1x8x8x128xf32, #tpu.memory_space<vmem>> -> memref<8x8x128xf32, #tpu.memory_space<vmem>>
          %gather3A_227 = tpu.vector_load_idx %gather3A_226[%add3A_35, %and3A_27, %broadcast_in_dim3A] : memref<8x8x128xf32, #tpu.memory_space<vmem>>[vector<16xi32>, vector<16xi32>, vector<16xi32>], vector<16xf32>,
          %mul3A_228 = arith.constant 64 : i32
          %mul3A_229 = arith.muli %while3A_205, %mul3A_228 : i32
          %add3A_230 = arith.constant 16 : i32
          %add3A_231 = arith.addi %mul3A_229, %add3A_230 : i32
          %swap3A_232 = arith.index_cast %add3A_231 : i32 to index
          %swap3A_233 = tpu.vector_load %arg11[%swap3A_232] {strides = array<i32>} : memref<32768xf32, #tpu.memory_space<vmem>>, vector<16xf32>,
          tpu.vector_store %arg11[%swap3A_232], %gather3A_227 {strides = array<i32>} : memref<32768xf32, #tpu.memory_space<vmem>>, vector<16xf32>,
          %gather3A_234 = arith.constant 0 : i32
          %gather3A_235 = arith.constant 0 : i32
          %gather3A_236 = arith.constant 0 : i32
          %gather3A_237 = tpu.memref_slice %arg10[%while3A_187, %gather3A_234, %gather3A_235, %gather3A_236] : memref<8x8x8x128xf32, #tpu.memory_space<vmem>> -> memref<1x8x8x128xf32, #tpu.memory_space<vmem>>
          %gather3A_238 = tpu.memref_squeeze %gather3A_237 : memref<1x8x8x128xf32, #tpu.memory_space<vmem>> -> memref<8x8x128xf32, #tpu.memory_space<vmem>>
          %gather3A_239 = tpu.vector_load_idx %gather3A_238[%add3A_38, %and3A_27, %broadcast_in_dim3A] : memref<8x8x128xf32, #tpu.memory_space<vmem>>[vector<16xi32>, vector<16xi32>, vector<16xi32>], vector<16xf32>,
          %mul3A_240 = arith.constant 64 : i32
          %mul3A_241 = arith.muli %while3A_205, %mul3A_240 : i32
          %add3A_242 = arith.constant 32 : i32
          %add3A_243 = arith.addi %mul3A_241, %add3A_242 : i32
          %swap3A_244 = arith.index_cast %add3A_243 : i32 to index
          %swap3A_245 = tpu.vector_load %arg11[%swap3A_244] {strides = array<i32>} : memref<32768xf32, #tpu.memory_space<vmem>>, vector<16xf32>,
          tpu.vector_store %arg11[%swap3A_244], %gather3A_239 {strides = array<i32>} : memref<32768xf32, #tpu.memory_space<vmem>>, vector<16xf32>,
          %gather3A_246 = arith.constant 0 : i32
          %gather3A_247 = arith.constant 0 : i32
          %gather3A_248 = arith.constant 0 : i32
          %gather3A_249 = tpu.memref_slice %arg10[%while3A_187, %gather3A_246, %gather3A_247, %gather3A_248] : memref<8x8x8x128xf32, #tpu.memory_space<vmem>> -> memref<1x8x8x128xf32, #tpu.memory_space<vmem>>
          %gather3A_250 = tpu.memref_squeeze %gather3A_249 : memref<1x8x8x128xf32, #tpu.memory_space<vmem>> -> memref<8x8x128xf32, #tpu.memory_space<vmem>>
          %gather3A_251 = tpu.vector_load_idx %gather3A_250[%add3A_41, %and3A_27, %broadcast_in_dim3A] : memref<8x8x128xf32, #tpu.memory_space<vmem>>[vector<16xi32>, vector<16xi32>, vector<16xi32>], vector<16xf32>,
          %mul3A_252 = arith.constant 64 : i32
          %mul3A_253 = arith.muli %while3A_205, %mul3A_252 : i32
          %add3A_254 = arith.constant 48 : i32
          %add3A_255 = arith.addi %mul3A_253, %add3A_254 : i32
          %swap3A_256 = arith.index_cast %add3A_255 : i32 to index
          %swap3A_257 = tpu.vector_load %arg11[%swap3A_256] {strides = array<i32>} : memref<32768xf32, #tpu.memory_space<vmem>>, vector<16xf32>,
          tpu.vector_store %arg11[%swap3A_256], %gather3A_251 {strides = array<i32>} : memref<32768xf32, #tpu.memory_space<vmem>>, vector<16xf32>,
          %mul3A_258 = arith.constant 64 : i32
          %mul3A_259 = arith.muli %while3A_205, %mul3A_258 : i32
          %get3A_260 = arith.index_cast %while3A_205 : i32 to index
          %get3A_261 = memref.load %arg8[%get3A_260] : memref<512xi32, #tpu.memory_space<smem>>
          %mul3A_262 = arith.constant 64 : i32
          %mul3A_263 = arith.muli %get3A_261, %mul3A_262 : i32
          %dma_start3A_264 = tpu.memref_slice %arg11[%mul3A_259] : memref<32768xf32, #tpu.memory_space<vmem>> -> memref<64xf32, #tpu.memory_space<vmem>>
          %dma_start3A_265 = tpu.memref_slice %arg5[%mul3A_263] : memref<1048576xf32, #tpu.memory_space<hbm>> -> memref<64xf32, #tpu.memory_space<hbm>>
          %dma_start3A_266 = tpu.memref_slice %arg5[%mul3A_263] : memref<1048576xf32, #tpu.memory_space<hbm>> -> memref<64xf32, #tpu.memory_space<hbm>>
          %dma_start3A_267 = tpu.memref_slice %arg11[%mul3A_259] : memref<32768xf32, #tpu.memory_space<vmem>> -> memref<64xf32, #tpu.memory_space<vmem>>
          tpu.enqueue_dma source(%dma_start3A_267 : memref<64xf32, #tpu.memory_space<vmem>>) target(%dma_start3A_266 : memref<64xf32, #tpu.memory_space<hbm>>) target_semaphore(%arg13 : memref<!tpu.dma_semaphore, #tpu.memory_space<semaphore_mem>>)
          %while3A_268 = arith.constant 0 : i32
          scf.yield %while3A_268 : i32
        }
        %add3A_199 = arith.constant 8 : i32
        %add3A_200 = arith.addi %add3A_133, %add3A_199 : i32
        %lt3A_201 = arith.cmpi slt, %add3A_200, %scan3A_22#0 : i32
        %convert_element_type3A_202 = arith.extui %lt3A_201 : i1 to i32
        %cond3A_203 = arith.constant 0 : i32
        %cond3A_204 = arith.cmpi ne, %convert_element_type3A_202, %cond3A_203 : i32
        scf.if %cond3A_204 {
          %get3A_205 = arith.index_cast %add3A_200 : i32 to index
          %get3A_206 = memref.load %arg9[%get3A_205] : memref<513xi32, #tpu.memory_space<smem>>
          %get3A_207 = arith.index_cast %get3A_206 : i32 to index
          %get3A_208 = memref.load %arg7[%get3A_207] : memref<512xi32, #tpu.memory_space<smem>>
          %shift_right_logical3A_209 = arith.constant 7 : i32
          %shift_right_logical3A_210 = arith.shrui %get3A_208, %shift_right_logical3A_209 : i32
          %shift_left3A = arith.constant 7 : i32
          %shift_left3A_211 = arith.shli %shift_right_logical3A_210, %shift_left3A : i32
          %multiple_of3A = tpu.assume_multiple %shift_left3A_211, 128 : i32
          %dma_start3A_212 = arith.constant 4 : i32
          %dma_start3A_213 = arith.constant 0 : i32
          %dma_start3A_214 = arith.constant 0 : i32
          %dma_start3A_215 = arith.constant 0 : i32
          %dma_start3A_216 = tpu.memref_slice %arg10[%dma_start3A_212, %dma_start3A_213, %dma_start3A_214, %dma_start3A_215] : memref<8x8x8x128xf32, #tpu.memory_space<vmem>> -> memref<1x8x8x128xf32, #tpu.memory_space<vmem>>
          %dma_start3A_217 = tpu.memref_squeeze %dma_start3A_216 : memref<1x8x8x128xf32, #tpu.memory_space<vmem>> -> memref<8x8x128xf32, #tpu.memory_space<vmem>>
          %dma_start3A_218 = arith.constant 0 : i32
          %dma_start3A_219 = arith.constant 0 : i32
          %dma_start3A_220 = tpu.memref_slice %arg2[%dma_start3A_218, %dma_start3A_219, %multiple_of3A] : memref<8x8x1000001xf32, #tpu.memory_space<hbm>> -> memref<8x8x128xf32, #tpu.memory_space<hbm>>
          %dma_start3A_221 = arith.constant 0 : i32
          %dma_start3A_222 = arith.constant 0 : i32
          %dma_start3A_223 = arith.constant 0 : i32
          %dma_start3A_224 = tpu.memref_slice %arg10[%dma_start3A_212, %dma_start3A_221, %dma_start3A_222, %dma_start3A_223] : memref<8x8x8x128xf32, #tpu.memory_space<vmem>> -> memref<1x8x8x128xf32, #tpu.memory_space<vmem>>
          %dma_start3A_225 = tpu.memref_squeeze %dma_start3A_224 : memref<1x8x8x128xf32, #tpu.memory_space<vmem>> -> memref<8x8x128xf32, #tpu.memory_space<vmem>>
          %dma_start3A_226 = arith.constant 0 : i32
          %dma_start3A_227 = arith.constant 0 : i32
          %dma_start3A_228 = tpu.memref_slice %arg2[%dma_start3A_226, %dma_start3A_227, %multiple_of3A] : memref<8x8x1000001xf32, #tpu.memory_space<hbm>> -> memref<8x8x128xf32, #tpu.memory_space<hbm>>
          tpu.enqueue_dma source(%dma_start3A_228 : memref<8x8x128xf32, #tpu.memory_space<hbm>>) target(%dma_start3A_225 : memref<8x8x128xf32, #tpu.memory_space<vmem>>) target_semaphore(%arg18 : memref<!tpu.dma_semaphore, #tpu.memory_space<semaphore_mem>>)
        } else {
        }
      } else {
      }
      %mul3A_138 = arith.constant 8 : i32
      %mul3A_139 = arith.muli %while3A_97, %mul3A_138 : i32
      %add3A_140 = arith.constant 5 : i32
      %add3A_141 = arith.addi %mul3A_139, %add3A_140 : i32
      %lt3A_142 = arith.cmpi slt, %add3A_141, %scan3A_22#0 : i32
      %convert_element_type3A_143 = arith.extui %lt3A_142 : i1 to i32
      %cond3A_144 = arith.constant 0 : i32
      %cond3A_145 = arith.cmpi ne, %convert_element_type3A_143, %cond3A_144 : i32
      scf.if %cond3A_145 {
        %dma_wait3A_163 = arith.constant 5 : i32
        %dma_wait3A_164 = arith.constant 0 : i32
        %dma_wait3A_165 = arith.constant 0 : i32
        %dma_wait3A_166 = arith.constant 0 : i32
        %dma_wait3A_167 = tpu.memref_slice %arg10[%dma_wait3A_163, %dma_wait3A_164, %dma_wait3A_165, %dma_wait3A_166] : memref<8x8x8x128xf32, #tpu.memory_space<vmem>> -> memref<1x8x8x128xf32, #tpu.memory_space<vmem>>
        %dma_wait3A_168 = tpu.memref_squeeze %dma_wait3A_167 : memref<1x8x8x128xf32, #tpu.memory_space<vmem>> -> memref<8x8x128xf32, #tpu.memory_space<vmem>>
        %dma_wait3A_169 = arith.constant 0 : i32
        %dma_wait3A_170 = arith.constant 0 : i32
        %dma_wait3A_171 = arith.constant 0 : i32
        %dma_wait3A_172 = tpu.memref_slice %arg2[%dma_wait3A_169, %dma_wait3A_170, %dma_wait3A_171] : memref<8x8x1000001xf32, #tpu.memory_space<hbm>> -> memref<8x8x128xf32, #tpu.memory_space<hbm>>
        %dma_wait3A_173 = arith.constant 0 : i32
        %dma_wait3A_174 = arith.constant 0 : i32
        %dma_wait3A_175 = arith.constant 0 : i32
        %dma_wait3A_176 = tpu.memref_slice %arg10[%dma_wait3A_163, %dma_wait3A_173, %dma_wait3A_174, %dma_wait3A_175] : memref<8x8x8x128xf32, #tpu.memory_space<vmem>> -> memref<1x8x8x128xf32, #tpu.memory_space<vmem>>
        %dma_wait3A_177 = tpu.memref_squeeze %dma_wait3A_176 : memref<1x8x8x128xf32, #tpu.memory_space<vmem>> -> memref<8x8x128xf32, #tpu.memory_space<vmem>>
        %dma_wait3A_178 = arith.constant 0 : i32
        %dma_wait3A_179 = arith.constant 0 : i32
        %dma_wait3A_180 = arith.constant 0 : i32
        %dma_wait3A_181 = tpu.memref_slice %arg2[%dma_wait3A_178, %dma_wait3A_179, %dma_wait3A_180] : memref<8x8x1000001xf32, #tpu.memory_space<hbm>> -> memref<8x8x128xf32, #tpu.memory_space<hbm>>
        tpu.wait_dma2 semaphore(%arg19 : memref<!tpu.dma_semaphore, #tpu.memory_space<semaphore_mem>>) src(%dma_wait3A_181 : memref<8x8x128xf32, #tpu.memory_space<hbm>>) dst(%dma_wait3A_177 : memref<8x8x128xf32, #tpu.memory_space<vmem>>)
        %get3A = arith.index_cast %add3A_141 : i32 to index
        %get3A_182 = memref.load %arg9[%get3A] : memref<513xi32, #tpu.memory_space<smem>>
        %add3A_183 = arith.constant 1 : i32
        %add3A_184 = arith.addi %add3A_141, %add3A_183 : i32
        %get3A_185 = arith.index_cast %add3A_184 : i32 to index
        %get3A_186 = memref.load %arg9[%get3A_185] : memref<513xi32, #tpu.memory_space<smem>>
        %while3A_187 = arith.constant 5 : i32
        %while3A_188 = arith.constant 0 : i32
        %while3A_189 = arith.subi %get3A_186, %get3A_182 : i32
        %while3A_190 = arith.addi %get3A_182, %while3A_189 : i32
        %while3A_191 = arith.constant 1 : i32
        %while3A_192 = arith.divsi %while3A_189, %while3A_191 : i32
        %while3A_193 = arith.muli %while3A_192, %while3A_191 : i32
        %while3A_194 = arith.addi %get3A_182, %while3A_193 : i32
        %while3A_195 = arith.constant 1 : i32
        %while3A_196 = scf.for %while3A_205 = %get3A_182 to %while3A_194 step %while3A_195 iter_args(%while3A_206 = %while3A_188) -> (i32)  : i32 {
          %get3A_207 = arith.index_cast %while3A_205 : i32 to index
          %get3A_208 = memref.load %arg7[%get3A_207] : memref<512xi32, #tpu.memory_space<smem>>
          %and3A_209 = arith.constant 127 : i32
          %and3A_210 = arith.andi %get3A_208, %and3A_209 : i32
          %broadcast_in_dim3A = vector.broadcast %and3A_210 : i32 to vector<16xi32>
          %gather3A = arith.constant 0 : i32
          %gather3A_211 = arith.constant 0 : i32
          %gather3A_212 = arith.constant 0 : i32
          %gather3A_213 = tpu.memref_slice %arg10[%while3A_187, %gather3A, %gather3A_211, %gather3A_212] : memref<8x8x8x128xf32, #tpu.memory_space<vmem>> -> memref<1x8x8x128xf32, #tpu.memory_space<vmem>>
          %gather3A_214 = tpu.memref_squeeze %gather3A_213 : memref<1x8x8x128xf32, #tpu.memory_space<vmem>> -> memref<8x8x128xf32, #tpu.memory_space<vmem>>
          %gather3A_215 = tpu.vector_load_idx %gather3A_214[%add3A_32, %and3A_27, %broadcast_in_dim3A] : memref<8x8x128xf32, #tpu.memory_space<vmem>>[vector<16xi32>, vector<16xi32>, vector<16xi32>], vector<16xf32>,
          %mul3A_216 = arith.constant 64 : i32
          %mul3A_217 = arith.muli %while3A_205, %mul3A_216 : i32
          %add3A_218 = arith.constant 0 : i32
          %add3A_219 = arith.addi %mul3A_217, %add3A_218 : i32
          %swap3A_220 = arith.index_cast %add3A_219 : i32 to index
          %swap3A_221 = tpu.vector_load %arg11[%swap3A_220] {strides = array<i32>} : memref<32768xf32, #tpu.memory_space<vmem>>, vector<16xf32>,
          tpu.vector_store %arg11[%swap3A_220], %gather3A_215 {strides = array<i32>} : memref<32768xf32, #tpu.memory_space<vmem>>, vector<16xf32>,
          %gather3A_222 = arith.constant 0 : i32
          %gather3A_223 = arith.constant 0 : i32
          %gather3A_224 = arith.constant 0 : i32
          %gather3A_225 = tpu.memref_slice %arg10[%while3A_187, %gather3A_222, %gather3A_223, %gather3A_224] : memref<8x8x8x128xf32, #tpu.memory_space<vmem>> -> memref<1x8x8x128xf32, #tpu.memory_space<vmem>>
          %gather3A_226 = tpu.memref_squeeze %gather3A_225 : memref<1x8x8x128xf32, #tpu.memory_space<vmem>> -> memref<8x8x128xf32, #tpu.memory_space<vmem>>
          %gather3A_227 = tpu.vector_load_idx %gather3A_226[%add3A_35, %and3A_27, %broadcast_in_dim3A] : memref<8x8x128xf32, #tpu.memory_space<vmem>>[vector<16xi32>, vector<16xi32>, vector<16xi32>], vector<16xf32>,
          %mul3A_228 = arith.constant 64 : i32
          %mul3A_229 = arith.muli %while3A_205, %mul3A_228 : i32
          %add3A_230 = arith.constant 16 : i32
          %add3A_231 = arith.addi %mul3A_229, %add3A_230 : i32
          %swap3A_232 = arith.index_cast %add3A_231 : i32 to index
          %swap3A_233 = tpu.vector_load %arg11[%swap3A_232] {strides = array<i32>} : memref<32768xf32, #tpu.memory_space<vmem>>, vector<16xf32>,
          tpu.vector_store %arg11[%swap3A_232], %gather3A_227 {strides = array<i32>} : memref<32768xf32, #tpu.memory_space<vmem>>, vector<16xf32>,
          %gather3A_234 = arith.constant 0 : i32
          %gather3A_235 = arith.constant 0 : i32
          %gather3A_236 = arith.constant 0 : i32
          %gather3A_237 = tpu.memref_slice %arg10[%while3A_187, %gather3A_234, %gather3A_235, %gather3A_236] : memref<8x8x8x128xf32, #tpu.memory_space<vmem>> -> memref<1x8x8x128xf32, #tpu.memory_space<vmem>>
          %gather3A_238 = tpu.memref_squeeze %gather3A_237 : memref<1x8x8x128xf32, #tpu.memory_space<vmem>> -> memref<8x8x128xf32, #tpu.memory_space<vmem>>
          %gather3A_239 = tpu.vector_load_idx %gather3A_238[%add3A_38, %and3A_27, %broadcast_in_dim3A] : memref<8x8x128xf32, #tpu.memory_space<vmem>>[vector<16xi32>, vector<16xi32>, vector<16xi32>], vector<16xf32>,
          %mul3A_240 = arith.constant 64 : i32
          %mul3A_241 = arith.muli %while3A_205, %mul3A_240 : i32
          %add3A_242 = arith.constant 32 : i32
          %add3A_243 = arith.addi %mul3A_241, %add3A_242 : i32
          %swap3A_244 = arith.index_cast %add3A_243 : i32 to index
          %swap3A_245 = tpu.vector_load %arg11[%swap3A_244] {strides = array<i32>} : memref<32768xf32, #tpu.memory_space<vmem>>, vector<16xf32>,
          tpu.vector_store %arg11[%swap3A_244], %gather3A_239 {strides = array<i32>} : memref<32768xf32, #tpu.memory_space<vmem>>, vector<16xf32>,
          %gather3A_246 = arith.constant 0 : i32
          %gather3A_247 = arith.constant 0 : i32
          %gather3A_248 = arith.constant 0 : i32
          %gather3A_249 = tpu.memref_slice %arg10[%while3A_187, %gather3A_246, %gather3A_247, %gather3A_248] : memref<8x8x8x128xf32, #tpu.memory_space<vmem>> -> memref<1x8x8x128xf32, #tpu.memory_space<vmem>>
          %gather3A_250 = tpu.memref_squeeze %gather3A_249 : memref<1x8x8x128xf32, #tpu.memory_space<vmem>> -> memref<8x8x128xf32, #tpu.memory_space<vmem>>
          %gather3A_251 = tpu.vector_load_idx %gather3A_250[%add3A_41, %and3A_27, %broadcast_in_dim3A] : memref<8x8x128xf32, #tpu.memory_space<vmem>>[vector<16xi32>, vector<16xi32>, vector<16xi32>], vector<16xf32>,
          %mul3A_252 = arith.constant 64 : i32
          %mul3A_253 = arith.muli %while3A_205, %mul3A_252 : i32
          %add3A_254 = arith.constant 48 : i32
          %add3A_255 = arith.addi %mul3A_253, %add3A_254 : i32
          %swap3A_256 = arith.index_cast %add3A_255 : i32 to index
          %swap3A_257 = tpu.vector_load %arg11[%swap3A_256] {strides = array<i32>} : memref<32768xf32, #tpu.memory_space<vmem>>, vector<16xf32>,
          tpu.vector_store %arg11[%swap3A_256], %gather3A_251 {strides = array<i32>} : memref<32768xf32, #tpu.memory_space<vmem>>, vector<16xf32>,
          %mul3A_258 = arith.constant 64 : i32
          %mul3A_259 = arith.muli %while3A_205, %mul3A_258 : i32
          %get3A_260 = arith.index_cast %while3A_205 : i32 to index
          %get3A_261 = memref.load %arg8[%get3A_260] : memref<512xi32, #tpu.memory_space<smem>>
          %mul3A_262 = arith.constant 64 : i32
          %mul3A_263 = arith.muli %get3A_261, %mul3A_262 : i32
          %dma_start3A_264 = tpu.memref_slice %arg11[%mul3A_259] : memref<32768xf32, #tpu.memory_space<vmem>> -> memref<64xf32, #tpu.memory_space<vmem>>
          %dma_start3A_265 = tpu.memref_slice %arg5[%mul3A_263] : memref<1048576xf32, #tpu.memory_space<hbm>> -> memref<64xf32, #tpu.memory_space<hbm>>
          %dma_start3A_266 = tpu.memref_slice %arg5[%mul3A_263] : memref<1048576xf32, #tpu.memory_space<hbm>> -> memref<64xf32, #tpu.memory_space<hbm>>
          %dma_start3A_267 = tpu.memref_slice %arg11[%mul3A_259] : memref<32768xf32, #tpu.memory_space<vmem>> -> memref<64xf32, #tpu.memory_space<vmem>>
          tpu.enqueue_dma source(%dma_start3A_267 : memref<64xf32, #tpu.memory_space<vmem>>) target(%dma_start3A_266 : memref<64xf32, #tpu.memory_space<hbm>>) target_semaphore(%arg13 : memref<!tpu.dma_semaphore, #tpu.memory_space<semaphore_mem>>)
          %while3A_268 = arith.constant 0 : i32
          scf.yield %while3A_268 : i32
        }
        %while3A_197 = arith.constant 1 : i32
        %while3A_198 = scf.for %while3A_205 = %while3A_194 to %while3A_190 step %while3A_197 iter_args(%while3A_206 = %while3A_196) -> (i32)  : i32 {
          %get3A_207 = arith.index_cast %while3A_205 : i32 to index
          %get3A_208 = memref.load %arg7[%get3A_207] : memref<512xi32, #tpu.memory_space<smem>>
          %and3A_209 = arith.constant 127 : i32
          %and3A_210 = arith.andi %get3A_208, %and3A_209 : i32
          %broadcast_in_dim3A = vector.broadcast %and3A_210 : i32 to vector<16xi32>
          %gather3A = arith.constant 0 : i32
          %gather3A_211 = arith.constant 0 : i32
          %gather3A_212 = arith.constant 0 : i32
          %gather3A_213 = tpu.memref_slice %arg10[%while3A_187, %gather3A, %gather3A_211, %gather3A_212] : memref<8x8x8x128xf32, #tpu.memory_space<vmem>> -> memref<1x8x8x128xf32, #tpu.memory_space<vmem>>
          %gather3A_214 = tpu.memref_squeeze %gather3A_213 : memref<1x8x8x128xf32, #tpu.memory_space<vmem>> -> memref<8x8x128xf32, #tpu.memory_space<vmem>>
          %gather3A_215 = tpu.vector_load_idx %gather3A_214[%add3A_32, %and3A_27, %broadcast_in_dim3A] : memref<8x8x128xf32, #tpu.memory_space<vmem>>[vector<16xi32>, vector<16xi32>, vector<16xi32>], vector<16xf32>,
          %mul3A_216 = arith.constant 64 : i32
          %mul3A_217 = arith.muli %while3A_205, %mul3A_216 : i32
          %add3A_218 = arith.constant 0 : i32
          %add3A_219 = arith.addi %mul3A_217, %add3A_218 : i32
          %swap3A_220 = arith.index_cast %add3A_219 : i32 to index
          %swap3A_221 = tpu.vector_load %arg11[%swap3A_220] {strides = array<i32>} : memref<32768xf32, #tpu.memory_space<vmem>>, vector<16xf32>,
          tpu.vector_store %arg11[%swap3A_220], %gather3A_215 {strides = array<i32>} : memref<32768xf32, #tpu.memory_space<vmem>>, vector<16xf32>,
          %gather3A_222 = arith.constant 0 : i32
          %gather3A_223 = arith.constant 0 : i32
          %gather3A_224 = arith.constant 0 : i32
          %gather3A_225 = tpu.memref_slice %arg10[%while3A_187, %gather3A_222, %gather3A_223, %gather3A_224] : memref<8x8x8x128xf32, #tpu.memory_space<vmem>> -> memref<1x8x8x128xf32, #tpu.memory_space<vmem>>
          %gather3A_226 = tpu.memref_squeeze %gather3A_225 : memref<1x8x8x128xf32, #tpu.memory_space<vmem>> -> memref<8x8x128xf32, #tpu.memory_space<vmem>>
          %gather3A_227 = tpu.vector_load_idx %gather3A_226[%add3A_35, %and3A_27, %broadcast_in_dim3A] : memref<8x8x128xf32, #tpu.memory_space<vmem>>[vector<16xi32>, vector<16xi32>, vector<16xi32>], vector<16xf32>,
          %mul3A_228 = arith.constant 64 : i32
          %mul3A_229 = arith.muli %while3A_205, %mul3A_228 : i32
          %add3A_230 = arith.constant 16 : i32
          %add3A_231 = arith.addi %mul3A_229, %add3A_230 : i32
          %swap3A_232 = arith.index_cast %add3A_231 : i32 to index
          %swap3A_233 = tpu.vector_load %arg11[%swap3A_232] {strides = array<i32>} : memref<32768xf32, #tpu.memory_space<vmem>>, vector<16xf32>,
          tpu.vector_store %arg11[%swap3A_232], %gather3A_227 {strides = array<i32>} : memref<32768xf32, #tpu.memory_space<vmem>>, vector<16xf32>,
          %gather3A_234 = arith.constant 0 : i32
          %gather3A_235 = arith.constant 0 : i32
          %gather3A_236 = arith.constant 0 : i32
          %gather3A_237 = tpu.memref_slice %arg10[%while3A_187, %gather3A_234, %gather3A_235, %gather3A_236] : memref<8x8x8x128xf32, #tpu.memory_space<vmem>> -> memref<1x8x8x128xf32, #tpu.memory_space<vmem>>
          %gather3A_238 = tpu.memref_squeeze %gather3A_237 : memref<1x8x8x128xf32, #tpu.memory_space<vmem>> -> memref<8x8x128xf32, #tpu.memory_space<vmem>>
          %gather3A_239 = tpu.vector_load_idx %gather3A_238[%add3A_38, %and3A_27, %broadcast_in_dim3A] : memref<8x8x128xf32, #tpu.memory_space<vmem>>[vector<16xi32>, vector<16xi32>, vector<16xi32>], vector<16xf32>,
          %mul3A_240 = arith.constant 64 : i32
          %mul3A_241 = arith.muli %while3A_205, %mul3A_240 : i32
          %add3A_242 = arith.constant 32 : i32
          %add3A_243 = arith.addi %mul3A_241, %add3A_242 : i32
          %swap3A_244 = arith.index_cast %add3A_243 : i32 to index
          %swap3A_245 = tpu.vector_load %arg11[%swap3A_244] {strides = array<i32>} : memref<32768xf32, #tpu.memory_space<vmem>>, vector<16xf32>,
          tpu.vector_store %arg11[%swap3A_244], %gather3A_239 {strides = array<i32>} : memref<32768xf32, #tpu.memory_space<vmem>>, vector<16xf32>,
          %gather3A_246 = arith.constant 0 : i32
          %gather3A_247 = arith.constant 0 : i32
          %gather3A_248 = arith.constant 0 : i32
          %gather3A_249 = tpu.memref_slice %arg10[%while3A_187, %gather3A_246, %gather3A_247, %gather3A_248] : memref<8x8x8x128xf32, #tpu.memory_space<vmem>> -> memref<1x8x8x128xf32, #tpu.memory_space<vmem>>
          %gather3A_250 = tpu.memref_squeeze %gather3A_249 : memref<1x8x8x128xf32, #tpu.memory_space<vmem>> -> memref<8x8x128xf32, #tpu.memory_space<vmem>>
          %gather3A_251 = tpu.vector_load_idx %gather3A_250[%add3A_41, %and3A_27, %broadcast_in_dim3A] : memref<8x8x128xf32, #tpu.memory_space<vmem>>[vector<16xi32>, vector<16xi32>, vector<16xi32>], vector<16xf32>,
          %mul3A_252 = arith.constant 64 : i32
          %mul3A_253 = arith.muli %while3A_205, %mul3A_252 : i32
          %add3A_254 = arith.constant 48 : i32
          %add3A_255 = arith.addi %mul3A_253, %add3A_254 : i32
          %swap3A_256 = arith.index_cast %add3A_255 : i32 to index
          %swap3A_257 = tpu.vector_load %arg11[%swap3A_256] {strides = array<i32>} : memref<32768xf32, #tpu.memory_space<vmem>>, vector<16xf32>,
          tpu.vector_store %arg11[%swap3A_256], %gather3A_251 {strides = array<i32>} : memref<32768xf32, #tpu.memory_space<vmem>>, vector<16xf32>,
          %mul3A_258 = arith.constant 64 : i32
          %mul3A_259 = arith.muli %while3A_205, %mul3A_258 : i32
          %get3A_260 = arith.index_cast %while3A_205 : i32 to index
          %get3A_261 = memref.load %arg8[%get3A_260] : memref<512xi32, #tpu.memory_space<smem>>
          %mul3A_262 = arith.constant 64 : i32
          %mul3A_263 = arith.muli %get3A_261, %mul3A_262 : i32
          %dma_start3A_264 = tpu.memref_slice %arg11[%mul3A_259] : memref<32768xf32, #tpu.memory_space<vmem>> -> memref<64xf32, #tpu.memory_space<vmem>>
          %dma_start3A_265 = tpu.memref_slice %arg5[%mul3A_263] : memref<1048576xf32, #tpu.memory_space<hbm>> -> memref<64xf32, #tpu.memory_space<hbm>>
          %dma_start3A_266 = tpu.memref_slice %arg5[%mul3A_263] : memref<1048576xf32, #tpu.memory_space<hbm>> -> memref<64xf32, #tpu.memory_space<hbm>>
          %dma_start3A_267 = tpu.memref_slice %arg11[%mul3A_259] : memref<32768xf32, #tpu.memory_space<vmem>> -> memref<64xf32, #tpu.memory_space<vmem>>
          tpu.enqueue_dma source(%dma_start3A_267 : memref<64xf32, #tpu.memory_space<vmem>>) target(%dma_start3A_266 : memref<64xf32, #tpu.memory_space<hbm>>) target_semaphore(%arg13 : memref<!tpu.dma_semaphore, #tpu.memory_space<semaphore_mem>>)
          %while3A_268 = arith.constant 0 : i32
          scf.yield %while3A_268 : i32
        }
        %add3A_199 = arith.constant 8 : i32
        %add3A_200 = arith.addi %add3A_141, %add3A_199 : i32
        %lt3A_201 = arith.cmpi slt, %add3A_200, %scan3A_22#0 : i32
        %convert_element_type3A_202 = arith.extui %lt3A_201 : i1 to i32
        %cond3A_203 = arith.constant 0 : i32
        %cond3A_204 = arith.cmpi ne, %convert_element_type3A_202, %cond3A_203 : i32
        scf.if %cond3A_204 {
          %get3A_205 = arith.index_cast %add3A_200 : i32 to index
          %get3A_206 = memref.load %arg9[%get3A_205] : memref<513xi32, #tpu.memory_space<smem>>
          %get3A_207 = arith.index_cast %get3A_206 : i32 to index
          %get3A_208 = memref.load %arg7[%get3A_207] : memref<512xi32, #tpu.memory_space<smem>>
          %shift_right_logical3A_209 = arith.constant 7 : i32
          %shift_right_logical3A_210 = arith.shrui %get3A_208, %shift_right_logical3A_209 : i32
          %shift_left3A = arith.constant 7 : i32
          %shift_left3A_211 = arith.shli %shift_right_logical3A_210, %shift_left3A : i32
          %multiple_of3A = tpu.assume_multiple %shift_left3A_211, 128 : i32
          %dma_start3A_212 = arith.constant 5 : i32
          %dma_start3A_213 = arith.constant 0 : i32
          %dma_start3A_214 = arith.constant 0 : i32
          %dma_start3A_215 = arith.constant 0 : i32
          %dma_start3A_216 = tpu.memref_slice %arg10[%dma_start3A_212, %dma_start3A_213, %dma_start3A_214, %dma_start3A_215] : memref<8x8x8x128xf32, #tpu.memory_space<vmem>> -> memref<1x8x8x128xf32, #tpu.memory_space<vmem>>
          %dma_start3A_217 = tpu.memref_squeeze %dma_start3A_216 : memref<1x8x8x128xf32, #tpu.memory_space<vmem>> -> memref<8x8x128xf32, #tpu.memory_space<vmem>>
          %dma_start3A_218 = arith.constant 0 : i32
          %dma_start3A_219 = arith.constant 0 : i32
          %dma_start3A_220 = tpu.memref_slice %arg2[%dma_start3A_218, %dma_start3A_219, %multiple_of3A] : memref<8x8x1000001xf32, #tpu.memory_space<hbm>> -> memref<8x8x128xf32, #tpu.memory_space<hbm>>
          %dma_start3A_221 = arith.constant 0 : i32
          %dma_start3A_222 = arith.constant 0 : i32
          %dma_start3A_223 = arith.constant 0 : i32
          %dma_start3A_224 = tpu.memref_slice %arg10[%dma_start3A_212, %dma_start3A_221, %dma_start3A_222, %dma_start3A_223] : memref<8x8x8x128xf32, #tpu.memory_space<vmem>> -> memref<1x8x8x128xf32, #tpu.memory_space<vmem>>
          %dma_start3A_225 = tpu.memref_squeeze %dma_start3A_224 : memref<1x8x8x128xf32, #tpu.memory_space<vmem>> -> memref<8x8x128xf32, #tpu.memory_space<vmem>>
          %dma_start3A_226 = arith.constant 0 : i32
          %dma_start3A_227 = arith.constant 0 : i32
          %dma_start3A_228 = tpu.memref_slice %arg2[%dma_start3A_226, %dma_start3A_227, %multiple_of3A] : memref<8x8x1000001xf32, #tpu.memory_space<hbm>> -> memref<8x8x128xf32, #tpu.memory_space<hbm>>
          tpu.enqueue_dma source(%dma_start3A_228 : memref<8x8x128xf32, #tpu.memory_space<hbm>>) target(%dma_start3A_225 : memref<8x8x128xf32, #tpu.memory_space<vmem>>) target_semaphore(%arg19 : memref<!tpu.dma_semaphore, #tpu.memory_space<semaphore_mem>>)
        } else {
        }
      } else {
      }
      %mul3A_146 = arith.constant 8 : i32
      %mul3A_147 = arith.muli %while3A_97, %mul3A_146 : i32
      %add3A_148 = arith.constant 6 : i32
      %add3A_149 = arith.addi %mul3A_147, %add3A_148 : i32
      %lt3A_150 = arith.cmpi slt, %add3A_149, %scan3A_22#0 : i32
      %convert_element_type3A_151 = arith.extui %lt3A_150 : i1 to i32
      %cond3A_152 = arith.constant 0 : i32
      %cond3A_153 = arith.cmpi ne, %convert_element_type3A_151, %cond3A_152 : i32
      scf.if %cond3A_153 {
        %dma_wait3A_163 = arith.constant 6 : i32
        %dma_wait3A_164 = arith.constant 0 : i32
        %dma_wait3A_165 = arith.constant 0 : i32
        %dma_wait3A_166 = arith.constant 0 : i32
        %dma_wait3A_167 = tpu.memref_slice %arg10[%dma_wait3A_163, %dma_wait3A_164, %dma_wait3A_165, %dma_wait3A_166] : memref<8x8x8x128xf32, #tpu.memory_space<vmem>> -> memref<1x8x8x128xf32, #tpu.memory_space<vmem>>
        %dma_wait3A_168 = tpu.memref_squeeze %dma_wait3A_167 : memref<1x8x8x128xf32, #tpu.memory_space<vmem>> -> memref<8x8x128xf32, #tpu.memory_space<vmem>>
        %dma_wait3A_169 = arith.constant 0 : i32
        %dma_wait3A_170 = arith.constant 0 : i32
        %dma_wait3A_171 = arith.constant 0 : i32
        %dma_wait3A_172 = tpu.memref_slice %arg2[%dma_wait3A_169, %dma_wait3A_170, %dma_wait3A_171] : memref<8x8x1000001xf32, #tpu.memory_space<hbm>> -> memref<8x8x128xf32, #tpu.memory_space<hbm>>
        %dma_wait3A_173 = arith.constant 0 : i32
        %dma_wait3A_174 = arith.constant 0 : i32
        %dma_wait3A_175 = arith.constant 0 : i32
        %dma_wait3A_176 = tpu.memref_slice %arg10[%dma_wait3A_163, %dma_wait3A_173, %dma_wait3A_174, %dma_wait3A_175] : memref<8x8x8x128xf32, #tpu.memory_space<vmem>> -> memref<1x8x8x128xf32, #tpu.memory_space<vmem>>
        %dma_wait3A_177 = tpu.memref_squeeze %dma_wait3A_176 : memref<1x8x8x128xf32, #tpu.memory_space<vmem>> -> memref<8x8x128xf32, #tpu.memory_space<vmem>>
        %dma_wait3A_178 = arith.constant 0 : i32
        %dma_wait3A_179 = arith.constant 0 : i32
        %dma_wait3A_180 = arith.constant 0 : i32
        %dma_wait3A_181 = tpu.memref_slice %arg2[%dma_wait3A_178, %dma_wait3A_179, %dma_wait3A_180] : memref<8x8x1000001xf32, #tpu.memory_space<hbm>> -> memref<8x8x128xf32, #tpu.memory_space<hbm>>
        tpu.wait_dma2 semaphore(%arg20 : memref<!tpu.dma_semaphore, #tpu.memory_space<semaphore_mem>>) src(%dma_wait3A_181 : memref<8x8x128xf32, #tpu.memory_space<hbm>>) dst(%dma_wait3A_177 : memref<8x8x128xf32, #tpu.memory_space<vmem>>)
        %get3A = arith.index_cast %add3A_149 : i32 to index
        %get3A_182 = memref.load %arg9[%get3A] : memref<513xi32, #tpu.memory_space<smem>>
        %add3A_183 = arith.constant 1 : i32
        %add3A_184 = arith.addi %add3A_149, %add3A_183 : i32
        %get3A_185 = arith.index_cast %add3A_184 : i32 to index
        %get3A_186 = memref.load %arg9[%get3A_185] : memref<513xi32, #tpu.memory_space<smem>>
        %while3A_187 = arith.constant 6 : i32
        %while3A_188 = arith.constant 0 : i32
        %while3A_189 = arith.subi %get3A_186, %get3A_182 : i32
        %while3A_190 = arith.addi %get3A_182, %while3A_189 : i32
        %while3A_191 = arith.constant 1 : i32
        %while3A_192 = arith.divsi %while3A_189, %while3A_191 : i32
        %while3A_193 = arith.muli %while3A_192, %while3A_191 : i32
        %while3A_194 = arith.addi %get3A_182, %while3A_193 : i32
        %while3A_195 = arith.constant 1 : i32
        %while3A_196 = scf.for %while3A_205 = %get3A_182 to %while3A_194 step %while3A_195 iter_args(%while3A_206 = %while3A_188) -> (i32)  : i32 {
          %get3A_207 = arith.index_cast %while3A_205 : i32 to index
          %get3A_208 = memref.load %arg7[%get3A_207] : memref<512xi32, #tpu.memory_space<smem>>
          %and3A_209 = arith.constant 127 : i32
          %and3A_210 = arith.andi %get3A_208, %and3A_209 : i32
          %broadcast_in_dim3A = vector.broadcast %and3A_210 : i32 to vector<16xi32>
          %gather3A = arith.constant 0 : i32
          %gather3A_211 = arith.constant 0 : i32
          %gather3A_212 = arith.constant 0 : i32
          %gather3A_213 = tpu.memref_slice %arg10[%while3A_187, %gather3A, %gather3A_211, %gather3A_212] : memref<8x8x8x128xf32, #tpu.memory_space<vmem>> -> memref<1x8x8x128xf32, #tpu.memory_space<vmem>>
          %gather3A_214 = tpu.memref_squeeze %gather3A_213 : memref<1x8x8x128xf32, #tpu.memory_space<vmem>> -> memref<8x8x128xf32, #tpu.memory_space<vmem>>
          %gather3A_215 = tpu.vector_load_idx %gather3A_214[%add3A_32, %and3A_27, %broadcast_in_dim3A] : memref<8x8x128xf32, #tpu.memory_space<vmem>>[vector<16xi32>, vector<16xi32>, vector<16xi32>], vector<16xf32>,
          %mul3A_216 = arith.constant 64 : i32
          %mul3A_217 = arith.muli %while3A_205, %mul3A_216 : i32
          %add3A_218 = arith.constant 0 : i32
          %add3A_219 = arith.addi %mul3A_217, %add3A_218 : i32
          %swap3A_220 = arith.index_cast %add3A_219 : i32 to index
          %swap3A_221 = tpu.vector_load %arg11[%swap3A_220] {strides = array<i32>} : memref<32768xf32, #tpu.memory_space<vmem>>, vector<16xf32>,
          tpu.vector_store %arg11[%swap3A_220], %gather3A_215 {strides = array<i32>} : memref<32768xf32, #tpu.memory_space<vmem>>, vector<16xf32>,
          %gather3A_222 = arith.constant 0 : i32
          %gather3A_223 = arith.constant 0 : i32
          %gather3A_224 = arith.constant 0 : i32
          %gather3A_225 = tpu.memref_slice %arg10[%while3A_187, %gather3A_222, %gather3A_223, %gather3A_224] : memref<8x8x8x128xf32, #tpu.memory_space<vmem>> -> memref<1x8x8x128xf32, #tpu.memory_space<vmem>>
          %gather3A_226 = tpu.memref_squeeze %gather3A_225 : memref<1x8x8x128xf32, #tpu.memory_space<vmem>> -> memref<8x8x128xf32, #tpu.memory_space<vmem>>
          %gather3A_227 = tpu.vector_load_idx %gather3A_226[%add3A_35, %and3A_27, %broadcast_in_dim3A] : memref<8x8x128xf32, #tpu.memory_space<vmem>>[vector<16xi32>, vector<16xi32>, vector<16xi32>], vector<16xf32>,
          %mul3A_228 = arith.constant 64 : i32
          %mul3A_229 = arith.muli %while3A_205, %mul3A_228 : i32
          %add3A_230 = arith.constant 16 : i32
          %add3A_231 = arith.addi %mul3A_229, %add3A_230 : i32
          %swap3A_232 = arith.index_cast %add3A_231 : i32 to index
          %swap3A_233 = tpu.vector_load %arg11[%swap3A_232] {strides = array<i32>} : memref<32768xf32, #tpu.memory_space<vmem>>, vector<16xf32>,
          tpu.vector_store %arg11[%swap3A_232], %gather3A_227 {strides = array<i32>} : memref<32768xf32, #tpu.memory_space<vmem>>, vector<16xf32>,
          %gather3A_234 = arith.constant 0 : i32
          %gather3A_235 = arith.constant 0 : i32
          %gather3A_236 = arith.constant 0 : i32
          %gather3A_237 = tpu.memref_slice %arg10[%while3A_187, %gather3A_234, %gather3A_235, %gather3A_236] : memref<8x8x8x128xf32, #tpu.memory_space<vmem>> -> memref<1x8x8x128xf32, #tpu.memory_space<vmem>>
          %gather3A_238 = tpu.memref_squeeze %gather3A_237 : memref<1x8x8x128xf32, #tpu.memory_space<vmem>> -> memref<8x8x128xf32, #tpu.memory_space<vmem>>
          %gather3A_239 = tpu.vector_load_idx %gather3A_238[%add3A_38, %and3A_27, %broadcast_in_dim3A] : memref<8x8x128xf32, #tpu.memory_space<vmem>>[vector<16xi32>, vector<16xi32>, vector<16xi32>], vector<16xf32>,
          %mul3A_240 = arith.constant 64 : i32
          %mul3A_241 = arith.muli %while3A_205, %mul3A_240 : i32
          %add3A_242 = arith.constant 32 : i32
          %add3A_243 = arith.addi %mul3A_241, %add3A_242 : i32
          %swap3A_244 = arith.index_cast %add3A_243 : i32 to index
          %swap3A_245 = tpu.vector_load %arg11[%swap3A_244] {strides = array<i32>} : memref<32768xf32, #tpu.memory_space<vmem>>, vector<16xf32>,
          tpu.vector_store %arg11[%swap3A_244], %gather3A_239 {strides = array<i32>} : memref<32768xf32, #tpu.memory_space<vmem>>, vector<16xf32>,
          %gather3A_246 = arith.constant 0 : i32
          %gather3A_247 = arith.constant 0 : i32
          %gather3A_248 = arith.constant 0 : i32
          %gather3A_249 = tpu.memref_slice %arg10[%while3A_187, %gather3A_246, %gather3A_247, %gather3A_248] : memref<8x8x8x128xf32, #tpu.memory_space<vmem>> -> memref<1x8x8x128xf32, #tpu.memory_space<vmem>>
          %gather3A_250 = tpu.memref_squeeze %gather3A_249 : memref<1x8x8x128xf32, #tpu.memory_space<vmem>> -> memref<8x8x128xf32, #tpu.memory_space<vmem>>
          %gather3A_251 = tpu.vector_load_idx %gather3A_250[%add3A_41, %and3A_27, %broadcast_in_dim3A] : memref<8x8x128xf32, #tpu.memory_space<vmem>>[vector<16xi32>, vector<16xi32>, vector<16xi32>], vector<16xf32>,
          %mul3A_252 = arith.constant 64 : i32
          %mul3A_253 = arith.muli %while3A_205, %mul3A_252 : i32
          %add3A_254 = arith.constant 48 : i32
          %add3A_255 = arith.addi %mul3A_253, %add3A_254 : i32
          %swap3A_256 = arith.index_cast %add3A_255 : i32 to index
          %swap3A_257 = tpu.vector_load %arg11[%swap3A_256] {strides = array<i32>} : memref<32768xf32, #tpu.memory_space<vmem>>, vector<16xf32>,
          tpu.vector_store %arg11[%swap3A_256], %gather3A_251 {strides = array<i32>} : memref<32768xf32, #tpu.memory_space<vmem>>, vector<16xf32>,
          %mul3A_258 = arith.constant 64 : i32
          %mul3A_259 = arith.muli %while3A_205, %mul3A_258 : i32
          %get3A_260 = arith.index_cast %while3A_205 : i32 to index
          %get3A_261 = memref.load %arg8[%get3A_260] : memref<512xi32, #tpu.memory_space<smem>>
          %mul3A_262 = arith.constant 64 : i32
          %mul3A_263 = arith.muli %get3A_261, %mul3A_262 : i32
          %dma_start3A_264 = tpu.memref_slice %arg11[%mul3A_259] : memref<32768xf32, #tpu.memory_space<vmem>> -> memref<64xf32, #tpu.memory_space<vmem>>
          %dma_start3A_265 = tpu.memref_slice %arg5[%mul3A_263] : memref<1048576xf32, #tpu.memory_space<hbm>> -> memref<64xf32, #tpu.memory_space<hbm>>
          %dma_start3A_266 = tpu.memref_slice %arg5[%mul3A_263] : memref<1048576xf32, #tpu.memory_space<hbm>> -> memref<64xf32, #tpu.memory_space<hbm>>
          %dma_start3A_267 = tpu.memref_slice %arg11[%mul3A_259] : memref<32768xf32, #tpu.memory_space<vmem>> -> memref<64xf32, #tpu.memory_space<vmem>>
          tpu.enqueue_dma source(%dma_start3A_267 : memref<64xf32, #tpu.memory_space<vmem>>) target(%dma_start3A_266 : memref<64xf32, #tpu.memory_space<hbm>>) target_semaphore(%arg13 : memref<!tpu.dma_semaphore, #tpu.memory_space<semaphore_mem>>)
          %while3A_268 = arith.constant 0 : i32
          scf.yield %while3A_268 : i32
        }
        %while3A_197 = arith.constant 1 : i32
        %while3A_198 = scf.for %while3A_205 = %while3A_194 to %while3A_190 step %while3A_197 iter_args(%while3A_206 = %while3A_196) -> (i32)  : i32 {
          %get3A_207 = arith.index_cast %while3A_205 : i32 to index
          %get3A_208 = memref.load %arg7[%get3A_207] : memref<512xi32, #tpu.memory_space<smem>>
          %and3A_209 = arith.constant 127 : i32
          %and3A_210 = arith.andi %get3A_208, %and3A_209 : i32
          %broadcast_in_dim3A = vector.broadcast %and3A_210 : i32 to vector<16xi32>
          %gather3A = arith.constant 0 : i32
          %gather3A_211 = arith.constant 0 : i32
          %gather3A_212 = arith.constant 0 : i32
          %gather3A_213 = tpu.memref_slice %arg10[%while3A_187, %gather3A, %gather3A_211, %gather3A_212] : memref<8x8x8x128xf32, #tpu.memory_space<vmem>> -> memref<1x8x8x128xf32, #tpu.memory_space<vmem>>
          %gather3A_214 = tpu.memref_squeeze %gather3A_213 : memref<1x8x8x128xf32, #tpu.memory_space<vmem>> -> memref<8x8x128xf32, #tpu.memory_space<vmem>>
          %gather3A_215 = tpu.vector_load_idx %gather3A_214[%add3A_32, %and3A_27, %broadcast_in_dim3A] : memref<8x8x128xf32, #tpu.memory_space<vmem>>[vector<16xi32>, vector<16xi32>, vector<16xi32>], vector<16xf32>,
          %mul3A_216 = arith.constant 64 : i32
          %mul3A_217 = arith.muli %while3A_205, %mul3A_216 : i32
          %add3A_218 = arith.constant 0 : i32
          %add3A_219 = arith.addi %mul3A_217, %add3A_218 : i32
          %swap3A_220 = arith.index_cast %add3A_219 : i32 to index
          %swap3A_221 = tpu.vector_load %arg11[%swap3A_220] {strides = array<i32>} : memref<32768xf32, #tpu.memory_space<vmem>>, vector<16xf32>,
          tpu.vector_store %arg11[%swap3A_220], %gather3A_215 {strides = array<i32>} : memref<32768xf32, #tpu.memory_space<vmem>>, vector<16xf32>,
          %gather3A_222 = arith.constant 0 : i32
          %gather3A_223 = arith.constant 0 : i32
          %gather3A_224 = arith.constant 0 : i32
          %gather3A_225 = tpu.memref_slice %arg10[%while3A_187, %gather3A_222, %gather3A_223, %gather3A_224] : memref<8x8x8x128xf32, #tpu.memory_space<vmem>> -> memref<1x8x8x128xf32, #tpu.memory_space<vmem>>
          %gather3A_226 = tpu.memref_squeeze %gather3A_225 : memref<1x8x8x128xf32, #tpu.memory_space<vmem>> -> memref<8x8x128xf32, #tpu.memory_space<vmem>>
          %gather3A_227 = tpu.vector_load_idx %gather3A_226[%add3A_35, %and3A_27, %broadcast_in_dim3A] : memref<8x8x128xf32, #tpu.memory_space<vmem>>[vector<16xi32>, vector<16xi32>, vector<16xi32>], vector<16xf32>,
          %mul3A_228 = arith.constant 64 : i32
          %mul3A_229 = arith.muli %while3A_205, %mul3A_228 : i32
          %add3A_230 = arith.constant 16 : i32
          %add3A_231 = arith.addi %mul3A_229, %add3A_230 : i32
          %swap3A_232 = arith.index_cast %add3A_231 : i32 to index
          %swap3A_233 = tpu.vector_load %arg11[%swap3A_232] {strides = array<i32>} : memref<32768xf32, #tpu.memory_space<vmem>>, vector<16xf32>,
          tpu.vector_store %arg11[%swap3A_232], %gather3A_227 {strides = array<i32>} : memref<32768xf32, #tpu.memory_space<vmem>>, vector<16xf32>,
          %gather3A_234 = arith.constant 0 : i32
          %gather3A_235 = arith.constant 0 : i32
          %gather3A_236 = arith.constant 0 : i32
          %gather3A_237 = tpu.memref_slice %arg10[%while3A_187, %gather3A_234, %gather3A_235, %gather3A_236] : memref<8x8x8x128xf32, #tpu.memory_space<vmem>> -> memref<1x8x8x128xf32, #tpu.memory_space<vmem>>
          %gather3A_238 = tpu.memref_squeeze %gather3A_237 : memref<1x8x8x128xf32, #tpu.memory_space<vmem>> -> memref<8x8x128xf32, #tpu.memory_space<vmem>>
          %gather3A_239 = tpu.vector_load_idx %gather3A_238[%add3A_38, %and3A_27, %broadcast_in_dim3A] : memref<8x8x128xf32, #tpu.memory_space<vmem>>[vector<16xi32>, vector<16xi32>, vector<16xi32>], vector<16xf32>,
          %mul3A_240 = arith.constant 64 : i32
          %mul3A_241 = arith.muli %while3A_205, %mul3A_240 : i32
          %add3A_242 = arith.constant 32 : i32
          %add3A_243 = arith.addi %mul3A_241, %add3A_242 : i32
          %swap3A_244 = arith.index_cast %add3A_243 : i32 to index
          %swap3A_245 = tpu.vector_load %arg11[%swap3A_244] {strides = array<i32>} : memref<32768xf32, #tpu.memory_space<vmem>>, vector<16xf32>,
          tpu.vector_store %arg11[%swap3A_244], %gather3A_239 {strides = array<i32>} : memref<32768xf32, #tpu.memory_space<vmem>>, vector<16xf32>,
          %gather3A_246 = arith.constant 0 : i32
          %gather3A_247 = arith.constant 0 : i32
          %gather3A_248 = arith.constant 0 : i32
          %gather3A_249 = tpu.memref_slice %arg10[%while3A_187, %gather3A_246, %gather3A_247, %gather3A_248] : memref<8x8x8x128xf32, #tpu.memory_space<vmem>> -> memref<1x8x8x128xf32, #tpu.memory_space<vmem>>
          %gather3A_250 = tpu.memref_squeeze %gather3A_249 : memref<1x8x8x128xf32, #tpu.memory_space<vmem>> -> memref<8x8x128xf32, #tpu.memory_space<vmem>>
          %gather3A_251 = tpu.vector_load_idx %gather3A_250[%add3A_41, %and3A_27, %broadcast_in_dim3A] : memref<8x8x128xf32, #tpu.memory_space<vmem>>[vector<16xi32>, vector<16xi32>, vector<16xi32>], vector<16xf32>,
          %mul3A_252 = arith.constant 64 : i32
          %mul3A_253 = arith.muli %while3A_205, %mul3A_252 : i32
          %add3A_254 = arith.constant 48 : i32
          %add3A_255 = arith.addi %mul3A_253, %add3A_254 : i32
          %swap3A_256 = arith.index_cast %add3A_255 : i32 to index
          %swap3A_257 = tpu.vector_load %arg11[%swap3A_256] {strides = array<i32>} : memref<32768xf32, #tpu.memory_space<vmem>>, vector<16xf32>,
          tpu.vector_store %arg11[%swap3A_256], %gather3A_251 {strides = array<i32>} : memref<32768xf32, #tpu.memory_space<vmem>>, vector<16xf32>,
          %mul3A_258 = arith.constant 64 : i32
          %mul3A_259 = arith.muli %while3A_205, %mul3A_258 : i32
          %get3A_260 = arith.index_cast %while3A_205 : i32 to index
          %get3A_261 = memref.load %arg8[%get3A_260] : memref<512xi32, #tpu.memory_space<smem>>
          %mul3A_262 = arith.constant 64 : i32
          %mul3A_263 = arith.muli %get3A_261, %mul3A_262 : i32
          %dma_start3A_264 = tpu.memref_slice %arg11[%mul3A_259] : memref<32768xf32, #tpu.memory_space<vmem>> -> memref<64xf32, #tpu.memory_space<vmem>>
          %dma_start3A_265 = tpu.memref_slice %arg5[%mul3A_263] : memref<1048576xf32, #tpu.memory_space<hbm>> -> memref<64xf32, #tpu.memory_space<hbm>>
          %dma_start3A_266 = tpu.memref_slice %arg5[%mul3A_263] : memref<1048576xf32, #tpu.memory_space<hbm>> -> memref<64xf32, #tpu.memory_space<hbm>>
          %dma_start3A_267 = tpu.memref_slice %arg11[%mul3A_259] : memref<32768xf32, #tpu.memory_space<vmem>> -> memref<64xf32, #tpu.memory_space<vmem>>
          tpu.enqueue_dma source(%dma_start3A_267 : memref<64xf32, #tpu.memory_space<vmem>>) target(%dma_start3A_266 : memref<64xf32, #tpu.memory_space<hbm>>) target_semaphore(%arg13 : memref<!tpu.dma_semaphore, #tpu.memory_space<semaphore_mem>>)
          %while3A_268 = arith.constant 0 : i32
          scf.yield %while3A_268 : i32
        }
        %add3A_199 = arith.constant 8 : i32
        %add3A_200 = arith.addi %add3A_149, %add3A_199 : i32
        %lt3A_201 = arith.cmpi slt, %add3A_200, %scan3A_22#0 : i32
        %convert_element_type3A_202 = arith.extui %lt3A_201 : i1 to i32
        %cond3A_203 = arith.constant 0 : i32
        %cond3A_204 = arith.cmpi ne, %convert_element_type3A_202, %cond3A_203 : i32
        scf.if %cond3A_204 {
          %get3A_205 = arith.index_cast %add3A_200 : i32 to index
          %get3A_206 = memref.load %arg9[%get3A_205] : memref<513xi32, #tpu.memory_space<smem>>
          %get3A_207 = arith.index_cast %get3A_206 : i32 to index
          %get3A_208 = memref.load %arg7[%get3A_207] : memref<512xi32, #tpu.memory_space<smem>>
          %shift_right_logical3A_209 = arith.constant 7 : i32
          %shift_right_logical3A_210 = arith.shrui %get3A_208, %shift_right_logical3A_209 : i32
          %shift_left3A = arith.constant 7 : i32
          %shift_left3A_211 = arith.shli %shift_right_logical3A_210, %shift_left3A : i32
          %multiple_of3A = tpu.assume_multiple %shift_left3A_211, 128 : i32
          %dma_start3A_212 = arith.constant 6 : i32
          %dma_start3A_213 = arith.constant 0 : i32
          %dma_start3A_214 = arith.constant 0 : i32
          %dma_start3A_215 = arith.constant 0 : i32
          %dma_start3A_216 = tpu.memref_slice %arg10[%dma_start3A_212, %dma_start3A_213, %dma_start3A_214, %dma_start3A_215] : memref<8x8x8x128xf32, #tpu.memory_space<vmem>> -> memref<1x8x8x128xf32, #tpu.memory_space<vmem>>
          %dma_start3A_217 = tpu.memref_squeeze %dma_start3A_216 : memref<1x8x8x128xf32, #tpu.memory_space<vmem>> -> memref<8x8x128xf32, #tpu.memory_space<vmem>>
          %dma_start3A_218 = arith.constant 0 : i32
          %dma_start3A_219 = arith.constant 0 : i32
          %dma_start3A_220 = tpu.memref_slice %arg2[%dma_start3A_218, %dma_start3A_219, %multiple_of3A] : memref<8x8x1000001xf32, #tpu.memory_space<hbm>> -> memref<8x8x128xf32, #tpu.memory_space<hbm>>
          %dma_start3A_221 = arith.constant 0 : i32
          %dma_start3A_222 = arith.constant 0 : i32
          %dma_start3A_223 = arith.constant 0 : i32
          %dma_start3A_224 = tpu.memref_slice %arg10[%dma_start3A_212, %dma_start3A_221, %dma_start3A_222, %dma_start3A_223] : memref<8x8x8x128xf32, #tpu.memory_space<vmem>> -> memref<1x8x8x128xf32, #tpu.memory_space<vmem>>
          %dma_start3A_225 = tpu.memref_squeeze %dma_start3A_224 : memref<1x8x8x128xf32, #tpu.memory_space<vmem>> -> memref<8x8x128xf32, #tpu.memory_space<vmem>>
          %dma_start3A_226 = arith.constant 0 : i32
          %dma_start3A_227 = arith.constant 0 : i32
          %dma_start3A_228 = tpu.memref_slice %arg2[%dma_start3A_226, %dma_start3A_227, %multiple_of3A] : memref<8x8x1000001xf32, #tpu.memory_space<hbm>> -> memref<8x8x128xf32, #tpu.memory_space<hbm>>
          tpu.enqueue_dma source(%dma_start3A_228 : memref<8x8x128xf32, #tpu.memory_space<hbm>>) target(%dma_start3A_225 : memref<8x8x128xf32, #tpu.memory_space<vmem>>) target_semaphore(%arg20 : memref<!tpu.dma_semaphore, #tpu.memory_space<semaphore_mem>>)
        } else {
        }
      } else {
      }
      %mul3A_154 = arith.constant 8 : i32
      %mul3A_155 = arith.muli %while3A_97, %mul3A_154 : i32
      %add3A_156 = arith.constant 7 : i32
      %add3A_157 = arith.addi %mul3A_155, %add3A_156 : i32
      %lt3A_158 = arith.cmpi slt, %add3A_157, %scan3A_22#0 : i32
      %convert_element_type3A_159 = arith.extui %lt3A_158 : i1 to i32
      %cond3A_160 = arith.constant 0 : i32
      %cond3A_161 = arith.cmpi ne, %convert_element_type3A_159, %cond3A_160 : i32
      scf.if %cond3A_161 {
        %dma_wait3A_163 = arith.constant 7 : i32
        %dma_wait3A_164 = arith.constant 0 : i32
        %dma_wait3A_165 = arith.constant 0 : i32
        %dma_wait3A_166 = arith.constant 0 : i32
        %dma_wait3A_167 = tpu.memref_slice %arg10[%dma_wait3A_163, %dma_wait3A_164, %dma_wait3A_165, %dma_wait3A_166] : memref<8x8x8x128xf32, #tpu.memory_space<vmem>> -> memref<1x8x8x128xf32, #tpu.memory_space<vmem>>
        %dma_wait3A_168 = tpu.memref_squeeze %dma_wait3A_167 : memref<1x8x8x128xf32, #tpu.memory_space<vmem>> -> memref<8x8x128xf32, #tpu.memory_space<vmem>>
        %dma_wait3A_169 = arith.constant 0 : i32
        %dma_wait3A_170 = arith.constant 0 : i32
        %dma_wait3A_171 = arith.constant 0 : i32
        %dma_wait3A_172 = tpu.memref_slice %arg2[%dma_wait3A_169, %dma_wait3A_170, %dma_wait3A_171] : memref<8x8x1000001xf32, #tpu.memory_space<hbm>> -> memref<8x8x128xf32, #tpu.memory_space<hbm>>
        %dma_wait3A_173 = arith.constant 0 : i32
        %dma_wait3A_174 = arith.constant 0 : i32
        %dma_wait3A_175 = arith.constant 0 : i32
        %dma_wait3A_176 = tpu.memref_slice %arg10[%dma_wait3A_163, %dma_wait3A_173, %dma_wait3A_174, %dma_wait3A_175] : memref<8x8x8x128xf32, #tpu.memory_space<vmem>> -> memref<1x8x8x128xf32, #tpu.memory_space<vmem>>
        %dma_wait3A_177 = tpu.memref_squeeze %dma_wait3A_176 : memref<1x8x8x128xf32, #tpu.memory_space<vmem>> -> memref<8x8x128xf32, #tpu.memory_space<vmem>>
        %dma_wait3A_178 = arith.constant 0 : i32
        %dma_wait3A_179 = arith.constant 0 : i32
        %dma_wait3A_180 = arith.constant 0 : i32
        %dma_wait3A_181 = tpu.memref_slice %arg2[%dma_wait3A_178, %dma_wait3A_179, %dma_wait3A_180] : memref<8x8x1000001xf32, #tpu.memory_space<hbm>> -> memref<8x8x128xf32, #tpu.memory_space<hbm>>
        tpu.wait_dma2 semaphore(%arg21 : memref<!tpu.dma_semaphore, #tpu.memory_space<semaphore_mem>>) src(%dma_wait3A_181 : memref<8x8x128xf32, #tpu.memory_space<hbm>>) dst(%dma_wait3A_177 : memref<8x8x128xf32, #tpu.memory_space<vmem>>)
        %get3A = arith.index_cast %add3A_157 : i32 to index
        %get3A_182 = memref.load %arg9[%get3A] : memref<513xi32, #tpu.memory_space<smem>>
        %add3A_183 = arith.constant 1 : i32
        %add3A_184 = arith.addi %add3A_157, %add3A_183 : i32
        %get3A_185 = arith.index_cast %add3A_184 : i32 to index
        %get3A_186 = memref.load %arg9[%get3A_185] : memref<513xi32, #tpu.memory_space<smem>>
        %while3A_187 = arith.constant 7 : i32
        %while3A_188 = arith.constant 0 : i32
        %while3A_189 = arith.subi %get3A_186, %get3A_182 : i32
        %while3A_190 = arith.addi %get3A_182, %while3A_189 : i32
        %while3A_191 = arith.constant 1 : i32
        %while3A_192 = arith.divsi %while3A_189, %while3A_191 : i32
        %while3A_193 = arith.muli %while3A_192, %while3A_191 : i32
        %while3A_194 = arith.addi %get3A_182, %while3A_193 : i32
        %while3A_195 = arith.constant 1 : i32
        %while3A_196 = scf.for %while3A_205 = %get3A_182 to %while3A_194 step %while3A_195 iter_args(%while3A_206 = %while3A_188) -> (i32)  : i32 {
          %get3A_207 = arith.index_cast %while3A_205 : i32 to index
          %get3A_208 = memref.load %arg7[%get3A_207] : memref<512xi32, #tpu.memory_space<smem>>
          %and3A_209 = arith.constant 127 : i32
          %and3A_210 = arith.andi %get3A_208, %and3A_209 : i32
          %broadcast_in_dim3A = vector.broadcast %and3A_210 : i32 to vector<16xi32>
          %gather3A = arith.constant 0 : i32
          %gather3A_211 = arith.constant 0 : i32
          %gather3A_212 = arith.constant 0 : i32
          %gather3A_213 = tpu.memref_slice %arg10[%while3A_187, %gather3A, %gather3A_211, %gather3A_212] : memref<8x8x8x128xf32, #tpu.memory_space<vmem>> -> memref<1x8x8x128xf32, #tpu.memory_space<vmem>>
          %gather3A_214 = tpu.memref_squeeze %gather3A_213 : memref<1x8x8x128xf32, #tpu.memory_space<vmem>> -> memref<8x8x128xf32, #tpu.memory_space<vmem>>
          %gather3A_215 = tpu.vector_load_idx %gather3A_214[%add3A_32, %and3A_27, %broadcast_in_dim3A] : memref<8x8x128xf32, #tpu.memory_space<vmem>>[vector<16xi32>, vector<16xi32>, vector<16xi32>], vector<16xf32>,
          %mul3A_216 = arith.constant 64 : i32
          %mul3A_217 = arith.muli %while3A_205, %mul3A_216 : i32
          %add3A_218 = arith.constant 0 : i32
          %add3A_219 = arith.addi %mul3A_217, %add3A_218 : i32
          %swap3A_220 = arith.index_cast %add3A_219 : i32 to index
          %swap3A_221 = tpu.vector_load %arg11[%swap3A_220] {strides = array<i32>} : memref<32768xf32, #tpu.memory_space<vmem>>, vector<16xf32>,
          tpu.vector_store %arg11[%swap3A_220], %gather3A_215 {strides = array<i32>} : memref<32768xf32, #tpu.memory_space<vmem>>, vector<16xf32>,
          %gather3A_222 = arith.constant 0 : i32
          %gather3A_223 = arith.constant 0 : i32
          %gather3A_224 = arith.constant 0 : i32
          %gather3A_225 = tpu.memref_slice %arg10[%while3A_187, %gather3A_222, %gather3A_223, %gather3A_224] : memref<8x8x8x128xf32, #tpu.memory_space<vmem>> -> memref<1x8x8x128xf32, #tpu.memory_space<vmem>>
          %gather3A_226 = tpu.memref_squeeze %gather3A_225 : memref<1x8x8x128xf32, #tpu.memory_space<vmem>> -> memref<8x8x128xf32, #tpu.memory_space<vmem>>
          %gather3A_227 = tpu.vector_load_idx %gather3A_226[%add3A_35, %and3A_27, %broadcast_in_dim3A] : memref<8x8x128xf32, #tpu.memory_space<vmem>>[vector<16xi32>, vector<16xi32>, vector<16xi32>], vector<16xf32>,
          %mul3A_228 = arith.constant 64 : i32
          %mul3A_229 = arith.muli %while3A_205, %mul3A_228 : i32
          %add3A_230 = arith.constant 16 : i32
          %add3A_231 = arith.addi %mul3A_229, %add3A_230 : i32
          %swap3A_232 = arith.index_cast %add3A_231 : i32 to index
          %swap3A_233 = tpu.vector_load %arg11[%swap3A_232] {strides = array<i32>} : memref<32768xf32, #tpu.memory_space<vmem>>, vector<16xf32>,
          tpu.vector_store %arg11[%swap3A_232], %gather3A_227 {strides = array<i32>} : memref<32768xf32, #tpu.memory_space<vmem>>, vector<16xf32>,
          %gather3A_234 = arith.constant 0 : i32
          %gather3A_235 = arith.constant 0 : i32
          %gather3A_236 = arith.constant 0 : i32
          %gather3A_237 = tpu.memref_slice %arg10[%while3A_187, %gather3A_234, %gather3A_235, %gather3A_236] : memref<8x8x8x128xf32, #tpu.memory_space<vmem>> -> memref<1x8x8x128xf32, #tpu.memory_space<vmem>>
          %gather3A_238 = tpu.memref_squeeze %gather3A_237 : memref<1x8x8x128xf32, #tpu.memory_space<vmem>> -> memref<8x8x128xf32, #tpu.memory_space<vmem>>
          %gather3A_239 = tpu.vector_load_idx %gather3A_238[%add3A_38, %and3A_27, %broadcast_in_dim3A] : memref<8x8x128xf32, #tpu.memory_space<vmem>>[vector<16xi32>, vector<16xi32>, vector<16xi32>], vector<16xf32>,
          %mul3A_240 = arith.constant 64 : i32
          %mul3A_241 = arith.muli %while3A_205, %mul3A_240 : i32
          %add3A_242 = arith.constant 32 : i32
          %add3A_243 = arith.addi %mul3A_241, %add3A_242 : i32
          %swap3A_244 = arith.index_cast %add3A_243 : i32 to index
          %swap3A_245 = tpu.vector_load %arg11[%swap3A_244] {strides = array<i32>} : memref<32768xf32, #tpu.memory_space<vmem>>, vector<16xf32>,
          tpu.vector_store %arg11[%swap3A_244], %gather3A_239 {strides = array<i32>} : memref<32768xf32, #tpu.memory_space<vmem>>, vector<16xf32>,
          %gather3A_246 = arith.constant 0 : i32
          %gather3A_247 = arith.constant 0 : i32
          %gather3A_248 = arith.constant 0 : i32
          %gather3A_249 = tpu.memref_slice %arg10[%while3A_187, %gather3A_246, %gather3A_247, %gather3A_248] : memref<8x8x8x128xf32, #tpu.memory_space<vmem>> -> memref<1x8x8x128xf32, #tpu.memory_space<vmem>>
          %gather3A_250 = tpu.memref_squeeze %gather3A_249 : memref<1x8x8x128xf32, #tpu.memory_space<vmem>> -> memref<8x8x128xf32, #tpu.memory_space<vmem>>
          %gather3A_251 = tpu.vector_load_idx %gather3A_250[%add3A_41, %and3A_27, %broadcast_in_dim3A] : memref<8x8x128xf32, #tpu.memory_space<vmem>>[vector<16xi32>, vector<16xi32>, vector<16xi32>], vector<16xf32>,
          %mul3A_252 = arith.constant 64 : i32
          %mul3A_253 = arith.muli %while3A_205, %mul3A_252 : i32
          %add3A_254 = arith.constant 48 : i32
          %add3A_255 = arith.addi %mul3A_253, %add3A_254 : i32
          %swap3A_256 = arith.index_cast %add3A_255 : i32 to index
          %swap3A_257 = tpu.vector_load %arg11[%swap3A_256] {strides = array<i32>} : memref<32768xf32, #tpu.memory_space<vmem>>, vector<16xf32>,
          tpu.vector_store %arg11[%swap3A_256], %gather3A_251 {strides = array<i32>} : memref<32768xf32, #tpu.memory_space<vmem>>, vector<16xf32>,
          %mul3A_258 = arith.constant 64 : i32
          %mul3A_259 = arith.muli %while3A_205, %mul3A_258 : i32
          %get3A_260 = arith.index_cast %while3A_205 : i32 to index
          %get3A_261 = memref.load %arg8[%get3A_260] : memref<512xi32, #tpu.memory_space<smem>>
          %mul3A_262 = arith.constant 64 : i32
          %mul3A_263 = arith.muli %get3A_261, %mul3A_262 : i32
          %dma_start3A_264 = tpu.memref_slice %arg11[%mul3A_259] : memref<32768xf32, #tpu.memory_space<vmem>> -> memref<64xf32, #tpu.memory_space<vmem>>
          %dma_start3A_265 = tpu.memref_slice %arg5[%mul3A_263] : memref<1048576xf32, #tpu.memory_space<hbm>> -> memref<64xf32, #tpu.memory_space<hbm>>
          %dma_start3A_266 = tpu.memref_slice %arg5[%mul3A_263] : memref<1048576xf32, #tpu.memory_space<hbm>> -> memref<64xf32, #tpu.memory_space<hbm>>
          %dma_start3A_267 = tpu.memref_slice %arg11[%mul3A_259] : memref<32768xf32, #tpu.memory_space<vmem>> -> memref<64xf32, #tpu.memory_space<vmem>>
          tpu.enqueue_dma source(%dma_start3A_267 : memref<64xf32, #tpu.memory_space<vmem>>) target(%dma_start3A_266 : memref<64xf32, #tpu.memory_space<hbm>>) target_semaphore(%arg13 : memref<!tpu.dma_semaphore, #tpu.memory_space<semaphore_mem>>)
          %while3A_268 = arith.constant 0 : i32
          scf.yield %while3A_268 : i32
        }
        %while3A_197 = arith.constant 1 : i32
        %while3A_198 = scf.for %while3A_205 = %while3A_194 to %while3A_190 step %while3A_197 iter_args(%while3A_206 = %while3A_196) -> (i32)  : i32 {
          %get3A_207 = arith.index_cast %while3A_205 : i32 to index
          %get3A_208 = memref.load %arg7[%get3A_207] : memref<512xi32, #tpu.memory_space<smem>>
          %and3A_209 = arith.constant 127 : i32
          %and3A_210 = arith.andi %get3A_208, %and3A_209 : i32
          %broadcast_in_dim3A = vector.broadcast %and3A_210 : i32 to vector<16xi32>
          %gather3A = arith.constant 0 : i32
          %gather3A_211 = arith.constant 0 : i32
          %gather3A_212 = arith.constant 0 : i32
          %gather3A_213 = tpu.memref_slice %arg10[%while3A_187, %gather3A, %gather3A_211, %gather3A_212] : memref<8x8x8x128xf32, #tpu.memory_space<vmem>> -> memref<1x8x8x128xf32, #tpu.memory_space<vmem>>
          %gather3A_214 = tpu.memref_squeeze %gather3A_213 : memref<1x8x8x128xf32, #tpu.memory_space<vmem>> -> memref<8x8x128xf32, #tpu.memory_space<vmem>>
          %gather3A_215 = tpu.vector_load_idx %gather3A_214[%add3A_32, %and3A_27, %broadcast_in_dim3A] : memref<8x8x128xf32, #tpu.memory_space<vmem>>[vector<16xi32>, vector<16xi32>, vector<16xi32>], vector<16xf32>,
          %mul3A_216 = arith.constant 64 : i32
          %mul3A_217 = arith.muli %while3A_205, %mul3A_216 : i32
          %add3A_218 = arith.constant 0 : i32
          %add3A_219 = arith.addi %mul3A_217, %add3A_218 : i32
          %swap3A_220 = arith.index_cast %add3A_219 : i32 to index
          %swap3A_221 = tpu.vector_load %arg11[%swap3A_220] {strides = array<i32>} : memref<32768xf32, #tpu.memory_space<vmem>>, vector<16xf32>,
          tpu.vector_store %arg11[%swap3A_220], %gather3A_215 {strides = array<i32>} : memref<32768xf32, #tpu.memory_space<vmem>>, vector<16xf32>,
          %gather3A_222 = arith.constant 0 : i32
          %gather3A_223 = arith.constant 0 : i32
          %gather3A_224 = arith.constant 0 : i32
          %gather3A_225 = tpu.memref_slice %arg10[%while3A_187, %gather3A_222, %gather3A_223, %gather3A_224] : memref<8x8x8x128xf32, #tpu.memory_space<vmem>> -> memref<1x8x8x128xf32, #tpu.memory_space<vmem>>
          %gather3A_226 = tpu.memref_squeeze %gather3A_225 : memref<1x8x8x128xf32, #tpu.memory_space<vmem>> -> memref<8x8x128xf32, #tpu.memory_space<vmem>>
          %gather3A_227 = tpu.vector_load_idx %gather3A_226[%add3A_35, %and3A_27, %broadcast_in_dim3A] : memref<8x8x128xf32, #tpu.memory_space<vmem>>[vector<16xi32>, vector<16xi32>, vector<16xi32>], vector<16xf32>,
          %mul3A_228 = arith.constant 64 : i32
          %mul3A_229 = arith.muli %while3A_205, %mul3A_228 : i32
          %add3A_230 = arith.constant 16 : i32
          %add3A_231 = arith.addi %mul3A_229, %add3A_230 : i32
          %swap3A_232 = arith.index_cast %add3A_231 : i32 to index
          %swap3A_233 = tpu.vector_load %arg11[%swap3A_232] {strides = array<i32>} : memref<32768xf32, #tpu.memory_space<vmem>>, vector<16xf32>,
          tpu.vector_store %arg11[%swap3A_232], %gather3A_227 {strides = array<i32>} : memref<32768xf32, #tpu.memory_space<vmem>>, vector<16xf32>,
          %gather3A_234 = arith.constant 0 : i32
          %gather3A_235 = arith.constant 0 : i32
          %gather3A_236 = arith.constant 0 : i32
          %gather3A_237 = tpu.memref_slice %arg10[%while3A_187, %gather3A_234, %gather3A_235, %gather3A_236] : memref<8x8x8x128xf32, #tpu.memory_space<vmem>> -> memref<1x8x8x128xf32, #tpu.memory_space<vmem>>
          %gather3A_238 = tpu.memref_squeeze %gather3A_237 : memref<1x8x8x128xf32, #tpu.memory_space<vmem>> -> memref<8x8x128xf32, #tpu.memory_space<vmem>>
          %gather3A_239 = tpu.vector_load_idx %gather3A_238[%add3A_38, %and3A_27, %broadcast_in_dim3A] : memref<8x8x128xf32, #tpu.memory_space<vmem>>[vector<16xi32>, vector<16xi32>, vector<16xi32>], vector<16xf32>,
          %mul3A_240 = arith.constant 64 : i32
          %mul3A_241 = arith.muli %while3A_205, %mul3A_240 : i32
          %add3A_242 = arith.constant 32 : i32
          %add3A_243 = arith.addi %mul3A_241, %add3A_242 : i32
          %swap3A_244 = arith.index_cast %add3A_243 : i32 to index
          %swap3A_245 = tpu.vector_load %arg11[%swap3A_244] {strides = array<i32>} : memref<32768xf32, #tpu.memory_space<vmem>>, vector<16xf32>,
          tpu.vector_store %arg11[%swap3A_244], %gather3A_239 {strides = array<i32>} : memref<32768xf32, #tpu.memory_space<vmem>>, vector<16xf32>,
          %gather3A_246 = arith.constant 0 : i32
          %gather3A_247 = arith.constant 0 : i32
          %gather3A_248 = arith.constant 0 : i32
          %gather3A_249 = tpu.memref_slice %arg10[%while3A_187, %gather3A_246, %gather3A_247, %gather3A_248] : memref<8x8x8x128xf32, #tpu.memory_space<vmem>> -> memref<1x8x8x128xf32, #tpu.memory_space<vmem>>
          %gather3A_250 = tpu.memref_squeeze %gather3A_249 : memref<1x8x8x128xf32, #tpu.memory_space<vmem>> -> memref<8x8x128xf32, #tpu.memory_space<vmem>>
          %gather3A_251 = tpu.vector_load_idx %gather3A_250[%add3A_41, %and3A_27, %broadcast_in_dim3A] : memref<8x8x128xf32, #tpu.memory_space<vmem>>[vector<16xi32>, vector<16xi32>, vector<16xi32>], vector<16xf32>,
          %mul3A_252 = arith.constant 64 : i32
          %mul3A_253 = arith.muli %while3A_205, %mul3A_252 : i32
          %add3A_254 = arith.constant 48 : i32
          %add3A_255 = arith.addi %mul3A_253, %add3A_254 : i32
          %swap3A_256 = arith.index_cast %add3A_255 : i32 to index
          %swap3A_257 = tpu.vector_load %arg11[%swap3A_256] {strides = array<i32>} : memref<32768xf32, #tpu.memory_space<vmem>>, vector<16xf32>,
          tpu.vector_store %arg11[%swap3A_256], %gather3A_251 {strides = array<i32>} : memref<32768xf32, #tpu.memory_space<vmem>>, vector<16xf32>,
          %mul3A_258 = arith.constant 64 : i32
          %mul3A_259 = arith.muli %while3A_205, %mul3A_258 : i32
          %get3A_260 = arith.index_cast %while3A_205 : i32 to index
          %get3A_261 = memref.load %arg8[%get3A_260] : memref<512xi32, #tpu.memory_space<smem>>
          %mul3A_262 = arith.constant 64 : i32
          %mul3A_263 = arith.muli %get3A_261, %mul3A_262 : i32
          %dma_start3A_264 = tpu.memref_slice %arg11[%mul3A_259] : memref<32768xf32, #tpu.memory_space<vmem>> -> memref<64xf32, #tpu.memory_space<vmem>>
          %dma_start3A_265 = tpu.memref_slice %arg5[%mul3A_263] : memref<1048576xf32, #tpu.memory_space<hbm>> -> memref<64xf32, #tpu.memory_space<hbm>>
          %dma_start3A_266 = tpu.memref_slice %arg5[%mul3A_263] : memref<1048576xf32, #tpu.memory_space<hbm>> -> memref<64xf32, #tpu.memory_space<hbm>>
          %dma_start3A_267 = tpu.memref_slice %arg11[%mul3A_259] : memref<32768xf32, #tpu.memory_space<vmem>> -> memref<64xf32, #tpu.memory_space<vmem>>
          tpu.enqueue_dma source(%dma_start3A_267 : memref<64xf32, #tpu.memory_space<vmem>>) target(%dma_start3A_266 : memref<64xf32, #tpu.memory_space<hbm>>) target_semaphore(%arg13 : memref<!tpu.dma_semaphore, #tpu.memory_space<semaphore_mem>>)
          %while3A_268 = arith.constant 0 : i32
          scf.yield %while3A_268 : i32
        }
        %add3A_199 = arith.constant 8 : i32
        %add3A_200 = arith.addi %add3A_157, %add3A_199 : i32
        %lt3A_201 = arith.cmpi slt, %add3A_200, %scan3A_22#0 : i32
        %convert_element_type3A_202 = arith.extui %lt3A_201 : i1 to i32
        %cond3A_203 = arith.constant 0 : i32
        %cond3A_204 = arith.cmpi ne, %convert_element_type3A_202, %cond3A_203 : i32
        scf.if %cond3A_204 {
          %get3A_205 = arith.index_cast %add3A_200 : i32 to index
          %get3A_206 = memref.load %arg9[%get3A_205] : memref<513xi32, #tpu.memory_space<smem>>
          %get3A_207 = arith.index_cast %get3A_206 : i32 to index
          %get3A_208 = memref.load %arg7[%get3A_207] : memref<512xi32, #tpu.memory_space<smem>>
          %shift_right_logical3A_209 = arith.constant 7 : i32
          %shift_right_logical3A_210 = arith.shrui %get3A_208, %shift_right_logical3A_209 : i32
          %shift_left3A = arith.constant 7 : i32
          %shift_left3A_211 = arith.shli %shift_right_logical3A_210, %shift_left3A : i32
          %multiple_of3A = tpu.assume_multiple %shift_left3A_211, 128 : i32
          %dma_start3A_212 = arith.constant 7 : i32
          %dma_start3A_213 = arith.constant 0 : i32
          %dma_start3A_214 = arith.constant 0 : i32
          %dma_start3A_215 = arith.constant 0 : i32
          %dma_start3A_216 = tpu.memref_slice %arg10[%dma_start3A_212, %dma_start3A_213, %dma_start3A_214, %dma_start3A_215] : memref<8x8x8x128xf32, #tpu.memory_space<vmem>> -> memref<1x8x8x128xf32, #tpu.memory_space<vmem>>
          %dma_start3A_217 = tpu.memref_squeeze %dma_start3A_216 : memref<1x8x8x128xf32, #tpu.memory_space<vmem>> -> memref<8x8x128xf32, #tpu.memory_space<vmem>>
          %dma_start3A_218 = arith.constant 0 : i32
          %dma_start3A_219 = arith.constant 0 : i32
          %dma_start3A_220 = tpu.memref_slice %arg2[%dma_start3A_218, %dma_start3A_219, %multiple_of3A] : memref<8x8x1000001xf32, #tpu.memory_space<hbm>> -> memref<8x8x128xf32, #tpu.memory_space<hbm>>
          %dma_start3A_221 = arith.constant 0 : i32
          %dma_start3A_222 = arith.constant 0 : i32
          %dma_start3A_223 = arith.constant 0 : i32
          %dma_start3A_224 = tpu.memref_slice %arg10[%dma_start3A_212, %dma_start3A_221, %dma_start3A_222, %dma_start3A_223] : memref<8x8x8x128xf32, #tpu.memory_space<vmem>> -> memref<1x8x8x128xf32, #tpu.memory_space<vmem>>
          %dma_start3A_225 = tpu.memref_squeeze %dma_start3A_224 : memref<1x8x8x128xf32, #tpu.memory_space<vmem>> -> memref<8x8x128xf32, #tpu.memory_space<vmem>>
          %dma_start3A_226 = arith.constant 0 : i32
          %dma_start3A_227 = arith.constant 0 : i32
          %dma_start3A_228 = tpu.memref_slice %arg2[%dma_start3A_226, %dma_start3A_227, %multiple_of3A] : memref<8x8x1000001xf32, #tpu.memory_space<hbm>> -> memref<8x8x128xf32, #tpu.memory_space<hbm>>
          tpu.enqueue_dma source(%dma_start3A_228 : memref<8x8x128xf32, #tpu.memory_space<hbm>>) target(%dma_start3A_225 : memref<8x8x128xf32, #tpu.memory_space<vmem>>) target_semaphore(%arg21 : memref<!tpu.dma_semaphore, #tpu.memory_space<semaphore_mem>>)
        } else {
        }
      } else {
      }
      %while3A_162 = arith.constant 0 : i32
      scf.yield %while3A_162 : i32
    }
    %mul3A_93 = arith.constant 64 : i32
    %mul3A_94 = arith.muli %mul3A_2, %mul3A_93 : i32
    %dma_wait3A_95 = tpu.memref_slice %arg5[%mul3A_94] : memref<1048576xf32, #tpu.memory_space<hbm>> -> memref<32768xf32, #tpu.memory_space<hbm>>
    %dma_wait3A_96 = tpu.memref_slice %arg5[%mul3A_94] : memref<1048576xf32, #tpu.memory_space<hbm>> -> memref<32768xf32, #tpu.memory_space<hbm>>
    tpu.wait_dma2 semaphore(%arg13 : memref<!tpu.dma_semaphore, #tpu.memory_space<semaphore_mem>>) src(%dma_wait3A_96 : memref<32768xf32, #tpu.memory_space<hbm>>) dst(%arg11 : memref<32768xf32, #tpu.memory_space<vmem>>)
    return
  }
}

</mosaic_0001>

<sc_bundles>
// kernel: gather_offload_async_start
scs
__scs_entry_jumppad:
0x0: {  	(pc) =	sbr.rel $0x88, $3  }
0x1: {  	(tag) =	ssettag $0x0;
	lr =	simm.s32 $0x1  }
0x2: {  	[smem:$0x3F9F] =	sst lr;
	_ =	strace $0xD0000000  }
0x3: {  	_ = 	snop  }
0x4: {  	_ = 	snop  }
0x5: {  	_ = 	snop  }
0x6: {  	_ = 	snop  }
0x7: {  	_ = 	snop  }
__scs_overlays_trampoline_lowered:
0x8: {  	[smem:$0x3FAE] =	sst s0  }
0x9: {  	[smem:$0x3FAF] =	sst s1  }
0xa: {  	[smem:$0x3FB0] =	sst s2  }
0xb: {  	[smem:$0x3FB1] =	sst s3  }
0xc: {  	[smem:$0x3FB2] =	sst s4  }
0xd: {  	[smem:$0x3FB3] =	sst s5  }
0xe: {  	[smem:$0x3FB4] =	sst s6  }
0xf: {  	[smem:$0x3FB5] =	sst s7  }
0x10: {  	[smem:$0x3FB6] =	sst s8  }
0x11: {  	[smem:$0x3FB7] =	sst s9;
	s0 =	simm.s32 @!p0 $0x0  }
0x12: {  	s1 =	sld [smem:$0x3F9D];
	s0 =	simm.s32 @p0 $0x1  }
0x13: {  	[smem:$0x3FB8] =	sst s0;
	s0 =	simm.s32 @!p1 $0x0  }
0x14: {  	s2 =	sld [smem:$0x3F9C];
	s0 =	simm.s32 @p1 $0x1  }
0x15: {  	[smem:$0x3FB9] =	sst s0;
	s0 =	simm.s32 @!p2 $0x0  }
0x16: {  	s3 =	sld [smem:$0x3FDB];
	s0 =	simm.s32 @p2 $0x1  }
0x17: {  	s4 =	simm.s32 $0x1BF5;
	[smem:$0x3FBB] =	sst s0  }
0x18: {  	s0 =	sld [smem:$0x3F9E];
	_ =	swait.ge [sflag:s4], $0x0  }
0x19: {  	s7 =	sld [smem:$0x3F9F]  }
0x1a: {  	s8 =	sadd.s32 $0xFFFFE003, lr  }
0x1b: {  	s9 =	sadd.s32 $0xFFFFFEF7, lr;
	s5 =	simm.s32 $0xFFFFFFFF;
	p2 =	slt.u32 s8, $0xFFFFF086  }
0x1c: {  	p1 =	slt.u32 s9, $0xF7A;
	s5 =	simm.s32 @!p2 $0x0  }
0x1d: {  	s5 =	simm.s32 @p1 $0x1;
	p0 =	seq.s32 s7, s2  }
0x1e: {  	s7 =	smul.u32 @!p0 $0xF7A, s2;
	p2 =	seq.s32 @!p0 s5, $0x0  }
0x1f: {  	s9 =	smul.u32 $0xF7A, s1;
	s8 =	simm.s32 @!p0 $0x1BF5;
	p2 =	por !p2, p0  }
0x20: {  	[sflag:s8] =	ssyncset.s32 @!p0 $0xFFFFF086;
	s6 =	sadd.s32 @!p0 s3, s7;
	s7 =	simm.s32 @!p0 $0x108  }
0x21: {  	s3 =	sadd.s32 s3, s9;
	s6 =	sadd.s32 @!p0 $0x88, s6;
	s7 =	simm.s32 @p2 $0x1082  }
0x22: {  	[simem:s7], [sflag:s8] =	dma.local @!p0 [hbm:s6], $0xF7A  }
0x23: {  	s9 =	sor.u32 $0xD0000000, s2;
	s6 =	simm.s32 $0x108;
	_ =	swait.ge @!p0 [sflag:s8], $0x0  }
0x24: {  	s3 =	sadd.s32 $0x88, s3;
	s6 =	simm.s32 @!p1 $0x1082;
	[sflag:s4] =	ssyncset.s32 $0xFFFFF086  }
0x25: {  	[simem:s6], [sflag:s4] =	dma.local [hbm:s3], $0xF7A  }
0x26: {  	[smem:$0x3F9F] =	sst s1;
	(tag) =	ssettag s2;
	_ =	strace s9  }
0x27: {  	s1 =	sld [smem:$0x3FAF]  }
0x28: {  	s2 =	sld [smem:$0x3FB0]  }
0x29: {  	s4 =	sld [smem:$0x3FB2]  }
0x2a: {  	p0 =	seq.s32 s5, $0x0;
	s5 =	sld [smem:$0x3FB3]  }
0x2b: {  	s6 =	sld [smem:$0x3FB4]  }
0x2c: {  	s7 =	sld [smem:$0x3FB5]  }
0x2d: {  	s3 =	simm.s32 $0x108;
	s8 =	sld [smem:$0x3FB6]  }
0x2e: {  	s3 =	simm.s32 @!p0 $0x1082;
	s9 =	sld [smem:$0x3FB7]  }
0x2f: {  	lr =	sadd.s32 s0, s3;
	s0 =	sld [smem:$0x3FAE]  }
0x30: {  	s3 =	sld [smem:$0x3FB1]  }
0x31: {  	[smem:$0x3FBA] =	sst s10  }
0x32: {  	s10 =	sld [smem:$0x3FB8];
	_ =	sdelay $0x3  }
0x33: {  	p0 =	seq.s32 s10, $0x1;
	s10 =	sld [smem:$0x3FBA];
	_ =	sdelay $0x3  }
0x34: {  	[smem:$0x3FBA] =	sst s10  }
0x35: {  	s10 =	sld [smem:$0x3FB9];
	_ =	sdelay $0x3  }
0x36: {  	p1 =	seq.s32 s10, $0x1;
	s10 =	sld [smem:$0x3FBA];
	_ =	sdelay $0x3  }
0x37: {  	[smem:$0x3FBA] =	sst s10  }
0x38: {  	s10 =	sld [smem:$0x3FBB]  }
0x39: {  	_ = 	snop;
	(pc) =	sbr.ind lr, $3  }
0x3a: {  	_ = 	snop  }
0x3b: {  	_ = 	snop  }
0x3c: {  	p2 =	seq.s32 s10, $0x1;
	s10 =	sld [smem:$0x3FBA]  }
0x3d: {  	_ =	shalt  }
0x3e: {  	_ =	shalt  }
0x3f: {  	_ =	shalt  }
0x40: {  	_ =	shalt  }
0x41: {  	_ =	shalt  }
0x42: {  	_ =	shalt  }
0x43: {  	_ =	shalt  }
0x44: {  	_ =	shalt  }
0x45: {  	_ =	shalt  }
0x46: {  	_ =	shalt  }
0x47: {  	_ =	shalt  }
0x48: {  	_ =	shalt  }
0x49: {  	_ =	shalt  }
0x4a: {  	_ =	shalt  }
0x4b: {  	_ =	shalt  }
0x4c: {  	_ =	shalt  }
0x4d: {  	_ =	shalt  }
0x4e: {  	_ =	shalt  }
0x4f: {  	_ =	shalt  }
0x50: {  	_ =	shalt  }
0x51: {  	_ =	shalt  }
0x52: {  	_ =	shalt  }
0x53: {  	_ =	shalt  }
0x54: {  	_ =	shalt  }
0x55: {  	_ =	shalt  }
0x56: {  	_ =	shalt  }
0x57: {  	_ =	shalt  }
0x58: {  	_ =	shalt  }
0x59: {  	_ =	shalt  }
0x5a: {  	_ =	shalt  }
0x5b: {  	_ =	shalt  }
0x5c: {  	_ =	shalt  }
0x5d: {  	_ =	shalt  }
0x5e: {  	_ =	shalt  }
0x5f: {  	_ =	shalt  }
0x60: {  	_ =	shalt  }
0x61: {  	_ =	shalt  }
0x62: {  	_ =	shalt  }
0x63: {  	_ =	shalt  }
0x64: {  	_ =	shalt  }
0x65: {  	_ =	shalt  }
0x66: {  	_ =	shalt  }
0x67: {  	_ =	shalt  }
0x68: {  	_ =	shalt  }
0x69: {  	_ =	shalt  }
0x6a: {  	_ =	shalt  }
0x6b: {  	_ =	shalt  }
0x6c: {  	_ =	shalt  }
0x6d: {  	_ =	shalt  }
0x6e: {  	_ =	shalt  }
0x6f: {  	_ =	shalt  }
0x70: {  	_ =	shalt  }
0x71: {  	_ =	shalt  }
0x72: {  	_ =	shalt  }
0x73: {  	_ =	shalt  }
0x74: {  	_ =	shalt  }
0x75: {  	_ =	shalt  }
0x76: {  	_ =	shalt  }
0x77: {  	_ =	shalt  }
0x78: {  	_ =	shalt  }
0x79: {  	_ =	shalt  }
0x7a: {  	_ =	shalt  }
0x7b: {  	_ =	shalt  }
0x7c: {  	_ =	shalt  }
0x7d: {  	_ =	shalt  }
0x7e: {  	_ =	shalt  }
0x7f: {  	_ =	shalt  }
0x80: {  	_ =	shalt  }
0x81: {  	_ =	shalt  }
0x82: {  	_ =	shalt  }
0x83: {  	_ =	shalt  }
0x84: {  	_ =	shalt  }
0x85: {  	_ =	shalt  }
0x86: {  	_ =	shalt  }
0x87: {  	_ =	shalt  }
.Lfunc_end0:
.L_simem_size_0:
called_computation_lowered:
.L_overlay_start_0:
0x88: {  	s2 =	sld [smem:$0x3FD9]  }
0x89: {  	s3 =	sld [smem:$0x3FFE];
	_ =	sdelay $0x1  }
0x8a: {  	s1 =	srdreg.scid  }
0x8b: {  	s0 =	sand.u32 $0x1, s1  }
0x8c: {  	s17 =	sshll.u32 s0, $0xA;
	s2 =	sadd.s32 s3, s2  }
0x8d: {  	s2 =	sadd.s32 s2, s17  }
0x8e: {  	[smem:$0x3FC6] =	sst s2  }
0x8f: {  	_ = 	snop  }
0x90: {  	s2 =	sld [smem:$0x3FC9]  }
0x91: {  	s18 =	sld [smem:$0x3FD0];
	(tm) =	ssettm $0x1  }
0x92: {  	s4 =	sld [smem:$0x3FFB];
	_ =	sdelay $0x3  }
0x93: {  	_ =	strace s4  }
0x94: {  	s4 =	sld [smem:$0x3FFC];
	_ =	sdelay $0x3  }
0x95: {  	_ =	strace s4  }
0x96: {  	s4 =	sld [smem:$0x3FFD];
	_ =	sdelay $0x3  }
0x97: {  	_ =	strace s4  }
0x98: {  	_ =	strace $0x8FFFFFFF  }
0x99: {  	s19 =	sld [smem:$0x3FDB];
	_ =	sdelay $0x1  }
0x9a: {  	s5 =	simm.s32 $_scs_section_size  }
0x9b: {  	s6 =	simm.s32 $_size__tile_overlayer_lowered;
	s7 =	simm.s32 $_tile_overlayer_lowered  }
0x9c: {  	s22 =	simm.s32 $0x1BFF;
	s21 =	sshll.u32 s7, $0x1;
	s4 =	sadd.s32 s5, s19  }
0x9d: {  	s8 =	simm.s32 $0x0;
	s20 =	sshll.u32 s6, $0x1;
	s6 =	sadd.s32 s21, s4  }
0x9e: {  	[timem:s8], [sflag:s22] =	dma.local [hbm:s6], s20  }
0x9f: {  	_ =	swait.ge [sflag:s22], s20  }
0xa0: {  	s5 =	ssub.s32 $0x0, s20;
	[sflag:s22] =	ssyncset.done $0x0  }
0xa1: {  	[sflag:s22] =	ssyncadd.s32 s5;
	_ =	sdelay $0x1  }
0xa2: {  	s23 =	simm.s32 $0x1B8B  }
0xa3: {  	_ =	swait.ge [sflag:s23], $0x1  }
0xa4: {  	[sflag:s23] =	ssyncset.done $0x0  }
0xa5: {  	s25 =	simm.s32 $0x1B8E;
	s24 =	sld [smem:$0x3FFE];
	[sflag:s23] =	ssyncadd.s32 $0xFFFFFFFF  }
0xa6: {  	s26 =	simm.s32 $execute0_lowered;
	[smem:$0x3FD2] =	sst s25  }
0xa7: {  	s6 =	sshll.u32 s26, $0x1;
	_ =	strace $0x80000046;
	[dreg:$0x1] =	wrdreg $0xFFFFFFFF  }
0xa8: {  	s28 =	simm.s32 $_size_execute0_lowered;
	s4 =	sadd.s32 s4, s6;
	[dreg:$0x0] =	wrdreg $0x0  }
0xa9: {  	s6 =	sshll.u32 s28, $0x1;
	[dreg:$0x2] =	wrdreg s4  }
0xaa: {  	[dreg:$0x3] =	wrdreg s6  }
0xab: {  	[dreg:$0x4] =	wrdreg $0xC0  }
0xac: {  	_ =	task [dreg:s8], $0x5FFFF  }
0xad: {  	[dreg:$0x1] =	wrdreg $0xFFFFFFFF  }
0xae: {  	[dreg:$0x0] =	wrdreg $0x60  }
0xaf: {  	[dreg:$0x2] =	wrdreg s2  }
0xb0: {  	[dreg:$0x3] =	wrdreg s18  }
0xb1: {  	[dreg:$0x4] =	wrdreg s24  }
0xb2: {  	[dreg:$0x5] =	wrdreg $0x9  }
0xb3: {  	_ =	task.clear_ibuf [dreg:s8], $0x6FFFF;
	_ =	strace $0x90000046  }
0xb4: {  	s29 =	simm.s32 $0x9;
	_ =	strace $0x80000048  }
0xb5: {  	_ =	swait.ge [sflag:s29], $0x1  }
0xb6: {  	[sflag:s29] =	ssyncadd.s32 $0xFFFFFFFF  }
0xb7: {  	_ =	strace $0x90000048  }
0xb8: {  	_ =	sfence  }
0xb9: {  	s30 =	sld [smem:$0x0];
	_ =	sdelay $0x2  }
0xba: {  	s31 =	sshll.u32 s1, $0xD;
	s1 =	sshrl.u32 s1, $0x2  }
0xbb: {  	s3 =	sand.u32 $0x4000, s31;
	s1 =	sadd.s32 s1, s30  }
0xbc: {  	s0 =	sor.u32 s3, s0;
	s1 =	sshll.u32 s1, $0x11  }
0xbd: {  	s0 =	sor.u32 s1, s0  }
0xbe: {  	s0 =	sadd.s32 $0x8F2B, s0  }
0xbf: {  	[sflag:s0] =	ssyncadd.remote.s32 $0x1  }
0xc0: {  	_ =	sfence.sel $0xFFFF  }
0xc1: {  	[dreg:$0x0] =	wrdreg $0xFFFFFFFF;
	(pc) =	sbr.abs _section_cstart, $3  }
0xc2: {  	[dreg:$0x1] =	wrdreg $0xFFFFFFFF  }
0xc3: {  	_ =	task.clear_ibuf [dreg:s8], $0x2FFFF;
	_ =	strace $0x9FFFFFFF  }
0xc4: {  	(tm) =	ssettm $0x7FFFFFFF  }
0xc5: {  	_ =	shalt  }
tec
execute0_lowered:
.L_overlay_start_1:
0x0: {  	(tag) =	ssettag $0x1  }
0x1: {  	s2 =	rddreg [dreg:$0x0]  }
0x2: {  	s1 =	srdreg.scid;
	s3 =	rddreg [dreg:$0x1]  }
0x3: {  	s0 =	stileid.u32;
	s5 =	rddreg [dreg:$0x2]  }
0x4: {  	s9 =	simm.s32 $0x1;
	s10 =	simm.s32 $0x3;
	s1 =	sshll.u32 s1, $0x8  }
0x5: {  	s13 =	simm.s32 $0x0;
	s4 =	sshll.u32 s0, $0x9;
	s6 =	sand.u32 $0x100, s1  }
0x6: {  	s12 =	simm.s32 $0x0;
	s5 =	sadd.s32 $0x800, s5;
	s4 =	sor.u32 s4, s6  }
0x7: {  	s1 =	rddreg [dreg:$0x3];
	_ =	strace $0x80000047;
	s8 =	ssub.s32 $0x4000, s4  }
.Ltmp0:
0x8: {  	s6 =	simm.s32 $0x1;
	s7 =	sand.u32 $0x1F00, s8;
	(pc) =	sbr.rel .LBB2_1-.Ltmp0, $4  }
0x9: {  	[sflag:s6] =	ssyncpa.u1 $0x0;
	s11 =	smov.u32 s4;
	p0 =	sne.s32 s7, $0x0  }
0xa: {  	s8 =	sshrl.u32 s8, $0xD;
	s7 =	simm.s32 $0x2;
	s9 =	simm.s32 @!p0 $0x0  }
0xb: {  	[sflag:s7] =	ssyncpa.u1 $0x0;
	p0 =	por $0x0, $0x0;
	s8 =	sadd.s32 s9, s8  }
0xc: {  	vm0 =	vmmov $0xffff;
	[sflag:s10] =	ssyncpa.u1 $0x0;
	s10 =	simm.s32 $0x0;
	s9 =	sadd.s32 $0x1, s8  }
.LBB2_4:
0xd: {  	v2 =	vnsel vm1, $0x0, v2  }
0xe: {  	vm1 =	vgt.s32 v0, $0x0;
	v2 =	vmin.u32 v2, $0x3FFF  }
0xf: {  	v0 =	vnsel vm1, $0x0, v0  }
0x10: {  	v0 =	vmin.u32 v0, $0x3FFF  }
0x11: {  	[tilespmem:s15], [sflag:$0x1] =	stream.indirect_vreg.gather [hbm4b:s2+s10], $0x1, v1, vm0, $0x4038;
	[tilespmem:$0x400] =	vst v63  }
0x12: {  	(ifvalue) =	ssetifvalue $0x7FFFFFFF  }
0x13: {  	[tilespmem:s16], [sflag:$0x1] =	stream.indirect_vreg.gather [hbm4b:s2+s10], $0x1, v2, vm0, $0x4038;
	[tilespmem:$0x400] =	vst v63  }
0x14: {  	s29 =	sadd.s32 $0x10, s16;
	(ifvalue) =	ssetifvalue $0x7FFFFFFF  }
0x15: {  	[tilespmem:s29], [sflag:$0x1] =	stream.indirect_vreg.gather [hbm4b:s2+s10], $0x1, v0, vm0, $0x4038;
	[tilespmem:$0x400] =	vst v63  }
0x16: {  	_ =	swait.ge [sflag:s6], $0x100  }
0x17: {  	s30 =	sshrl.u32 s13, $0x3;
	[sflag:s6] =	ssyncset.done $0x0  }
0x18: {  	s31 =	sand.u32 $0x7, s13;
	s15 =	sadd.s32 s5, s30;
	[sflag:s6] =	ssyncadd.s32 $0xFFFFFF00  }
0x19: {  	[hbm4b:s15+s31] =	stream.linear.scatter [tilespmem:s14], [sflag:$0x3], $0x100, $0x38;
	[tilespmem:$0x400] =	vst v63  }
.LBB2_5:
0x1a: {  	s15 =	sadd.s32 $0x2000, s11  }
0x1b: {  	p2 =	sgt.s32 s15, $0x3FFF  }
0x1c: {  	s15 =	smov.u32 @p2 s4;
	p2 =	sne.s32 s12, s9  }
.Ltmp1:
0x1d: {  	p1 =	slt.u32 s12, $0x2;
	(pc) =	sbr.rel @!p2 .LBB2_6-.Ltmp1, $4  }
0x1e: {  	s14 =	simm.s32 @!p1 $0x3  }
0x1f: {  	s16 =	sadd.s32 $0x1, s12;
	_ =	swait.ge @!p1 [sflag:s14], $0x100  }
0x20: {  	s13 =	smov.u32 s11;
	p0 =	por !p0, !p0;
	[sflag:s14] =	ssyncset.done @!p1 $0x0  }
0x21: {  	s12 =	smov.u32 s16;
	s11 =	smov.u32 s15;
	[sflag:s14] =	ssyncadd.s32 @!p1 $0xFFFFFF00  }
.LBB2_1:
0x22: {  	p1 =	sge.u32 s12, s8  }
0x23: {  	s14 =	sxor.u32 @!p1 $0xFFFFFFFF, s12  }
0x24: {  	s31 =	sadd.s32 $0xFFFFFFFF, s12;
	s15 =	sshrl.u32 @!p1 s11, $0x3;
	s14 =	sshll.u32 @!p1 s14, $0x8  }
0x25: {  	s16 =	sand.u32 @!p1 $0x7, s11;
	s15 =	sadd.s32 @!p1 s3, s15;
	s14 =	sand.u32 @!p1 $0x100, s14  }
0x26: {  	[tilespmem:s14], [sflag:$0x2] =	stream.linear.gather @!p1 [hbm4b:s15+s16], $0x100, $0x38;
	[tilespmem:$0x400] =	vst v63  }
0x27: {  	p1 =	sge.u32 s31, s8  }
.Ltmp2:
0x28: {  	_ = 	snop;
	(pc) =	sbr.rel @p1 .LBB2_5-.Ltmp2, $1  }
0x29: {  	_ =	sdelay $0x3  }
0x2a: {  	s14 =	simm.s32 $0x1  }
0x2b: {  	_ =	swait.ge [sflag:s7], $0x100;
	s14 =	simm.s32 @!p0 $0x0  }
0x2c: {  	[sflag:s7] =	ssyncset.done $0x0;
	s14 =	sshll.u32 s14, $0x8  }
0x2d: {  	[sflag:s7] =	ssyncadd.s32 $0xFFFFFF00;
	(ifvalue) =	ssetifvalue $0x7FFFFFFF;
	v0 =	vld.msk [tilespmem:s14+$0x0 ss:$0x1], $0xffff;
	_ =	sdelay $0x4  }
0x2e: {  	s15 =	sadd.s32 $0x10, s14;
	vm1 =	vgt.s32 v0, $0x0  }
0x2f: {  	v2 =	vld.msk [tilespmem:s15+$0x0 ss:$0x1], $0xffff;
	v1 =	vnsel vm1, $0x0, v0  }
0x30: {  	v1 =	vmin.u32 v1, $0x3FFF;
	_ =	sdelay $0x1  }
0x31: {  	s16 =	sshll.u32 s12, $0x8;
	s18 =	simm.s32 $0x20  }
0x32: {  	s16 =	sand.u32 $0x100, s16;
	s17 =	sadd.s32 $0x10, s15;
	s15 =	sor.u32 $0x200, s14  }
0x33: {  	s14 =	sor.u32 $0x200, s16;
	s16 =	sadd.s32 $0x10, s15;
	v0 =	vld.msk [tilespmem:s17+$0x0 ss:$0x1], $0xffff;
	vm1 =	vgt.s32 v2, $0x0;
	(ifvalue) =	ssetifvalue $0x7FFFFFFF  }
.LBB2_3:
0x34: {  	[tilespmem:s15], [sflag:$0x1] =	stream.indirect_vreg.gather [hbm4b:s2+s10], $0x1, v1, vm0, $0x4038;
	[tilespmem:$0x400] =	vst v63  }
0x35: {  	s18 =	sadd.s32 $0x10, s18  }
0x36: {  	v2 =	vnsel vm1, $0x0, v2;
	p1 =	slt.u32 s18, $0xF0  }
.Ltmp3:
0x37: {  	s15 =	smov.u32 s16;
	v1 =	vmin.u32 v2, $0x3FFF;
	(pc) =	sbr.rel @p1 .LBB2_3-.Ltmp3, $3  }
0x38: {  	_ =	sdelay $0x1  }
0x39: {  	s17 =	sadd.s32 $0x10, s17  }
0x3a: {  	vm1 =	vgt.s32 v0, $0x0;
	s16 =	sadd.s32 $0x10, s16;
	v2 =	vmov v0;
	(ifvalue) =	ssetifvalue $0x7FFFFFFF;
	v0 =	vld.msk [tilespmem:s17+$0x0 ss:$0x1], $0xffff  }
.Ltmp4:
0x3b: {  	_ = 	snop;
	(pc) =	sbr.rel .LBB2_4-.Ltmp4, $1  }
0x3c: {  	_ =	sdelay $0x3  }
.LBB2_6:
0x3d: {  	_ =	sfence.sel $0x180000  }
0x3e: {  	s2 =	simm.s32 $0x2;
	[bflag:$0x0] =	sbarrier.arrive $0xFFFF  }
0x3f: {  	s30 =	simm.s32 $0x3;
	[sflag:s2] =	ssyncpa.u1 $0x1  }
0x40: {  	s31 =	simm.s32 $0x1;
	[sflag:s30] =	ssyncpa.u1 $0x1  }
0x41: {  	[sflag:s31] =	ssyncpa.u1 $0x1  }
0x42: {  	p0 =	sne.s32 s0, $0x0;
	_ =	strace $0x90000047  }
0x43: {  	s0 =	sadd.s32 @!p0 $0x100000, s1;
	[bflag:$0x2] =	sbarrier.arrive $0xFFFF  }
0x44: {  	[sflag:s0] =	ssyncadd.tile.s32 @!p0 $0x1;
	_ =	shalt  }
.Lfunc_end2:
_tile_overlayer_lowered:
.L_overlay_start_2:
0x45: {  	(tag) =	ssettag $0x2  }
0x46: {  	s0 =	rddreg [dreg:$0x0];
	s2 =	stileid.u32  }
0x47: {  	s1 =	rddreg [dreg:$0x1];
	p0 =	sne.s32 s2, $0x0  }
0x48: {  	s3 =	rddreg [dreg:$0x2];
	[bflag:$0x3] =	sbarrier.arrive $0xFFFF;
	s2 =	simm.s32 @!p0 $0x1C01  }
0x49: {  	[timem:s3], [sflag:s2] =	dma.local @!p0 [hbm:s0], s1  }
0x4a: {  	s0 =	simm.s32 @!p0 $0x1  }
0x4b: {  	_ =	swait.ge @!p0 [sflag:s0], s1  }
0x4c: {  	s1 =	ssub.s32 @!p0 $0x0, s1;
	[sflag:s0] =	ssyncset.done @!p0 $0x0  }
0x4d: {  	[sflag:s0] =	ssyncadd.s32 @!p0 s1  }
0x4e: {  	[bflag:$0x3] =	sbarrier.arrive $0xFFFF  }
0x4f: {  	_ =	shalt  }

// kernel: kernel.3.cloned.1.call-start
scs
__scs_entry_jumppad:
0x0: {  	(pc) =	sbr.rel $0x88, $3  }
0x1: {  	(tag) =	ssettag $0x0;
	lr =	simm.s32 $0x1  }
0x2: {  	[smem:$0x3F9F] =	sst lr;
	_ =	strace $0xD0000000  }
0x3: {  	_ = 	snop  }
0x4: {  	_ = 	snop  }
0x5: {  	_ = 	snop  }
0x6: {  	_ = 	snop  }
0x7: {  	_ = 	snop  }
__scs_overlays_trampoline_lowered:
0x8: {  	[smem:$0x3FAE] =	sst s0  }
0x9: {  	[smem:$0x3FAF] =	sst s1  }
0xa: {  	[smem:$0x3FB0] =	sst s2  }
0xb: {  	[smem:$0x3FB1] =	sst s3  }
0xc: {  	[smem:$0x3FB2] =	sst s4  }
0xd: {  	[smem:$0x3FB3] =	sst s5  }
0xe: {  	[smem:$0x3FB4] =	sst s6  }
0xf: {  	[smem:$0x3FB5] =	sst s7  }
0x10: {  	[smem:$0x3FB6] =	sst s8  }
0x11: {  	[smem:$0x3FB7] =	sst s9;
	s0 =	simm.s32 @!p0 $0x0  }
0x12: {  	s1 =	sld [smem:$0x3F9D];
	s0 =	simm.s32 @p0 $0x1  }
0x13: {  	[smem:$0x3FB8] =	sst s0;
	s0 =	simm.s32 @!p1 $0x0  }
0x14: {  	s2 =	sld [smem:$0x3F9C];
	s0 =	simm.s32 @p1 $0x1  }
0x15: {  	[smem:$0x3FB9] =	sst s0;
	s0 =	simm.s32 @!p2 $0x0  }
0x16: {  	s3 =	sld [smem:$0x3FDB];
	s0 =	simm.s32 @p2 $0x1  }
0x17: {  	s4 =	simm.s32 $0x1BF5;
	[smem:$0x3FBB] =	sst s0  }
0x18: {  	s0 =	sld [smem:$0x3F9E];
	_ =	swait.ge [sflag:s4], $0x0  }
0x19: {  	s7 =	sld [smem:$0x3F9F]  }
0x1a: {  	s8 =	sadd.s32 $0xFFFFE003, lr  }
0x1b: {  	s9 =	sadd.s32 $0xFFFFFEF7, lr;
	s5 =	simm.s32 $0xFFFFFFFF;
	p2 =	slt.u32 s8, $0xFFFFF086  }
0x1c: {  	p1 =	slt.u32 s9, $0xF7A;
	s5 =	simm.s32 @!p2 $0x0  }
0x1d: {  	s5 =	simm.s32 @p1 $0x1;
	p0 =	seq.s32 s7, s2  }
0x1e: {  	s7 =	smul.u32 @!p0 $0xF7A, s2;
	p2 =	seq.s32 @!p0 s5, $0x0  }
0x1f: {  	s9 =	smul.u32 $0xF7A, s1;
	s8 =	simm.s32 @!p0 $0x1BF5;
	p2 =	por !p2, p0  }
0x20: {  	[sflag:s8] =	ssyncset.s32 @!p0 $0xFFFFF086;
	s6 =	sadd.s32 @!p0 s3, s7;
	s7 =	simm.s32 @!p0 $0x108  }
0x21: {  	s3 =	sadd.s32 s3, s9;
	s6 =	sadd.s32 @!p0 $0x88, s6;
	s7 =	simm.s32 @p2 $0x1082  }
0x22: {  	[simem:s7], [sflag:s8] =	dma.local @!p0 [hbm:s6], $0xF7A  }
0x23: {  	s9 =	sor.u32 $0xD0000000, s2;
	s6 =	simm.s32 $0x108;
	_ =	swait.ge @!p0 [sflag:s8], $0x0  }
0x24: {  	s3 =	sadd.s32 $0x88, s3;
	s6 =	simm.s32 @!p1 $0x1082;
	[sflag:s4] =	ssyncset.s32 $0xFFFFF086  }
0x25: {  	[simem:s6], [sflag:s4] =	dma.local [hbm:s3], $0xF7A  }
0x26: {  	[smem:$0x3F9F] =	sst s1;
	(tag) =	ssettag s2;
	_ =	strace s9  }
0x27: {  	s1 =	sld [smem:$0x3FAF]  }
0x28: {  	s2 =	sld [smem:$0x3FB0]  }
0x29: {  	s4 =	sld [smem:$0x3FB2]  }
0x2a: {  	p0 =	seq.s32 s5, $0x0;
	s5 =	sld [smem:$0x3FB3]  }
0x2b: {  	s6 =	sld [smem:$0x3FB4]  }
0x2c: {  	s7 =	sld [smem:$0x3FB5]  }
0x2d: {  	s3 =	simm.s32 $0x108;
	s8 =	sld [smem:$0x3FB6]  }
0x2e: {  	s3 =	simm.s32 @!p0 $0x1082;
	s9 =	sld [smem:$0x3FB7]  }
0x2f: {  	lr =	sadd.s32 s0, s3;
	s0 =	sld [smem:$0x3FAE]  }
0x30: {  	s3 =	sld [smem:$0x3FB1]  }
0x31: {  	[smem:$0x3FBA] =	sst s10  }
0x32: {  	s10 =	sld [smem:$0x3FB8];
	_ =	sdelay $0x3  }
0x33: {  	p0 =	seq.s32 s10, $0x1;
	s10 =	sld [smem:$0x3FBA];
	_ =	sdelay $0x3  }
0x34: {  	[smem:$0x3FBA] =	sst s10  }
0x35: {  	s10 =	sld [smem:$0x3FB9];
	_ =	sdelay $0x3  }
0x36: {  	p1 =	seq.s32 s10, $0x1;
	s10 =	sld [smem:$0x3FBA];
	_ =	sdelay $0x3  }
0x37: {  	[smem:$0x3FBA] =	sst s10  }
0x38: {  	s10 =	sld [smem:$0x3FBB]  }
0x39: {  	_ = 	snop;
	(pc) =	sbr.ind lr, $3  }
0x3a: {  	_ = 	snop  }
0x3b: {  	_ = 	snop  }
0x3c: {  	p2 =	seq.s32 s10, $0x1;
	s10 =	sld [smem:$0x3FBA]  }
0x3d: {  	_ =	shalt  }
0x3e: {  	_ =	shalt  }
0x3f: {  	_ =	shalt  }
0x40: {  	_ =	shalt  }
0x41: {  	_ =	shalt  }
0x42: {  	_ =	shalt  }
0x43: {  	_ =	shalt  }
0x44: {  	_ =	shalt  }
0x45: {  	_ =	shalt  }
0x46: {  	_ =	shalt  }
0x47: {  	_ =	shalt  }
0x48: {  	_ =	shalt  }
0x49: {  	_ =	shalt  }
0x4a: {  	_ =	shalt  }
0x4b: {  	_ =	shalt  }
0x4c: {  	_ =	shalt  }
0x4d: {  	_ =	shalt  }
0x4e: {  	_ =	shalt  }
0x4f: {  	_ =	shalt  }
0x50: {  	_ =	shalt  }
0x51: {  	_ =	shalt  }
0x52: {  	_ =	shalt  }
0x53: {  	_ =	shalt  }
0x54: {  	_ =	shalt  }
0x55: {  	_ =	shalt  }
0x56: {  	_ =	shalt  }
0x57: {  	_ =	shalt  }
0x58: {  	_ =	shalt  }
0x59: {  	_ =	shalt  }
0x5a: {  	_ =	shalt  }
0x5b: {  	_ =	shalt  }
0x5c: {  	_ =	shalt  }
0x5d: {  	_ =	shalt  }
0x5e: {  	_ =	shalt  }
0x5f: {  	_ =	shalt  }
0x60: {  	_ =	shalt  }
0x61: {  	_ =	shalt  }
0x62: {  	_ =	shalt  }
0x63: {  	_ =	shalt  }
0x64: {  	_ =	shalt  }
0x65: {  	_ =	shalt  }
0x66: {  	_ =	shalt  }
0x67: {  	_ =	shalt  }
0x68: {  	_ =	shalt  }
0x69: {  	_ =	shalt  }
0x6a: {  	_ =	shalt  }
0x6b: {  	_ =	shalt  }
0x6c: {  	_ =	shalt  }
0x6d: {  	_ =	shalt  }
0x6e: {  	_ =	shalt  }
0x6f: {  	_ =	shalt  }
0x70: {  	_ =	shalt  }
0x71: {  	_ =	shalt  }
0x72: {  	_ =	shalt  }
0x73: {  	_ =	shalt  }
0x74: {  	_ =	shalt  }
0x75: {  	_ =	shalt  }
0x76: {  	_ =	shalt  }
0x77: {  	_ =	shalt  }
0x78: {  	_ =	shalt  }
0x79: {  	_ =	shalt  }
0x7a: {  	_ =	shalt  }
0x7b: {  	_ =	shalt  }
0x7c: {  	_ =	shalt  }
0x7d: {  	_ =	shalt  }
0x7e: {  	_ =	shalt  }
0x7f: {  	_ =	shalt  }
0x80: {  	_ =	shalt  }
0x81: {  	_ =	shalt  }
0x82: {  	_ =	shalt  }
0x83: {  	_ =	shalt  }
0x84: {  	_ =	shalt  }
0x85: {  	_ =	shalt  }
0x86: {  	_ =	shalt  }
0x87: {  	_ =	shalt  }
.Lfunc_end0:
.L_simem_size_0:
called_computation.1_lowered:
.L_overlay_start_0:
0x88: {  	s2 =	sld [smem:$0x3FD9]  }
0x89: {  	s3 =	sld [smem:$0x3FFE];
	_ =	sdelay $0x1  }
0x8a: {  	s1 =	srdreg.scid  }
0x8b: {  	s0 =	sand.u32 $0x1, s1  }
0x8c: {  	s17 =	sshll.u32 s0, $0xA;
	s2 =	sadd.s32 s3, s2  }
0x8d: {  	s2 =	sadd.s32 s2, s17  }
0x8e: {  	[smem:$0x3FC6] =	sst s2  }
0x8f: {  	_ = 	snop  }
0x90: {  	s2 =	sld [smem:$0x3FC8]  }
0x91: {  	s18 =	sld [smem:$0x3FD0];
	(tm) =	ssettm $0x1  }
0x92: {  	s4 =	sld [smem:$0x3FFB];
	_ =	sdelay $0x3  }
0x93: {  	_ =	strace s4  }
0x94: {  	s4 =	sld [smem:$0x3FFC];
	_ =	sdelay $0x3  }
0x95: {  	_ =	strace s4  }
0x96: {  	s4 =	sld [smem:$0x3FFD];
	_ =	sdelay $0x3  }
0x97: {  	_ =	strace s4  }
0x98: {  	_ =	strace $0x8FFFFFFF  }
0x99: {  	s19 =	sld [smem:$0x3FDB];
	_ =	sdelay $0x1  }
0x9a: {  	s5 =	simm.s32 $_scs_section_size  }
0x9b: {  	s6 =	simm.s32 $_size__tile_overlayer_lowered;
	s7 =	simm.s32 $_tile_overlayer_lowered  }
0x9c: {  	s22 =	simm.s32 $0x1BFF;
	s21 =	sshll.u32 s7, $0x1;
	s4 =	sadd.s32 s5, s19  }
0x9d: {  	s8 =	simm.s32 $0x0;
	s20 =	sshll.u32 s6, $0x1;
	s6 =	sadd.s32 s21, s4  }
0x9e: {  	[timem:s8], [sflag:s22] =	dma.local [hbm:s6], s20  }
0x9f: {  	_ =	swait.ge [sflag:s22], s20  }
0xa0: {  	s5 =	ssub.s32 $0x0, s20;
	[sflag:s22] =	ssyncset.done $0x0  }
0xa1: {  	[sflag:s22] =	ssyncadd.s32 s5;
	_ =	sdelay $0x1  }
0xa2: {  	s23 =	simm.s32 $0x1B8B  }
0xa3: {  	_ =	swait.ge [sflag:s23], $0x1  }
0xa4: {  	[sflag:s23] =	ssyncset.done $0x0  }
0xa5: {  	s25 =	simm.s32 $0x1B8E;
	s24 =	sld [smem:$0x3FFE];
	[sflag:s23] =	ssyncadd.s32 $0xFFFFFFFF  }
0xa6: {  	s26 =	simm.s32 $execute0_lowered;
	[smem:$0x3FD2] =	sst s25  }
0xa7: {  	s6 =	sshll.u32 s26, $0x1;
	_ =	strace $0x80000049;
	[dreg:$0x1] =	wrdreg $0xFFFFFFFF  }
0xa8: {  	s28 =	simm.s32 $_size_execute0_lowered;
	s4 =	sadd.s32 s4, s6;
	[dreg:$0x0] =	wrdreg $0x0  }
0xa9: {  	s6 =	sshll.u32 s28, $0x1;
	[dreg:$0x2] =	wrdreg s4  }
0xaa: {  	[dreg:$0x3] =	wrdreg s6  }
0xab: {  	[dreg:$0x4] =	wrdreg $0xC0  }
0xac: {  	_ =	task [dreg:s8], $0x5FFFF  }
0xad: {  	[dreg:$0x1] =	wrdreg $0xFFFFFFFF  }
0xae: {  	[dreg:$0x0] =	wrdreg $0x60  }
0xaf: {  	[dreg:$0x2] =	wrdreg s2  }
0xb0: {  	[dreg:$0x3] =	wrdreg s24  }
0xb1: {  	[dreg:$0x4] =	wrdreg s18  }
0xb2: {  	[dreg:$0x5] =	wrdreg $0x0  }
0xb3: {  	[dreg:$0x6] =	wrdreg $0x9  }
0xb4: {  	_ =	task.clear_ibuf [dreg:s8], $0x7FFFF;
	_ =	strace $0x90000049  }
0xb5: {  	s29 =	simm.s32 $0x9;
	_ =	strace $0x8000004B  }
0xb6: {  	_ =	swait.ge [sflag:s29], $0x1  }
0xb7: {  	[sflag:s29] =	ssyncadd.s32 $0xFFFFFFFF  }
0xb8: {  	_ =	strace $0x9000004B  }
0xb9: {  	_ =	sfence  }
0xba: {  	s30 =	sld [smem:$0x0];
	_ =	sdelay $0x2  }
0xbb: {  	s31 =	sshll.u32 s1, $0xD;
	s1 =	sshrl.u32 s1, $0x2  }
0xbc: {  	s3 =	sand.u32 $0x4000, s31;
	s1 =	sadd.s32 s1, s30  }
0xbd: {  	s0 =	sor.u32 s3, s0;
	s1 =	sshll.u32 s1, $0x11  }
0xbe: {  	s0 =	sor.u32 s1, s0  }
0xbf: {  	s0 =	sadd.s32 $0x8F2B, s0  }
0xc0: {  	[sflag:s0] =	ssyncadd.remote.s32 $0x1  }
0xc1: {  	_ =	sfence.sel $0xFFFF  }
0xc2: {  	[dreg:$0x0] =	wrdreg $0xFFFFFFFF;
	(pc) =	sbr.abs _section_cstart, $3  }
0xc3: {  	[dreg:$0x1] =	wrdreg $0xFFFFFFFF  }
0xc4: {  	_ =	task.clear_ibuf [dreg:s8], $0x2FFFF;
	_ =	strace $0x9FFFFFFF  }
0xc5: {  	(tm) =	ssettm $0x7FFFFFFF  }
tec
execute0_lowered:
.L_overlay_start_1:
0x0: {  	(tag) =	ssettag $0x1  }
0x1: {  	s1 =	rddreg [dreg:$0x0]  }
0x2: {  	s0 =	rddreg [dreg:$0x1]  }
0x3: {  	s2 =	rddreg [dreg:$0x2]  }
0x4: {  	s4 =	rddreg [dreg:$0x3];
	s5 =	srdreg.scid;
	s3 =	simm.s32 $0x0  }
0x5: {  	s10 =	stileid.u32;
	s28 =	simm.s32 $0x5;
	s29 =	simm.s32 $0x4200  }
0x6: {  	s30 =	simm.s32 $0x6;
	s31 =	simm.s32 $0x6200;
	s17 =	simm.s32 $0x8  }
0x7: {  	s18 =	simm.s32 $0xA200;
	s16 =	simm.s32 $0xE200;
	s5 =	sand.u32 $0x1, s5  }
0x8: {  	[smem:$0x7FF] =	sst s3;
	s8 =	sshll.u32 s10, $0x9;
	s9 =	sshll.u32 s10, $0x7  }
0x9: {  	s21 =	sshll.u32 s10, $0x6;
	s6 =	ssub.s32 $0x2, s5;
	s5 =	sshll.u32 s5, $0x6  }
0xa: {  	_ =	strace $0x8000004A;
	s19 =	sand.u32 $0x1000, s8;
	s5 =	sor.u32 s5, s9  }
0xb: {  	s20 =	sand.u32 $0x380, s9;
	s4 =	sadd.s32 s19, s4;
	s0 =	sadd.s32 s0, s5  }
0xc: {  	s7 =	sshrl.u32 s6, $0x1;
	s4 =	sadd.s32 s20, s4;
	[dreg:$0x5] =	wrdreg s0  }
0xd: {  	s6 =	ssub.s32 s6, s7;
	s0 =	sadd.s32 $0x1000, s0;
	[dreg:$0x6] =	wrdreg s4  }
0xe: {  	s20 =	simm.s32 $0x200;
	s22 =	smax.u32 s6, $0x1;
	[dreg:$0x7] =	wrdreg s0  }
0xf: {  	s7 =	simm.s32 $0x0;
	s23 =	sadd.s32 $0x400, s4;
	[dreg:$0x9] =	wrdreg s22  }
0x10: {  	s24 =	sadd.s32 $0x800, s4;
	s25 =	sadd.s32 $0xC00, s4;
	[dreg:$0xa] =	wrdreg s23  }
.Ltmp0:
0x11: {  	s26 =	sshrl.u32 s4, $0x3;
	[dreg:$0xb] =	wrdreg s24;
	(pc) =	sbr.rel .LBB2_1-.Ltmp0, $4  }
0x12: {  	v0 =	vlaneseq.u32;
	s4 =	simm.s32 $0x8200;
	s0 =	sor.u32 $0x1C01, s21;
	[dreg:$0xc] =	wrdreg s25  }
0x13: {  	v0 =	vmul.u32 $0x80, v0;
	[dreg:$0xd] =	wrdreg s26;
	s24 =	simm.s32 $0x3;
	s25 =	simm.s32 $0x4  }
0x14: {  	s26 =	simm.s32 $0x2200;
	s21 =	simm.s32 $0x9;
	s22 =	simm.s32 $0xC200  }
0x15: {  	v1 =	vor.u32 $0x800, v0;
	v2 =	vor.u32 $0x1000, v0;
	v3 =	vor.u32 $0x1800, v0;
	s23 =	simm.s32 $0xA;
	[dreg:$0x8] =	wrdreg s0;
	s0 =	simm.s32 $0x7  }
.LBB2_94:
0x16: {  	s6 =	simm.s32 $0x2  }
0x17: {  	_ =	swait.ge [sflag:s6], $0x8000  }
0x18: {  	s7 =	rddreg [dreg:$0xe]  }
0x19: {  	s5 =	rddreg [dreg:$0x9];
	s7 =	sadd.s32 $0x1, s7  }
0x1a: {  	p0 =	sne.s32 s7, s5  }
.Ltmp1:
0x1b: {  	_ = 	snop;
	(pc) =	sbr.rel @!p0 .LBB2_95-.Ltmp1, $3  }
0x1c: {  	_ =	sdelay $0x1  }
0x1d: {  	[sflag:s6] =	ssyncset.done $0x0  }
0x1e: {  	[sflag:s6] =	ssyncadd.s32 $0xFFFF8000  }
.LBB2_1:
0x1f: {  	[dreg:$0xe] =	wrdreg s7  }
0x20: {  	s5 =	rddreg [dreg:$0x7]  }
0x21: {  	s7 =	rddreg [dreg:$0x8]  }
0x22: {  	s11 =	rddreg [dreg:$0xd]  }
0x23: {  	s12 =	simm.s32 $0x1;
	s13 =	simm.s32 $0x80;
	s14 =	simm.s32 $0x10  }
0x24: {  	[spmem:s11@s13], [sflag:s7] =	dma.strided [hbm:s5@s14], $0x40, s12, $0x10   }
0x25: {  	_ =	swait.ge [sflag:s12], $0x40  }
0x26: {  	[sflag:s12] =	ssyncset.done $0x0  }
0x27: {  	s6 =	rddreg [dreg:$0x6];
	[sflag:s12] =	ssyncadd.s32 $0xFFFFFFC0  }
0x28: {  	[smem:s3], [sflag:$0xB] =	stream.linear.gather [spmem:s6], $0x80, $0x38;
	[tilespmem:$0x18200] =	vst v63  }
0x29: {  	s8 =	rddreg [dreg:$0xa]  }
0x2a: {  	[smem:s13], [sflag:$0xB] =	stream.linear.gather [spmem:s8], $0x80, $0x38;
	[tilespmem:$0x18200] =	vst v63  }
0x2b: {  	s10 =	simm.s32 $0x100;
	s9 =	rddreg [dreg:$0xb]  }
0x2c: {  	[smem:s10], [sflag:$0xB] =	stream.linear.gather [spmem:s9], $0x80, $0x38;
	[tilespmem:$0x18200] =	vst v63  }
0x2d: {  	s15 =	simm.s32 $0x180;
	s10 =	rddreg [dreg:$0xc]  }
0x2e: {  	[smem:s15], [sflag:$0xB] =	stream.linear.gather [spmem:s10], $0x80, $0x38;
	[tilespmem:$0x18200] =	vst v63  }
0x2f: {  	s15 =	simm.s32 $0xB  }
0x30: {  	_ =	swait.ge [sflag:s15], $0x200  }
0x31: {  	[sflag:s15] =	ssyncset.done $0x0  }
0x32: {  	s19 =	rddreg [dreg:$0x5];
	[sflag:s15] =	ssyncadd.s32 $0xFFFFFE00  }
0x33: {  	[spmem:s11@s13], [sflag:s7] =	dma.strided [hbm:s19@s14], $0x40, s12, $0x10   }
0x34: {  	_ =	swait.ge [sflag:s12], $0x40  }
0x35: {  	[sflag:s12] =	ssyncset.done $0x0  }
0x36: {  	[sflag:s12] =	ssyncadd.s32 $0xFFFFFFC0  }
0x37: {  	[smem:s20], [sflag:$0xB] =	stream.linear.gather [spmem:s6], $0x80, $0x38;
	[tilespmem:$0x18200] =	vst v63  }
0x38: {  	s12 =	simm.s32 $0x280  }
0x39: {  	[smem:s12], [sflag:$0xB] =	stream.linear.gather [spmem:s8], $0x80, $0x38;
	[tilespmem:$0x18200] =	vst v63  }
0x3a: {  	s13 =	simm.s32 $0x300  }
0x3b: {  	[smem:s13], [sflag:$0xB] =	stream.linear.gather [spmem:s9], $0x80, $0x38;
	[tilespmem:$0x18200] =	vst v63  }
0x3c: {  	s14 =	simm.s32 $0x380  }
0x3d: {  	[smem:s14], [sflag:$0xB] =	stream.linear.gather [spmem:s10], $0x80, $0x38;
	[tilespmem:$0x18200] =	vst v63  }
0x3e: {  	_ =	swait.ge [sflag:s15], $0x200  }
0x3f: {  	[sflag:s15] =	ssyncset.done $0x0  }
0x40: {  	[sflag:s15] =	ssyncadd.s32 $0xFFFFFE00  }
0x41: {  	s19 =	sld [smem:$0x0];
	_ =	sdelay $0x1  }
0x42: {  	s11 =	simm.s32 $0x1  }
0x43: {  	s7 =	simm.s32 $0x1;
	s6 =	simm.s32 $0x1;
	s5 =	sshrl.u32 s19, $0x7  }
0x44: {  	s8 =	simm.s32 $0x2;
	p0 =	seq.s32 s5, $0xFFFFFFFF;
	p1 =	sne.s32 s5, $0xFFFFFFFF  }
0x45: {  	s10 =	simm.s32 $0x0;
	[smem:$0x400] =	sst @!p0 s3;
	s11 =	simm.s32 @!p1 $0x0  }
.LBB2_2:
0x46: {  	s12 =	sld [smem:s6+$0x0];
	s10 =	sadd.s32 s11, s10  }
0x47: {  	s11 =	smov.u32 s7;
	s7 =	smov.u32 s8;
	s8 =	sadd.s32 $0x1, s8  }
0x48: {  	p0 =	sne.s32 s8, $0x200  }
.Ltmp2:
0x49: {  	(pc) =	sbr.rel @p0 .LBB2_2-.Ltmp2, $4  }
0x4a: {  	s12 =	sshrl.u32 s12, $0x7  }
0x4b: {  	p1 =	seq.s32 s12, s5;
	p2 =	sne.s32 s12, s5;
	s5 =	smov.u32 s12  }
0x4c: {  	[smem:s10+$0x400] =	sst @!p1 s11;
	s11 =	simm.s32 $0x1  }
0x4d: {  	s6 =	sadd.s32 $0x1, s6;
	s11 =	simm.s32 @!p2 $0x0  }
0x4e: {  	s6 =	sld [smem:s6+$0x0];
	_ =	sdelay $0x2  }
0x4f: {  	s6 =	sshrl.u32 s6, $0x7  }
0x50: {  	s8 =	simm.s32 $0x1;
	p0 =	sne.s32 s6, s5  }
0x51: {  	s10 =	sadd.s32 s11, s10;
	p1 =	seq.s32 s6, s5;
	s8 =	simm.s32 @!p0 $0x0  }
0x52: {  	[smem:s10+$0x400] =	sst @!p1 s7;
	s5 =	sadd.s32 s8, s10  }
0x53: {  	[smem:s5+$0x400] =	sst s20;
	p0 =	slt.s32 s5, $0x1  }
0x54: {  	s6 =	sld @!p0 [smem:$0x400];
	_ =	sdelay $0x2  }
0x55: {  	s6 =	sld @!p0 [smem:s6+$0x0];
	_ =	sdelay $0x1  }
0x56: {  	p3 =	seq.s32 @!p0 s5, $0x1;
	s7 =	simm.s32 @!p0 $0x400  }
0x57: {  	s8 =	simm.s32 @!p0 $0x7A1400;
	p2 =	por p3, p0;
	s6 =	sand.u32 @!p0 $0xFFFFF80, s6  }
0x58: {  	s10 =	simm.s32 @!p0 $0x200;
	s11 =	sld @!p2 [smem:$0x401];
	s6 =	sadd.s32 @!p0 s1, s6  }
0x59: {  	[tilespmem:s10], [sflag:$0x3] =	stream.strided.gather @!p0 [hbm4b:s6+s7], $0x2000, s8, s7, $0x38;
	[tilespmem:$0x18200] =	vst v63  }
0x5a: {  	p1 =	slt.u32 @!p2 s5, $0x3;
	s7 =	simm.s32 @!p3 $0x0  }
0x5b: {  	s6 =	sld @!p2 [smem:s11+$0x0];
	s7 =	simm.s32 @p3 $0x1;
	p3 =	por @!p0 p3, p1  }
0x5c: {  	[smem:$0x7FA] =	sst s7;
	p1 =	por p3, p0  }
0x5d: {  	s7 =	sld @!p1 [smem:$0x402]  }
0x5e: {  	s8 =	simm.s32 @!p2 $0x400  }
0x5f: {  	s10 =	simm.s32 @!p2 $0x7A1400;
	s6 =	sand.u32 @!p2 $0xFFFFF80, s6  }
0x60: {  	s11 =	simm.s32 @!p2 $0x2200;
	s6 =	sadd.s32 @!p2 s1, s6;
	s7 =	sld @!p1 [smem:s7+$0x0]  }
0x61: {  	[tilespmem:s11], [sflag:$0x4] =	stream.strided.gather @!p2 [hbm4b:s6+s8], $0x2000, s10, s8, $0x38;
	[tilespmem:$0x18200] =	vst v63  }
0x62: {  	p2 =	seq.s32 @!p1 s5, $0x3;
	s8 =	simm.s32 @!p1 $0x7A1400  }
0x63: {  	s10 =	simm.s32 @!p1 $0x4200;
	s6 =	sand.u32 @!p1 $0xFFFFF80, s7;
	s7 =	simm.s32 @!p3 $0x0  }
0x64: {  	s7 =	simm.s32 @p3 $0x1;
	p3 =	por @!p0 p3, p2;
	s6 =	sadd.s32 @!p1 s1, s6  }
0x65: {  	[smem:$0x7FB] =	sst s7;
	s7 =	simm.s32 @!p1 $0x400;
	p2 =	por p3, p0  }
0x66: {  	[tilespmem:s10], [sflag:$0x5] =	stream.strided.gather @!p1 [hbm4b:s6+s7], $0x2000, s8, s7, $0x38;
	[tilespmem:$0x18200] =	vst v63  }
0x67: {  	s11 =	sld @!p2 [smem:$0x403];
	s7 =	simm.s32 @!p3 $0x0  }
0x68: {  	p1 =	slt.u32 @!p2 s5, $0x5;
	s7 =	simm.s32 @p3 $0x1  }
0x69: {  	p3 =	por @!p0 p3, p1;
	[smem:$0x7FC] =	sst s7  }
0x6a: {  	p1 =	por p3, p0;
	s6 =	sld @!p2 [smem:s11+$0x0]  }
0x6b: {  	s7 =	sld @!p1 [smem:$0x404]  }
0x6c: {  	s8 =	simm.s32 @!p2 $0x400  }
0x6d: {  	s10 =	simm.s32 @!p2 $0x7A1400;
	s6 =	sand.u32 @!p2 $0xFFFFF80, s6  }
0x6e: {  	s11 =	simm.s32 @!p2 $0x6200;
	s7 =	sld @!p1 [smem:s7+$0x0];
	s6 =	sadd.s32 @!p2 s1, s6  }
0x6f: {  	[tilespmem:s11], [sflag:$0x6] =	stream.strided.gather @!p2 [hbm4b:s6+s8], $0x2000, s10, s8, $0x38;
	[tilespmem:$0x18200] =	vst v63  }
0x70: {  	p2 =	seq.s32 @!p1 s5, $0x5;
	s8 =	simm.s32 @!p1 $0x7A1400  }
0x71: {  	s10 =	simm.s32 @!p1 $0x8200;
	s6 =	sand.u32 @!p1 $0xFFFFF80, s7;
	s7 =	simm.s32 @!p3 $0x0  }
0x72: {  	p5 =	por @!p0 p3, p2;
	s7 =	simm.s32 @p3 $0x1;
	s6 =	sadd.s32 @!p1 s1, s6  }
0x73: {  	p3 =	por p5, p0;
	[smem:$0x7FD] =	sst s7;
	s7 =	simm.s32 @!p1 $0x400  }
0x74: {  	[tilespmem:s10], [sflag:$0x7] =	stream.strided.gather @!p1 [hbm4b:s6+s7], $0x2000, s8, s7, $0x38;
	[tilespmem:$0x18200] =	vst v63  }
0x75: {  	p1 =	slt.u32 @!p3 s5, $0x7  }
0x76: {  	s11 =	sld @!p3 [smem:$0x405];
	p6 =	por @!p0 p5, p1  }
0x77: {  	p4 =	por p6, p0  }
0x78: {  	s7 =	sld @!p4 [smem:$0x406]  }
0x79: {  	s6 =	sld @!p3 [smem:s11+$0x0];
	p1 =	seq.s32 @!p4 s5, $0x7  }
0x7a: {  	p1 =	por @!p0 p6, p1  }
0x7b: {  	p2 =	por p1, p0;
	s7 =	sld @!p4 [smem:s7+$0x0]  }
0x7c: {  	s8 =	simm.s32 @!p3 $0x400;
	s6 =	sand.u32 @!p3 $0xFFFFF80, s6;
	s12 =	sld @!p2 [smem:$0x407]  }
0x7d: {  	s10 =	simm.s32 @!p3 $0x7A1400;
	s11 =	simm.s32 @!p3 $0xA200;
	s6 =	sadd.s32 @!p3 s1, s6  }
0x7e: {  	[tilespmem:s11], [sflag:$0x8] =	stream.strided.gather @!p3 [hbm4b:s6+s8], $0x2000, s10, s8, $0x38;
	[tilespmem:$0x18200] =	vst v63  }
0x7f: {  	s8 =	simm.s32 @!p4 $0x400;
	s6 =	sand.u32 @!p4 $0xFFFFF80, s7;
	s7 =	sld @!p2 [smem:s12+$0x0]  }
0x80: {  	s10 =	simm.s32 @!p4 $0x7A1400;
	s11 =	simm.s32 @!p4 $0xC200;
	s6 =	sadd.s32 @!p4 s1, s6  }
0x81: {  	[tilespmem:s11], [sflag:$0x9] =	stream.strided.gather @!p4 [hbm4b:s6+s8], $0x2000, s10, s8, $0x38;
	[tilespmem:$0x18200] =	vst v63  }
0x82: {  	s8 =	simm.s32 @!p2 $0x7A1400;
	s6 =	sand.u32 @!p2 $0xFFFFF80, s7  }
0x83: {  	s10 =	simm.s32 @!p2 $0xE200;
	s7 =	simm.s32 @!p2 $0x400;
	s6 =	sadd.s32 @!p2 s1, s6  }
0x84: {  	[tilespmem:s10], [sflag:$0xA] =	stream.strided.gather @!p2 [hbm4b:s6+s7], $0x2000, s8, s7, $0x38;
	[tilespmem:$0x18200] =	vst v63  }
0x85: {  	s6 =	sadd.s32 @!p2 $0x7, s5  }
0x86: {  	p3 =	slt.s32 @!p2 s6, $0x8  }
0x87: {  	p3 =	por @!p0 p1, !p3  }
0x88: {  	p3 =	por p0, !p3  }
.Ltmp3:
0x89: {  	_ = 	snop;
	(pc) =	sbr.rel @p3 .LBB2_94-.Ltmp3, $1  }
0x8a: {  	_ =	sdelay $0x3  }
0x8b: {  	s7 =	sld [smem:$0x7FA]  }
0x8c: {  	s13 =	sld [smem:$0x7FB]  }
0x8d: {  	s14 =	sld [smem:$0x7FC]  }
0x8e: {  	s19 =	sld [smem:$0x7FD];
	p3 =	seq.s32 s7, $0x1  }
0x8f: {  	s15 =	simm.s32 @!p0 $0x1;
	p4 =	seq.s32 s13, $0x1;
	p3 =	por !p3, p0  }
0x90: {  	s15 =	simm.s32 @p3 $0x1;
	p3 =	por !p4, p0;
	p4 =	seq.s32 s14, $0x1  }
0x91: {  	s15 =	simm.s32 @p3 $0x1;
	p3 =	por !p4, p0;
	p4 =	seq.s32 s19, $0x1  }
.Ltmp4:
0x92: {  	s15 =	simm.s32 @p3 $0x1;
	p3 =	por !p4, p0;
	(pc) =	sbr.rel .LBB2_5-.Ltmp4, $4  }
0x93: {  	s15 =	simm.s32 @p3 $0x1;
	p3 =	por !p5, p0  }
0x94: {  	s15 =	simm.s32 @p3 $0x1;
	p3 =	por !p6, p0  }
0x95: {  	s6 =	sshrl.u32 @!p2 s6, $0x3;
	p0 =	por !p1, p0;
	s15 =	simm.s32 @p3 $0x1  }
0x96: {  	s7 =	simm.s32 $0x0;
	s15 =	smov.u32 @p0 s6  }
.LBB2_85:
0x97: {  	s12 =	smov.u32 s10;
	s13 =	smov.u32 s11  }
.LBB2_91:
0x98: {  	_ =	sdelay $0x1  }
0x99: {  	s6 =	sadd.s32 @p1 $0x1, s13;
	s9 =	smov.u32 s11  }
0x9a: {  	[tilespmem:s12+$0x20] =	vst @p0 v4;
	s9 =	smov.u32 @p1 s6  }
0x9b: {  	v4 =	vld.idx.msk @p0 [tilespmem:v5+s16+$0x0], $0xffff;
	s6 =	sld @p0 [smem:s9+$0x0]  }
0x9c: {  	s19 =	sand.u32 $0x7F, s14  }
0x9d: {  	v5 =	vor.u32 s19, v0  }
0x9e: {  	s6 =	sshll.u32 @p0 s6, $0x3  }
0x9f: {  	s6 =	sand.u32 @p0 $0x1FFFFFF8, s6  }
0xa0: {  	[tilespmem:s12+$0x30] =	vst @p0 v4;
	s6 =	sadd.s32 @p0 s2, s6  }
0xa1: {  	[hbm4b:s6+s3] =	stream.linear.scatter @p0 [tilespmem:s12], [sflag:$0x2], $0x40, $0x38;
	[tilespmem:$0x18200] =	vst v63  }
0xa2: {  	v4 =	vld.idx.msk [tilespmem:v5+s16+$0x0], $0xffff  }
0xa3: {  	v5 =	vor.u32 s19, v1;
	_ =	sdelay $0x1  }
0xa4: {  	s6 =	sadd.s32 @p0 $0x40, s12  }
0xa5: {  	s10 =	smov.u32 @p0 s6  }
0xa6: {  	[tilespmem:s10+$0x0] =	vst v4  }
0xa7: {  	v4 =	vld.idx.msk [tilespmem:v5+s16+$0x0], $0xffff  }
0xa8: {  	v5 =	vor.u32 s19, v2;
	_ =	sdelay $0x3  }
0xa9: {  	[tilespmem:s10+$0x10] =	vst v4  }
0xaa: {  	v4 =	vld.idx.msk [tilespmem:v5+s16+$0x0], $0xffff  }
0xab: {  	v5 =	vor.u32 s19, v3;
	_ =	sdelay $0x2  }
0xac: {  	s6 =	sadd.s32 @p0 $0x1, s9  }
0xad: {  	s11 =	smov.u32 @p0 s6;
	[tilespmem:s10+$0x20] =	vst v4  }
0xae: {  	s6 =	sld [smem:s11+$0x0];
	v4 =	vld.idx.msk [tilespmem:v5+s16+$0x0], $0xffff;
	_ =	sdelay $0x2  }
0xaf: {  	s6 =	sshll.u32 s6, $0x3  }
0xb0: {  	s6 =	sand.u32 $0x1FFFFFF8, s6  }
0xb1: {  	s6 =	sadd.s32 s2, s6;
	[tilespmem:s10+$0x30] =	vst v4  }
0xb2: {  	[hbm4b:s6+s3] =	stream.linear.scatter [tilespmem:s10], [sflag:$0x2], $0x40, $0x38;
	[tilespmem:$0x18200] =	vst v63  }
.LBB2_92:
0xb3: {  	s6 =	sadd.s32 $0xF, s8  }
0xb4: {  	p0 =	sge.s32 s6, s5  }
0xb5: {  	s6 =	sld @!p0 [smem:s6+$0x400];
	_ =	sdelay $0x2  }
0xb6: {  	s6 =	sld @!p0 [smem:s6+$0x0];
	_ =	sdelay $0x2  }
0xb7: {  	s8 =	simm.s32 @!p0 $0x400;
	s6 =	sand.u32 @!p0 $0xFFFFF80, s6  }
0xb8: {  	s9 =	simm.s32 @!p0 $0x7A1400;
	s10 =	simm.s32 @!p0 $0xE200;
	s6 =	sadd.s32 @!p0 s1, s6  }
0xb9: {  	[tilespmem:s10], [sflag:$0xA] =	stream.strided.gather @!p0 [hbm4b:s6+s8], $0x2000, s9, s8, $0x38;
	[tilespmem:$0x18200] =	vst v63  }
.LBB2_93:
0xba: {  	s7 =	sadd.s32 $0x1, s7  }
0xbb: {  	p0 =	sne.s32 s7, s15  }
.Ltmp5:
0xbc: {  	_ = 	snop;
	(pc) =	sbr.rel @!p0 .LBB2_94-.Ltmp5, $1  }
0xbd: {  	_ =	sdelay $0x3  }
.LBB2_5:
0xbe: {  	s8 =	sshll.u32 s7, $0x3  }
0xbf: {  	p0 =	sge.s32 s8, s5  }
.Ltmp6:
0xc0: {  	_ = 	snop;
	(pc) =	sbr.rel @p0 .LBB2_16-.Ltmp6, $1  }
0xc1: {  	_ =	sdelay $0x3  }
0xc2: {  	_ =	swait.ge [sflag:s24], $0x2000  }
0xc3: {  	[sflag:s24] =	ssyncset.done $0x0  }
0xc4: {  	[sflag:s24] =	ssyncadd.s32 $0xFFFFE000  }
0xc5: {  	s10 =	sld [smem:s8+$0x400]  }
0xc6: {  	s11 =	sld [smem:s8+$0x401];
	_ =	sdelay $0x2  }
0xc7: {  	p0 =	sle.s32 s11, s10  }
.Ltmp7:
0xc8: {  	_ = 	snop;
	(pc) =	sbr.rel @p0 .LBB2_15-.Ltmp7, $1  }
0xc9: {  	_ =	sdelay $0x3  }
0xca: {  	s9 =	ssub.s32 s11, s10  }
0xcb: {  	p2 =	sne.s32 s9, $0x1  }
.Ltmp8:
0xcc: {  	_ = 	snop;
	(pc) =	sbr.rel @!p2 .LBB2_8-.Ltmp8, $4  }
0xcd: {  	s6 =	sshll.u32 s10, $0x2  }
0xce: {  	s12 =	sshll.u32 s10, $0x8;
	p0 =	por $0x0, $0x0;
	p1 =	por $0x0, $0x0  }
0xcf: {  	s6 =	sshra.s32 s6, $0x2;
	s19 =	sshra.s32 s12, $0x2;
	s10 =	sadd.s32 $0xFFFFFFFF, s9  }
0xd0: {  	s13 =	sadd.s32 $0x200, s6;
	s12 =	sadd.s32 $0x10200, s19;
	s14 =	sld [smem:s6+$0x0]  }
0xd1: {  	_ =	sdelay $0x1  }
0xd2: {  	s11 =	sand.u32 $0x7F, s14  }
0xd3: {  	v4 =	vor.u32 s11, v0;
	_ =	sdelay $0x4  }
0xd4: {  	v4 =	vld.idx.msk [tilespmem:v4+s20+$0x0], $0xffff  }
0xd5: {  	v5 =	vor.u32 s11, v1;
	_ =	sdelay $0x3  }
0xd6: {  	[tilespmem:s12+$0x0] =	vst v4  }
0xd7: {  	v4 =	vld.idx.msk [tilespmem:v5+s20+$0x0], $0xffff  }
0xd8: {  	p2 =	sne.s32 s10, $0x1;
	v5 =	vor.u32 s11, v2  }
.Ltmp9:
0xd9: {  	_ = 	snop;
	(pc) =	sbr.rel @!p2 .LBB2_10-.Ltmp9, $3  }
0xda: {  	_ =	sdelay $0x1  }
0xdb: {  	s6 =	sadd.s32 $0x1, s6;
	[tilespmem:s12+$0x10] =	vst v4  }
0xdc: {  	p0 =	por $0x1, $0x1;
	s14 =	sld [smem:s6+$0x0];
	v4 =	vld.idx.msk [tilespmem:v5+s20+$0x0], $0xffff;
	v5 =	vor.u32 s11, v3;
	s11 =	sadd.s32 $0xFFFFFFFF, s10  }
0xdd: {  	_ =	sdelay $0x3  }
0xde: {  	[tilespmem:s12+$0x20] =	vst v4  }
0xdf: {  	s10 =	sld [smem:s13+$0x0];
	v4 =	vld.idx.msk [tilespmem:v5+s20+$0x0], $0xffff  }
0xe0: {  	s14 =	sand.u32 $0x7F, s14  }
0xe1: {  	v5 =	vor.u32 s14, v0  }
0xe2: {  	s10 =	sshll.u32 s10, $0x3  }
0xe3: {  	s10 =	sand.u32 $0x1FFFFFF8, s10  }
0xe4: {  	s10 =	sadd.s32 s2, s10;
	[tilespmem:s12+$0x30] =	vst v4  }
0xe5: {  	[hbm4b:s10+s3] =	stream.linear.scatter [tilespmem:s12], [sflag:$0x2], $0x40, $0x38;
	[tilespmem:$0x18200] =	vst v63  }
0xe6: {  	v4 =	vld.idx.msk [tilespmem:v5+s20+$0x0], $0xffff  }
0xe7: {  	v5 =	vor.u32 s14, v1;
	_ =	sdelay $0x2  }
0xe8: {  	s10 =	sadd.s32 $0x40, s12  }
0xe9: {  	[tilespmem:s10+$0x0] =	vst v4  }
0xea: {  	v4 =	vld.idx.msk [tilespmem:v5+s20+$0x0], $0xffff  }
0xeb: {  	v5 =	vor.u32 s14, v2;
	_ =	sdelay $0x3  }
0xec: {  	p2 =	sne.s32 s11, $0x1;
	[tilespmem:s10+$0x10] =	vst v4  }
.Ltmp10:
0xed: {  	v4 =	vld.idx.msk [tilespmem:v5+s20+$0x0], $0xffff;
	(pc) =	sbr.rel @!p2 .LBB2_12-.Ltmp10, $3  }
0xee: {  	v5 =	vor.u32 s14, v3;
	_ =	sdelay $0x1  }
0xef: {  	s6 =	sadd.s32 $0x1, s6;
	s19 =	sadd.s32 $0xFFFFFFFF, s11  }
0xf0: {  	p1 =	por $0x1, $0x1;
	s11 =	smov.u32 s13;
	s14 =	sld [smem:s6+$0x0]  }
.LBB2_13:
0xf1: {  	p2 =	sne.s32 s19, $0x1;
	[tilespmem:s10+$0x20] =	vst v4;
	s11 =	sadd.s32 $0x1, s11  }
0xf2: {  	v4 =	vld.idx.msk [tilespmem:v5+s20+$0x0], $0xffff;
	s9 =	sld [smem:s11+$0x0]  }
0xf3: {  	s14 =	sand.u32 $0x7F, s14  }
0xf4: {  	v5 =	vor.u32 s14, v0  }
0xf5: {  	s9 =	sshll.u32 s9, $0x3  }
0xf6: {  	s9 =	sand.u32 $0x1FFFFFF8, s9  }
0xf7: {  	s9 =	sadd.s32 s2, s9  }
0xf8: {  	[tilespmem:s10+$0x30] =	vst v4;
	[hbm4b:s9+s3] =	stream.linear.scatter [tilespmem:s10], [sflag:$0x2], $0x40, $0x38  }
0xf9: {  	v4 =	vld.idx.msk [tilespmem:v5+s20+$0x0], $0xffff;
	_ =	sdelay $0x1  }
0xfa: {  	v5 =	vor.u32 s14, v1;
	_ =	sdelay $0x2  }
0xfb: {  	s10 =	sadd.s32 $0x40, s10  }
0xfc: {  	[tilespmem:s10+$0x0] =	vst v4  }
0xfd: {  	v4 =	vld.idx.msk [tilespmem:v5+s20+$0x0], $0xffff;
	_ =	sdelay $0x1  }
0xfe: {  	v5 =	vor.u32 s14, v2;
	_ =	sdelay $0x3  }
0xff: {  	[tilespmem:s10+$0x10] =	vst v4  }
0x100: {  	v4 =	vld.idx.msk [tilespmem:v5+s20+$0x0], $0xffff  }
.Ltmp11:
0x101: {  	(pc) =	sbr.rel @p2 .LBB2_13-.Ltmp11, $3  }
0x102: {  	v5 =	vor.u32 s14, v3;
	_ =	sdelay $0x1  }
0x103: {  	s6 =	sadd.s32 $0x1, s6  }
0x104: {  	s19 =	sadd.s32 $0xFFFFFFFF, s19;
	s14 =	sld [smem:s6+$0x0]  }
.LBB2_14:
0x105: {  	_ =	sdelay $0x1  }
0x106: {  	s6 =	sadd.s32 @p1 $0x1, s11;
	s9 =	smov.u32 s13  }
0x107: {  	[tilespmem:s10+$0x20] =	vst @p0 v4;
	s9 =	smov.u32 @p1 s6  }
0x108: {  	v4 =	vld.idx.msk @p0 [tilespmem:v5+s20+$0x0], $0xffff;
	s6 =	sld @p0 [smem:s9+$0x0]  }
0x109: {  	s19 =	sand.u32 $0x7F, s14  }
0x10a: {  	v5 =	vor.u32 s19, v0  }
0x10b: {  	s6 =	sshll.u32 @p0 s6, $0x3  }
0x10c: {  	s6 =	sand.u32 @p0 $0x1FFFFFF8, s6  }
0x10d: {  	[tilespmem:s10+$0x30] =	vst @p0 v4;
	s6 =	sadd.s32 @p0 s2, s6  }
0x10e: {  	[hbm4b:s6+s3] =	stream.linear.scatter @p0 [tilespmem:s10], [sflag:$0x2], $0x40, $0x38;
	[tilespmem:$0x18200] =	vst v63  }
0x10f: {  	v4 =	vld.idx.msk [tilespmem:v5+s20+$0x0], $0xffff  }
0x110: {  	v5 =	vor.u32 s19, v1;
	_ =	sdelay $0x1  }
0x111: {  	s6 =	sadd.s32 @p0 $0x40, s10  }
0x112: {  	s12 =	smov.u32 @p0 s6  }
0x113: {  	[tilespmem:s12+$0x0] =	vst v4  }
0x114: {  	v4 =	vld.idx.msk [tilespmem:v5+s20+$0x0], $0xffff  }
0x115: {  	v5 =	vor.u32 s19, v2;
	_ =	sdelay $0x3  }
0x116: {  	[tilespmem:s12+$0x10] =	vst v4  }
0x117: {  	v4 =	vld.idx.msk [tilespmem:v5+s20+$0x0], $0xffff  }
0x118: {  	v5 =	vor.u32 s19, v3;
	_ =	sdelay $0x2  }
0x119: {  	s6 =	sadd.s32 @p0 $0x1, s9  }
0x11a: {  	s13 =	smov.u32 @p0 s6;
	[tilespmem:s12+$0x20] =	vst v4  }
0x11b: {  	s6 =	sld [smem:s13+$0x0];
	v4 =	vld.idx.msk [tilespmem:v5+s20+$0x0], $0xffff;
	_ =	sdelay $0x2  }
0x11c: {  	s6 =	sshll.u32 s6, $0x3  }
0x11d: {  	s6 =	sand.u32 $0x1FFFFFF8, s6  }
0x11e: {  	s6 =	sadd.s32 s2, s6;
	[tilespmem:s12+$0x30] =	vst v4  }
0x11f: {  	[hbm4b:s6+s3] =	stream.linear.scatter [tilespmem:s12], [sflag:$0x2], $0x40, $0x38;
	[tilespmem:$0x18200] =	vst v63  }
.LBB2_15:
0x120: {  	s6 =	sadd.s32 $0x8, s8  }
0x121: {  	p0 =	sge.s32 s6, s5  }
0x122: {  	s6 =	sld @!p0 [smem:s6+$0x400];
	_ =	sdelay $0x2  }
0x123: {  	s6 =	sld @!p0 [smem:s6+$0x0];
	_ =	sdelay $0x2  }
0x124: {  	s9 =	simm.s32 @!p0 $0x400;
	s6 =	sand.u32 @!p0 $0xFFFFF80, s6  }
0x125: {  	s10 =	simm.s32 @!p0 $0x7A1400;
	s11 =	simm.s32 @!p0 $0x200;
	s6 =	sadd.s32 @!p0 s1, s6  }
0x126: {  	[tilespmem:s11], [sflag:$0x3] =	stream.strided.gather @!p0 [hbm4b:s6+s9], $0x2000, s10, s9, $0x38;
	[tilespmem:$0x18200] =	vst v63  }
.LBB2_16:
0x127: {  	s6 =	sor.u32 $0x1, s8  }
0x128: {  	p0 =	sge.s32 s6, s5  }
.Ltmp12:
0x129: {  	_ = 	snop;
	(pc) =	sbr.rel @p0 .LBB2_27-.Ltmp12, $1  }
0x12a: {  	_ =	sdelay $0x3  }
0x12b: {  	_ =	swait.ge [sflag:s25], $0x2000  }
0x12c: {  	[sflag:s25] =	ssyncset.done $0x0  }
0x12d: {  	[sflag:s25] =	ssyncadd.s32 $0xFFFFE000  }
0x12e: {  	s10 =	sld [smem:s6+$0x400]  }
0x12f: {  	s11 =	sld [smem:s8+$0x402];
	_ =	sdelay $0x2  }
0x130: {  	p0 =	sle.s32 s11, s10  }
.Ltmp13:
0x131: {  	_ = 	snop;
	(pc) =	sbr.rel @p0 .LBB2_26-.Ltmp13, $1  }
0x132: {  	_ =	sdelay $0x3  }
0x133: {  	s12 =	ssub.s32 s11, s10  }
0x134: {  	p2 =	sne.s32 s12, $0x1  }
.Ltmp14:
0x135: {  	_ = 	snop;
	(pc) =	sbr.rel @!p2 .LBB2_19-.Ltmp14, $4  }
0x136: {  	s6 =	sshll.u32 s10, $0x2  }
0x137: {  	s9 =	sshll.u32 s10, $0x8;
	p0 =	por $0x0, $0x0;
	p1 =	por $0x0, $0x0  }
0x138: {  	s6 =	sshra.s32 s6, $0x2;
	s9 =	sshra.s32 s9, $0x2;
	s12 =	sadd.s32 $0xFFFFFFFF, s12  }
0x139: {  	s11 =	sadd.s32 $0x200, s6;
	s10 =	sadd.s32 $0x10200, s9;
	s14 =	sld [smem:s6+$0x0]  }
0x13a: {  	_ =	sdelay $0x1  }
0x13b: {  	s9 =	sand.u32 $0x7F, s14  }
0x13c: {  	v4 =	vor.u32 s9, v0;
	_ =	sdelay $0x4  }
0x13d: {  	v4 =	vld.idx.msk [tilespmem:v4+s26+$0x0], $0xffff  }
0x13e: {  	v5 =	vor.u32 s9, v1;
	_ =	sdelay $0x3  }
0x13f: {  	[tilespmem:s10+$0x0] =	vst v4  }
0x140: {  	v4 =	vld.idx.msk [tilespmem:v5+s26+$0x0], $0xffff  }
0x141: {  	p2 =	sne.s32 s12, $0x1;
	v5 =	vor.u32 s9, v2  }
.Ltmp15:
0x142: {  	_ = 	snop;
	(pc) =	sbr.rel @!p2 .LBB2_21-.Ltmp15, $3  }
0x143: {  	_ =	sdelay $0x1  }
0x144: {  	s6 =	sadd.s32 $0x1, s6;
	[tilespmem:s10+$0x10] =	vst v4  }
0x145: {  	s13 =	sadd.s32 $0xFFFFFFFF, s12;
	p0 =	por $0x1, $0x1;
	s14 =	sld [smem:s6+$0x0];
	v4 =	vld.idx.msk [tilespmem:v5+s26+$0x0], $0xffff;
	v5 =	vor.u32 s9, v3  }
0x146: {  	_ =	sdelay $0x3  }
0x147: {  	[tilespmem:s10+$0x20] =	vst v4  }
0x148: {  	s9 =	sld [smem:s11+$0x0];
	v4 =	vld.idx.msk [tilespmem:v5+s26+$0x0], $0xffff  }
0x149: {  	s14 =	sand.u32 $0x7F, s14  }
0x14a: {  	v5 =	vor.u32 s14, v0  }
0x14b: {  	s9 =	sshll.u32 s9, $0x3  }
0x14c: {  	s9 =	sand.u32 $0x1FFFFFF8, s9  }
0x14d: {  	s9 =	sadd.s32 s2, s9;
	[tilespmem:s10+$0x30] =	vst v4  }
0x14e: {  	[hbm4b:s9+s3] =	stream.linear.scatter [tilespmem:s10], [sflag:$0x2], $0x40, $0x38;
	[tilespmem:$0x18200] =	vst v63  }
0x14f: {  	v4 =	vld.idx.msk [tilespmem:v5+s26+$0x0], $0xffff  }
0x150: {  	v5 =	vor.u32 s14, v1;
	_ =	sdelay $0x2  }
0x151: {  	s12 =	sadd.s32 $0x40, s10  }
0x152: {  	[tilespmem:s12+$0x0] =	vst v4  }
0x153: {  	v4 =	vld.idx.msk [tilespmem:v5+s26+$0x0], $0xffff  }
0x154: {  	v5 =	vor.u32 s14, v2;
	_ =	sdelay $0x3  }
0x155: {  	p2 =	sne.s32 s13, $0x1;
	[tilespmem:s12+$0x10] =	vst v4  }
.Ltmp16:
0x156: {  	v4 =	vld.idx.msk [tilespmem:v5+s26+$0x0], $0xffff;
	(pc) =	sbr.rel @!p2 .LBB2_23-.Ltmp16, $3  }
0x157: {  	v5 =	vor.u32 s14, v3;
	_ =	sdelay $0x1  }
0x158: {  	s6 =	sadd.s32 $0x1, s6;
	s19 =	sadd.s32 $0xFFFFFFFF, s13  }
0x159: {  	p1 =	por $0x1, $0x1;
	s13 =	smov.u32 s11;
	s14 =	sld [smem:s6+$0x0]  }
.LBB2_24:
0x15a: {  	p2 =	sne.s32 s19, $0x1;
	[tilespmem:s12+$0x20] =	vst v4;
	s13 =	sadd.s32 $0x1, s13  }
0x15b: {  	v4 =	vld.idx.msk [tilespmem:v5+s26+$0x0], $0xffff;
	s9 =	sld [smem:s13+$0x0]  }
0x15c: {  	s14 =	sand.u32 $0x7F, s14  }
0x15d: {  	v5 =	vor.u32 s14, v0  }
0x15e: {  	s9 =	sshll.u32 s9, $0x3  }
0x15f: {  	s9 =	sand.u32 $0x1FFFFFF8, s9  }
0x160: {  	s9 =	sadd.s32 s2, s9  }
0x161: {  	[tilespmem:s12+$0x30] =	vst v4;
	[hbm4b:s9+s3] =	stream.linear.scatter [tilespmem:s12], [sflag:$0x2], $0x40, $0x38  }
0x162: {  	v4 =	vld.idx.msk [tilespmem:v5+s26+$0x0], $0xffff;
	_ =	sdelay $0x1  }
0x163: {  	v5 =	vor.u32 s14, v1;
	_ =	sdelay $0x2  }
0x164: {  	s12 =	sadd.s32 $0x40, s12  }
0x165: {  	[tilespmem:s12+$0x0] =	vst v4  }
0x166: {  	v4 =	vld.idx.msk [tilespmem:v5+s26+$0x0], $0xffff;
	_ =	sdelay $0x1  }
0x167: {  	v5 =	vor.u32 s14, v2;
	_ =	sdelay $0x3  }
0x168: {  	[tilespmem:s12+$0x10] =	vst v4  }
0x169: {  	v4 =	vld.idx.msk [tilespmem:v5+s26+$0x0], $0xffff  }
.Ltmp17:
0x16a: {  	(pc) =	sbr.rel @p2 .LBB2_24-.Ltmp17, $3  }
0x16b: {  	v5 =	vor.u32 s14, v3;
	_ =	sdelay $0x1  }
0x16c: {  	s6 =	sadd.s32 $0x1, s6  }
0x16d: {  	s19 =	sadd.s32 $0xFFFFFFFF, s19;
	s14 =	sld [smem:s6+$0x0]  }
.LBB2_25:
0x16e: {  	_ =	sdelay $0x1  }
0x16f: {  	s6 =	sadd.s32 @p1 $0x1, s13;
	s9 =	smov.u32 s11  }
0x170: {  	[tilespmem:s12+$0x20] =	vst @p0 v4;
	s9 =	smov.u32 @p1 s6  }
0x171: {  	v4 =	vld.idx.msk @p0 [tilespmem:v5+s26+$0x0], $0xffff;
	s6 =	sld @p0 [smem:s9+$0x0]  }
0x172: {  	s19 =	sand.u32 $0x7F, s14  }
0x173: {  	v5 =	vor.u32 s19, v0  }
0x174: {  	s6 =	sshll.u32 @p0 s6, $0x3  }
0x175: {  	s6 =	sand.u32 @p0 $0x1FFFFFF8, s6  }
0x176: {  	[tilespmem:s12+$0x30] =	vst @p0 v4;
	s6 =	sadd.s32 @p0 s2, s6  }
0x177: {  	[hbm4b:s6+s3] =	stream.linear.scatter @p0 [tilespmem:s12], [sflag:$0x2], $0x40, $0x38;
	[tilespmem:$0x18200] =	vst v63  }
0x178: {  	v4 =	vld.idx.msk [tilespmem:v5+s26+$0x0], $0xffff  }
0x179: {  	v5 =	vor.u32 s19, v1;
	_ =	sdelay $0x1  }
0x17a: {  	s6 =	sadd.s32 @p0 $0x40, s12  }
0x17b: {  	s10 =	smov.u32 @p0 s6  }
0x17c: {  	[tilespmem:s10+$0x0] =	vst v4  }
0x17d: {  	v4 =	vld.idx.msk [tilespmem:v5+s26+$0x0], $0xffff  }
0x17e: {  	v5 =	vor.u32 s19, v2;
	_ =	sdelay $0x3  }
0x17f: {  	[tilespmem:s10+$0x10] =	vst v4  }
0x180: {  	v4 =	vld.idx.msk [tilespmem:v5+s26+$0x0], $0xffff  }
0x181: {  	v5 =	vor.u32 s19, v3;
	_ =	sdelay $0x2  }
0x182: {  	s6 =	sadd.s32 @p0 $0x1, s9  }
0x183: {  	s11 =	smov.u32 @p0 s6;
	[tilespmem:s10+$0x20] =	vst v4  }
0x184: {  	s6 =	sld [smem:s11+$0x0];
	v4 =	vld.idx.msk [tilespmem:v5+s26+$0x0], $0xffff;
	_ =	sdelay $0x2  }
0x185: {  	s6 =	sshll.u32 s6, $0x3  }
0x186: {  	s6 =	sand.u32 $0x1FFFFFF8, s6  }
0x187: {  	s6 =	sadd.s32 s2, s6;
	[tilespmem:s10+$0x30] =	vst v4  }
0x188: {  	[hbm4b:s6+s3] =	stream.linear.scatter [tilespmem:s10], [sflag:$0x2], $0x40, $0x38;
	[tilespmem:$0x18200] =	vst v63  }
.LBB2_26:
0x189: {  	s6 =	sadd.s32 $0x9, s8  }
0x18a: {  	p0 =	sge.s32 s6, s5  }
0x18b: {  	s6 =	sld @!p0 [smem:s6+$0x400];
	_ =	sdelay $0x2  }
0x18c: {  	s6 =	sld @!p0 [smem:s6+$0x0];
	_ =	sdelay $0x2  }
0x18d: {  	s9 =	simm.s32 @!p0 $0x400;
	s6 =	sand.u32 @!p0 $0xFFFFF80, s6  }
0x18e: {  	s10 =	simm.s32 @!p0 $0x7A1400;
	s11 =	simm.s32 @!p0 $0x2200;
	s6 =	sadd.s32 @!p0 s1, s6  }
0x18f: {  	[tilespmem:s11], [sflag:$0x4] =	stream.strided.gather @!p0 [hbm4b:s6+s9], $0x2000, s10, s9, $0x38;
	[tilespmem:$0x18200] =	vst v63  }
.LBB2_27:
0x190: {  	s6 =	sor.u32 $0x2, s8  }
0x191: {  	p0 =	sge.s32 s6, s5  }
.Ltmp18:
0x192: {  	_ = 	snop;
	(pc) =	sbr.rel @p0 .LBB2_38-.Ltmp18, $1  }
0x193: {  	_ =	sdelay $0x3  }
0x194: {  	_ =	swait.ge [sflag:s28], $0x2000  }
0x195: {  	[sflag:s28] =	ssyncset.done $0x0  }
0x196: {  	[sflag:s28] =	ssyncadd.s32 $0xFFFFE000  }
0x197: {  	s10 =	sld [smem:s6+$0x400]  }
0x198: {  	s11 =	sld [smem:s8+$0x403];
	_ =	sdelay $0x2  }
0x199: {  	p0 =	sle.s32 s11, s10  }
.Ltmp19:
0x19a: {  	_ = 	snop;
	(pc) =	sbr.rel @p0 .LBB2_37-.Ltmp19, $1  }
0x19b: {  	_ =	sdelay $0x3  }
0x19c: {  	s12 =	ssub.s32 s11, s10  }
0x19d: {  	p2 =	sne.s32 s12, $0x1  }
.Ltmp20:
0x19e: {  	_ = 	snop;
	(pc) =	sbr.rel @!p2 .LBB2_30-.Ltmp20, $4  }
0x19f: {  	s6 =	sshll.u32 s10, $0x2  }
0x1a0: {  	s9 =	sshll.u32 s10, $0x8;
	p0 =	por $0x0, $0x0;
	p1 =	por $0x0, $0x0  }
0x1a1: {  	s6 =	sshra.s32 s6, $0x2;
	s9 =	sshra.s32 s9, $0x2;
	s12 =	sadd.s32 $0xFFFFFFFF, s12  }
0x1a2: {  	s11 =	sadd.s32 $0x200, s6;
	s10 =	sadd.s32 $0x10200, s9;
	s14 =	sld [smem:s6+$0x0]  }
0x1a3: {  	_ =	sdelay $0x1  }
0x1a4: {  	s9 =	sand.u32 $0x7F, s14  }
0x1a5: {  	v4 =	vor.u32 s9, v0;
	_ =	sdelay $0x4  }
0x1a6: {  	v4 =	vld.idx.msk [tilespmem:v4+s29+$0x0], $0xffff  }
0x1a7: {  	v5 =	vor.u32 s9, v1;
	_ =	sdelay $0x3  }
0x1a8: {  	[tilespmem:s10+$0x0] =	vst v4  }
0x1a9: {  	v4 =	vld.idx.msk [tilespmem:v5+s29+$0x0], $0xffff  }
0x1aa: {  	p2 =	sne.s32 s12, $0x1;
	v5 =	vor.u32 s9, v2  }
.Ltmp21:
0x1ab: {  	_ = 	snop;
	(pc) =	sbr.rel @!p2 .LBB2_32-.Ltmp21, $3  }
0x1ac: {  	_ =	sdelay $0x1  }
0x1ad: {  	s6 =	sadd.s32 $0x1, s6;
	[tilespmem:s10+$0x10] =	vst v4  }
0x1ae: {  	s13 =	sadd.s32 $0xFFFFFFFF, s12;
	p0 =	por $0x1, $0x1;
	s14 =	sld [smem:s6+$0x0];
	v4 =	vld.idx.msk [tilespmem:v5+s29+$0x0], $0xffff;
	v5 =	vor.u32 s9, v3  }
0x1af: {  	_ =	sdelay $0x3  }
0x1b0: {  	[tilespmem:s10+$0x20] =	vst v4  }
0x1b1: {  	s9 =	sld [smem:s11+$0x0];
	v4 =	vld.idx.msk [tilespmem:v5+s29+$0x0], $0xffff  }
0x1b2: {  	s14 =	sand.u32 $0x7F, s14  }
0x1b3: {  	v5 =	vor.u32 s14, v0  }
0x1b4: {  	s9 =	sshll.u32 s9, $0x3  }
0x1b5: {  	s9 =	sand.u32 $0x1FFFFFF8, s9  }
0x1b6: {  	s9 =	sadd.s32 s2, s9;
	[tilespmem:s10+$0x30] =	vst v4  }
0x1b7: {  	[hbm4b:s9+s3] =	stream.linear.scatter [tilespmem:s10], [sflag:$0x2], $0x40, $0x38;
	[tilespmem:$0x18200] =	vst v63  }
0x1b8: {  	v4 =	vld.idx.msk [tilespmem:v5+s29+$0x0], $0xffff  }
0x1b9: {  	v5 =	vor.u32 s14, v1;
	_ =	sdelay $0x2  }
0x1ba: {  	s12 =	sadd.s32 $0x40, s10  }
0x1bb: {  	[tilespmem:s12+$0x0] =	vst v4  }
0x1bc: {  	v4 =	vld.idx.msk [tilespmem:v5+s29+$0x0], $0xffff  }
0x1bd: {  	v5 =	vor.u32 s14, v2;
	_ =	sdelay $0x3  }
0x1be: {  	p2 =	sne.s32 s13, $0x1;
	[tilespmem:s12+$0x10] =	vst v4  }
.Ltmp22:
0x1bf: {  	v4 =	vld.idx.msk [tilespmem:v5+s29+$0x0], $0xffff;
	(pc) =	sbr.rel @!p2 .LBB2_34-.Ltmp22, $3  }
0x1c0: {  	v5 =	vor.u32 s14, v3;
	_ =	sdelay $0x1  }
0x1c1: {  	s6 =	sadd.s32 $0x1, s6;
	s19 =	sadd.s32 $0xFFFFFFFF, s13  }
0x1c2: {  	p1 =	por $0x1, $0x1;
	s13 =	smov.u32 s11;
	s14 =	sld [smem:s6+$0x0]  }
.LBB2_35:
0x1c3: {  	p2 =	sne.s32 s19, $0x1;
	[tilespmem:s12+$0x20] =	vst v4;
	s13 =	sadd.s32 $0x1, s13  }
0x1c4: {  	v4 =	vld.idx.msk [tilespmem:v5+s29+$0x0], $0xffff;
	s9 =	sld [smem:s13+$0x0]  }
0x1c5: {  	s14 =	sand.u32 $0x7F, s14  }
0x1c6: {  	v5 =	vor.u32 s14, v0  }
0x1c7: {  	s9 =	sshll.u32 s9, $0x3  }
0x1c8: {  	s9 =	sand.u32 $0x1FFFFFF8, s9  }
0x1c9: {  	s9 =	sadd.s32 s2, s9  }
0x1ca: {  	[tilespmem:s12+$0x30] =	vst v4;
	[hbm4b:s9+s3] =	stream.linear.scatter [tilespmem:s12], [sflag:$0x2], $0x40, $0x38  }
0x1cb: {  	v4 =	vld.idx.msk [tilespmem:v5+s29+$0x0], $0xffff;
	_ =	sdelay $0x1  }
0x1cc: {  	v5 =	vor.u32 s14, v1;
	_ =	sdelay $0x2  }
0x1cd: {  	s12 =	sadd.s32 $0x40, s12  }
0x1ce: {  	[tilespmem:s12+$0x0] =	vst v4  }
0x1cf: {  	v4 =	vld.idx.msk [tilespmem:v5+s29+$0x0], $0xffff;
	_ =	sdelay $0x1  }
0x1d0: {  	v5 =	vor.u32 s14, v2;
	_ =	sdelay $0x3  }
0x1d1: {  	[tilespmem:s12+$0x10] =	vst v4  }
0x1d2: {  	v4 =	vld.idx.msk [tilespmem:v5+s29+$0x0], $0xffff  }
.Ltmp23:
0x1d3: {  	(pc) =	sbr.rel @p2 .LBB2_35-.Ltmp23, $3  }
0x1d4: {  	v5 =	vor.u32 s14, v3;
	_ =	sdelay $0x1  }
0x1d5: {  	s6 =	sadd.s32 $0x1, s6  }
0x1d6: {  	s19 =	sadd.s32 $0xFFFFFFFF, s19;
	s14 =	sld [smem:s6+$0x0]  }
.LBB2_36:
0x1d7: {  	_ =	sdelay $0x1  }
0x1d8: {  	s6 =	sadd.s32 @p1 $0x1, s13;
	s9 =	smov.u32 s11  }
0x1d9: {  	[tilespmem:s12+$0x20] =	vst @p0 v4;
	s9 =	smov.u32 @p1 s6  }
0x1da: {  	v4 =	vld.idx.msk @p0 [tilespmem:v5+s29+$0x0], $0xffff;
	s6 =	sld @p0 [smem:s9+$0x0]  }
0x1db: {  	s19 =	sand.u32 $0x7F, s14  }
0x1dc: {  	v5 =	vor.u32 s19, v0  }
0x1dd: {  	s6 =	sshll.u32 @p0 s6, $0x3  }
0x1de: {  	s6 =	sand.u32 @p0 $0x1FFFFFF8, s6  }
0x1df: {  	[tilespmem:s12+$0x30] =	vst @p0 v4;
	s6 =	sadd.s32 @p0 s2, s6  }
0x1e0: {  	[hbm4b:s6+s3] =	stream.linear.scatter @p0 [tilespmem:s12], [sflag:$0x2], $0x40, $0x38;
	[tilespmem:$0x18200] =	vst v63  }
0x1e1: {  	v4 =	vld.idx.msk [tilespmem:v5+s29+$0x0], $0xffff  }
0x1e2: {  	v5 =	vor.u32 s19, v1;
	_ =	sdelay $0x1  }
0x1e3: {  	s6 =	sadd.s32 @p0 $0x40, s12  }
0x1e4: {  	s10 =	smov.u32 @p0 s6  }
0x1e5: {  	[tilespmem:s10+$0x0] =	vst v4  }
0x1e6: {  	v4 =	vld.idx.msk [tilespmem:v5+s29+$0x0], $0xffff  }
0x1e7: {  	v5 =	vor.u32 s19, v2;
	_ =	sdelay $0x3  }
0x1e8: {  	[tilespmem:s10+$0x10] =	vst v4  }
0x1e9: {  	v4 =	vld.idx.msk [tilespmem:v5+s29+$0x0], $0xffff  }
0x1ea: {  	v5 =	vor.u32 s19, v3;
	_ =	sdelay $0x2  }
0x1eb: {  	s6 =	sadd.s32 @p0 $0x1, s9  }
0x1ec: {  	s11 =	smov.u32 @p0 s6;
	[tilespmem:s10+$0x20] =	vst v4  }
0x1ed: {  	s6 =	sld [smem:s11+$0x0];
	v4 =	vld.idx.msk [tilespmem:v5+s29+$0x0], $0xffff;
	_ =	sdelay $0x2  }
0x1ee: {  	s6 =	sshll.u32 s6, $0x3  }
0x1ef: {  	s6 =	sand.u32 $0x1FFFFFF8, s6  }
0x1f0: {  	s6 =	sadd.s32 s2, s6;
	[tilespmem:s10+$0x30] =	vst v4  }
0x1f1: {  	[hbm4b:s6+s3] =	stream.linear.scatter [tilespmem:s10], [sflag:$0x2], $0x40, $0x38;
	[tilespmem:$0x18200] =	vst v63  }
.LBB2_37:
0x1f2: {  	s6 =	sadd.s32 $0xA, s8  }
0x1f3: {  	p0 =	sge.s32 s6, s5  }
0x1f4: {  	s6 =	sld @!p0 [smem:s6+$0x400];
	_ =	sdelay $0x2  }
0x1f5: {  	s6 =	sld @!p0 [smem:s6+$0x0];
	_ =	sdelay $0x2  }
0x1f6: {  	s9 =	simm.s32 @!p0 $0x400;
	s6 =	sand.u32 @!p0 $0xFFFFF80, s6  }
0x1f7: {  	s10 =	simm.s32 @!p0 $0x7A1400;
	s11 =	simm.s32 @!p0 $0x4200;
	s6 =	sadd.s32 @!p0 s1, s6  }
0x1f8: {  	[tilespmem:s11], [sflag:$0x5] =	stream.strided.gather @!p0 [hbm4b:s6+s9], $0x2000, s10, s9, $0x38;
	[tilespmem:$0x18200] =	vst v63  }
.LBB2_38:
0x1f9: {  	s6 =	sor.u32 $0x3, s8  }
0x1fa: {  	p0 =	sge.s32 s6, s5  }
.Ltmp24:
0x1fb: {  	_ = 	snop;
	(pc) =	sbr.rel @p0 .LBB2_49-.Ltmp24, $1  }
0x1fc: {  	_ =	sdelay $0x3  }
0x1fd: {  	_ =	swait.ge [sflag:s30], $0x2000  }
0x1fe: {  	[sflag:s30] =	ssyncset.done $0x0  }
0x1ff: {  	[sflag:s30] =	ssyncadd.s32 $0xFFFFE000  }
0x200: {  	s10 =	sld [smem:s6+$0x400]  }
0x201: {  	s11 =	sld [smem:s8+$0x404];
	_ =	sdelay $0x2  }
0x202: {  	p0 =	sle.s32 s11, s10  }
.Ltmp25:
0x203: {  	_ = 	snop;
	(pc) =	sbr.rel @p0 .LBB2_48-.Ltmp25, $1  }
0x204: {  	_ =	sdelay $0x3  }
0x205: {  	s12 =	ssub.s32 s11, s10  }
0x206: {  	p2 =	sne.s32 s12, $0x1  }
.Ltmp26:
0x207: {  	_ = 	snop;
	(pc) =	sbr.rel @!p2 .LBB2_41-.Ltmp26, $4  }
0x208: {  	s6 =	sshll.u32 s10, $0x2  }
0x209: {  	s9 =	sshll.u32 s10, $0x8;
	p0 =	por $0x0, $0x0;
	p1 =	por $0x0, $0x0  }
0x20a: {  	s6 =	sshra.s32 s6, $0x2;
	s9 =	sshra.s32 s9, $0x2;
	s12 =	sadd.s32 $0xFFFFFFFF, s12  }
0x20b: {  	s11 =	sadd.s32 $0x200, s6;
	s10 =	sadd.s32 $0x10200, s9;
	s14 =	sld [smem:s6+$0x0]  }
0x20c: {  	_ =	sdelay $0x1  }
0x20d: {  	s9 =	sand.u32 $0x7F, s14  }
0x20e: {  	v4 =	vor.u32 s9, v0;
	_ =	sdelay $0x4  }
0x20f: {  	v4 =	vld.idx.msk [tilespmem:v4+s31+$0x0], $0xffff  }
0x210: {  	v5 =	vor.u32 s9, v1;
	_ =	sdelay $0x3  }
0x211: {  	[tilespmem:s10+$0x0] =	vst v4  }
0x212: {  	v4 =	vld.idx.msk [tilespmem:v5+s31+$0x0], $0xffff  }
0x213: {  	p2 =	sne.s32 s12, $0x1;
	v5 =	vor.u32 s9, v2  }
.Ltmp27:
0x214: {  	_ = 	snop;
	(pc) =	sbr.rel @!p2 .LBB2_43-.Ltmp27, $3  }
0x215: {  	_ =	sdelay $0x1  }
0x216: {  	s6 =	sadd.s32 $0x1, s6;
	[tilespmem:s10+$0x10] =	vst v4  }
0x217: {  	s13 =	sadd.s32 $0xFFFFFFFF, s12;
	p0 =	por $0x1, $0x1;
	s14 =	sld [smem:s6+$0x0];
	v4 =	vld.idx.msk [tilespmem:v5+s31+$0x0], $0xffff;
	v5 =	vor.u32 s9, v3  }
0x218: {  	_ =	sdelay $0x3  }
0x219: {  	[tilespmem:s10+$0x20] =	vst v4  }
0x21a: {  	s9 =	sld [smem:s11+$0x0];
	v4 =	vld.idx.msk [tilespmem:v5+s31+$0x0], $0xffff  }
0x21b: {  	s14 =	sand.u32 $0x7F, s14  }
0x21c: {  	v5 =	vor.u32 s14, v0  }
0x21d: {  	s9 =	sshll.u32 s9, $0x3  }
0x21e: {  	s9 =	sand.u32 $0x1FFFFFF8, s9  }
0x21f: {  	s9 =	sadd.s32 s2, s9;
	[tilespmem:s10+$0x30] =	vst v4  }
0x220: {  	[hbm4b:s9+s3] =	stream.linear.scatter [tilespmem:s10], [sflag:$0x2], $0x40, $0x38;
	[tilespmem:$0x18200] =	vst v63  }
0x221: {  	v4 =	vld.idx.msk [tilespmem:v5+s31+$0x0], $0xffff  }
0x222: {  	v5 =	vor.u32 s14, v1;
	_ =	sdelay $0x2  }
0x223: {  	s12 =	sadd.s32 $0x40, s10  }
0x224: {  	[tilespmem:s12+$0x0] =	vst v4  }
0x225: {  	v4 =	vld.idx.msk [tilespmem:v5+s31+$0x0], $0xffff  }
0x226: {  	v5 =	vor.u32 s14, v2;
	_ =	sdelay $0x3  }
0x227: {  	p2 =	sne.s32 s13, $0x1;
	[tilespmem:s12+$0x10] =	vst v4  }
.Ltmp28:
0x228: {  	v4 =	vld.idx.msk [tilespmem:v5+s31+$0x0], $0xffff;
	(pc) =	sbr.rel @!p2 .LBB2_45-.Ltmp28, $3  }
0x229: {  	v5 =	vor.u32 s14, v3;
	_ =	sdelay $0x1  }
0x22a: {  	s6 =	sadd.s32 $0x1, s6;
	s19 =	sadd.s32 $0xFFFFFFFF, s13  }
0x22b: {  	p1 =	por $0x1, $0x1;
	s13 =	smov.u32 s11;
	s14 =	sld [smem:s6+$0x0]  }
.LBB2_46:
0x22c: {  	p2 =	sne.s32 s19, $0x1;
	[tilespmem:s12+$0x20] =	vst v4;
	s13 =	sadd.s32 $0x1, s13  }
0x22d: {  	v4 =	vld.idx.msk [tilespmem:v5+s31+$0x0], $0xffff;
	s9 =	sld [smem:s13+$0x0]  }
0x22e: {  	s14 =	sand.u32 $0x7F, s14  }
0x22f: {  	v5 =	vor.u32 s14, v0  }
0x230: {  	s9 =	sshll.u32 s9, $0x3  }
0x231: {  	s9 =	sand.u32 $0x1FFFFFF8, s9  }
0x232: {  	s9 =	sadd.s32 s2, s9  }
0x233: {  	[tilespmem:s12+$0x30] =	vst v4;
	[hbm4b:s9+s3] =	stream.linear.scatter [tilespmem:s12], [sflag:$0x2], $0x40, $0x38  }
0x234: {  	v4 =	vld.idx.msk [tilespmem:v5+s31+$0x0], $0xffff;
	_ =	sdelay $0x1  }
0x235: {  	v5 =	vor.u32 s14, v1;
	_ =	sdelay $0x2  }
0x236: {  	s12 =	sadd.s32 $0x40, s12  }
0x237: {  	[tilespmem:s12+$0x0] =	vst v4  }
0x238: {  	v4 =	vld.idx.msk [tilespmem:v5+s31+$0x0], $0xffff;
	_ =	sdelay $0x1  }
0x239: {  	v5 =	vor.u32 s14, v2;
	_ =	sdelay $0x3  }
0x23a: {  	[tilespmem:s12+$0x10] =	vst v4  }
0x23b: {  	v4 =	vld.idx.msk [tilespmem:v5+s31+$0x0], $0xffff  }
.Ltmp29:
0x23c: {  	(pc) =	sbr.rel @p2 .LBB2_46-.Ltmp29, $3  }
0x23d: {  	v5 =	vor.u32 s14, v3;
	_ =	sdelay $0x1  }
0x23e: {  	s6 =	sadd.s32 $0x1, s6  }
0x23f: {  	s19 =	sadd.s32 $0xFFFFFFFF, s19;
	s14 =	sld [smem:s6+$0x0]  }
.LBB2_47:
0x240: {  	_ =	sdelay $0x1  }
0x241: {  	s6 =	sadd.s32 @p1 $0x1, s13;
	s9 =	smov.u32 s11  }
0x242: {  	[tilespmem:s12+$0x20] =	vst @p0 v4;
	s9 =	smov.u32 @p1 s6  }
0x243: {  	v4 =	vld.idx.msk @p0 [tilespmem:v5+s31+$0x0], $0xffff;
	s6 =	sld @p0 [smem:s9+$0x0]  }
0x244: {  	s19 =	sand.u32 $0x7F, s14  }
0x245: {  	v5 =	vor.u32 s19, v0  }
0x246: {  	s6 =	sshll.u32 @p0 s6, $0x3  }
0x247: {  	s6 =	sand.u32 @p0 $0x1FFFFFF8, s6  }
0x248: {  	[tilespmem:s12+$0x30] =	vst @p0 v4;
	s6 =	sadd.s32 @p0 s2, s6  }
0x249: {  	[hbm4b:s6+s3] =	stream.linear.scatter @p0 [tilespmem:s12], [sflag:$0x2], $0x40, $0x38;
	[tilespmem:$0x18200] =	vst v63  }
0x24a: {  	v4 =	vld.idx.msk [tilespmem:v5+s31+$0x0], $0xffff  }
0x24b: {  	v5 =	vor.u32 s19, v1;
	_ =	sdelay $0x1  }
0x24c: {  	s6 =	sadd.s32 @p0 $0x40, s12  }
0x24d: {  	s10 =	smov.u32 @p0 s6  }
0x24e: {  	[tilespmem:s10+$0x0] =	vst v4  }
0x24f: {  	v4 =	vld.idx.msk [tilespmem:v5+s31+$0x0], $0xffff  }
0x250: {  	v5 =	vor.u32 s19, v2;
	_ =	sdelay $0x3  }
0x251: {  	[tilespmem:s10+$0x10] =	vst v4  }
0x252: {  	v4 =	vld.idx.msk [tilespmem:v5+s31+$0x0], $0xffff  }
0x253: {  	v5 =	vor.u32 s19, v3;
	_ =	sdelay $0x2  }
0x254: {  	s6 =	sadd.s32 @p0 $0x1, s9  }
0x255: {  	s11 =	smov.u32 @p0 s6;
	[tilespmem:s10+$0x20] =	vst v4  }
0x256: {  	s6 =	sld [smem:s11+$0x0];
	v4 =	vld.idx.msk [tilespmem:v5+s31+$0x0], $0xffff;
	_ =	sdelay $0x2  }
0x257: {  	s6 =	sshll.u32 s6, $0x3  }
0x258: {  	s6 =	sand.u32 $0x1FFFFFF8, s6  }
0x259: {  	s6 =	sadd.s32 s2, s6;
	[tilespmem:s10+$0x30] =	vst v4  }
0x25a: {  	[hbm4b:s6+s3] =	stream.linear.scatter [tilespmem:s10], [sflag:$0x2], $0x40, $0x38;
	[tilespmem:$0x18200] =	vst v63  }
.LBB2_48:
0x25b: {  	s6 =	sadd.s32 $0xB, s8  }
0x25c: {  	p0 =	sge.s32 s6, s5  }
0x25d: {  	s6 =	sld @!p0 [smem:s6+$0x400];
	_ =	sdelay $0x2  }
0x25e: {  	s6 =	sld @!p0 [smem:s6+$0x0];
	_ =	sdelay $0x2  }
0x25f: {  	s9 =	simm.s32 @!p0 $0x400;
	s6 =	sand.u32 @!p0 $0xFFFFF80, s6  }
0x260: {  	s10 =	simm.s32 @!p0 $0x7A1400;
	s11 =	simm.s32 @!p0 $0x6200;
	s6 =	sadd.s32 @!p0 s1, s6  }
0x261: {  	[tilespmem:s11], [sflag:$0x6] =	stream.strided.gather @!p0 [hbm4b:s6+s9], $0x2000, s10, s9, $0x38;
	[tilespmem:$0x18200] =	vst v63  }
.LBB2_49:
0x262: {  	s6 =	sor.u32 $0x4, s8  }
0x263: {  	p0 =	sge.s32 s6, s5  }
.Ltmp30:
0x264: {  	_ = 	snop;
	(pc) =	sbr.rel @p0 .LBB2_60-.Ltmp30, $1  }
0x265: {  	_ =	sdelay $0x3  }
0x266: {  	_ =	swait.ge [sflag:s0], $0x2000  }
0x267: {  	[sflag:s0] =	ssyncset.done $0x0  }
0x268: {  	[sflag:s0] =	ssyncadd.s32 $0xFFFFE000  }
0x269: {  	s10 =	sld [smem:s6+$0x400]  }
0x26a: {  	s11 =	sld [smem:s8+$0x405];
	_ =	sdelay $0x2  }
0x26b: {  	p0 =	sle.s32 s11, s10  }
.Ltmp31:
0x26c: {  	_ = 	snop;
	(pc) =	sbr.rel @p0 .LBB2_59-.Ltmp31, $1  }
0x26d: {  	_ =	sdelay $0x3  }
0x26e: {  	s12 =	ssub.s32 s11, s10  }
0x26f: {  	p2 =	sne.s32 s12, $0x1  }
.Ltmp32:
0x270: {  	_ = 	snop;
	(pc) =	sbr.rel @!p2 .LBB2_52-.Ltmp32, $4  }
0x271: {  	s6 =	sshll.u32 s10, $0x2  }
0x272: {  	s9 =	sshll.u32 s10, $0x8;
	p0 =	por $0x0, $0x0;
	p1 =	por $0x0, $0x0  }
0x273: {  	s6 =	sshra.s32 s6, $0x2;
	s9 =	sshra.s32 s9, $0x2;
	s12 =	sadd.s32 $0xFFFFFFFF, s12  }
0x274: {  	s11 =	sadd.s32 $0x200, s6;
	s10 =	sadd.s32 $0x10200, s9;
	s14 =	sld [smem:s6+$0x0]  }
0x275: {  	_ =	sdelay $0x1  }
0x276: {  	s9 =	sand.u32 $0x7F, s14  }
0x277: {  	v4 =	vor.u32 s9, v0;
	_ =	sdelay $0x4  }
0x278: {  	v4 =	vld.idx.msk [tilespmem:v4+s4+$0x0], $0xffff  }
0x279: {  	v5 =	vor.u32 s9, v1;
	_ =	sdelay $0x3  }
0x27a: {  	[tilespmem:s10+$0x0] =	vst v4  }
0x27b: {  	v4 =	vld.idx.msk [tilespmem:v5+s4+$0x0], $0xffff  }
0x27c: {  	p2 =	sne.s32 s12, $0x1;
	v5 =	vor.u32 s9, v2  }
.Ltmp33:
0x27d: {  	_ = 	snop;
	(pc) =	sbr.rel @!p2 .LBB2_54-.Ltmp33, $3  }
0x27e: {  	_ =	sdelay $0x1  }
0x27f: {  	s6 =	sadd.s32 $0x1, s6;
	[tilespmem:s10+$0x10] =	vst v4  }
0x280: {  	s13 =	sadd.s32 $0xFFFFFFFF, s12;
	p0 =	por $0x1, $0x1;
	s14 =	sld [smem:s6+$0x0];
	v4 =	vld.idx.msk [tilespmem:v5+s4+$0x0], $0xffff;
	v5 =	vor.u32 s9, v3  }
0x281: {  	_ =	sdelay $0x3  }
0x282: {  	[tilespmem:s10+$0x20] =	vst v4  }
0x283: {  	s9 =	sld [smem:s11+$0x0];
	v4 =	vld.idx.msk [tilespmem:v5+s4+$0x0], $0xffff  }
0x284: {  	s14 =	sand.u32 $0x7F, s14  }
0x285: {  	v5 =	vor.u32 s14, v0  }
0x286: {  	s9 =	sshll.u32 s9, $0x3  }
0x287: {  	s9 =	sand.u32 $0x1FFFFFF8, s9  }
0x288: {  	s9 =	sadd.s32 s2, s9;
	[tilespmem:s10+$0x30] =	vst v4  }
0x289: {  	[hbm4b:s9+s3] =	stream.linear.scatter [tilespmem:s10], [sflag:$0x2], $0x40, $0x38;
	[tilespmem:$0x18200] =	vst v63  }
0x28a: {  	v4 =	vld.idx.msk [tilespmem:v5+s4+$0x0], $0xffff  }
0x28b: {  	v5 =	vor.u32 s14, v1;
	_ =	sdelay $0x2  }
0x28c: {  	s12 =	sadd.s32 $0x40, s10  }
0x28d: {  	[tilespmem:s12+$0x0] =	vst v4  }
0x28e: {  	v4 =	vld.idx.msk [tilespmem:v5+s4+$0x0], $0xffff  }
0x28f: {  	v5 =	vor.u32 s14, v2;
	_ =	sdelay $0x3  }
0x290: {  	p2 =	sne.s32 s13, $0x1;
	[tilespmem:s12+$0x10] =	vst v4  }
.Ltmp34:
0x291: {  	v4 =	vld.idx.msk [tilespmem:v5+s4+$0x0], $0xffff;
	(pc) =	sbr.rel @!p2 .LBB2_56-.Ltmp34, $3  }
0x292: {  	v5 =	vor.u32 s14, v3;
	_ =	sdelay $0x1  }
0x293: {  	s6 =	sadd.s32 $0x1, s6;
	s19 =	sadd.s32 $0xFFFFFFFF, s13  }
0x294: {  	p1 =	por $0x1, $0x1;
	s13 =	smov.u32 s11;
	s14 =	sld [smem:s6+$0x0]  }
.LBB2_57:
0x295: {  	p2 =	sne.s32 s19, $0x1;
	[tilespmem:s12+$0x20] =	vst v4;
	s13 =	sadd.s32 $0x1, s13  }
0x296: {  	v4 =	vld.idx.msk [tilespmem:v5+s4+$0x0], $0xffff;
	s9 =	sld [smem:s13+$0x0]  }
0x297: {  	s14 =	sand.u32 $0x7F, s14  }
0x298: {  	v5 =	vor.u32 s14, v0  }
0x299: {  	s9 =	sshll.u32 s9, $0x3  }
0x29a: {  	s9 =	sand.u32 $0x1FFFFFF8, s9  }
0x29b: {  	s9 =	sadd.s32 s2, s9  }
0x29c: {  	[tilespmem:s12+$0x30] =	vst v4;
	[hbm4b:s9+s3] =	stream.linear.scatter [tilespmem:s12], [sflag:$0x2], $0x40, $0x38  }
0x29d: {  	v4 =	vld.idx.msk [tilespmem:v5+s4+$0x0], $0xffff;
	_ =	sdelay $0x1  }
0x29e: {  	v5 =	vor.u32 s14, v1;
	_ =	sdelay $0x2  }
0x29f: {  	s12 =	sadd.s32 $0x40, s12  }
0x2a0: {  	[tilespmem:s12+$0x0] =	vst v4  }
0x2a1: {  	v4 =	vld.idx.msk [tilespmem:v5+s4+$0x0], $0xffff;
	_ =	sdelay $0x1  }
0x2a2: {  	v5 =	vor.u32 s14, v2;
	_ =	sdelay $0x3  }
0x2a3: {  	[tilespmem:s12+$0x10] =	vst v4  }
0x2a4: {  	v4 =	vld.idx.msk [tilespmem:v5+s4+$0x0], $0xffff  }
.Ltmp35:
0x2a5: {  	(pc) =	sbr.rel @p2 .LBB2_57-.Ltmp35, $3  }
0x2a6: {  	v5 =	vor.u32 s14, v3;
	_ =	sdelay $0x1  }
0x2a7: {  	s6 =	sadd.s32 $0x1, s6  }
0x2a8: {  	s19 =	sadd.s32 $0xFFFFFFFF, s19;
	s14 =	sld [smem:s6+$0x0]  }
.LBB2_58:
0x2a9: {  	_ =	sdelay $0x1  }
0x2aa: {  	s6 =	sadd.s32 @p1 $0x1, s13;
	s9 =	smov.u32 s11  }
0x2ab: {  	[tilespmem:s12+$0x20] =	vst @p0 v4;
	s9 =	smov.u32 @p1 s6  }
0x2ac: {  	v4 =	vld.idx.msk @p0 [tilespmem:v5+s4+$0x0], $0xffff;
	s6 =	sld @p0 [smem:s9+$0x0]  }
0x2ad: {  	s19 =	sand.u32 $0x7F, s14  }
0x2ae: {  	v5 =	vor.u32 s19, v0  }
0x2af: {  	s6 =	sshll.u32 @p0 s6, $0x3  }
0x2b0: {  	s6 =	sand.u32 @p0 $0x1FFFFFF8, s6  }
0x2b1: {  	[tilespmem:s12+$0x30] =	vst @p0 v4;
	s6 =	sadd.s32 @p0 s2, s6  }
0x2b2: {  	[hbm4b:s6+s3] =	stream.linear.scatter @p0 [tilespmem:s12], [sflag:$0x2], $0x40, $0x38;
	[tilespmem:$0x18200] =	vst v63  }
0x2b3: {  	v4 =	vld.idx.msk [tilespmem:v5+s4+$0x0], $0xffff  }
0x2b4: {  	v5 =	vor.u32 s19, v1;
	_ =	sdelay $0x1  }
0x2b5: {  	s6 =	sadd.s32 @p0 $0x40, s12  }
0x2b6: {  	s10 =	smov.u32 @p0 s6  }
0x2b7: {  	[tilespmem:s10+$0x0] =	vst v4  }
0x2b8: {  	v4 =	vld.idx.msk [tilespmem:v5+s4+$0x0], $0xffff  }
0x2b9: {  	v5 =	vor.u32 s19, v2;
	_ =	sdelay $0x3  }
0x2ba: {  	[tilespmem:s10+$0x10] =	vst v4  }
0x2bb: {  	v4 =	vld.idx.msk [tilespmem:v5+s4+$0x0], $0xffff  }
0x2bc: {  	v5 =	vor.u32 s19, v3;
	_ =	sdelay $0x2  }
0x2bd: {  	s6 =	sadd.s32 @p0 $0x1, s9  }
0x2be: {  	s11 =	smov.u32 @p0 s6;
	[tilespmem:s10+$0x20] =	vst v4  }
0x2bf: {  	s6 =	sld [smem:s11+$0x0];
	v4 =	vld.idx.msk [tilespmem:v5+s4+$0x0], $0xffff;
	_ =	sdelay $0x2  }
0x2c0: {  	s6 =	sshll.u32 s6, $0x3  }
0x2c1: {  	s6 =	sand.u32 $0x1FFFFFF8, s6  }
0x2c2: {  	s6 =	sadd.s32 s2, s6;
	[tilespmem:s10+$0x30] =	vst v4  }
0x2c3: {  	[hbm4b:s6+s3] =	stream.linear.scatter [tilespmem:s10], [sflag:$0x2], $0x40, $0x38;
	[tilespmem:$0x18200] =	vst v63  }
.LBB2_59:
0x2c4: {  	s6 =	sadd.s32 $0xC, s8  }
0x2c5: {  	p0 =	sge.s32 s6, s5  }
0x2c6: {  	s6 =	sld @!p0 [smem:s6+$0x400];
	_ =	sdelay $0x2  }
0x2c7: {  	s6 =	sld @!p0 [smem:s6+$0x0];
	_ =	sdelay $0x2  }
0x2c8: {  	s9 =	simm.s32 @!p0 $0x400;
	s6 =	sand.u32 @!p0 $0xFFFFF80, s6  }
0x2c9: {  	s10 =	simm.s32 @!p0 $0x7A1400;
	s11 =	simm.s32 @!p0 $0x8200;
	s6 =	sadd.s32 @!p0 s1, s6  }
0x2ca: {  	[tilespmem:s11], [sflag:$0x7] =	stream.strided.gather @!p0 [hbm4b:s6+s9], $0x2000, s10, s9, $0x38;
	[tilespmem:$0x18200] =	vst v63  }
.LBB2_60:
0x2cb: {  	s6 =	sor.u32 $0x5, s8  }
0x2cc: {  	p0 =	sge.s32 s6, s5  }
.Ltmp36:
0x2cd: {  	_ = 	snop;
	(pc) =	sbr.rel @p0 .LBB2_71-.Ltmp36, $1  }
0x2ce: {  	_ =	sdelay $0x3  }
0x2cf: {  	_ =	swait.ge [sflag:s17], $0x2000  }
0x2d0: {  	[sflag:s17] =	ssyncset.done $0x0  }
0x2d1: {  	[sflag:s17] =	ssyncadd.s32 $0xFFFFE000  }
0x2d2: {  	s10 =	sld [smem:s6+$0x400]  }
0x2d3: {  	s11 =	sld [smem:s8+$0x406];
	_ =	sdelay $0x2  }
0x2d4: {  	p0 =	sle.s32 s11, s10  }
.Ltmp37:
0x2d5: {  	_ = 	snop;
	(pc) =	sbr.rel @p0 .LBB2_70-.Ltmp37, $1  }
0x2d6: {  	_ =	sdelay $0x3  }
0x2d7: {  	s12 =	ssub.s32 s11, s10  }
0x2d8: {  	p2 =	sne.s32 s12, $0x1  }
.Ltmp38:
0x2d9: {  	_ = 	snop;
	(pc) =	sbr.rel @!p2 .LBB2_63-.Ltmp38, $4  }
0x2da: {  	s6 =	sshll.u32 s10, $0x2  }
0x2db: {  	s9 =	sshll.u32 s10, $0x8;
	p0 =	por $0x0, $0x0;
	p1 =	por $0x0, $0x0  }
0x2dc: {  	s6 =	sshra.s32 s6, $0x2;
	s9 =	sshra.s32 s9, $0x2;
	s12 =	sadd.s32 $0xFFFFFFFF, s12  }
0x2dd: {  	s11 =	sadd.s32 $0x200, s6;
	s10 =	sadd.s32 $0x10200, s9;
	s14 =	sld [smem:s6+$0x0]  }
0x2de: {  	_ =	sdelay $0x1  }
0x2df: {  	s9 =	sand.u32 $0x7F, s14  }
0x2e0: {  	v4 =	vor.u32 s9, v0;
	_ =	sdelay $0x4  }
0x2e1: {  	v4 =	vld.idx.msk [tilespmem:v4+s18+$0x0], $0xffff  }
0x2e2: {  	v5 =	vor.u32 s9, v1;
	_ =	sdelay $0x3  }
0x2e3: {  	[tilespmem:s10+$0x0] =	vst v4  }
0x2e4: {  	v4 =	vld.idx.msk [tilespmem:v5+s18+$0x0], $0xffff  }
0x2e5: {  	p2 =	sne.s32 s12, $0x1;
	v5 =	vor.u32 s9, v2  }
.Ltmp39:
0x2e6: {  	_ = 	snop;
	(pc) =	sbr.rel @!p2 .LBB2_65-.Ltmp39, $3  }
0x2e7: {  	_ =	sdelay $0x1  }
0x2e8: {  	s6 =	sadd.s32 $0x1, s6;
	[tilespmem:s10+$0x10] =	vst v4  }
0x2e9: {  	s13 =	sadd.s32 $0xFFFFFFFF, s12;
	p0 =	por $0x1, $0x1;
	s14 =	sld [smem:s6+$0x0];
	v4 =	vld.idx.msk [tilespmem:v5+s18+$0x0], $0xffff;
	v5 =	vor.u32 s9, v3  }
0x2ea: {  	_ =	sdelay $0x3  }
0x2eb: {  	[tilespmem:s10+$0x20] =	vst v4  }
0x2ec: {  	s9 =	sld [smem:s11+$0x0];
	v4 =	vld.idx.msk [tilespmem:v5+s18+$0x0], $0xffff  }
0x2ed: {  	s14 =	sand.u32 $0x7F, s14  }
0x2ee: {  	v5 =	vor.u32 s14, v0  }
0x2ef: {  	s9 =	sshll.u32 s9, $0x3  }
0x2f0: {  	s9 =	sand.u32 $0x1FFFFFF8, s9  }
0x2f1: {  	s9 =	sadd.s32 s2, s9;
	[tilespmem:s10+$0x30] =	vst v4  }
0x2f2: {  	[hbm4b:s9+s3] =	stream.linear.scatter [tilespmem:s10], [sflag:$0x2], $0x40, $0x38;
	[tilespmem:$0x18200] =	vst v63  }
0x2f3: {  	v4 =	vld.idx.msk [tilespmem:v5+s18+$0x0], $0xffff  }
0x2f4: {  	v5 =	vor.u32 s14, v1;
	_ =	sdelay $0x2  }
0x2f5: {  	s12 =	sadd.s32 $0x40, s10  }
0x2f6: {  	[tilespmem:s12+$0x0] =	vst v4  }
0x2f7: {  	v4 =	vld.idx.msk [tilespmem:v5+s18+$0x0], $0xffff  }
0x2f8: {  	v5 =	vor.u32 s14, v2;
	_ =	sdelay $0x3  }
0x2f9: {  	p2 =	sne.s32 s13, $0x1;
	[tilespmem:s12+$0x10] =	vst v4  }
.Ltmp40:
0x2fa: {  	v4 =	vld.idx.msk [tilespmem:v5+s18+$0x0], $0xffff;
	(pc) =	sbr.rel @!p2 .LBB2_67-.Ltmp40, $3  }
0x2fb: {  	v5 =	vor.u32 s14, v3;
	_ =	sdelay $0x1  }
0x2fc: {  	s6 =	sadd.s32 $0x1, s6;
	s19 =	sadd.s32 $0xFFFFFFFF, s13  }
0x2fd: {  	p1 =	por $0x1, $0x1;
	s13 =	smov.u32 s11;
	s14 =	sld [smem:s6+$0x0]  }
.LBB2_68:
0x2fe: {  	p2 =	sne.s32 s19, $0x1;
	[tilespmem:s12+$0x20] =	vst v4;
	s13 =	sadd.s32 $0x1, s13  }
0x2ff: {  	v4 =	vld.idx.msk [tilespmem:v5+s18+$0x0], $0xffff;
	s9 =	sld [smem:s13+$0x0]  }
0x300: {  	s14 =	sand.u32 $0x7F, s14  }
0x301: {  	v5 =	vor.u32 s14, v0  }
0x302: {  	s9 =	sshll.u32 s9, $0x3  }
0x303: {  	s9 =	sand.u32 $0x1FFFFFF8, s9  }
0x304: {  	s9 =	sadd.s32 s2, s9  }
0x305: {  	[tilespmem:s12+$0x30] =	vst v4;
	[hbm4b:s9+s3] =	stream.linear.scatter [tilespmem:s12], [sflag:$0x2], $0x40, $0x38  }
0x306: {  	v4 =	vld.idx.msk [tilespmem:v5+s18+$0x0], $0xffff;
	_ =	sdelay $0x1  }
0x307: {  	v5 =	vor.u32 s14, v1;
	_ =	sdelay $0x2  }
0x308: {  	s12 =	sadd.s32 $0x40, s12  }
0x309: {  	[tilespmem:s12+$0x0] =	vst v4  }
0x30a: {  	v4 =	vld.idx.msk [tilespmem:v5+s18+$0x0], $0xffff;
	_ =	sdelay $0x1  }
0x30b: {  	v5 =	vor.u32 s14, v2;
	_ =	sdelay $0x3  }
0x30c: {  	[tilespmem:s12+$0x10] =	vst v4  }
0x30d: {  	v4 =	vld.idx.msk [tilespmem:v5+s18+$0x0], $0xffff  }
.Ltmp41:
0x30e: {  	(pc) =	sbr.rel @p2 .LBB2_68-.Ltmp41, $3  }
0x30f: {  	v5 =	vor.u32 s14, v3;
	_ =	sdelay $0x1  }
0x310: {  	s6 =	sadd.s32 $0x1, s6  }
0x311: {  	s19 =	sadd.s32 $0xFFFFFFFF, s19;
	s14 =	sld [smem:s6+$0x0]  }
.LBB2_69:
0x312: {  	_ =	sdelay $0x1  }
0x313: {  	s6 =	sadd.s32 @p1 $0x1, s13;
	s9 =	smov.u32 s11  }
0x314: {  	[tilespmem:s12+$0x20] =	vst @p0 v4;
	s9 =	smov.u32 @p1 s6  }
0x315: {  	v4 =	vld.idx.msk @p0 [tilespmem:v5+s18+$0x0], $0xffff;
	s6 =	sld @p0 [smem:s9+$0x0]  }
0x316: {  	s19 =	sand.u32 $0x7F, s14  }
0x317: {  	v5 =	vor.u32 s19, v0  }
0x318: {  	s6 =	sshll.u32 @p0 s6, $0x3  }
0x319: {  	s6 =	sand.u32 @p0 $0x1FFFFFF8, s6  }
0x31a: {  	[tilespmem:s12+$0x30] =	vst @p0 v4;
	s6 =	sadd.s32 @p0 s2, s6  }
0x31b: {  	[hbm4b:s6+s3] =	stream.linear.scatter @p0 [tilespmem:s12], [sflag:$0x2], $0x40, $0x38;
	[tilespmem:$0x18200] =	vst v63  }
0x31c: {  	v4 =	vld.idx.msk [tilespmem:v5+s18+$0x0], $0xffff  }
0x31d: {  	v5 =	vor.u32 s19, v1;
	_ =	sdelay $0x1  }
0x31e: {  	s6 =	sadd.s32 @p0 $0x40, s12  }
0x31f: {  	s10 =	smov.u32 @p0 s6  }
0x320: {  	[tilespmem:s10+$0x0] =	vst v4  }
0x321: {  	v4 =	vld.idx.msk [tilespmem:v5+s18+$0x0], $0xffff  }
0x322: {  	v5 =	vor.u32 s19, v2;
	_ =	sdelay $0x3  }
0x323: {  	[tilespmem:s10+$0x10] =	vst v4  }
0x324: {  	v4 =	vld.idx.msk [tilespmem:v5+s18+$0x0], $0xffff  }
0x325: {  	v5 =	vor.u32 s19, v3;
	_ =	sdelay $0x2  }
0x326: {  	s6 =	sadd.s32 @p0 $0x1, s9  }
0x327: {  	s11 =	smov.u32 @p0 s6;
	[tilespmem:s10+$0x20] =	vst v4  }
0x328: {  	s6 =	sld [smem:s11+$0x0];
	v4 =	vld.idx.msk [tilespmem:v5+s18+$0x0], $0xffff;
	_ =	sdelay $0x2  }
0x329: {  	s6 =	sshll.u32 s6, $0x3  }
0x32a: {  	s6 =	sand.u32 $0x1FFFFFF8, s6  }
0x32b: {  	s6 =	sadd.s32 s2, s6;
	[tilespmem:s10+$0x30] =	vst v4  }
0x32c: {  	[hbm4b:s6+s3] =	stream.linear.scatter [tilespmem:s10], [sflag:$0x2], $0x40, $0x38;
	[tilespmem:$0x18200] =	vst v63  }
.LBB2_70:
0x32d: {  	s6 =	sadd.s32 $0xD, s8  }
0x32e: {  	p0 =	sge.s32 s6, s5  }
0x32f: {  	s6 =	sld @!p0 [smem:s6+$0x400];
	_ =	sdelay $0x2  }
0x330: {  	s6 =	sld @!p0 [smem:s6+$0x0];
	_ =	sdelay $0x2  }
0x331: {  	s9 =	simm.s32 @!p0 $0x400;
	s6 =	sand.u32 @!p0 $0xFFFFF80, s6  }
0x332: {  	s10 =	simm.s32 @!p0 $0x7A1400;
	s11 =	simm.s32 @!p0 $0xA200;
	s6 =	sadd.s32 @!p0 s1, s6  }
0x333: {  	[tilespmem:s11], [sflag:$0x8] =	stream.strided.gather @!p0 [hbm4b:s6+s9], $0x2000, s10, s9, $0x38;
	[tilespmem:$0x18200] =	vst v63  }
.LBB2_71:
0x334: {  	s6 =	sor.u32 $0x6, s8  }
0x335: {  	p0 =	sge.s32 s6, s5  }
.Ltmp42:
0x336: {  	_ = 	snop;
	(pc) =	sbr.rel @p0 .LBB2_82-.Ltmp42, $1  }
0x337: {  	_ =	sdelay $0x3  }
0x338: {  	_ =	swait.ge [sflag:s21], $0x2000  }
0x339: {  	[sflag:s21] =	ssyncset.done $0x0  }
0x33a: {  	[sflag:s21] =	ssyncadd.s32 $0xFFFFE000  }
0x33b: {  	s10 =	sld [smem:s6+$0x400]  }
0x33c: {  	s11 =	sld [smem:s8+$0x407];
	_ =	sdelay $0x2  }
0x33d: {  	p0 =	sle.s32 s11, s10  }
.Ltmp43:
0x33e: {  	_ = 	snop;
	(pc) =	sbr.rel @p0 .LBB2_81-.Ltmp43, $1  }
0x33f: {  	_ =	sdelay $0x3  }
0x340: {  	s12 =	ssub.s32 s11, s10  }
0x341: {  	p2 =	sne.s32 s12, $0x1  }
.Ltmp44:
0x342: {  	_ = 	snop;
	(pc) =	sbr.rel @!p2 .LBB2_74-.Ltmp44, $4  }
0x343: {  	s6 =	sshll.u32 s10, $0x2  }
0x344: {  	s9 =	sshll.u32 s10, $0x8;
	p0 =	por $0x0, $0x0;
	p1 =	por $0x0, $0x0  }
0x345: {  	s6 =	sshra.s32 s6, $0x2;
	s9 =	sshra.s32 s9, $0x2;
	s12 =	sadd.s32 $0xFFFFFFFF, s12  }
0x346: {  	s11 =	sadd.s32 $0x200, s6;
	s10 =	sadd.s32 $0x10200, s9;
	s14 =	sld [smem:s6+$0x0]  }
0x347: {  	_ =	sdelay $0x1  }
0x348: {  	s9 =	sand.u32 $0x7F, s14  }
0x349: {  	v4 =	vor.u32 s9, v0;
	_ =	sdelay $0x4  }
0x34a: {  	v4 =	vld.idx.msk [tilespmem:v4+s22+$0x0], $0xffff  }
0x34b: {  	v5 =	vor.u32 s9, v1;
	_ =	sdelay $0x3  }
0x34c: {  	[tilespmem:s10+$0x0] =	vst v4  }
0x34d: {  	v4 =	vld.idx.msk [tilespmem:v5+s22+$0x0], $0xffff  }
0x34e: {  	p2 =	sne.s32 s12, $0x1;
	v5 =	vor.u32 s9, v2  }
.Ltmp45:
0x34f: {  	_ = 	snop;
	(pc) =	sbr.rel @!p2 .LBB2_76-.Ltmp45, $3  }
0x350: {  	_ =	sdelay $0x1  }
0x351: {  	s6 =	sadd.s32 $0x1, s6;
	[tilespmem:s10+$0x10] =	vst v4  }
0x352: {  	s13 =	sadd.s32 $0xFFFFFFFF, s12;
	p0 =	por $0x1, $0x1;
	s14 =	sld [smem:s6+$0x0];
	v4 =	vld.idx.msk [tilespmem:v5+s22+$0x0], $0xffff;
	v5 =	vor.u32 s9, v3  }
0x353: {  	_ =	sdelay $0x3  }
0x354: {  	[tilespmem:s10+$0x20] =	vst v4  }
0x355: {  	s9 =	sld [smem:s11+$0x0];
	v4 =	vld.idx.msk [tilespmem:v5+s22+$0x0], $0xffff  }
0x356: {  	s14 =	sand.u32 $0x7F, s14  }
0x357: {  	v5 =	vor.u32 s14, v0  }
0x358: {  	s9 =	sshll.u32 s9, $0x3  }
0x359: {  	s9 =	sand.u32 $0x1FFFFFF8, s9  }
0x35a: {  	s9 =	sadd.s32 s2, s9;
	[tilespmem:s10+$0x30] =	vst v4  }
0x35b: {  	[hbm4b:s9+s3] =	stream.linear.scatter [tilespmem:s10], [sflag:$0x2], $0x40, $0x38;
	[tilespmem:$0x18200] =	vst v63  }
0x35c: {  	v4 =	vld.idx.msk [tilespmem:v5+s22+$0x0], $0xffff  }
0x35d: {  	v5 =	vor.u32 s14, v1;
	_ =	sdelay $0x2  }
0x35e: {  	s12 =	sadd.s32 $0x40, s10  }
0x35f: {  	[tilespmem:s12+$0x0] =	vst v4  }
0x360: {  	v4 =	vld.idx.msk [tilespmem:v5+s22+$0x0], $0xffff  }
0x361: {  	v5 =	vor.u32 s14, v2;
	_ =	sdelay $0x3  }
0x362: {  	p2 =	sne.s32 s13, $0x1;
	[tilespmem:s12+$0x10] =	vst v4  }
.Ltmp46:
0x363: {  	v4 =	vld.idx.msk [tilespmem:v5+s22+$0x0], $0xffff;
	(pc) =	sbr.rel @!p2 .LBB2_78-.Ltmp46, $3  }
0x364: {  	v5 =	vor.u32 s14, v3;
	_ =	sdelay $0x1  }
0x365: {  	s6 =	sadd.s32 $0x1, s6;
	s19 =	sadd.s32 $0xFFFFFFFF, s13  }
0x366: {  	p1 =	por $0x1, $0x1;
	s13 =	smov.u32 s11;
	s14 =	sld [smem:s6+$0x0]  }
.LBB2_79:
0x367: {  	p2 =	sne.s32 s19, $0x1;
	[tilespmem:s12+$0x20] =	vst v4;
	s13 =	sadd.s32 $0x1, s13  }
0x368: {  	v4 =	vld.idx.msk [tilespmem:v5+s22+$0x0], $0xffff;
	s9 =	sld [smem:s13+$0x0]  }
0x369: {  	s14 =	sand.u32 $0x7F, s14  }
0x36a: {  	v5 =	vor.u32 s14, v0  }
0x36b: {  	s9 =	sshll.u32 s9, $0x3  }
0x36c: {  	s9 =	sand.u32 $0x1FFFFFF8, s9  }
0x36d: {  	s9 =	sadd.s32 s2, s9  }
0x36e: {  	[tilespmem:s12+$0x30] =	vst v4;
	[hbm4b:s9+s3] =	stream.linear.scatter [tilespmem:s12], [sflag:$0x2], $0x40, $0x38  }
0x36f: {  	v4 =	vld.idx.msk [tilespmem:v5+s22+$0x0], $0xffff;
	_ =	sdelay $0x1  }
0x370: {  	v5 =	vor.u32 s14, v1;
	_ =	sdelay $0x2  }
0x371: {  	s12 =	sadd.s32 $0x40, s12  }
0x372: {  	[tilespmem:s12+$0x0] =	vst v4  }
0x373: {  	v4 =	vld.idx.msk [tilespmem:v5+s22+$0x0], $0xffff;
	_ =	sdelay $0x1  }
0x374: {  	v5 =	vor.u32 s14, v2;
	_ =	sdelay $0x3  }
0x375: {  	[tilespmem:s12+$0x10] =	vst v4  }
0x376: {  	v4 =	vld.idx.msk [tilespmem:v5+s22+$0x0], $0xffff  }
.Ltmp47:
0x377: {  	(pc) =	sbr.rel @p2 .LBB2_79-.Ltmp47, $3  }
0x378: {  	v5 =	vor.u32 s14, v3;
	_ =	sdelay $0x1  }
0x379: {  	s6 =	sadd.s32 $0x1, s6  }
0x37a: {  	s19 =	sadd.s32 $0xFFFFFFFF, s19;
	s14 =	sld [smem:s6+$0x0]  }
.LBB2_80:
0x37b: {  	_ =	sdelay $0x1  }
0x37c: {  	s6 =	sadd.s32 @p1 $0x1, s13;
	s9 =	smov.u32 s11  }
0x37d: {  	[tilespmem:s12+$0x20] =	vst @p0 v4;
	s9 =	smov.u32 @p1 s6  }
0x37e: {  	v4 =	vld.idx.msk @p0 [tilespmem:v5+s22+$0x0], $0xffff;
	s6 =	sld @p0 [smem:s9+$0x0]  }
0x37f: {  	s19 =	sand.u32 $0x7F, s14  }
0x380: {  	v5 =	vor.u32 s19, v0  }
0x381: {  	s6 =	sshll.u32 @p0 s6, $0x3  }
0x382: {  	s6 =	sand.u32 @p0 $0x1FFFFFF8, s6  }
0x383: {  	[tilespmem:s12+$0x30] =	vst @p0 v4;
	s6 =	sadd.s32 @p0 s2, s6  }
0x384: {  	[hbm4b:s6+s3] =	stream.linear.scatter @p0 [tilespmem:s12], [sflag:$0x2], $0x40, $0x38;
	[tilespmem:$0x18200] =	vst v63  }
0x385: {  	v4 =	vld.idx.msk [tilespmem:v5+s22+$0x0], $0xffff  }
0x386: {  	v5 =	vor.u32 s19, v1;
	_ =	sdelay $0x1  }
0x387: {  	s6 =	sadd.s32 @p0 $0x40, s12  }
0x388: {  	s10 =	smov.u32 @p0 s6  }
0x389: {  	[tilespmem:s10+$0x0] =	vst v4  }
0x38a: {  	v4 =	vld.idx.msk [tilespmem:v5+s22+$0x0], $0xffff  }
0x38b: {  	v5 =	vor.u32 s19, v2;
	_ =	sdelay $0x3  }
0x38c: {  	[tilespmem:s10+$0x10] =	vst v4  }
0x38d: {  	v4 =	vld.idx.msk [tilespmem:v5+s22+$0x0], $0xffff  }
0x38e: {  	v5 =	vor.u32 s19, v3;
	_ =	sdelay $0x2  }
0x38f: {  	s6 =	sadd.s32 @p0 $0x1, s9  }
0x390: {  	s11 =	smov.u32 @p0 s6;
	[tilespmem:s10+$0x20] =	vst v4  }
0x391: {  	s6 =	sld [smem:s11+$0x0];
	v4 =	vld.idx.msk [tilespmem:v5+s22+$0x0], $0xffff;
	_ =	sdelay $0x2  }
0x392: {  	s6 =	sshll.u32 s6, $0x3  }
0x393: {  	s6 =	sand.u32 $0x1FFFFFF8, s6  }
0x394: {  	s6 =	sadd.s32 s2, s6;
	[tilespmem:s10+$0x30] =	vst v4  }
0x395: {  	[hbm4b:s6+s3] =	stream.linear.scatter [tilespmem:s10], [sflag:$0x2], $0x40, $0x38;
	[tilespmem:$0x18200] =	vst v63  }
.LBB2_81:
0x396: {  	s6 =	sadd.s32 $0xE, s8  }
0x397: {  	p0 =	sge.s32 s6, s5  }
0x398: {  	s6 =	sld @!p0 [smem:s6+$0x400];
	_ =	sdelay $0x2  }
0x399: {  	s6 =	sld @!p0 [smem:s6+$0x0];
	_ =	sdelay $0x2  }
0x39a: {  	s9 =	simm.s32 @!p0 $0x400;
	s6 =	sand.u32 @!p0 $0xFFFFF80, s6  }
0x39b: {  	s10 =	simm.s32 @!p0 $0x7A1400;
	s11 =	simm.s32 @!p0 $0xC200;
	s6 =	sadd.s32 @!p0 s1, s6  }
0x39c: {  	[tilespmem:s11], [sflag:$0x9] =	stream.strided.gather @!p0 [hbm4b:s6+s9], $0x2000, s10, s9, $0x38;
	[tilespmem:$0x18200] =	vst v63  }
.LBB2_82:
0x39d: {  	s6 =	sor.u32 $0x7, s8  }
0x39e: {  	p0 =	sge.s32 s6, s5  }
.Ltmp48:
0x39f: {  	_ = 	snop;
	(pc) =	sbr.rel @p0 .LBB2_93-.Ltmp48, $1  }
0x3a0: {  	_ =	sdelay $0x3  }
0x3a1: {  	_ =	swait.ge [sflag:s23], $0x2000  }
0x3a2: {  	[sflag:s23] =	ssyncset.done $0x0  }
0x3a3: {  	[sflag:s23] =	ssyncadd.s32 $0xFFFFE000  }
0x3a4: {  	s10 =	sld [smem:s8+$0x407]  }
0x3a5: {  	s11 =	sld [smem:s8+$0x408];
	_ =	sdelay $0x2  }
0x3a6: {  	p0 =	sle.s32 s11, s10  }
.Ltmp49:
0x3a7: {  	_ = 	snop;
	(pc) =	sbr.rel @p0 .LBB2_92-.Ltmp49, $1  }
0x3a8: {  	_ =	sdelay $0x3  }
0x3a9: {  	s12 =	ssub.s32 s11, s10  }
0x3aa: {  	p2 =	sne.s32 s12, $0x1  }
.Ltmp50:
0x3ab: {  	_ = 	snop;
	(pc) =	sbr.rel @!p2 .LBB2_85-.Ltmp50, $4  }
0x3ac: {  	s6 =	sshll.u32 s10, $0x2  }
0x3ad: {  	s9 =	sshll.u32 s10, $0x8;
	p0 =	por $0x0, $0x0;
	p1 =	por $0x0, $0x0  }
0x3ae: {  	s6 =	sshra.s32 s6, $0x2;
	s9 =	sshra.s32 s9, $0x2;
	s12 =	sadd.s32 $0xFFFFFFFF, s12  }
0x3af: {  	s11 =	sadd.s32 $0x200, s6;
	s10 =	sadd.s32 $0x10200, s9;
	s14 =	sld [smem:s6+$0x0]  }
0x3b0: {  	_ =	sdelay $0x1  }
0x3b1: {  	s9 =	sand.u32 $0x7F, s14  }
0x3b2: {  	v4 =	vor.u32 s9, v0;
	_ =	sdelay $0x4  }
0x3b3: {  	v4 =	vld.idx.msk [tilespmem:v4+s16+$0x0], $0xffff  }
0x3b4: {  	v5 =	vor.u32 s9, v1;
	_ =	sdelay $0x3  }
0x3b5: {  	[tilespmem:s10+$0x0] =	vst v4  }
0x3b6: {  	v4 =	vld.idx.msk [tilespmem:v5+s16+$0x0], $0xffff  }
0x3b7: {  	v5 =	vor.u32 s9, v2  }
0x3b8: {  	p2 =	sne.s32 s12, $0x1  }
.Ltmp51:
0x3b9: {  	_ = 	snop;
	(pc) =	sbr.rel @!p2 .LBB2_87-.Ltmp51, $4  }
0x3ba: {  	_ = 	snop  }
0x3bb: {  	[tilespmem:s10+$0x10] =	vst v4  }
0x3bc: {  	s6 =	sadd.s32 $0x1, s6;
	v4 =	vld.idx.msk [tilespmem:v5+s16+$0x0], $0xffff  }
0x3bd: {  	s13 =	sadd.s32 $0xFFFFFFFF, s12;
	p0 =	por $0x1, $0x1;
	s14 =	sld [smem:s6+$0x0];
	v5 =	vor.u32 s9, v3  }
0x3be: {  	_ =	sdelay $0x2  }
0x3bf: {  	[tilespmem:s10+$0x20] =	vst v4  }
0x3c0: {  	s9 =	sld [smem:s11+$0x0];
	v4 =	vld.idx.msk [tilespmem:v5+s16+$0x0], $0xffff  }
0x3c1: {  	s14 =	sand.u32 $0x7F, s14  }
0x3c2: {  	v5 =	vor.u32 s14, v0  }
0x3c3: {  	s9 =	sshll.u32 s9, $0x3  }
0x3c4: {  	s9 =	sand.u32 $0x1FFFFFF8, s9  }
0x3c5: {  	s9 =	sadd.s32 s2, s9;
	[tilespmem:s10+$0x30] =	vst v4  }
0x3c6: {  	[hbm4b:s9+s3] =	stream.linear.scatter [tilespmem:s10], [sflag:$0x2], $0x40, $0x38;
	[tilespmem:$0x18200] =	vst v63  }
0x3c7: {  	v4 =	vld.idx.msk [tilespmem:v5+s16+$0x0], $0xffff  }
0x3c8: {  	v5 =	vor.u32 s14, v1;
	_ =	sdelay $0x2  }
0x3c9: {  	s12 =	sadd.s32 $0x40, s10  }
0x3ca: {  	[tilespmem:s12+$0x0] =	vst v4  }
0x3cb: {  	v4 =	vld.idx.msk [tilespmem:v5+s16+$0x0], $0xffff  }
0x3cc: {  	v5 =	vor.u32 s14, v2;
	_ =	sdelay $0x3  }
0x3cd: {  	p2 =	sne.s32 s13, $0x1;
	[tilespmem:s12+$0x10] =	vst v4  }
.Ltmp52:
0x3ce: {  	v4 =	vld.idx.msk [tilespmem:v5+s16+$0x0], $0xffff;
	(pc) =	sbr.rel @!p2 .LBB2_89-.Ltmp52, $3  }
0x3cf: {  	v5 =	vor.u32 s14, v3;
	_ =	sdelay $0x1  }
0x3d0: {  	s6 =	sadd.s32 $0x1, s6;
	s19 =	sadd.s32 $0xFFFFFFFF, s13  }
0x3d1: {  	p1 =	por $0x1, $0x1;
	s13 =	smov.u32 s11;
	s14 =	sld [smem:s6+$0x0]  }
.LBB2_90:
0x3d2: {  	p2 =	sne.s32 s19, $0x1;
	[tilespmem:s12+$0x20] =	vst v4;
	s13 =	sadd.s32 $0x1, s13  }
0x3d3: {  	v4 =	vld.idx.msk [tilespmem:v5+s16+$0x0], $0xffff;
	s9 =	sld [smem:s13+$0x0]  }
0x3d4: {  	s14 =	sand.u32 $0x7F, s14  }
0x3d5: {  	v5 =	vor.u32 s14, v0  }
0x3d6: {  	s9 =	sshll.u32 s9, $0x3  }
0x3d7: {  	s9 =	sand.u32 $0x1FFFFFF8, s9  }
0x3d8: {  	s9 =	sadd.s32 s2, s9  }
0x3d9: {  	[tilespmem:s12+$0x30] =	vst v4;
	[hbm4b:s9+s3] =	stream.linear.scatter [tilespmem:s12], [sflag:$0x2], $0x40, $0x38  }
0x3da: {  	v4 =	vld.idx.msk [tilespmem:v5+s16+$0x0], $0xffff;
	_ =	sdelay $0x1  }
0x3db: {  	v5 =	vor.u32 s14, v1;
	_ =	sdelay $0x2  }
0x3dc: {  	s12 =	sadd.s32 $0x40, s12  }
0x3dd: {  	[tilespmem:s12+$0x0] =	vst v4  }
0x3de: {  	v4 =	vld.idx.msk [tilespmem:v5+s16+$0x0], $0xffff;
	_ =	sdelay $0x1  }
0x3df: {  	v5 =	vor.u32 s14, v2;
	_ =	sdelay $0x3  }
0x3e0: {  	[tilespmem:s12+$0x10] =	vst v4  }
0x3e1: {  	v4 =	vld.idx.msk [tilespmem:v5+s16+$0x0], $0xffff  }
.Ltmp53:
0x3e2: {  	(pc) =	sbr.rel @p2 .LBB2_90-.Ltmp53, $3  }
0x3e3: {  	v5 =	vor.u32 s14, v3;
	_ =	sdelay $0x1  }
0x3e4: {  	s6 =	sadd.s32 $0x1, s6  }
0x3e5: {  	s19 =	sadd.s32 $0xFFFFFFFF, s19;
	s14 =	sld [smem:s6+$0x0]  }
.Ltmp54:
0x3e6: {  	_ = 	snop;
	(pc) =	sbr.rel .LBB2_91-.Ltmp54, $1  }
0x3e7: {  	_ =	sdelay $0x3  }
.LBB2_8:
.Ltmp55:
0x3e8: {  	(pc) =	sbr.rel .LBB2_14-.Ltmp55, $2  }
0x3e9: {  	_ =	sdelay $0x2  }
0x3ea: {  	s10 =	smov.u32 s12;
	s11 =	smov.u32 s13  }
.LBB2_19:
.Ltmp56:
0x3eb: {  	(pc) =	sbr.rel .LBB2_25-.Ltmp56, $2  }
0x3ec: {  	_ =	sdelay $0x2  }
0x3ed: {  	s12 =	smov.u32 s10;
	s13 =	smov.u32 s11  }
.LBB2_30:
.Ltmp57:
0x3ee: {  	(pc) =	sbr.rel .LBB2_36-.Ltmp57, $2  }
0x3ef: {  	_ =	sdelay $0x2  }
0x3f0: {  	s12 =	smov.u32 s10;
	s13 =	smov.u32 s11  }
.LBB2_41:
.Ltmp58:
0x3f1: {  	(pc) =	sbr.rel .LBB2_47-.Ltmp58, $2  }
0x3f2: {  	_ =	sdelay $0x2  }
0x3f3: {  	s12 =	smov.u32 s10;
	s13 =	smov.u32 s11  }
.LBB2_52:
.Ltmp59:
0x3f4: {  	(pc) =	sbr.rel .LBB2_58-.Ltmp59, $2  }
0x3f5: {  	_ =	sdelay $0x2  }
0x3f6: {  	s12 =	smov.u32 s10;
	s13 =	smov.u32 s11  }
.LBB2_63:
.Ltmp60:
0x3f7: {  	(pc) =	sbr.rel .LBB2_69-.Ltmp60, $2  }
0x3f8: {  	_ =	sdelay $0x2  }
0x3f9: {  	s12 =	smov.u32 s10;
	s13 =	smov.u32 s11  }
.LBB2_74:
.Ltmp61:
0x3fa: {  	(pc) =	sbr.rel .LBB2_80-.Ltmp61, $2  }
0x3fb: {  	_ =	sdelay $0x2  }
0x3fc: {  	s12 =	smov.u32 s10;
	s13 =	smov.u32 s11  }
.LBB2_10:
.Ltmp62:
0x3fd: {  	(pc) =	sbr.rel .LBB2_14-.Ltmp62, $2  }
0x3fe: {  	_ =	sdelay $0x2  }
0x3ff: {  	s10 =	smov.u32 s12;
	s11 =	smov.u32 s13  }
.LBB2_21:
.Ltmp63:
0x400: {  	(pc) =	sbr.rel .LBB2_25-.Ltmp63, $2  }
0x401: {  	_ =	sdelay $0x2  }
0x402: {  	s12 =	smov.u32 s10;
	s13 =	smov.u32 s11  }
.LBB2_32:
.Ltmp64:
0x403: {  	(pc) =	sbr.rel .LBB2_36-.Ltmp64, $2  }
0x404: {  	_ =	sdelay $0x2  }
0x405: {  	s12 =	smov.u32 s10;
	s13 =	smov.u32 s11  }
.LBB2_43:
.Ltmp65:
0x406: {  	(pc) =	sbr.rel .LBB2_47-.Ltmp65, $2  }
0x407: {  	_ =	sdelay $0x2  }
0x408: {  	s12 =	smov.u32 s10;
	s13 =	smov.u32 s11  }
.LBB2_54:
.Ltmp66:
0x409: {  	(pc) =	sbr.rel .LBB2_58-.Ltmp66, $2  }
0x40a: {  	_ =	sdelay $0x2  }
0x40b: {  	s12 =	smov.u32 s10;
	s13 =	smov.u32 s11  }
.LBB2_65:
.Ltmp67:
0x40c: {  	(pc) =	sbr.rel .LBB2_69-.Ltmp67, $2  }
0x40d: {  	_ =	sdelay $0x2  }
0x40e: {  	s12 =	smov.u32 s10;
	s13 =	smov.u32 s11  }
.LBB2_76:
.Ltmp68:
0x40f: {  	(pc) =	sbr.rel .LBB2_80-.Ltmp68, $2  }
0x410: {  	_ =	sdelay $0x2  }
0x411: {  	s12 =	smov.u32 s10;
	s13 =	smov.u32 s11  }
.LBB2_87:
.Ltmp69:
0x412: {  	(pc) =	sbr.rel .LBB2_91-.Ltmp69, $2  }
0x413: {  	_ =	sdelay $0x2  }
0x414: {  	s12 =	smov.u32 s10;
	s13 =	smov.u32 s11  }
.LBB2_12:
.Ltmp70:
0x415: {  	(pc) =	sbr.rel .LBB2_14-.Ltmp70, $2  }
0x416: {  	_ =	sdelay $0x2  }
0x417: {  	s11 =	smov.u32 s13  }
.LBB2_23:
.Ltmp71:
0x418: {  	(pc) =	sbr.rel .LBB2_25-.Ltmp71, $2  }
0x419: {  	_ =	sdelay $0x2  }
0x41a: {  	s13 =	smov.u32 s11  }
.LBB2_34:
.Ltmp72:
0x41b: {  	(pc) =	sbr.rel .LBB2_36-.Ltmp72, $2  }
0x41c: {  	_ =	sdelay $0x2  }
0x41d: {  	s13 =	smov.u32 s11  }
.LBB2_45:
.Ltmp73:
0x41e: {  	(pc) =	sbr.rel .LBB2_47-.Ltmp73, $2  }
0x41f: {  	_ =	sdelay $0x2  }
0x420: {  	s13 =	smov.u32 s11  }
.LBB2_56:
.Ltmp74:
0x421: {  	(pc) =	sbr.rel .LBB2_58-.Ltmp74, $2  }
0x422: {  	_ =	sdelay $0x2  }
0x423: {  	s13 =	smov.u32 s11  }
.LBB2_67:
.Ltmp75:
0x424: {  	(pc) =	sbr.rel .LBB2_69-.Ltmp75, $2  }
0x425: {  	_ =	sdelay $0x2  }
0x426: {  	s13 =	smov.u32 s11  }
.LBB2_78:
.Ltmp76:
0x427: {  	(pc) =	sbr.rel .LBB2_80-.Ltmp76, $2  }
0x428: {  	_ =	sdelay $0x2  }
0x429: {  	s13 =	smov.u32 s11  }
.LBB2_89:
.Ltmp77:
0x42a: {  	(pc) =	sbr.rel .LBB2_91-.Ltmp77, $2  }
0x42b: {  	_ =	sdelay $0x2  }
0x42c: {  	s13 =	smov.u32 s11  }
.LBB2_95:
0x42d: {  	_ =	sfence.sel $0x180000  }
0x42e: {  	[bflag:$0x0] =	sbarrier.arrive $0xFFFF  }
0x42f: {  	_ =	strace $0x9000004A  }
0x430: {  	s0 =	stileid.u32;
	[bflag:$0x2] =	sbarrier.arrive $0xFFFF  }
0x431: {  	p0 =	sne.s32 s0, $0x0;
	s0 =	rddreg [dreg:$0x4]  }
0x432: {  	s0 =	sadd.s32 @!p0 $0x100000, s0  }
0x433: {  	[sflag:s0] =	ssyncadd.tile.s32 @!p0 $0x1;
	_ =	shalt  }
.Lfunc_end2:
_tile_overlayer_lowered:
.L_overlay_start_2:
0x434: {  	(tag) =	ssettag $0x2  }
0x435: {  	s0 =	rddreg [dreg:$0x0];
	s2 =	stileid.u32  }
0x436: {  	s1 =	rddreg [dreg:$0x1];
	p0 =	sne.s32 s2, $0x0  }
0x437: {  	s3 =	rddreg [dreg:$0x2];
	[bflag:$0x3] =	sbarrier.arrive $0xFFFF;
	s2 =	simm.s32 @!p0 $0x1C0B  }
0x438: {  	[timem:s3], [sflag:s2] =	dma.local @!p0 [hbm:s0], s1  }
0x439: {  	s0 =	simm.s32 @!p0 $0xB  }
0x43a: {  	_ =	swait.ge @!p0 [sflag:s0], s1  }
0x43b: {  	s1 =	ssub.s32 @!p0 $0x0, s1;
	[sflag:s0] =	ssyncset.done @!p0 $0x0  }
0x43c: {  	[sflag:s0] =	ssyncadd.s32 @!p0 s1  }
0x43d: {  	[bflag:$0x3] =	sbarrier.arrive $0xFFFF  }
0x43e: {  	_ =	shalt  }

</sc_bundles>
